<compile_context>
chip_gen: v7x
topology: tpu7x:2x2x1
jax: 0.10.2.dev20260603
libtpu: 0.0.44.dev20260713+nightly
codegen_flags: <defaults>
</compile_context>

<pallas_src>
import functools

import numpy as np
import jax
import jax.numpy as jnp
from jax import lax
from jax.experimental import pallas as pl
from jax.experimental.pallas import tpu as pltpu
from jax.experimental.pallas import tpu_sc as plsc

_N = 10000
_E = 320000
_D = 128
_NUM_MASK = 3000
_NUM_REMASK = 5000
_ROUNDS = 3



def _mask_consts():
    kperm = jax.random.key(42)
    perm0 = jax.random.permutation(jax.random.fold_in(kperm, 0), _N)
    m = jnp.zeros((_N, 1), jnp.float32).at[perm0[:_NUM_MASK]].set(1.0)
    cnt = jnp.zeros((_N,), jnp.float32)
    for r in range(_ROUNDS):
        p = jax.random.permutation(jax.random.fold_in(kperm, r + 1), _N)
        cnt = cnt.at[p[:_NUM_REMASK]].add(1.0)
    alpha = ((_ROUNDS - cnt) / _ROUNDS).reshape(_N, 1)
    beta = (cnt / _ROUNDS).reshape(_N, 1)
    return m, alpha, beta


_NCORES = 2
_NSUB = 16
_NW = _NCORES * _NSUB
_CHUNK = 128
_NCHUNKS = _E // _CHUNK
_GC = 8
_NGROUPS = (_NCHUNKS + _GC - 1) // _GC
_PCHUNKS = _NGROUPS * _GC
_GITERS = (_NGROUPS + _NW - 1) // _NW
_NBUF = 2
_TILE_ROWS = 624
_WB_CHUNKS = ((0, 128), (128, 128), (256, 128), (384, 128), (512, 112))
_WB_LAST = (624, 16)

_sc_mesh = plsc.VectorSubcoreMesh(core_axis_name="c", subcore_axis_name="s")


def _zero_vmem_2d(ref, nrows):
    def body(i, _):
        r = i // (_D // 16)
        col = (i % (_D // 16)) * 16
        ref[r, pl.ds(col, 16)] = jnp.zeros((16,), jnp.float32)
        return 0
    lax.fori_loop(0, nrows * (_D // 16), body, 0)


@functools.partial(
    pl.kernel,
    out_type=[jax.ShapeDtypeStruct((_NCORES * _N,), jnp.float32),
              jax.ShapeDtypeStruct((_NCORES * _N,), jnp.float32)],
    mesh=_sc_mesh,
    scratch_types=[
        pltpu.VMEM((_GC, _CHUNK), jnp.int32),
        pltpu.VMEM((_GC, _CHUNK), jnp.int32),
        pltpu.VMEM((_CHUNK,), jnp.float32),
        pltpu.VMEM((2000,), jnp.float32),
        pltpu.VMEM((_N,), jnp.float32),
        pltpu.VMEM_SHARED((_N,), jnp.float32),
        pltpu.VMEM_SHARED((_N,), jnp.float32),
        pltpu.SemaphoreType.DMA,
    ],
)
def _degrees_sc(src2d_hbm, dst2d_hbm, osrc_hbm, odst_hbm,
                sidx, didx, ones_v, zbuf, stage_v, hsrc, hdst, sem):
    cid = lax.axis_index("c")
    sid = lax.axis_index("s")
    w = sid * _NCORES + cid

    def fill(i, _):
        ones_v[pl.ds(i * 16, 16)] = jnp.ones((16,), jnp.float32)
        return 0
    lax.fori_loop(0, _CHUNK // 16, fill, 0)

    def zfill(i, _):
        zbuf[pl.ds(i * 16, 16)] = jnp.zeros((16,), jnp.float32)
        return 0
    lax.fori_loop(0, 2000 // 16, zfill, 0)

    @pl.when(sid == 0)
    def _():
        for k in range(5):
            pltpu.sync_copy(zbuf, hsrc.at[pl.ds(k * 2000, 2000)])

    @pl.when(sid == 1)
    def _():
        for k in range(5):
            pltpu.sync_copy(zbuf, hdst.at[pl.ds(k * 2000, 2000)])

    plsc.subcore_barrier()

    def body(t, _):
        g = w + _NW * t
        base_c = g * _GC

        @pl.when(g < _NGROUPS)
        def _():
            pltpu.sync_copy(src2d_hbm.at[pl.ds(g * _GC, _GC), :], sidx)
            pltpu.sync_copy(dst2d_hbm.at[pl.ds(g * _GC, _GC), :], didx)
            for j in range(_GC):
                @pl.when(base_c + j < _NCHUNKS)
                def _(j=j):
                    pltpu.async_copy(ones_v, hsrc.at[sidx.at[j]], sem, add=True)
                    pltpu.async_copy(ones_v, hdst.at[didx.at[j]], sem, add=True)
            for j in range(_GC):
                @pl.when(base_c + j < _NCHUNKS)
                def _(j=j):
                    pltpu.make_async_copy(ones_v, hsrc.at[sidx.at[j]], sem).wait()
                    pltpu.make_async_copy(ones_v, hdst.at[didx.at[j]], sem).wait()
        return 0
    lax.fori_loop(0, _GITERS, body, 0)

    plsc.subcore_barrier()

    @pl.when(sid == 0)
    def _():
        pltpu.sync_copy(hsrc, stage_v)
        pltpu.sync_copy(stage_v, osrc_hbm.at[pl.ds(cid * _N, _N)])

    @pl.when(sid == 1)
    def _():
        pltpu.sync_copy(hdst, stage_v)
        pltpu.sync_copy(stage_v, odst_hbm.at[pl.ds(cid * _N, _N)])


@functools.partial(
    pl.kernel,
    out_type=jax.ShapeDtypeStruct((_NCORES * _N, _D), jnp.float32),
    mesh=_sc_mesh,
    scratch_types=[
        pltpu.VMEM((_GC, _CHUNK), jnp.int32),
        pltpu.VMEM((_GC, _CHUNK), jnp.int32),
        pltpu.VMEM((_CHUNK, _D), jnp.float32),
        pltpu.VMEM((_CHUNK, _D), jnp.float32),
        pltpu.VMEM_SHARED((_N, _D), jnp.float32),
        pltpu.SemaphoreType.DMA,
        pltpu.SemaphoreType.DMA,
    ],
)
def _conv_sc(src2d_hbm, dst2d_hbm, hs_hbm, out_hbm,
             sidx, didx, rows0, rows1, acc, sem0, sem1):
    cid = lax.axis_index("c")
    sid = lax.axis_index("s")
    w = sid * _NCORES + cid
    rows = (rows0, rows1)
    sems = (sem0, sem1)

    _zero_vmem_2d(rows0, _CHUNK)
    base_row = sid * _TILE_ROWS
    for off, nr in _WB_CHUNKS:
        pltpu.sync_copy(rows0.at[pl.ds(0, nr), :],
                        acc.at[pl.ds(base_row + off, nr), :])

    @pl.when(sid == _NSUB - 1)
    def _():
        off, nr = _WB_LAST
        pltpu.sync_copy(rows0.at[pl.ds(0, nr), :],
                        acc.at[pl.ds(base_row + off, nr), :])
    plsc.subcore_barrier()

    def body(t, _):
        g = w + _NW * t
        base_c = g * _GC

        @pl.when(g < _NGROUPS)
        def _():
            pltpu.sync_copy(src2d_hbm.at[pl.ds(g * _GC, _GC), :], sidx)
            pltpu.sync_copy(dst2d_hbm.at[pl.ds(g * _GC, _GC), :], didx)
            for j in range(_NBUF):
                @pl.when(base_c + j < _NCHUNKS)
                def _(j=j):
                    pltpu.async_copy(hs_hbm.at[sidx.at[j]], rows[j], sems[j])
            for j in range(_GC):
                b = j % _NBUF

                @pl.when(base_c + j < _NCHUNKS)
                def _(j=j, b=b):
                    pltpu.make_async_copy(hs_hbm.at[sidx.at[j]], rows[b],
                                          sems[b]).wait()
                    pltpu.sync_copy(rows[b], acc.at[didx.at[j]], add=True)
                if j + _NBUF < _GC:
                    @pl.when(base_c + j + _NBUF < _NCHUNKS)
                    def _(j=j, b=b):
                        pltpu.async_copy(hs_hbm.at[sidx.at[j + _NBUF]],
                                         rows[b], sems[b])
        return 0
    lax.fori_loop(0, _GITERS, body, 0)

    plsc.subcore_barrier()
    for off, nr in _WB_CHUNKS:
        pltpu.sync_copy(acc.at[pl.ds(base_row + off, nr), :],
                        out_hbm.at[pl.ds(cid * _N + base_row + off, nr), :])

    @pl.when(sid == _NSUB - 1)
    def _():
        off, nr = _WB_LAST
        pltpu.sync_copy(acc.at[pl.ds(base_row + off, nr), :],
                        out_hbm.at[pl.ds(cid * _N + base_row + off, nr), :])



_PAD = 10240
_BR = 1000
_G = _N // _BR


def _deg_tc_body(ps_ref, pd_ref, io_ref, ii_ref, sm_ref):
    ds = jnp.maximum(ps_ref[0:1, :] + ps_ref[1:2, :], 1.0)
    dd = jnp.maximum(pd_ref[0:1, :] + pd_ref[1:2, :], 1.0)
    io = lax.rsqrt(ds)
    ii = lax.rsqrt(dd)
    io_ref[...] = io
    ii_ref[...] = ii
    sm_ref[...] = io * ii


def _deg_tc(ps, pd):
    return pl.pallas_call(
        _deg_tc_body,
        out_shape=[jax.ShapeDtypeStruct((1, _PAD), jnp.float32)] * 3,
    )(ps, pd)


def _mask_tc_body(x_ref, io_ref, m_ref, tok_ref, o_ref):
    m = m_ref[...]
    o_ref[...] = (x_ref[...] * (1.0 - m) + m * tok_ref[...]) * io_ref[...]


def _mask_tc(x, io, m, tok):
    return pl.pallas_call(
        _mask_tc_body,
        grid=(_G,),
        in_specs=[
            pl.BlockSpec((_BR, _D), lambda i: (i, 0)),
            pl.BlockSpec((_BR, 1), lambda i: (i, 0)),
            pl.BlockSpec((_BR, 1), lambda i: (i, 0)),
            pl.BlockSpec((1, _D), lambda i: (0, 0)),
        ],
        out_specs=pl.BlockSpec((_BR, _D), lambda i: (i, 0)),
        out_shape=jax.ShapeDtypeStruct((_N, _D), jnp.float32),
    )(x, io, m, tok)


def _mid_tc_body(pa_ref, pb_ref, sm_ref, hs_ref, agg_ref):
    agg = pa_ref[...] + pb_ref[...]
    agg_ref[...] = agg
    hs_ref[...] = agg * sm_ref[...]


def _mid_tc(parts, sm):
    return pl.pallas_call(
        _mid_tc_body,
        grid=(_G,),
        in_specs=[
            pl.BlockSpec((_BR, _D), lambda i: (i, 0)),
            pl.BlockSpec((_BR, _D), lambda i: (i + _G, 0)),
            pl.BlockSpec((_BR, 1), lambda i: (i, 0)),
        ],
        out_specs=[pl.BlockSpec((_BR, _D), lambda i: (i, 0))] * 2,
        out_shape=[jax.ShapeDtypeStruct((_N, _D), jnp.float32)] * 2,
    )(parts, parts, sm)


def _dec_tc_body(a1_ref, pa_ref, pb_ref, ii_ref, io_ref, al_ref, be_ref,
                 w_ref, tok_ref, o_ref):
    agg2 = pa_ref[...] + pb_ref[...]
    es = 0.5 * ii_ref[...] * (a1_ref[...] + agg2)
    orep = lax.dot_general(es, w_ref[...], (((1,), (1,)), ((), ())),
                           preferred_element_type=jnp.float32)
    repm = al_ref[...] * orep + be_ref[...] * tok_ref[...]
    o_ref[...] = repm * io_ref[...]


def _dec_tc(agg1, parts2, ii, io, al, be, w_e2d, dec_tok):
    return pl.pallas_call(
        _dec_tc_body,
        grid=(_G,),
        in_specs=[
            pl.BlockSpec((_BR, _D), lambda i: (i, 0)),
            pl.BlockSpec((_BR, _D), lambda i: (i, 0)),
            pl.BlockSpec((_BR, _D), lambda i: (i + _G, 0)),
            pl.BlockSpec((_BR, 1), lambda i: (i, 0)),
            pl.BlockSpec((_BR, 1), lambda i: (i, 0)),
            pl.BlockSpec((_BR, 1), lambda i: (i, 0)),
            pl.BlockSpec((_BR, 1), lambda i: (i, 0)),
            pl.BlockSpec((_D, _D), lambda i: (0, 0)),
            pl.BlockSpec((1, _D), lambda i: (0, 0)),
        ],
        out_specs=pl.BlockSpec((_BR, _D), lambda i: (i, 0)),
        out_shape=jax.ShapeDtypeStruct((_N, _D), jnp.float32),
    )(agg1, parts2, parts2, ii, io, al, be, w_e2d, dec_tok)


def _out_tc_body(pa_ref, pb_ref, ii_ref, w_ref, o_ref):
    ds = (pa_ref[...] + pb_ref[...]) * ii_ref[...]
    o_ref[...] = lax.dot_general(ds, w_ref[...], (((1,), (1,)), ((), ())),
                                 preferred_element_type=jnp.float32)


def _out_tc(parts3, ii, w_d2c):
    return pl.pallas_call(
        _out_tc_body,
        grid=(_G,),
        in_specs=[
            pl.BlockSpec((_BR, _D), lambda i: (i, 0)),
            pl.BlockSpec((_BR, _D), lambda i: (i + _G, 0)),
            pl.BlockSpec((_BR, 1), lambda i: (i, 0)),
            pl.BlockSpec((_D, _D), lambda i: (0, 0)),
        ],
        out_specs=pl.BlockSpec((_BR, _D), lambda i: (i, 0)),
        out_shape=jax.ShapeDtypeStruct((_N, _D), jnp.float32),
    )(parts3, parts3, ii, w_d2c)




def kernel(x, edge_index, enc_mask_token, dec_mask_token, W_e2d, W_d2c):
    pad = jnp.zeros((2, _PCHUNKS * _CHUNK - _E), edge_index.dtype)
    ep = jnp.concatenate([edge_index, pad], axis=1).reshape(2, _PCHUNKS, _CHUNK)
    src = ep[0]
    dst = ep[1]
    m, alpha, beta = _mask_consts()

    osrc, odst = _degrees_sc(src, dst)
    ps = jnp.pad(osrc.reshape(_NCORES, _N), ((0, 0), (0, _PAD - _N)))
    pd = jnp.pad(odst.reshape(_NCORES, _N), ((0, 0), (0, _PAD - _N)))
    io_p, ii_p, sm_p = _deg_tc(ps, pd)
    io = io_p[0, :_N].reshape(_N, 1)
    ii = ii_p[0, :_N].reshape(_N, 1)
    sm = sm_p[0, :_N].reshape(_N, 1)

    hs0 = _mask_tc(x, io, m, enc_mask_token)
    parts1 = _conv_sc(src, dst, hs0)
    hs1, agg1 = _mid_tc(parts1, sm)
    parts2 = _conv_sc(src, dst, hs1)
    hs2 = _dec_tc(agg1, parts2, ii, io, alpha, beta, W_e2d, dec_mask_token)
    parts3 = _conv_sc(src, dst, hs2)
    return _out_tc(parts3, ii, W_d2c)

# --- scband reference (transcript-rebuilt; emitter-appended) ---
"""Pipeline reference for scband-autoencoder-36077725286661 (READ-ONLY COPY).

The authoritative reference and input builder live on the scoring server;
editing this copy changes nothing except your own understanding.
"""

import jax, jax.numpy as jnp
import numpy as np

N = 10000
E = 320000
D = 128
MASK_RATE = 0.3
REMASK_RATE = 0.5
NUM_REMASK = 3


def setup_inputs(seed: int = 0) -> dict:
    key = jax.random.key(seed)
    k1, k2, k3, k4, k5, k6 = jax.random.split(key, 6)
    x = jax.random.normal(k1, (N, D), dtype=jnp.float32)
    edge_index = jax.random.randint(k2, (2, E), 0, N)
    # learned parameters
    std_tok = float(np.sqrt(2.0 / (1 + D)))  # xavier_normal for (1, D)
    enc_mask_token = jax.random.normal(k3, (1, D), dtype=jnp.float32) * std_tok
    dec_mask_token = jax.random.normal(k4, (1, D), dtype=jnp.float32) * std_tok
    std_e2d = float(1.414 * np.sqrt(2.0 / (D + D)))
    W_e2d = jax.random.normal(k5, (D, D), dtype=jnp.float32) * std_e2d  # encoder_to_decoder.weight [out=in_dim, in=in_dim*num_heads]
    W_d2c = jax.random.normal(k6, (D, D), dtype=jnp.float32) * float(1.0 / np.sqrt(D))  # decoder_to_contrastive.weight
    return {"x": x, "edge_index": edge_index, "enc_mask_token": enc_mask_token,
            "dec_mask_token": dec_mask_token, "W_e2d": W_e2d, "W_d2c": W_d2c}


def _gcn_conv(h, src, dst, n):
    # DGL GraphConv(weight=False, bias=False, norm='both'):
    # out = D_in^{-1/2} * A * (D_out^{-1/2} * h), degrees clamped to min 1
    deg_out = jnp.clip(jnp.bincount(src, length=n), 1).astype(h.dtype)
    hs = h * (deg_out ** -0.5)[:, None]
    agg = jnp.zeros_like(h).at[dst].add(hs[src])
    deg_in = jnp.clip(jnp.bincount(dst, length=n), 1).astype(h.dtype)
    return agg * (deg_in ** -0.5)[:, None]


def reference(x, edge_index, enc_mask_token, dec_mask_token, W_e2d, W_d2c):
    n = x.shape[0]
    src = edge_index[0]
    dst = edge_index[1]
    kperm = jax.random.key(42)
    # encoding_mask_noise
    perm = jax.random.permutation(jax.random.fold_in(kperm, 0), n)
    num_mask = int(MASK_RATE * n)
    mask_nodes = perm[:num_mask]
    mask_x = x.at[mask_nodes].set(0.0).at[mask_nodes].add(enc_mask_token[0])
    # encoder: 2 GCN layers (weight=False -> pure normalized aggregation)
    encs = []
    h = mask_x
    for _ in range(2):
        h = _gcn_conv(h, src, dst, n)
        encs.append(h)
    Es = jnp.mean(jnp.stack(encs, axis=1), axis=1)
    origin_rep = Es @ W_e2d.T
    # decoder with remasking
    decode = []
    Ds = None
    for r in range(NUM_REMASK):
        perm_r = jax.random.permutation(jax.random.fold_in(kperm, r + 1), n)
        num_remask = int(REMASK_RATE * n)
        remask_nodes = perm_r[:num_remask]
        rep = origin_rep.at[remask_nodes].set(0.0).at[remask_nodes].add(dec_mask_token[0])
        recon = _gcn_conv(rep, src, dst, n)
        decode.append(recon)
        Ds = jnp.mean(jnp.stack(decode, axis=1), axis=1)
    return Ds @ W_d2c.T

if __name__ == "__main__":
    import jax
    _d = setup_inputs()
    print(jax.jit(kernel)(*tuple(_d.values())))

</pallas_src>

<mosaic_0001>
#map = affine_map<(d0, d1) -> (0, 0)>
module attributes {stable_mosaic.version = 14 : i64} {
  func.func @_conv_sc(%arg0: i32, %arg1: i32, %arg2: memref<2504x128xi32, #tpu.memory_space<hbm>>, %arg3: memref<2504x128xi32, #tpu.memory_space<hbm>>, %arg4: memref<10000x128xf32, #tpu.memory_space<hbm>>, %arg5: memref<20000x128xf32, #tpu.memory_space<hbm>>, %arg6: memref<8x128xi32, #tpu.memory_space<vmem>>, %arg7: memref<8x128xi32, #tpu.memory_space<vmem>>, %arg8: memref<128x128xf32, #tpu.memory_space<vmem>>, %arg9: memref<128x128xf32, #tpu.memory_space<vmem>>, %arg10: memref<10000x128xf32, #tpu.memory_space<vmem_shared>>, %arg11: memref<!tpu.dma_semaphore, #tpu.memory_space<semaphore_mem>>, %arg12: memref<!tpu.dma_semaphore, #tpu.memory_space<semaphore_mem>>) attributes {dimension_semantics = [#tpu.dimension_semantics<core_parallel>, #tpu.dimension_semantics<subcore_parallel>], iteration_bounds = array<i64: 2, 16>, scalar_prefetch = 0 : i64, scratch_operands = 7 : i64, tpu.core_type = #tpu.core_type<sc_vector_subcore>, window_params = [{transform_indices = #map}, {transform_indices = #map}, {transform_indices = #map}, {transform_indices = #map}]} {
    %mul3A = arith.constant 2 : i32
    %mul3A_0 = arith.muli %arg1, %mul3A : i32
    %add3A = arith.addi %mul3A_0, %arg0 : i32
    %scan3A = arith.constant 0 : i32
    %scan3A_1 = arith.constant 0 : i32
    %scan3A_2 = arith.constant 1024 : i32
    %scan3A_3 = arith.addi %scan3A_1, %scan3A_2 : i32
    %scan3A_4 = arith.constant 1 : i32
    %scan3A_5 = scf.for %scan3A_69 = %scan3A_1 to %scan3A_3 step %scan3A_4 iter_args(%scan3A_70 = %scan3A) -> (i32)  : i32 {
      %jit3A = arith.constant 8 : i32
      %div3A = arith.divsi %scan3A_69, %jit3A : i32
      %sign3A = arith.constant 0 : i32
      %sign3A_71 = arith.cmpi sgt, %scan3A_69, %sign3A : i32
      %sign3A_72 = arith.extui %sign3A_71 : i1 to i32
      %sign3A_73 = arith.constant 0 : i32
      %sign3A_74 = arith.cmpi slt, %scan3A_69, %sign3A_73 : i32
      %sign3A_75 = arith.extui %sign3A_74 : i1 to i32
      %sign3A_76 = arith.subi %sign3A_72, %sign3A_75 : i32
      %sign3A_77 = arith.constant 0 : i32
      %sign3A_78 = arith.cmpi sgt, %jit3A, %sign3A_77 : i32
      %sign3A_79 = arith.extui %sign3A_78 : i1 to i32
      %sign3A_80 = arith.constant 0 : i32
      %sign3A_81 = arith.cmpi slt, %jit3A, %sign3A_80 : i32
      %sign3A_82 = arith.extui %sign3A_81 : i1 to i32
      %sign3A_83 = arith.subi %sign3A_79, %sign3A_82 : i32
      %ne3A = arith.cmpi ne, %sign3A_76, %sign3A_83 : i32
      %rem3A = arith.remsi %scan3A_69, %jit3A : i32
      %ne3A_84 = arith.constant 0 : i32
      %ne3A_85 = arith.cmpi ne, %rem3A, %ne3A_84 : i32
      %and3A = arith.andi %ne3A, %ne3A_85 : i1
      %sub3A = arith.constant 1 : i32
      %sub3A_86 = arith.subi %div3A, %sub3A : i32
      %select_n3A = arith.select %and3A, %sub3A_86, %div3A : i32
      %jit3A_87 = arith.constant 8 : i32
      %eq3A_88 = arith.constant 0 : i32
      %eq3A_89 = arith.cmpi eq, %jit3A_87, %eq3A_88 : i32
      %jit3A_90 = arith.constant 1 : i32
      %select_n3A_91 = arith.select %eq3A_89, %jit3A_90, %jit3A_87 : i32
      %rem3A_92 = arith.remsi %scan3A_69, %select_n3A_91 : i32
      %ne3A_93 = arith.constant 0 : i32
      %ne3A_94 = arith.cmpi ne, %rem3A_92, %ne3A_93 : i32
      %lt3A = arith.constant 0 : i32
      %lt3A_95 = arith.cmpi slt, %rem3A_92, %lt3A : i32
      %lt3A_96 = arith.constant 0 : i32
      %lt3A_97 = arith.cmpi slt, %select_n3A_91, %lt3A_96 : i32
      %ne3A_98 = arith.xori %lt3A_95, %lt3A_97 : i1
      %and3A_99 = arith.andi %ne3A_98, %ne3A_94 : i1
      %add3A_100 = arith.addi %rem3A_92, %select_n3A_91 : i32
      %select_n3A_101 = arith.select %and3A_99, %add3A_100, %rem3A_92 : i32
      %mul3A_102 = arith.constant 16 : i32
      %mul3A_103 = arith.muli %select_n3A_101, %mul3A_102 : i32
      %broadcast_in_dim3A = arith.constant 0.000000e+00 : f32
      %broadcast_in_dim3A_104 = vector.broadcast %broadcast_in_dim3A : f32 to vector<16xf32>
      %swap3A = arith.index_cast %select_n3A : i32 to index
      %swap3A_105 = arith.index_cast %mul3A_103 : i32 to index
      %swap3A_106 = tpu.vector_load %arg8[%swap3A, %swap3A_105] {strides = array<i32>} : memref<128x128xf32, #tpu.memory_space<vmem>>, vector<1x16xf32>,
      %swap3A_107 = vector.shape_cast %swap3A_106 : vector<1x16xf32> to vector<16xf32>
      %swap3A_108 = vector.shape_cast %broadcast_in_dim3A_104 : vector<16xf32> to vector<1x16xf32>
      tpu.vector_store %arg8[%swap3A, %swap3A_105], %swap3A_108 {strides = array<i32>} : memref<128x128xf32, #tpu.memory_space<vmem>>, vector<1x16xf32>,
      %scan3A_109 = arith.constant 0 : i32
      scf.yield %scan3A_109 : i32
    }
    %scan3A_6 = arith.constant 1024 : i32
    %mul3A_7 = arith.constant 624 : i32
    %mul3A_8 = arith.muli %arg1, %mul3A_7 : i32
    %add3A_9 = arith.constant 0 : i32
    %add3A_10 = arith.addi %mul3A_8, %add3A_9 : i32
    "tpu.region"() ({
      %run_scoped3A = tpu.sem_alloc : memref<!tpu.dma_semaphore, #tpu.memory_space<semaphore_mem>>
      %dma_start3A = arith.constant 0 : i32
      %dma_start3A_69 = arith.constant 0 : i32
      %dma_start3A_70 = tpu.memref_slice %arg8[%dma_start3A, %dma_start3A_69] : memref<128x128xf32, #tpu.memory_space<vmem>> -> memref<128x128xf32, #tpu.memory_space<vmem>>
      %dma_start3A_71 = arith.constant 0 : i32
      %dma_start3A_72 = tpu.memref_slice %arg10[%add3A_10, %dma_start3A_71] : memref<10000x128xf32, #tpu.memory_space<vmem_shared>> -> memref<128x128xf32, #tpu.memory_space<vmem_shared>>
      %dma_start3A_73 = arith.constant 0 : i32
      %dma_start3A_74 = tpu.memref_slice %arg10[%add3A_10, %dma_start3A_73] : memref<10000x128xf32, #tpu.memory_space<vmem_shared>> -> memref<128x128xf32, #tpu.memory_space<vmem_shared>>
      %dma_start3A_75 = arith.constant 0 : i32
      %dma_start3A_76 = arith.constant 0 : i32
      %dma_start3A_77 = tpu.memref_slice %arg8[%dma_start3A_75, %dma_start3A_76] : memref<128x128xf32, #tpu.memory_space<vmem>> -> memref<128x128xf32, #tpu.memory_space<vmem>>
      tpu.enqueue_dma source(%dma_start3A_77 : memref<128x128xf32, #tpu.memory_space<vmem>>) target(%dma_start3A_74 : memref<128x128xf32, #tpu.memory_space<vmem_shared>>) target_semaphore(%run_scoped3A : memref<!tpu.dma_semaphore, #tpu.memory_space<semaphore_mem>>)
      %dma_wait3A = arith.constant 0 : i32
      %dma_wait3A_78 = arith.constant 0 : i32
      %dma_wait3A_79 = tpu.memref_slice %arg8[%dma_wait3A, %dma_wait3A_78] : memref<128x128xf32, #tpu.memory_space<vmem>> -> memref<128x128xf32, #tpu.memory_space<vmem>>
      %dma_wait3A_80 = arith.constant 0 : i32
      %dma_wait3A_81 = tpu.memref_slice %arg10[%add3A_10, %dma_wait3A_80] : memref<10000x128xf32, #tpu.memory_space<vmem_shared>> -> memref<128x128xf32, #tpu.memory_space<vmem_shared>>
      %dma_wait3A_82 = arith.constant 0 : i32
      %dma_wait3A_83 = tpu.memref_slice %arg10[%add3A_10, %dma_wait3A_82] : memref<10000x128xf32, #tpu.memory_space<vmem_shared>> -> memref<128x128xf32, #tpu.memory_space<vmem_shared>>
      %dma_wait3A_84 = arith.constant 0 : i32
      %dma_wait3A_85 = arith.constant 0 : i32
      %dma_wait3A_86 = tpu.memref_slice %arg8[%dma_wait3A_84, %dma_wait3A_85] : memref<128x128xf32, #tpu.memory_space<vmem>> -> memref<128x128xf32, #tpu.memory_space<vmem>>
      tpu.wait_dma2 semaphore(%run_scoped3A : memref<!tpu.dma_semaphore, #tpu.memory_space<semaphore_mem>>) src(%dma_wait3A_86 : memref<128x128xf32, #tpu.memory_space<vmem>>) dst(%dma_wait3A_83 : memref<128x128xf32, #tpu.memory_space<vmem_shared>>)
      tpu.yield
    }) : () -> ()
    %add3A_11 = arith.constant 128 : i32
    %add3A_12 = arith.addi %mul3A_8, %add3A_11 : i32
    "tpu.region"() ({
      %run_scoped3A = tpu.sem_alloc : memref<!tpu.dma_semaphore, #tpu.memory_space<semaphore_mem>>
      %dma_start3A = arith.constant 0 : i32
      %dma_start3A_69 = arith.constant 0 : i32
      %dma_start3A_70 = tpu.memref_slice %arg8[%dma_start3A, %dma_start3A_69] : memref<128x128xf32, #tpu.memory_space<vmem>> -> memref<128x128xf32, #tpu.memory_space<vmem>>
      %dma_start3A_71 = arith.constant 0 : i32
      %dma_start3A_72 = tpu.memref_slice %arg10[%add3A_12, %dma_start3A_71] : memref<10000x128xf32, #tpu.memory_space<vmem_shared>> -> memref<128x128xf32, #tpu.memory_space<vmem_shared>>
      %dma_start3A_73 = arith.constant 0 : i32
      %dma_start3A_74 = tpu.memref_slice %arg10[%add3A_12, %dma_start3A_73] : memref<10000x128xf32, #tpu.memory_space<vmem_shared>> -> memref<128x128xf32, #tpu.memory_space<vmem_shared>>
      %dma_start3A_75 = arith.constant 0 : i32
      %dma_start3A_76 = arith.constant 0 : i32
      %dma_start3A_77 = tpu.memref_slice %arg8[%dma_start3A_75, %dma_start3A_76] : memref<128x128xf32, #tpu.memory_space<vmem>> -> memref<128x128xf32, #tpu.memory_space<vmem>>
      tpu.enqueue_dma source(%dma_start3A_77 : memref<128x128xf32, #tpu.memory_space<vmem>>) target(%dma_start3A_74 : memref<128x128xf32, #tpu.memory_space<vmem_shared>>) target_semaphore(%run_scoped3A : memref<!tpu.dma_semaphore, #tpu.memory_space<semaphore_mem>>)
      %dma_wait3A = arith.constant 0 : i32
      %dma_wait3A_78 = arith.constant 0 : i32
      %dma_wait3A_79 = tpu.memref_slice %arg8[%dma_wait3A, %dma_wait3A_78] : memref<128x128xf32, #tpu.memory_space<vmem>> -> memref<128x128xf32, #tpu.memory_space<vmem>>
      %dma_wait3A_80 = arith.constant 0 : i32
      %dma_wait3A_81 = tpu.memref_slice %arg10[%add3A_12, %dma_wait3A_80] : memref<10000x128xf32, #tpu.memory_space<vmem_shared>> -> memref<128x128xf32, #tpu.memory_space<vmem_shared>>
      %dma_wait3A_82 = arith.constant 0 : i32
      %dma_wait3A_83 = tpu.memref_slice %arg10[%add3A_12, %dma_wait3A_82] : memref<10000x128xf32, #tpu.memory_space<vmem_shared>> -> memref<128x128xf32, #tpu.memory_space<vmem_shared>>
      %dma_wait3A_84 = arith.constant 0 : i32
      %dma_wait3A_85 = arith.constant 0 : i32
      %dma_wait3A_86 = tpu.memref_slice %arg8[%dma_wait3A_84, %dma_wait3A_85] : memref<128x128xf32, #tpu.memory_space<vmem>> -> memref<128x128xf32, #tpu.memory_space<vmem>>
      tpu.wait_dma2 semaphore(%run_scoped3A : memref<!tpu.dma_semaphore, #tpu.memory_space<semaphore_mem>>) src(%dma_wait3A_86 : memref<128x128xf32, #tpu.memory_space<vmem>>) dst(%dma_wait3A_83 : memref<128x128xf32, #tpu.memory_space<vmem_shared>>)
      tpu.yield
    }) : () -> ()
    %add3A_13 = arith.constant 256 : i32
    %add3A_14 = arith.addi %mul3A_8, %add3A_13 : i32
    "tpu.region"() ({
      %run_scoped3A = tpu.sem_alloc : memref<!tpu.dma_semaphore, #tpu.memory_space<semaphore_mem>>
      %dma_start3A = arith.constant 0 : i32
      %dma_start3A_69 = arith.constant 0 : i32
      %dma_start3A_70 = tpu.memref_slice %arg8[%dma_start3A, %dma_start3A_69] : memref<128x128xf32, #tpu.memory_space<vmem>> -> memref<128x128xf32, #tpu.memory_space<vmem>>
      %dma_start3A_71 = arith.constant 0 : i32
      %dma_start3A_72 = tpu.memref_slice %arg10[%add3A_14, %dma_start3A_71] : memref<10000x128xf32, #tpu.memory_space<vmem_shared>> -> memref<128x128xf32, #tpu.memory_space<vmem_shared>>
      %dma_start3A_73 = arith.constant 0 : i32
      %dma_start3A_74 = tpu.memref_slice %arg10[%add3A_14, %dma_start3A_73] : memref<10000x128xf32, #tpu.memory_space<vmem_shared>> -> memref<128x128xf32, #tpu.memory_space<vmem_shared>>
      %dma_start3A_75 = arith.constant 0 : i32
      %dma_start3A_76 = arith.constant 0 : i32
      %dma_start3A_77 = tpu.memref_slice %arg8[%dma_start3A_75, %dma_start3A_76] : memref<128x128xf32, #tpu.memory_space<vmem>> -> memref<128x128xf32, #tpu.memory_space<vmem>>
      tpu.enqueue_dma source(%dma_start3A_77 : memref<128x128xf32, #tpu.memory_space<vmem>>) target(%dma_start3A_74 : memref<128x128xf32, #tpu.memory_space<vmem_shared>>) target_semaphore(%run_scoped3A : memref<!tpu.dma_semaphore, #tpu.memory_space<semaphore_mem>>)
      %dma_wait3A = arith.constant 0 : i32
      %dma_wait3A_78 = arith.constant 0 : i32
      %dma_wait3A_79 = tpu.memref_slice %arg8[%dma_wait3A, %dma_wait3A_78] : memref<128x128xf32, #tpu.memory_space<vmem>> -> memref<128x128xf32, #tpu.memory_space<vmem>>
      %dma_wait3A_80 = arith.constant 0 : i32
      %dma_wait3A_81 = tpu.memref_slice %arg10[%add3A_14, %dma_wait3A_80] : memref<10000x128xf32, #tpu.memory_space<vmem_shared>> -> memref<128x128xf32, #tpu.memory_space<vmem_shared>>
      %dma_wait3A_82 = arith.constant 0 : i32
      %dma_wait3A_83 = tpu.memref_slice %arg10[%add3A_14, %dma_wait3A_82] : memref<10000x128xf32, #tpu.memory_space<vmem_shared>> -> memref<128x128xf32, #tpu.memory_space<vmem_shared>>
      %dma_wait3A_84 = arith.constant 0 : i32
      %dma_wait3A_85 = arith.constant 0 : i32
      %dma_wait3A_86 = tpu.memref_slice %arg8[%dma_wait3A_84, %dma_wait3A_85] : memref<128x128xf32, #tpu.memory_space<vmem>> -> memref<128x128xf32, #tpu.memory_space<vmem>>
      tpu.wait_dma2 semaphore(%run_scoped3A : memref<!tpu.dma_semaphore, #tpu.memory_space<semaphore_mem>>) src(%dma_wait3A_86 : memref<128x128xf32, #tpu.memory_space<vmem>>) dst(%dma_wait3A_83 : memref<128x128xf32, #tpu.memory_space<vmem_shared>>)
      tpu.yield
    }) : () -> ()
    %add3A_15 = arith.constant 384 : i32
    %add3A_16 = arith.addi %mul3A_8, %add3A_15 : i32
    "tpu.region"() ({
      %run_scoped3A = tpu.sem_alloc : memref<!tpu.dma_semaphore, #tpu.memory_space<semaphore_mem>>
      %dma_start3A = arith.constant 0 : i32
      %dma_start3A_69 = arith.constant 0 : i32
      %dma_start3A_70 = tpu.memref_slice %arg8[%dma_start3A, %dma_start3A_69] : memref<128x128xf32, #tpu.memory_space<vmem>> -> memref<128x128xf32, #tpu.memory_space<vmem>>
      %dma_start3A_71 = arith.constant 0 : i32
      %dma_start3A_72 = tpu.memref_slice %arg10[%add3A_16, %dma_start3A_71] : memref<10000x128xf32, #tpu.memory_space<vmem_shared>> -> memref<128x128xf32, #tpu.memory_space<vmem_shared>>
      %dma_start3A_73 = arith.constant 0 : i32
      %dma_start3A_74 = tpu.memref_slice %arg10[%add3A_16, %dma_start3A_73] : memref<10000x128xf32, #tpu.memory_space<vmem_shared>> -> memref<128x128xf32, #tpu.memory_space<vmem_shared>>
      %dma_start3A_75 = arith.constant 0 : i32
      %dma_start3A_76 = arith.constant 0 : i32
      %dma_start3A_77 = tpu.memref_slice %arg8[%dma_start3A_75, %dma_start3A_76] : memref<128x128xf32, #tpu.memory_space<vmem>> -> memref<128x128xf32, #tpu.memory_space<vmem>>
      tpu.enqueue_dma source(%dma_start3A_77 : memref<128x128xf32, #tpu.memory_space<vmem>>) target(%dma_start3A_74 : memref<128x128xf32, #tpu.memory_space<vmem_shared>>) target_semaphore(%run_scoped3A : memref<!tpu.dma_semaphore, #tpu.memory_space<semaphore_mem>>)
      %dma_wait3A = arith.constant 0 : i32
      %dma_wait3A_78 = arith.constant 0 : i32
      %dma_wait3A_79 = tpu.memref_slice %arg8[%dma_wait3A, %dma_wait3A_78] : memref<128x128xf32, #tpu.memory_space<vmem>> -> memref<128x128xf32, #tpu.memory_space<vmem>>
      %dma_wait3A_80 = arith.constant 0 : i32
      %dma_wait3A_81 = tpu.memref_slice %arg10[%add3A_16, %dma_wait3A_80] : memref<10000x128xf32, #tpu.memory_space<vmem_shared>> -> memref<128x128xf32, #tpu.memory_space<vmem_shared>>
      %dma_wait3A_82 = arith.constant 0 : i32
      %dma_wait3A_83 = tpu.memref_slice %arg10[%add3A_16, %dma_wait3A_82] : memref<10000x128xf32, #tpu.memory_space<vmem_shared>> -> memref<128x128xf32, #tpu.memory_space<vmem_shared>>
      %dma_wait3A_84 = arith.constant 0 : i32
      %dma_wait3A_85 = arith.constant 0 : i32
      %dma_wait3A_86 = tpu.memref_slice %arg8[%dma_wait3A_84, %dma_wait3A_85] : memref<128x128xf32, #tpu.memory_space<vmem>> -> memref<128x128xf32, #tpu.memory_space<vmem>>
      tpu.wait_dma2 semaphore(%run_scoped3A : memref<!tpu.dma_semaphore, #tpu.memory_space<semaphore_mem>>) src(%dma_wait3A_86 : memref<128x128xf32, #tpu.memory_space<vmem>>) dst(%dma_wait3A_83 : memref<128x128xf32, #tpu.memory_space<vmem_shared>>)
      tpu.yield
    }) : () -> ()
    %add3A_17 = arith.constant 512 : i32
    %add3A_18 = arith.addi %mul3A_8, %add3A_17 : i32
    "tpu.region"() ({
      %run_scoped3A = tpu.sem_alloc : memref<!tpu.dma_semaphore, #tpu.memory_space<semaphore_mem>>
      %dma_start3A = arith.constant 0 : i32
      %dma_start3A_69 = arith.constant 0 : i32
      %dma_start3A_70 = tpu.memref_slice %arg8[%dma_start3A, %dma_start3A_69] : memref<128x128xf32, #tpu.memory_space<vmem>> -> memref<112x128xf32, #tpu.memory_space<vmem>>
      %dma_start3A_71 = arith.constant 0 : i32
      %dma_start3A_72 = tpu.memref_slice %arg10[%add3A_18, %dma_start3A_71] : memref<10000x128xf32, #tpu.memory_space<vmem_shared>> -> memref<112x128xf32, #tpu.memory_space<vmem_shared>>
      %dma_start3A_73 = arith.constant 0 : i32
      %dma_start3A_74 = tpu.memref_slice %arg10[%add3A_18, %dma_start3A_73] : memref<10000x128xf32, #tpu.memory_space<vmem_shared>> -> memref<112x128xf32, #tpu.memory_space<vmem_shared>>
      %dma_start3A_75 = arith.constant 0 : i32
      %dma_start3A_76 = arith.constant 0 : i32
      %dma_start3A_77 = tpu.memref_slice %arg8[%dma_start3A_75, %dma_start3A_76] : memref<128x128xf32, #tpu.memory_space<vmem>> -> memref<112x128xf32, #tpu.memory_space<vmem>>
      tpu.enqueue_dma source(%dma_start3A_77 : memref<112x128xf32, #tpu.memory_space<vmem>>) target(%dma_start3A_74 : memref<112x128xf32, #tpu.memory_space<vmem_shared>>) target_semaphore(%run_scoped3A : memref<!tpu.dma_semaphore, #tpu.memory_space<semaphore_mem>>)
      %dma_wait3A = arith.constant 0 : i32
      %dma_wait3A_78 = arith.constant 0 : i32
      %dma_wait3A_79 = tpu.memref_slice %arg8[%dma_wait3A, %dma_wait3A_78] : memref<128x128xf32, #tpu.memory_space<vmem>> -> memref<112x128xf32, #tpu.memory_space<vmem>>
      %dma_wait3A_80 = arith.constant 0 : i32
      %dma_wait3A_81 = tpu.memref_slice %arg10[%add3A_18, %dma_wait3A_80] : memref<10000x128xf32, #tpu.memory_space<vmem_shared>> -> memref<112x128xf32, #tpu.memory_space<vmem_shared>>
      %dma_wait3A_82 = arith.constant 0 : i32
      %dma_wait3A_83 = tpu.memref_slice %arg10[%add3A_18, %dma_wait3A_82] : memref<10000x128xf32, #tpu.memory_space<vmem_shared>> -> memref<112x128xf32, #tpu.memory_space<vmem_shared>>
      %dma_wait3A_84 = arith.constant 0 : i32
      %dma_wait3A_85 = arith.constant 0 : i32
      %dma_wait3A_86 = tpu.memref_slice %arg8[%dma_wait3A_84, %dma_wait3A_85] : memref<128x128xf32, #tpu.memory_space<vmem>> -> memref<112x128xf32, #tpu.memory_space<vmem>>
      tpu.wait_dma2 semaphore(%run_scoped3A : memref<!tpu.dma_semaphore, #tpu.memory_space<semaphore_mem>>) src(%dma_wait3A_86 : memref<112x128xf32, #tpu.memory_space<vmem>>) dst(%dma_wait3A_83 : memref<112x128xf32, #tpu.memory_space<vmem_shared>>)
      tpu.yield
    }) : () -> ()
    %eq3A = arith.constant 15 : i32
    %eq3A_19 = arith.cmpi eq, %arg1, %eq3A : i32
    %convert_element_type3A = arith.extui %eq3A_19 : i1 to i32
    %cond3A = arith.constant 0 : i32
    %cond3A_20 = arith.cmpi ne, %convert_element_type3A, %cond3A : i32
    scf.if %cond3A_20 {
      %add3A_69 = arith.constant 624 : i32
      %add3A_70 = arith.addi %mul3A_8, %add3A_69 : i32
      "tpu.region"() ({
        %run_scoped3A = tpu.sem_alloc : memref<!tpu.dma_semaphore, #tpu.memory_space<semaphore_mem>>
        %dma_start3A = arith.constant 0 : i32
        %dma_start3A_71 = arith.constant 0 : i32
        %dma_start3A_72 = tpu.memref_slice %arg8[%dma_start3A, %dma_start3A_71] : memref<128x128xf32, #tpu.memory_space<vmem>> -> memref<16x128xf32, #tpu.memory_space<vmem>>
        %dma_start3A_73 = arith.constant 0 : i32
        %dma_start3A_74 = tpu.memref_slice %arg10[%add3A_70, %dma_start3A_73] : memref<10000x128xf32, #tpu.memory_space<vmem_shared>> -> memref<16x128xf32, #tpu.memory_space<vmem_shared>>
        %dma_start3A_75 = arith.constant 0 : i32
        %dma_start3A_76 = tpu.memref_slice %arg10[%add3A_70, %dma_start3A_75] : memref<10000x128xf32, #tpu.memory_space<vmem_shared>> -> memref<16x128xf32, #tpu.memory_space<vmem_shared>>
        %dma_start3A_77 = arith.constant 0 : i32
        %dma_start3A_78 = arith.constant 0 : i32
        %dma_start3A_79 = tpu.memref_slice %arg8[%dma_start3A_77, %dma_start3A_78] : memref<128x128xf32, #tpu.memory_space<vmem>> -> memref<16x128xf32, #tpu.memory_space<vmem>>
        tpu.enqueue_dma source(%dma_start3A_79 : memref<16x128xf32, #tpu.memory_space<vmem>>) target(%dma_start3A_76 : memref<16x128xf32, #tpu.memory_space<vmem_shared>>) target_semaphore(%run_scoped3A : memref<!tpu.dma_semaphore, #tpu.memory_space<semaphore_mem>>)
        %dma_wait3A = arith.constant 0 : i32
        %dma_wait3A_80 = arith.constant 0 : i32
        %dma_wait3A_81 = tpu.memref_slice %arg8[%dma_wait3A, %dma_wait3A_80] : memref<128x128xf32, #tpu.memory_space<vmem>> -> memref<16x128xf32, #tpu.memory_space<vmem>>
        %dma_wait3A_82 = arith.constant 0 : i32
        %dma_wait3A_83 = tpu.memref_slice %arg10[%add3A_70, %dma_wait3A_82] : memref<10000x128xf32, #tpu.memory_space<vmem_shared>> -> memref<16x128xf32, #tpu.memory_space<vmem_shared>>
        %dma_wait3A_84 = arith.constant 0 : i32
        %dma_wait3A_85 = tpu.memref_slice %arg10[%add3A_70, %dma_wait3A_84] : memref<10000x128xf32, #tpu.memory_space<vmem_shared>> -> memref<16x128xf32, #tpu.memory_space<vmem_shared>>
        %dma_wait3A_86 = arith.constant 0 : i32
        %dma_wait3A_87 = arith.constant 0 : i32
        %dma_wait3A_88 = tpu.memref_slice %arg8[%dma_wait3A_86, %dma_wait3A_87] : memref<128x128xf32, #tpu.memory_space<vmem>> -> memref<16x128xf32, #tpu.memory_space<vmem>>
        tpu.wait_dma2 semaphore(%run_scoped3A : memref<!tpu.dma_semaphore, #tpu.memory_space<semaphore_mem>>) src(%dma_wait3A_88 : memref<16x128xf32, #tpu.memory_space<vmem>>) dst(%dma_wait3A_85 : memref<16x128xf32, #tpu.memory_space<vmem_shared>>)
        tpu.yield
      }) : () -> ()
    } else {
    }
    %barrier3A = arith.constant 0 : index
    tpu.barrier barrier_id(%barrier3A)
    %scan3A_21 = arith.constant 0 : i32
    %scan3A_22 = arith.constant 0 : i32
    %scan3A_23 = arith.constant 10 : i32
    %scan3A_24 = arith.addi %scan3A_22, %scan3A_23 : i32
    %scan3A_25 = arith.constant 1 : i32
    %scan3A_26 = scf.for %scan3A_69 = %scan3A_22 to %scan3A_24 step %scan3A_25 iter_args(%scan3A_70 = %scan3A_21) -> (i32)  : i32 {
      %mul3A_71 = arith.constant 32 : i32
      %mul3A_72 = arith.muli %mul3A_71, %scan3A_69 : i32
      %add3A_73 = arith.addi %add3A, %mul3A_72 : i32
      %mul3A_74 = arith.constant 8 : i32
      %mul3A_75 = arith.muli %add3A_73, %mul3A_74 : i32
      %lt3A = arith.constant 313 : i32
      %lt3A_76 = arith.cmpi slt, %add3A_73, %lt3A : i32
      %convert_element_type3A_77 = arith.extui %lt3A_76 : i1 to i32
      %cond3A_78 = arith.constant 0 : i32
      %cond3A_79 = arith.cmpi ne, %convert_element_type3A_77, %cond3A_78 : i32
      scf.if %cond3A_79 {
        %mul3A_81 = arith.constant 8 : i32
        %mul3A_82 = arith.muli %add3A_73, %mul3A_81 : i32
        "tpu.region"() ({
          %run_scoped3A = tpu.sem_alloc : memref<!tpu.dma_semaphore, #tpu.memory_space<semaphore_mem>>
          %dma_start3A = arith.constant 0 : i32
          %dma_start3A_209 = tpu.memref_slice %arg2[%mul3A_82, %dma_start3A] : memref<2504x128xi32, #tpu.memory_space<hbm>> -> memref<8x128xi32, #tpu.memory_space<hbm>>
          %dma_start3A_210 = arith.constant 0 : i32
          %dma_start3A_211 = tpu.memref_slice %arg2[%mul3A_82, %dma_start3A_210] : memref<2504x128xi32, #tpu.memory_space<hbm>> -> memref<8x128xi32, #tpu.memory_space<hbm>>
          tpu.enqueue_dma source(%dma_start3A_211 : memref<8x128xi32, #tpu.memory_space<hbm>>) target(%arg6 : memref<8x128xi32, #tpu.memory_space<vmem>>) target_semaphore(%run_scoped3A : memref<!tpu.dma_semaphore, #tpu.memory_space<semaphore_mem>>)
          %dma_wait3A = arith.constant 0 : i32
          %dma_wait3A_212 = tpu.memref_slice %arg2[%mul3A_82, %dma_wait3A] : memref<2504x128xi32, #tpu.memory_space<hbm>> -> memref<8x128xi32, #tpu.memory_space<hbm>>
          %dma_wait3A_213 = arith.constant 0 : i32
          %dma_wait3A_214 = tpu.memref_slice %arg2[%mul3A_82, %dma_wait3A_213] : memref<2504x128xi32, #tpu.memory_space<hbm>> -> memref<8x128xi32, #tpu.memory_space<hbm>>
          tpu.wait_dma2 semaphore(%run_scoped3A : memref<!tpu.dma_semaphore, #tpu.memory_space<semaphore_mem>>) src(%dma_wait3A_214 : memref<8x128xi32, #tpu.memory_space<hbm>>) dst(%arg6 : memref<8x128xi32, #tpu.memory_space<vmem>>)
          tpu.yield
        }) : () -> ()
        %mul3A_83 = arith.constant 8 : i32
        %mul3A_84 = arith.muli %add3A_73, %mul3A_83 : i32
        "tpu.region"() ({
          %run_scoped3A = tpu.sem_alloc : memref<!tpu.dma_semaphore, #tpu.memory_space<semaphore_mem>>
          %dma_start3A = arith.constant 0 : i32
          %dma_start3A_209 = tpu.memref_slice %arg3[%mul3A_84, %dma_start3A] : memref<2504x128xi32, #tpu.memory_space<hbm>> -> memref<8x128xi32, #tpu.memory_space<hbm>>
          %dma_start3A_210 = arith.constant 0 : i32
          %dma_start3A_211 = tpu.memref_slice %arg3[%mul3A_84, %dma_start3A_210] : memref<2504x128xi32, #tpu.memory_space<hbm>> -> memref<8x128xi32, #tpu.memory_space<hbm>>
          tpu.enqueue_dma source(%dma_start3A_211 : memref<8x128xi32, #tpu.memory_space<hbm>>) target(%arg7 : memref<8x128xi32, #tpu.memory_space<vmem>>) target_semaphore(%run_scoped3A : memref<!tpu.dma_semaphore, #tpu.memory_space<semaphore_mem>>)
          %dma_wait3A = arith.constant 0 : i32
          %dma_wait3A_212 = tpu.memref_slice %arg3[%mul3A_84, %dma_wait3A] : memref<2504x128xi32, #tpu.memory_space<hbm>> -> memref<8x128xi32, #tpu.memory_space<hbm>>
          %dma_wait3A_213 = arith.constant 0 : i32
          %dma_wait3A_214 = tpu.memref_slice %arg3[%mul3A_84, %dma_wait3A_213] : memref<2504x128xi32, #tpu.memory_space<hbm>> -> memref<8x128xi32, #tpu.memory_space<hbm>>
          tpu.wait_dma2 semaphore(%run_scoped3A : memref<!tpu.dma_semaphore, #tpu.memory_space<semaphore_mem>>) src(%dma_wait3A_214 : memref<8x128xi32, #tpu.memory_space<hbm>>) dst(%arg7 : memref<8x128xi32, #tpu.memory_space<vmem>>)
          tpu.yield
        }) : () -> ()
        %add3A_85 = arith.constant 0 : i32
        %add3A_86 = arith.addi %mul3A_75, %add3A_85 : i32
        %lt3A_87 = arith.constant 2500 : i32
        %lt3A_88 = arith.cmpi slt, %add3A_86, %lt3A_87 : i32
        %convert_element_type3A_89 = arith.extui %lt3A_88 : i1 to i32
        %cond3A_90 = arith.constant 0 : i32
        %cond3A_91 = arith.cmpi ne, %convert_element_type3A_89, %cond3A_90 : i32
        scf.if %cond3A_91 {
          %dma_start3A = arith.constant 0 : i32
          %dma_start3A_209 = arith.constant 0 : i32
          %dma_start3A_210 = tpu.memref_slice %arg6[%dma_start3A, %dma_start3A_209] : memref<8x128xi32, #tpu.memory_space<vmem>> -> memref<1x128xi32, #tpu.memory_space<vmem>>
          %dma_start3A_211 = tpu.memref_squeeze %dma_start3A_210 : memref<1x128xi32, #tpu.memory_space<vmem>> -> memref<128xi32, #tpu.memory_space<vmem>>
          %dma_start3A_212 = arith.constant 0 : i32
          %dma_start3A_213 = arith.constant 0 : i32
          %dma_start3A_214 = tpu.memref_slice %arg4[%dma_start3A_212, %dma_start3A_213] : memref<10000x128xf32, #tpu.memory_space<hbm>> -> memref<10000x128xf32, #tpu.memory_space<hbm>>
          tpu.enqueue_indirect_dma source(%dma_start3A_214 : memref<10000x128xf32, #tpu.memory_space<hbm>>) target(%arg8 : memref<128x128xf32, #tpu.memory_space<vmem>>) offsets(%dma_start3A_211 : memref<128xi32, #tpu.memory_space<vmem>>) semaphore(%arg11 : memref<!tpu.dma_semaphore, #tpu.memory_space<semaphore_mem>>)
        } else {
        }
        %add3A_92 = arith.constant 1 : i32
        %add3A_93 = arith.addi %mul3A_75, %add3A_92 : i32
        %lt3A_94 = arith.constant 2500 : i32
        %lt3A_95 = arith.cmpi slt, %add3A_93, %lt3A_94 : i32
        %convert_element_type3A_96 = arith.extui %lt3A_95 : i1 to i32
        %cond3A_97 = arith.constant 0 : i32
        %cond3A_98 = arith.cmpi ne, %convert_element_type3A_96, %cond3A_97 : i32
        scf.if %cond3A_98 {
          %dma_start3A = arith.constant 1 : i32
          %dma_start3A_209 = arith.constant 0 : i32
          %dma_start3A_210 = tpu.memref_slice %arg6[%dma_start3A, %dma_start3A_209] : memref<8x128xi32, #tpu.memory_space<vmem>> -> memref<1x128xi32, #tpu.memory_space<vmem>>
          %dma_start3A_211 = tpu.memref_squeeze %dma_start3A_210 : memref<1x128xi32, #tpu.memory_space<vmem>> -> memref<128xi32, #tpu.memory_space<vmem>>
          %dma_start3A_212 = arith.constant 0 : i32
          %dma_start3A_213 = arith.constant 0 : i32
          %dma_start3A_214 = tpu.memref_slice %arg4[%dma_start3A_212, %dma_start3A_213] : memref<10000x128xf32, #tpu.memory_space<hbm>> -> memref<10000x128xf32, #tpu.memory_space<hbm>>
          tpu.enqueue_indirect_dma source(%dma_start3A_214 : memref<10000x128xf32, #tpu.memory_space<hbm>>) target(%arg9 : memref<128x128xf32, #tpu.memory_space<vmem>>) offsets(%dma_start3A_211 : memref<128xi32, #tpu.memory_space<vmem>>) semaphore(%arg12 : memref<!tpu.dma_semaphore, #tpu.memory_space<semaphore_mem>>)
        } else {
        }
        %add3A_99 = arith.constant 0 : i32
        %add3A_100 = arith.addi %mul3A_75, %add3A_99 : i32
        %lt3A_101 = arith.constant 2500 : i32
        %lt3A_102 = arith.cmpi slt, %add3A_100, %lt3A_101 : i32
        %convert_element_type3A_103 = arith.extui %lt3A_102 : i1 to i32
        %cond3A_104 = arith.constant 0 : i32
        %cond3A_105 = arith.cmpi ne, %convert_element_type3A_103, %cond3A_104 : i32
        scf.if %cond3A_105 {
          %dma_wait3A = arith.constant 0 : i32
          %dma_wait3A_209 = arith.constant 0 : i32
          %dma_wait3A_210 = tpu.memref_slice %arg6[%dma_wait3A, %dma_wait3A_209] : memref<8x128xi32, #tpu.memory_space<vmem>> -> memref<1x128xi32, #tpu.memory_space<vmem>>
          %dma_wait3A_211 = tpu.memref_squeeze %dma_wait3A_210 : memref<1x128xi32, #tpu.memory_space<vmem>> -> memref<128xi32, #tpu.memory_space<vmem>>
          %dma_wait3A_212 = arith.constant 0 : i32
          %dma_wait3A_213 = arith.constant 0 : i32
          %dma_wait3A_214 = tpu.memref_slice %arg4[%dma_wait3A_212, %dma_wait3A_213] : memref<10000x128xf32, #tpu.memory_space<hbm>> -> memref<10000x128xf32, #tpu.memory_space<hbm>>
          tpu.wait_indirect_dma semaphore(%arg11 : memref<!tpu.dma_semaphore, #tpu.memory_space<semaphore_mem>>) src(%dma_wait3A_214 : memref<10000x128xf32, #tpu.memory_space<hbm>>) dst(%arg8 : memref<128x128xf32, #tpu.memory_space<vmem>>)
          %run_scoped3A = arith.constant 0 : i32
          "tpu.region"() ({
            %run_scoped3A_215 = tpu.sem_alloc : memref<!tpu.dma_semaphore, #tpu.memory_space<semaphore_mem>>
            %dma_start3A = arith.constant 0 : i32
            %dma_start3A_216 = tpu.memref_slice %arg7[%run_scoped3A, %dma_start3A] : memref<8x128xi32, #tpu.memory_space<vmem>> -> memref<1x128xi32, #tpu.memory_space<vmem>>
            %dma_start3A_217 = tpu.memref_squeeze %dma_start3A_216 : memref<1x128xi32, #tpu.memory_space<vmem>> -> memref<128xi32, #tpu.memory_space<vmem>>
            %dma_start3A_218 = arith.constant 0 : i32
            %dma_start3A_219 = arith.constant 0 : i32
            %dma_start3A_220 = tpu.memref_slice %arg10[%dma_start3A_218, %dma_start3A_219] : memref<10000x128xf32, #tpu.memory_space<vmem_shared>> -> memref<10000x128xf32, #tpu.memory_space<vmem_shared>>
            tpu.enqueue_indirect_dma source(%arg8 : memref<128x128xf32, #tpu.memory_space<vmem>>) target(%dma_start3A_220 : memref<10000x128xf32, #tpu.memory_space<vmem_shared>>) offsets(%dma_start3A_217 : memref<128xi32, #tpu.memory_space<vmem>>) semaphore(%run_scoped3A_215 : memref<!tpu.dma_semaphore, #tpu.memory_space<semaphore_mem>>) {add = true}
            %dma_wait3A_221 = arith.constant 0 : i32
            %dma_wait3A_222 = tpu.memref_slice %arg7[%run_scoped3A, %dma_wait3A_221] : memref<8x128xi32, #tpu.memory_space<vmem>> -> memref<1x128xi32, #tpu.memory_space<vmem>>
            %dma_wait3A_223 = tpu.memref_squeeze %dma_wait3A_222 : memref<1x128xi32, #tpu.memory_space<vmem>> -> memref<128xi32, #tpu.memory_space<vmem>>
            %dma_wait3A_224 = arith.constant 0 : i32
            %dma_wait3A_225 = arith.constant 0 : i32
            %dma_wait3A_226 = tpu.memref_slice %arg10[%dma_wait3A_224, %dma_wait3A_225] : memref<10000x128xf32, #tpu.memory_space<vmem_shared>> -> memref<10000x128xf32, #tpu.memory_space<vmem_shared>>
            tpu.wait_indirect_dma semaphore(%run_scoped3A_215 : memref<!tpu.dma_semaphore, #tpu.memory_space<semaphore_mem>>) src(%arg8 : memref<128x128xf32, #tpu.memory_space<vmem>>) dst(%dma_wait3A_226 : memref<10000x128xf32, #tpu.memory_space<vmem_shared>>)
            tpu.yield
          }) : () -> ()
        } else {
        }
        %add3A_106 = arith.constant 0 : i32
        %add3A_107 = arith.addi %mul3A_75, %add3A_106 : i32
        %add3A_108 = arith.constant 2 : i32
        %add3A_109 = arith.addi %add3A_107, %add3A_108 : i32
        %lt3A_110 = arith.constant 2500 : i32
        %lt3A_111 = arith.cmpi slt, %add3A_109, %lt3A_110 : i32
        %convert_element_type3A_112 = arith.extui %lt3A_111 : i1 to i32
        %cond3A_113 = arith.constant 0 : i32
        %cond3A_114 = arith.cmpi ne, %convert_element_type3A_112, %cond3A_113 : i32
        scf.if %cond3A_114 {
          %dma_start3A = arith.constant 2 : i32
          %dma_start3A_209 = arith.constant 0 : i32
          %dma_start3A_210 = tpu.memref_slice %arg6[%dma_start3A, %dma_start3A_209] : memref<8x128xi32, #tpu.memory_space<vmem>> -> memref<1x128xi32, #tpu.memory_space<vmem>>
          %dma_start3A_211 = tpu.memref_squeeze %dma_start3A_210 : memref<1x128xi32, #tpu.memory_space<vmem>> -> memref<128xi32, #tpu.memory_space<vmem>>
          %dma_start3A_212 = arith.constant 0 : i32
          %dma_start3A_213 = arith.constant 0 : i32
          %dma_start3A_214 = tpu.memref_slice %arg4[%dma_start3A_212, %dma_start3A_213] : memref<10000x128xf32, #tpu.memory_space<hbm>> -> memref<10000x128xf32, #tpu.memory_space<hbm>>
          tpu.enqueue_indirect_dma source(%dma_start3A_214 : memref<10000x128xf32, #tpu.memory_space<hbm>>) target(%arg8 : memref<128x128xf32, #tpu.memory_space<vmem>>) offsets(%dma_start3A_211 : memref<128xi32, #tpu.memory_space<vmem>>) semaphore(%arg11 : memref<!tpu.dma_semaphore, #tpu.memory_space<semaphore_mem>>)
        } else {
        }
        %add3A_115 = arith.constant 1 : i32
        %add3A_116 = arith.addi %mul3A_75, %add3A_115 : i32
        %lt3A_117 = arith.constant 2500 : i32
        %lt3A_118 = arith.cmpi slt, %add3A_116, %lt3A_117 : i32
        %convert_element_type3A_119 = arith.extui %lt3A_118 : i1 to i32
        %cond3A_120 = arith.constant 0 : i32
        %cond3A_121 = arith.cmpi ne, %convert_element_type3A_119, %cond3A_120 : i32
        scf.if %cond3A_121 {
          %dma_wait3A = arith.constant 1 : i32
          %dma_wait3A_209 = arith.constant 0 : i32
          %dma_wait3A_210 = tpu.memref_slice %arg6[%dma_wait3A, %dma_wait3A_209] : memref<8x128xi32, #tpu.memory_space<vmem>> -> memref<1x128xi32, #tpu.memory_space<vmem>>
          %dma_wait3A_211 = tpu.memref_squeeze %dma_wait3A_210 : memref<1x128xi32, #tpu.memory_space<vmem>> -> memref<128xi32, #tpu.memory_space<vmem>>
          %dma_wait3A_212 = arith.constant 0 : i32
          %dma_wait3A_213 = arith.constant 0 : i32
          %dma_wait3A_214 = tpu.memref_slice %arg4[%dma_wait3A_212, %dma_wait3A_213] : memref<10000x128xf32, #tpu.memory_space<hbm>> -> memref<10000x128xf32, #tpu.memory_space<hbm>>
          tpu.wait_indirect_dma semaphore(%arg12 : memref<!tpu.dma_semaphore, #tpu.memory_space<semaphore_mem>>) src(%dma_wait3A_214 : memref<10000x128xf32, #tpu.memory_space<hbm>>) dst(%arg9 : memref<128x128xf32, #tpu.memory_space<vmem>>)
          %run_scoped3A = arith.constant 1 : i32
          "tpu.region"() ({
            %run_scoped3A_215 = tpu.sem_alloc : memref<!tpu.dma_semaphore, #tpu.memory_space<semaphore_mem>>
            %dma_start3A = arith.constant 0 : i32
            %dma_start3A_216 = tpu.memref_slice %arg7[%run_scoped3A, %dma_start3A] : memref<8x128xi32, #tpu.memory_space<vmem>> -> memref<1x128xi32, #tpu.memory_space<vmem>>
            %dma_start3A_217 = tpu.memref_squeeze %dma_start3A_216 : memref<1x128xi32, #tpu.memory_space<vmem>> -> memref<128xi32, #tpu.memory_space<vmem>>
            %dma_start3A_218 = arith.constant 0 : i32
            %dma_start3A_219 = arith.constant 0 : i32
            %dma_start3A_220 = tpu.memref_slice %arg10[%dma_start3A_218, %dma_start3A_219] : memref<10000x128xf32, #tpu.memory_space<vmem_shared>> -> memref<10000x128xf32, #tpu.memory_space<vmem_shared>>
            tpu.enqueue_indirect_dma source(%arg9 : memref<128x128xf32, #tpu.memory_space<vmem>>) target(%dma_start3A_220 : memref<10000x128xf32, #tpu.memory_space<vmem_shared>>) offsets(%dma_start3A_217 : memref<128xi32, #tpu.memory_space<vmem>>) semaphore(%run_scoped3A_215 : memref<!tpu.dma_semaphore, #tpu.memory_space<semaphore_mem>>) {add = true}
            %dma_wait3A_221 = arith.constant 0 : i32
            %dma_wait3A_222 = tpu.memref_slice %arg7[%run_scoped3A, %dma_wait3A_221] : memref<8x128xi32, #tpu.memory_space<vmem>> -> memref<1x128xi32, #tpu.memory_space<vmem>>
            %dma_wait3A_223 = tpu.memref_squeeze %dma_wait3A_222 : memref<1x128xi32, #tpu.memory_space<vmem>> -> memref<128xi32, #tpu.memory_space<vmem>>
            %dma_wait3A_224 = arith.constant 0 : i32
            %dma_wait3A_225 = arith.constant 0 : i32
            %dma_wait3A_226 = tpu.memref_slice %arg10[%dma_wait3A_224, %dma_wait3A_225] : memref<10000x128xf32, #tpu.memory_space<vmem_shared>> -> memref<10000x128xf32, #tpu.memory_space<vmem_shared>>
            tpu.wait_indirect_dma semaphore(%run_scoped3A_215 : memref<!tpu.dma_semaphore, #tpu.memory_space<semaphore_mem>>) src(%arg9 : memref<128x128xf32, #tpu.memory_space<vmem>>) dst(%dma_wait3A_226 : memref<10000x128xf32, #tpu.memory_space<vmem_shared>>)
            tpu.yield
          }) : () -> ()
        } else {
        }
        %add3A_122 = arith.constant 1 : i32
        %add3A_123 = arith.addi %mul3A_75, %add3A_122 : i32
        %add3A_124 = arith.constant 2 : i32
        %add3A_125 = arith.addi %add3A_123, %add3A_124 : i32
        %lt3A_126 = arith.constant 2500 : i32
        %lt3A_127 = arith.cmpi slt, %add3A_125, %lt3A_126 : i32
        %convert_element_type3A_128 = arith.extui %lt3A_127 : i1 to i32
        %cond3A_129 = arith.constant 0 : i32
        %cond3A_130 = arith.cmpi ne, %convert_element_type3A_128, %cond3A_129 : i32
        scf.if %cond3A_130 {
          %dma_start3A = arith.constant 3 : i32
          %dma_start3A_209 = arith.constant 0 : i32
          %dma_start3A_210 = tpu.memref_slice %arg6[%dma_start3A, %dma_start3A_209] : memref<8x128xi32, #tpu.memory_space<vmem>> -> memref<1x128xi32, #tpu.memory_space<vmem>>
          %dma_start3A_211 = tpu.memref_squeeze %dma_start3A_210 : memref<1x128xi32, #tpu.memory_space<vmem>> -> memref<128xi32, #tpu.memory_space<vmem>>
          %dma_start3A_212 = arith.constant 0 : i32
          %dma_start3A_213 = arith.constant 0 : i32
          %dma_start3A_214 = tpu.memref_slice %arg4[%dma_start3A_212, %dma_start3A_213] : memref<10000x128xf32, #tpu.memory_space<hbm>> -> memref<10000x128xf32, #tpu.memory_space<hbm>>
          tpu.enqueue_indirect_dma source(%dma_start3A_214 : memref<10000x128xf32, #tpu.memory_space<hbm>>) target(%arg9 : memref<128x128xf32, #tpu.memory_space<vmem>>) offsets(%dma_start3A_211 : memref<128xi32, #tpu.memory_space<vmem>>) semaphore(%arg12 : memref<!tpu.dma_semaphore, #tpu.memory_space<semaphore_mem>>)
        } else {
        }
        %add3A_131 = arith.constant 2 : i32
        %add3A_132 = arith.addi %mul3A_75, %add3A_131 : i32
        %lt3A_133 = arith.constant 2500 : i32
        %lt3A_134 = arith.cmpi slt, %add3A_132, %lt3A_133 : i32
        %convert_element_type3A_135 = arith.extui %lt3A_134 : i1 to i32
        %cond3A_136 = arith.constant 0 : i32
        %cond3A_137 = arith.cmpi ne, %convert_element_type3A_135, %cond3A_136 : i32
        scf.if %cond3A_137 {
          %dma_wait3A = arith.constant 2 : i32
          %dma_wait3A_209 = arith.constant 0 : i32
          %dma_wait3A_210 = tpu.memref_slice %arg6[%dma_wait3A, %dma_wait3A_209] : memref<8x128xi32, #tpu.memory_space<vmem>> -> memref<1x128xi32, #tpu.memory_space<vmem>>
          %dma_wait3A_211 = tpu.memref_squeeze %dma_wait3A_210 : memref<1x128xi32, #tpu.memory_space<vmem>> -> memref<128xi32, #tpu.memory_space<vmem>>
          %dma_wait3A_212 = arith.constant 0 : i32
          %dma_wait3A_213 = arith.constant 0 : i32
          %dma_wait3A_214 = tpu.memref_slice %arg4[%dma_wait3A_212, %dma_wait3A_213] : memref<10000x128xf32, #tpu.memory_space<hbm>> -> memref<10000x128xf32, #tpu.memory_space<hbm>>
          tpu.wait_indirect_dma semaphore(%arg11 : memref<!tpu.dma_semaphore, #tpu.memory_space<semaphore_mem>>) src(%dma_wait3A_214 : memref<10000x128xf32, #tpu.memory_space<hbm>>) dst(%arg8 : memref<128x128xf32, #tpu.memory_space<vmem>>)
          %run_scoped3A = arith.constant 2 : i32
          "tpu.region"() ({
            %run_scoped3A_215 = tpu.sem_alloc : memref<!tpu.dma_semaphore, #tpu.memory_space<semaphore_mem>>
            %dma_start3A = arith.constant 0 : i32
            %dma_start3A_216 = tpu.memref_slice %arg7[%run_scoped3A, %dma_start3A] : memref<8x128xi32, #tpu.memory_space<vmem>> -> memref<1x128xi32, #tpu.memory_space<vmem>>
            %dma_start3A_217 = tpu.memref_squeeze %dma_start3A_216 : memref<1x128xi32, #tpu.memory_space<vmem>> -> memref<128xi32, #tpu.memory_space<vmem>>
            %dma_start3A_218 = arith.constant 0 : i32
            %dma_start3A_219 = arith.constant 0 : i32
            %dma_start3A_220 = tpu.memref_slice %arg10[%dma_start3A_218, %dma_start3A_219] : memref<10000x128xf32, #tpu.memory_space<vmem_shared>> -> memref<10000x128xf32, #tpu.memory_space<vmem_shared>>
            tpu.enqueue_indirect_dma source(%arg8 : memref<128x128xf32, #tpu.memory_space<vmem>>) target(%dma_start3A_220 : memref<10000x128xf32, #tpu.memory_space<vmem_shared>>) offsets(%dma_start3A_217 : memref<128xi32, #tpu.memory_space<vmem>>) semaphore(%run_scoped3A_215 : memref<!tpu.dma_semaphore, #tpu.memory_space<semaphore_mem>>) {add = true}
            %dma_wait3A_221 = arith.constant 0 : i32
            %dma_wait3A_222 = tpu.memref_slice %arg7[%run_scoped3A, %dma_wait3A_221] : memref<8x128xi32, #tpu.memory_space<vmem>> -> memref<1x128xi32, #tpu.memory_space<vmem>>
            %dma_wait3A_223 = tpu.memref_squeeze %dma_wait3A_222 : memref<1x128xi32, #tpu.memory_space<vmem>> -> memref<128xi32, #tpu.memory_space<vmem>>
            %dma_wait3A_224 = arith.constant 0 : i32
            %dma_wait3A_225 = arith.constant 0 : i32
            %dma_wait3A_226 = tpu.memref_slice %arg10[%dma_wait3A_224, %dma_wait3A_225] : memref<10000x128xf32, #tpu.memory_space<vmem_shared>> -> memref<10000x128xf32, #tpu.memory_space<vmem_shared>>
            tpu.wait_indirect_dma semaphore(%run_scoped3A_215 : memref<!tpu.dma_semaphore, #tpu.memory_space<semaphore_mem>>) src(%arg8 : memref<128x128xf32, #tpu.memory_space<vmem>>) dst(%dma_wait3A_226 : memref<10000x128xf32, #tpu.memory_space<vmem_shared>>)
            tpu.yield
          }) : () -> ()
        } else {
        }
        %add3A_138 = arith.constant 2 : i32
        %add3A_139 = arith.addi %mul3A_75, %add3A_138 : i32
        %add3A_140 = arith.constant 2 : i32
        %add3A_141 = arith.addi %add3A_139, %add3A_140 : i32
        %lt3A_142 = arith.constant 2500 : i32
        %lt3A_143 = arith.cmpi slt, %add3A_141, %lt3A_142 : i32
        %convert_element_type3A_144 = arith.extui %lt3A_143 : i1 to i32
        %cond3A_145 = arith.constant 0 : i32
        %cond3A_146 = arith.cmpi ne, %convert_element_type3A_144, %cond3A_145 : i32
        scf.if %cond3A_146 {
          %dma_start3A = arith.constant 4 : i32
          %dma_start3A_209 = arith.constant 0 : i32
          %dma_start3A_210 = tpu.memref_slice %arg6[%dma_start3A, %dma_start3A_209] : memref<8x128xi32, #tpu.memory_space<vmem>> -> memref<1x128xi32, #tpu.memory_space<vmem>>
          %dma_start3A_211 = tpu.memref_squeeze %dma_start3A_210 : memref<1x128xi32, #tpu.memory_space<vmem>> -> memref<128xi32, #tpu.memory_space<vmem>>
          %dma_start3A_212 = arith.constant 0 : i32
          %dma_start3A_213 = arith.constant 0 : i32
          %dma_start3A_214 = tpu.memref_slice %arg4[%dma_start3A_212, %dma_start3A_213] : memref<10000x128xf32, #tpu.memory_space<hbm>> -> memref<10000x128xf32, #tpu.memory_space<hbm>>
          tpu.enqueue_indirect_dma source(%dma_start3A_214 : memref<10000x128xf32, #tpu.memory_space<hbm>>) target(%arg8 : memref<128x128xf32, #tpu.memory_space<vmem>>) offsets(%dma_start3A_211 : memref<128xi32, #tpu.memory_space<vmem>>) semaphore(%arg11 : memref<!tpu.dma_semaphore, #tpu.memory_space<semaphore_mem>>)
        } else {
        }
        %add3A_147 = arith.constant 3 : i32
        %add3A_148 = arith.addi %mul3A_75, %add3A_147 : i32
        %lt3A_149 = arith.constant 2500 : i32
        %lt3A_150 = arith.cmpi slt, %add3A_148, %lt3A_149 : i32
        %convert_element_type3A_151 = arith.extui %lt3A_150 : i1 to i32
        %cond3A_152 = arith.constant 0 : i32
        %cond3A_153 = arith.cmpi ne, %convert_element_type3A_151, %cond3A_152 : i32
        scf.if %cond3A_153 {
          %dma_wait3A = arith.constant 3 : i32
          %dma_wait3A_209 = arith.constant 0 : i32
          %dma_wait3A_210 = tpu.memref_slice %arg6[%dma_wait3A, %dma_wait3A_209] : memref<8x128xi32, #tpu.memory_space<vmem>> -> memref<1x128xi32, #tpu.memory_space<vmem>>
          %dma_wait3A_211 = tpu.memref_squeeze %dma_wait3A_210 : memref<1x128xi32, #tpu.memory_space<vmem>> -> memref<128xi32, #tpu.memory_space<vmem>>
          %dma_wait3A_212 = arith.constant 0 : i32
          %dma_wait3A_213 = arith.constant 0 : i32
          %dma_wait3A_214 = tpu.memref_slice %arg4[%dma_wait3A_212, %dma_wait3A_213] : memref<10000x128xf32, #tpu.memory_space<hbm>> -> memref<10000x128xf32, #tpu.memory_space<hbm>>
          tpu.wait_indirect_dma semaphore(%arg12 : memref<!tpu.dma_semaphore, #tpu.memory_space<semaphore_mem>>) src(%dma_wait3A_214 : memref<10000x128xf32, #tpu.memory_space<hbm>>) dst(%arg9 : memref<128x128xf32, #tpu.memory_space<vmem>>)
          %run_scoped3A = arith.constant 3 : i32
          "tpu.region"() ({
            %run_scoped3A_215 = tpu.sem_alloc : memref<!tpu.dma_semaphore, #tpu.memory_space<semaphore_mem>>
            %dma_start3A = arith.constant 0 : i32
            %dma_start3A_216 = tpu.memref_slice %arg7[%run_scoped3A, %dma_start3A] : memref<8x128xi32, #tpu.memory_space<vmem>> -> memref<1x128xi32, #tpu.memory_space<vmem>>
            %dma_start3A_217 = tpu.memref_squeeze %dma_start3A_216 : memref<1x128xi32, #tpu.memory_space<vmem>> -> memref<128xi32, #tpu.memory_space<vmem>>
            %dma_start3A_218 = arith.constant 0 : i32
            %dma_start3A_219 = arith.constant 0 : i32
            %dma_start3A_220 = tpu.memref_slice %arg10[%dma_start3A_218, %dma_start3A_219] : memref<10000x128xf32, #tpu.memory_space<vmem_shared>> -> memref<10000x128xf32, #tpu.memory_space<vmem_shared>>
            tpu.enqueue_indirect_dma source(%arg9 : memref<128x128xf32, #tpu.memory_space<vmem>>) target(%dma_start3A_220 : memref<10000x128xf32, #tpu.memory_space<vmem_shared>>) offsets(%dma_start3A_217 : memref<128xi32, #tpu.memory_space<vmem>>) semaphore(%run_scoped3A_215 : memref<!tpu.dma_semaphore, #tpu.memory_space<semaphore_mem>>) {add = true}
            %dma_wait3A_221 = arith.constant 0 : i32
            %dma_wait3A_222 = tpu.memref_slice %arg7[%run_scoped3A, %dma_wait3A_221] : memref<8x128xi32, #tpu.memory_space<vmem>> -> memref<1x128xi32, #tpu.memory_space<vmem>>
            %dma_wait3A_223 = tpu.memref_squeeze %dma_wait3A_222 : memref<1x128xi32, #tpu.memory_space<vmem>> -> memref<128xi32, #tpu.memory_space<vmem>>
            %dma_wait3A_224 = arith.constant 0 : i32
            %dma_wait3A_225 = arith.constant 0 : i32
            %dma_wait3A_226 = tpu.memref_slice %arg10[%dma_wait3A_224, %dma_wait3A_225] : memref<10000x128xf32, #tpu.memory_space<vmem_shared>> -> memref<10000x128xf32, #tpu.memory_space<vmem_shared>>
            tpu.wait_indirect_dma semaphore(%run_scoped3A_215 : memref<!tpu.dma_semaphore, #tpu.memory_space<semaphore_mem>>) src(%arg9 : memref<128x128xf32, #tpu.memory_space<vmem>>) dst(%dma_wait3A_226 : memref<10000x128xf32, #tpu.memory_space<vmem_shared>>)
            tpu.yield
          }) : () -> ()
        } else {
        }
        %add3A_154 = arith.constant 3 : i32
        %add3A_155 = arith.addi %mul3A_75, %add3A_154 : i32
        %add3A_156 = arith.constant 2 : i32
        %add3A_157 = arith.addi %add3A_155, %add3A_156 : i32
        %lt3A_158 = arith.constant 2500 : i32
        %lt3A_159 = arith.cmpi slt, %add3A_157, %lt3A_158 : i32
        %convert_element_type3A_160 = arith.extui %lt3A_159 : i1 to i32
        %cond3A_161 = arith.constant 0 : i32
        %cond3A_162 = arith.cmpi ne, %convert_element_type3A_160, %cond3A_161 : i32
        scf.if %cond3A_162 {
          %dma_start3A = arith.constant 5 : i32
          %dma_start3A_209 = arith.constant 0 : i32
          %dma_start3A_210 = tpu.memref_slice %arg6[%dma_start3A, %dma_start3A_209] : memref<8x128xi32, #tpu.memory_space<vmem>> -> memref<1x128xi32, #tpu.memory_space<vmem>>
          %dma_start3A_211 = tpu.memref_squeeze %dma_start3A_210 : memref<1x128xi32, #tpu.memory_space<vmem>> -> memref<128xi32, #tpu.memory_space<vmem>>
          %dma_start3A_212 = arith.constant 0 : i32
          %dma_start3A_213 = arith.constant 0 : i32
          %dma_start3A_214 = tpu.memref_slice %arg4[%dma_start3A_212, %dma_start3A_213] : memref<10000x128xf32, #tpu.memory_space<hbm>> -> memref<10000x128xf32, #tpu.memory_space<hbm>>
          tpu.enqueue_indirect_dma source(%dma_start3A_214 : memref<10000x128xf32, #tpu.memory_space<hbm>>) target(%arg9 : memref<128x128xf32, #tpu.memory_space<vmem>>) offsets(%dma_start3A_211 : memref<128xi32, #tpu.memory_space<vmem>>) semaphore(%arg12 : memref<!tpu.dma_semaphore, #tpu.memory_space<semaphore_mem>>)
        } else {
        }
        %add3A_163 = arith.constant 4 : i32
        %add3A_164 = arith.addi %mul3A_75, %add3A_163 : i32
        %lt3A_165 = arith.constant 2500 : i32
        %lt3A_166 = arith.cmpi slt, %add3A_164, %lt3A_165 : i32
        %convert_element_type3A_167 = arith.extui %lt3A_166 : i1 to i32
        %cond3A_168 = arith.constant 0 : i32
        %cond3A_169 = arith.cmpi ne, %convert_element_type3A_167, %cond3A_168 : i32
        scf.if %cond3A_169 {
          %dma_wait3A = arith.constant 4 : i32
          %dma_wait3A_209 = arith.constant 0 : i32
          %dma_wait3A_210 = tpu.memref_slice %arg6[%dma_wait3A, %dma_wait3A_209] : memref<8x128xi32, #tpu.memory_space<vmem>> -> memref<1x128xi32, #tpu.memory_space<vmem>>
          %dma_wait3A_211 = tpu.memref_squeeze %dma_wait3A_210 : memref<1x128xi32, #tpu.memory_space<vmem>> -> memref<128xi32, #tpu.memory_space<vmem>>
          %dma_wait3A_212 = arith.constant 0 : i32
          %dma_wait3A_213 = arith.constant 0 : i32
          %dma_wait3A_214 = tpu.memref_slice %arg4[%dma_wait3A_212, %dma_wait3A_213] : memref<10000x128xf32, #tpu.memory_space<hbm>> -> memref<10000x128xf32, #tpu.memory_space<hbm>>
          tpu.wait_indirect_dma semaphore(%arg11 : memref<!tpu.dma_semaphore, #tpu.memory_space<semaphore_mem>>) src(%dma_wait3A_214 : memref<10000x128xf32, #tpu.memory_space<hbm>>) dst(%arg8 : memref<128x128xf32, #tpu.memory_space<vmem>>)
          %run_scoped3A = arith.constant 4 : i32
          "tpu.region"() ({
            %run_scoped3A_215 = tpu.sem_alloc : memref<!tpu.dma_semaphore, #tpu.memory_space<semaphore_mem>>
            %dma_start3A = arith.constant 0 : i32
            %dma_start3A_216 = tpu.memref_slice %arg7[%run_scoped3A, %dma_start3A] : memref<8x128xi32, #tpu.memory_space<vmem>> -> memref<1x128xi32, #tpu.memory_space<vmem>>
            %dma_start3A_217 = tpu.memref_squeeze %dma_start3A_216 : memref<1x128xi32, #tpu.memory_space<vmem>> -> memref<128xi32, #tpu.memory_space<vmem>>
            %dma_start3A_218 = arith.constant 0 : i32
            %dma_start3A_219 = arith.constant 0 : i32
            %dma_start3A_220 = tpu.memref_slice %arg10[%dma_start3A_218, %dma_start3A_219] : memref<10000x128xf32, #tpu.memory_space<vmem_shared>> -> memref<10000x128xf32, #tpu.memory_space<vmem_shared>>
            tpu.enqueue_indirect_dma source(%arg8 : memref<128x128xf32, #tpu.memory_space<vmem>>) target(%dma_start3A_220 : memref<10000x128xf32, #tpu.memory_space<vmem_shared>>) offsets(%dma_start3A_217 : memref<128xi32, #tpu.memory_space<vmem>>) semaphore(%run_scoped3A_215 : memref<!tpu.dma_semaphore, #tpu.memory_space<semaphore_mem>>) {add = true}
            %dma_wait3A_221 = arith.constant 0 : i32
            %dma_wait3A_222 = tpu.memref_slice %arg7[%run_scoped3A, %dma_wait3A_221] : memref<8x128xi32, #tpu.memory_space<vmem>> -> memref<1x128xi32, #tpu.memory_space<vmem>>
            %dma_wait3A_223 = tpu.memref_squeeze %dma_wait3A_222 : memref<1x128xi32, #tpu.memory_space<vmem>> -> memref<128xi32, #tpu.memory_space<vmem>>
            %dma_wait3A_224 = arith.constant 0 : i32
            %dma_wait3A_225 = arith.constant 0 : i32
            %dma_wait3A_226 = tpu.memref_slice %arg10[%dma_wait3A_224, %dma_wait3A_225] : memref<10000x128xf32, #tpu.memory_space<vmem_shared>> -> memref<10000x128xf32, #tpu.memory_space<vmem_shared>>
            tpu.wait_indirect_dma semaphore(%run_scoped3A_215 : memref<!tpu.dma_semaphore, #tpu.memory_space<semaphore_mem>>) src(%arg8 : memref<128x128xf32, #tpu.memory_space<vmem>>) dst(%dma_wait3A_226 : memref<10000x128xf32, #tpu.memory_space<vmem_shared>>)
            tpu.yield
          }) : () -> ()
        } else {
        }
        %add3A_170 = arith.constant 4 : i32
        %add3A_171 = arith.addi %mul3A_75, %add3A_170 : i32
        %add3A_172 = arith.constant 2 : i32
        %add3A_173 = arith.addi %add3A_171, %add3A_172 : i32
        %lt3A_174 = arith.constant 2500 : i32
        %lt3A_175 = arith.cmpi slt, %add3A_173, %lt3A_174 : i32
        %convert_element_type3A_176 = arith.extui %lt3A_175 : i1 to i32
        %cond3A_177 = arith.constant 0 : i32
        %cond3A_178 = arith.cmpi ne, %convert_element_type3A_176, %cond3A_177 : i32
        scf.if %cond3A_178 {
          %dma_start3A = arith.constant 6 : i32
          %dma_start3A_209 = arith.constant 0 : i32
          %dma_start3A_210 = tpu.memref_slice %arg6[%dma_start3A, %dma_start3A_209] : memref<8x128xi32, #tpu.memory_space<vmem>> -> memref<1x128xi32, #tpu.memory_space<vmem>>
          %dma_start3A_211 = tpu.memref_squeeze %dma_start3A_210 : memref<1x128xi32, #tpu.memory_space<vmem>> -> memref<128xi32, #tpu.memory_space<vmem>>
          %dma_start3A_212 = arith.constant 0 : i32
          %dma_start3A_213 = arith.constant 0 : i32
          %dma_start3A_214 = tpu.memref_slice %arg4[%dma_start3A_212, %dma_start3A_213] : memref<10000x128xf32, #tpu.memory_space<hbm>> -> memref<10000x128xf32, #tpu.memory_space<hbm>>
          tpu.enqueue_indirect_dma source(%dma_start3A_214 : memref<10000x128xf32, #tpu.memory_space<hbm>>) target(%arg8 : memref<128x128xf32, #tpu.memory_space<vmem>>) offsets(%dma_start3A_211 : memref<128xi32, #tpu.memory_space<vmem>>) semaphore(%arg11 : memref<!tpu.dma_semaphore, #tpu.memory_space<semaphore_mem>>)
        } else {
        }
        %add3A_179 = arith.constant 5 : i32
        %add3A_180 = arith.addi %mul3A_75, %add3A_179 : i32
        %lt3A_181 = arith.constant 2500 : i32
        %lt3A_182 = arith.cmpi slt, %add3A_180, %lt3A_181 : i32
        %convert_element_type3A_183 = arith.extui %lt3A_182 : i1 to i32
        %cond3A_184 = arith.constant 0 : i32
        %cond3A_185 = arith.cmpi ne, %convert_element_type3A_183, %cond3A_184 : i32
        scf.if %cond3A_185 {
          %dma_wait3A = arith.constant 5 : i32
          %dma_wait3A_209 = arith.constant 0 : i32
          %dma_wait3A_210 = tpu.memref_slice %arg6[%dma_wait3A, %dma_wait3A_209] : memref<8x128xi32, #tpu.memory_space<vmem>> -> memref<1x128xi32, #tpu.memory_space<vmem>>
          %dma_wait3A_211 = tpu.memref_squeeze %dma_wait3A_210 : memref<1x128xi32, #tpu.memory_space<vmem>> -> memref<128xi32, #tpu.memory_space<vmem>>
          %dma_wait3A_212 = arith.constant 0 : i32
          %dma_wait3A_213 = arith.constant 0 : i32
          %dma_wait3A_214 = tpu.memref_slice %arg4[%dma_wait3A_212, %dma_wait3A_213] : memref<10000x128xf32, #tpu.memory_space<hbm>> -> memref<10000x128xf32, #tpu.memory_space<hbm>>
          tpu.wait_indirect_dma semaphore(%arg12 : memref<!tpu.dma_semaphore, #tpu.memory_space<semaphore_mem>>) src(%dma_wait3A_214 : memref<10000x128xf32, #tpu.memory_space<hbm>>) dst(%arg9 : memref<128x128xf32, #tpu.memory_space<vmem>>)
          %run_scoped3A = arith.constant 5 : i32
          "tpu.region"() ({
            %run_scoped3A_215 = tpu.sem_alloc : memref<!tpu.dma_semaphore, #tpu.memory_space<semaphore_mem>>
            %dma_start3A = arith.constant 0 : i32
            %dma_start3A_216 = tpu.memref_slice %arg7[%run_scoped3A, %dma_start3A] : memref<8x128xi32, #tpu.memory_space<vmem>> -> memref<1x128xi32, #tpu.memory_space<vmem>>
            %dma_start3A_217 = tpu.memref_squeeze %dma_start3A_216 : memref<1x128xi32, #tpu.memory_space<vmem>> -> memref<128xi32, #tpu.memory_space<vmem>>
            %dma_start3A_218 = arith.constant 0 : i32
            %dma_start3A_219 = arith.constant 0 : i32
            %dma_start3A_220 = tpu.memref_slice %arg10[%dma_start3A_218, %dma_start3A_219] : memref<10000x128xf32, #tpu.memory_space<vmem_shared>> -> memref<10000x128xf32, #tpu.memory_space<vmem_shared>>
            tpu.enqueue_indirect_dma source(%arg9 : memref<128x128xf32, #tpu.memory_space<vmem>>) target(%dma_start3A_220 : memref<10000x128xf32, #tpu.memory_space<vmem_shared>>) offsets(%dma_start3A_217 : memref<128xi32, #tpu.memory_space<vmem>>) semaphore(%run_scoped3A_215 : memref<!tpu.dma_semaphore, #tpu.memory_space<semaphore_mem>>) {add = true}
            %dma_wait3A_221 = arith.constant 0 : i32
            %dma_wait3A_222 = tpu.memref_slice %arg7[%run_scoped3A, %dma_wait3A_221] : memref<8x128xi32, #tpu.memory_space<vmem>> -> memref<1x128xi32, #tpu.memory_space<vmem>>
            %dma_wait3A_223 = tpu.memref_squeeze %dma_wait3A_222 : memref<1x128xi32, #tpu.memory_space<vmem>> -> memref<128xi32, #tpu.memory_space<vmem>>
            %dma_wait3A_224 = arith.constant 0 : i32
            %dma_wait3A_225 = arith.constant 0 : i32
            %dma_wait3A_226 = tpu.memref_slice %arg10[%dma_wait3A_224, %dma_wait3A_225] : memref<10000x128xf32, #tpu.memory_space<vmem_shared>> -> memref<10000x128xf32, #tpu.memory_space<vmem_shared>>
            tpu.wait_indirect_dma semaphore(%run_scoped3A_215 : memref<!tpu.dma_semaphore, #tpu.memory_space<semaphore_mem>>) src(%arg9 : memref<128x128xf32, #tpu.memory_space<vmem>>) dst(%dma_wait3A_226 : memref<10000x128xf32, #tpu.memory_space<vmem_shared>>)
            tpu.yield
          }) : () -> ()
        } else {
        }
        %add3A_186 = arith.constant 5 : i32
        %add3A_187 = arith.addi %mul3A_75, %add3A_186 : i32
        %add3A_188 = arith.constant 2 : i32
        %add3A_189 = arith.addi %add3A_187, %add3A_188 : i32
        %lt3A_190 = arith.constant 2500 : i32
        %lt3A_191 = arith.cmpi slt, %add3A_189, %lt3A_190 : i32
        %convert_element_type3A_192 = arith.extui %lt3A_191 : i1 to i32
        %cond3A_193 = arith.constant 0 : i32
        %cond3A_194 = arith.cmpi ne, %convert_element_type3A_192, %cond3A_193 : i32
        scf.if %cond3A_194 {
          %dma_start3A = arith.constant 7 : i32
          %dma_start3A_209 = arith.constant 0 : i32
          %dma_start3A_210 = tpu.memref_slice %arg6[%dma_start3A, %dma_start3A_209] : memref<8x128xi32, #tpu.memory_space<vmem>> -> memref<1x128xi32, #tpu.memory_space<vmem>>
          %dma_start3A_211 = tpu.memref_squeeze %dma_start3A_210 : memref<1x128xi32, #tpu.memory_space<vmem>> -> memref<128xi32, #tpu.memory_space<vmem>>
          %dma_start3A_212 = arith.constant 0 : i32
          %dma_start3A_213 = arith.constant 0 : i32
          %dma_start3A_214 = tpu.memref_slice %arg4[%dma_start3A_212, %dma_start3A_213] : memref<10000x128xf32, #tpu.memory_space<hbm>> -> memref<10000x128xf32, #tpu.memory_space<hbm>>
          tpu.enqueue_indirect_dma source(%dma_start3A_214 : memref<10000x128xf32, #tpu.memory_space<hbm>>) target(%arg9 : memref<128x128xf32, #tpu.memory_space<vmem>>) offsets(%dma_start3A_211 : memref<128xi32, #tpu.memory_space<vmem>>) semaphore(%arg12 : memref<!tpu.dma_semaphore, #tpu.memory_space<semaphore_mem>>)
        } else {
        }
        %add3A_195 = arith.constant 6 : i32
        %add3A_196 = arith.addi %mul3A_75, %add3A_195 : i32
        %lt3A_197 = arith.constant 2500 : i32
        %lt3A_198 = arith.cmpi slt, %add3A_196, %lt3A_197 : i32
        %convert_element_type3A_199 = arith.extui %lt3A_198 : i1 to i32
        %cond3A_200 = arith.constant 0 : i32
        %cond3A_201 = arith.cmpi ne, %convert_element_type3A_199, %cond3A_200 : i32
        scf.if %cond3A_201 {
          %dma_wait3A = arith.constant 6 : i32
          %dma_wait3A_209 = arith.constant 0 : i32
          %dma_wait3A_210 = tpu.memref_slice %arg6[%dma_wait3A, %dma_wait3A_209] : memref<8x128xi32, #tpu.memory_space<vmem>> -> memref<1x128xi32, #tpu.memory_space<vmem>>
          %dma_wait3A_211 = tpu.memref_squeeze %dma_wait3A_210 : memref<1x128xi32, #tpu.memory_space<vmem>> -> memref<128xi32, #tpu.memory_space<vmem>>
          %dma_wait3A_212 = arith.constant 0 : i32
          %dma_wait3A_213 = arith.constant 0 : i32
          %dma_wait3A_214 = tpu.memref_slice %arg4[%dma_wait3A_212, %dma_wait3A_213] : memref<10000x128xf32, #tpu.memory_space<hbm>> -> memref<10000x128xf32, #tpu.memory_space<hbm>>
          tpu.wait_indirect_dma semaphore(%arg11 : memref<!tpu.dma_semaphore, #tpu.memory_space<semaphore_mem>>) src(%dma_wait3A_214 : memref<10000x128xf32, #tpu.memory_space<hbm>>) dst(%arg8 : memref<128x128xf32, #tpu.memory_space<vmem>>)
          %run_scoped3A = arith.constant 6 : i32
          "tpu.region"() ({
            %run_scoped3A_215 = tpu.sem_alloc : memref<!tpu.dma_semaphore, #tpu.memory_space<semaphore_mem>>
            %dma_start3A = arith.constant 0 : i32
            %dma_start3A_216 = tpu.memref_slice %arg7[%run_scoped3A, %dma_start3A] : memref<8x128xi32, #tpu.memory_space<vmem>> -> memref<1x128xi32, #tpu.memory_space<vmem>>
            %dma_start3A_217 = tpu.memref_squeeze %dma_start3A_216 : memref<1x128xi32, #tpu.memory_space<vmem>> -> memref<128xi32, #tpu.memory_space<vmem>>
            %dma_start3A_218 = arith.constant 0 : i32
            %dma_start3A_219 = arith.constant 0 : i32
            %dma_start3A_220 = tpu.memref_slice %arg10[%dma_start3A_218, %dma_start3A_219] : memref<10000x128xf32, #tpu.memory_space<vmem_shared>> -> memref<10000x128xf32, #tpu.memory_space<vmem_shared>>
            tpu.enqueue_indirect_dma source(%arg8 : memref<128x128xf32, #tpu.memory_space<vmem>>) target(%dma_start3A_220 : memref<10000x128xf32, #tpu.memory_space<vmem_shared>>) offsets(%dma_start3A_217 : memref<128xi32, #tpu.memory_space<vmem>>) semaphore(%run_scoped3A_215 : memref<!tpu.dma_semaphore, #tpu.memory_space<semaphore_mem>>) {add = true}
            %dma_wait3A_221 = arith.constant 0 : i32
            %dma_wait3A_222 = tpu.memref_slice %arg7[%run_scoped3A, %dma_wait3A_221] : memref<8x128xi32, #tpu.memory_space<vmem>> -> memref<1x128xi32, #tpu.memory_space<vmem>>
            %dma_wait3A_223 = tpu.memref_squeeze %dma_wait3A_222 : memref<1x128xi32, #tpu.memory_space<vmem>> -> memref<128xi32, #tpu.memory_space<vmem>>
            %dma_wait3A_224 = arith.constant 0 : i32
            %dma_wait3A_225 = arith.constant 0 : i32
            %dma_wait3A_226 = tpu.memref_slice %arg10[%dma_wait3A_224, %dma_wait3A_225] : memref<10000x128xf32, #tpu.memory_space<vmem_shared>> -> memref<10000x128xf32, #tpu.memory_space<vmem_shared>>
            tpu.wait_indirect_dma semaphore(%run_scoped3A_215 : memref<!tpu.dma_semaphore, #tpu.memory_space<semaphore_mem>>) src(%arg8 : memref<128x128xf32, #tpu.memory_space<vmem>>) dst(%dma_wait3A_226 : memref<10000x128xf32, #tpu.memory_space<vmem_shared>>)
            tpu.yield
          }) : () -> ()
        } else {
        }
        %add3A_202 = arith.constant 7 : i32
        %add3A_203 = arith.addi %mul3A_75, %add3A_202 : i32
        %lt3A_204 = arith.constant 2500 : i32
        %lt3A_205 = arith.cmpi slt, %add3A_203, %lt3A_204 : i32
        %convert_element_type3A_206 = arith.extui %lt3A_205 : i1 to i32
        %cond3A_207 = arith.constant 0 : i32
        %cond3A_208 = arith.cmpi ne, %convert_element_type3A_206, %cond3A_207 : i32
        scf.if %cond3A_208 {
          %dma_wait3A = arith.constant 7 : i32
          %dma_wait3A_209 = arith.constant 0 : i32
          %dma_wait3A_210 = tpu.memref_slice %arg6[%dma_wait3A, %dma_wait3A_209] : memref<8x128xi32, #tpu.memory_space<vmem>> -> memref<1x128xi32, #tpu.memory_space<vmem>>
          %dma_wait3A_211 = tpu.memref_squeeze %dma_wait3A_210 : memref<1x128xi32, #tpu.memory_space<vmem>> -> memref<128xi32, #tpu.memory_space<vmem>>
          %dma_wait3A_212 = arith.constant 0 : i32
          %dma_wait3A_213 = arith.constant 0 : i32
          %dma_wait3A_214 = tpu.memref_slice %arg4[%dma_wait3A_212, %dma_wait3A_213] : memref<10000x128xf32, #tpu.memory_space<hbm>> -> memref<10000x128xf32, #tpu.memory_space<hbm>>
          tpu.wait_indirect_dma semaphore(%arg12 : memref<!tpu.dma_semaphore, #tpu.memory_space<semaphore_mem>>) src(%dma_wait3A_214 : memref<10000x128xf32, #tpu.memory_space<hbm>>) dst(%arg9 : memref<128x128xf32, #tpu.memory_space<vmem>>)
          %run_scoped3A = arith.constant 7 : i32
          "tpu.region"() ({
            %run_scoped3A_215 = tpu.sem_alloc : memref<!tpu.dma_semaphore, #tpu.memory_space<semaphore_mem>>
            %dma_start3A = arith.constant 0 : i32
            %dma_start3A_216 = tpu.memref_slice %arg7[%run_scoped3A, %dma_start3A] : memref<8x128xi32, #tpu.memory_space<vmem>> -> memref<1x128xi32, #tpu.memory_space<vmem>>
            %dma_start3A_217 = tpu.memref_squeeze %dma_start3A_216 : memref<1x128xi32, #tpu.memory_space<vmem>> -> memref<128xi32, #tpu.memory_space<vmem>>
            %dma_start3A_218 = arith.constant 0 : i32
            %dma_start3A_219 = arith.constant 0 : i32
            %dma_start3A_220 = tpu.memref_slice %arg10[%dma_start3A_218, %dma_start3A_219] : memref<10000x128xf32, #tpu.memory_space<vmem_shared>> -> memref<10000x128xf32, #tpu.memory_space<vmem_shared>>
            tpu.enqueue_indirect_dma source(%arg9 : memref<128x128xf32, #tpu.memory_space<vmem>>) target(%dma_start3A_220 : memref<10000x128xf32, #tpu.memory_space<vmem_shared>>) offsets(%dma_start3A_217 : memref<128xi32, #tpu.memory_space<vmem>>) semaphore(%run_scoped3A_215 : memref<!tpu.dma_semaphore, #tpu.memory_space<semaphore_mem>>) {add = true}
            %dma_wait3A_221 = arith.constant 0 : i32
            %dma_wait3A_222 = tpu.memref_slice %arg7[%run_scoped3A, %dma_wait3A_221] : memref<8x128xi32, #tpu.memory_space<vmem>> -> memref<1x128xi32, #tpu.memory_space<vmem>>
            %dma_wait3A_223 = tpu.memref_squeeze %dma_wait3A_222 : memref<1x128xi32, #tpu.memory_space<vmem>> -> memref<128xi32, #tpu.memory_space<vmem>>
            %dma_wait3A_224 = arith.constant 0 : i32
            %dma_wait3A_225 = arith.constant 0 : i32
            %dma_wait3A_226 = tpu.memref_slice %arg10[%dma_wait3A_224, %dma_wait3A_225] : memref<10000x128xf32, #tpu.memory_space<vmem_shared>> -> memref<10000x128xf32, #tpu.memory_space<vmem_shared>>
            tpu.wait_indirect_dma semaphore(%run_scoped3A_215 : memref<!tpu.dma_semaphore, #tpu.memory_space<semaphore_mem>>) src(%arg9 : memref<128x128xf32, #tpu.memory_space<vmem>>) dst(%dma_wait3A_226 : memref<10000x128xf32, #tpu.memory_space<vmem_shared>>)
            tpu.yield
          }) : () -> ()
        } else {
        }
      } else {
      }
      %scan3A_80 = arith.constant 0 : i32
      scf.yield %scan3A_80 : i32
    }
    %scan3A_27 = arith.constant 10 : i32
    %barrier3A_28 = arith.constant 0 : index
    tpu.barrier barrier_id(%barrier3A_28)
    %add3A_29 = arith.constant 0 : i32
    %add3A_30 = arith.addi %mul3A_8, %add3A_29 : i32
    %mul3A_31 = arith.constant 10000 : i32
    %mul3A_32 = arith.muli %arg0, %mul3A_31 : i32
    %add3A_33 = arith.addi %mul3A_32, %mul3A_8 : i32
    %add3A_34 = arith.constant 0 : i32
    %add3A_35 = arith.addi %add3A_33, %add3A_34 : i32
    "tpu.region"() ({
      %run_scoped3A = tpu.sem_alloc : memref<!tpu.dma_semaphore, #tpu.memory_space<semaphore_mem>>
      %dma_start3A = arith.constant 0 : i32
      %dma_start3A_69 = tpu.memref_slice %arg5[%add3A_35, %dma_start3A] : memref<20000x128xf32, #tpu.memory_space<hbm>> -> memref<128x128xf32, #tpu.memory_space<hbm>>
      %dma_start3A_70 = arith.constant 0 : i32
      %dma_start3A_71 = tpu.memref_slice %arg10[%add3A_30, %dma_start3A_70] : memref<10000x128xf32, #tpu.memory_space<vmem_shared>> -> memref<128x128xf32, #tpu.memory_space<vmem_shared>>
      tpu.enqueue_dma source(%dma_start3A_71 : memref<128x128xf32, #tpu.memory_space<vmem_shared>>) target(%dma_start3A_69 : memref<128x128xf32, #tpu.memory_space<hbm>>) target_semaphore(%run_scoped3A : memref<!tpu.dma_semaphore, #tpu.memory_space<semaphore_mem>>)
      %dma_wait3A = arith.constant 0 : i32
      %dma_wait3A_72 = tpu.memref_slice %arg5[%add3A_35, %dma_wait3A] : memref<20000x128xf32, #tpu.memory_space<hbm>> -> memref<128x128xf32, #tpu.memory_space<hbm>>
      %dma_wait3A_73 = arith.constant 0 : i32
      %dma_wait3A_74 = tpu.memref_slice %arg10[%add3A_30, %dma_wait3A_73] : memref<10000x128xf32, #tpu.memory_space<vmem_shared>> -> memref<128x128xf32, #tpu.memory_space<vmem_shared>>
      tpu.wait_dma2 semaphore(%run_scoped3A : memref<!tpu.dma_semaphore, #tpu.memory_space<semaphore_mem>>) src(%dma_wait3A_74 : memref<128x128xf32, #tpu.memory_space<vmem_shared>>) dst(%dma_wait3A_72 : memref<128x128xf32, #tpu.memory_space<hbm>>)
      tpu.yield
    }) : () -> ()
    %add3A_36 = arith.constant 128 : i32
    %add3A_37 = arith.addi %mul3A_8, %add3A_36 : i32
    %mul3A_38 = arith.constant 10000 : i32
    %mul3A_39 = arith.muli %arg0, %mul3A_38 : i32
    %add3A_40 = arith.addi %mul3A_39, %mul3A_8 : i32
    %add3A_41 = arith.constant 128 : i32
    %add3A_42 = arith.addi %add3A_40, %add3A_41 : i32
    "tpu.region"() ({
      %run_scoped3A = tpu.sem_alloc : memref<!tpu.dma_semaphore, #tpu.memory_space<semaphore_mem>>
      %dma_start3A = arith.constant 0 : i32
      %dma_start3A_69 = tpu.memref_slice %arg5[%add3A_42, %dma_start3A] : memref<20000x128xf32, #tpu.memory_space<hbm>> -> memref<128x128xf32, #tpu.memory_space<hbm>>
      %dma_start3A_70 = arith.constant 0 : i32
      %dma_start3A_71 = tpu.memref_slice %arg10[%add3A_37, %dma_start3A_70] : memref<10000x128xf32, #tpu.memory_space<vmem_shared>> -> memref<128x128xf32, #tpu.memory_space<vmem_shared>>
      tpu.enqueue_dma source(%dma_start3A_71 : memref<128x128xf32, #tpu.memory_space<vmem_shared>>) target(%dma_start3A_69 : memref<128x128xf32, #tpu.memory_space<hbm>>) target_semaphore(%run_scoped3A : memref<!tpu.dma_semaphore, #tpu.memory_space<semaphore_mem>>)
      %dma_wait3A = arith.constant 0 : i32
      %dma_wait3A_72 = tpu.memref_slice %arg5[%add3A_42, %dma_wait3A] : memref<20000x128xf32, #tpu.memory_space<hbm>> -> memref<128x128xf32, #tpu.memory_space<hbm>>
      %dma_wait3A_73 = arith.constant 0 : i32
      %dma_wait3A_74 = tpu.memref_slice %arg10[%add3A_37, %dma_wait3A_73] : memref<10000x128xf32, #tpu.memory_space<vmem_shared>> -> memref<128x128xf32, #tpu.memory_space<vmem_shared>>
      tpu.wait_dma2 semaphore(%run_scoped3A : memref<!tpu.dma_semaphore, #tpu.memory_space<semaphore_mem>>) src(%dma_wait3A_74 : memref<128x128xf32, #tpu.memory_space<vmem_shared>>) dst(%dma_wait3A_72 : memref<128x128xf32, #tpu.memory_space<hbm>>)
      tpu.yield
    }) : () -> ()
    %add3A_43 = arith.constant 256 : i32
    %add3A_44 = arith.addi %mul3A_8, %add3A_43 : i32
    %mul3A_45 = arith.constant 10000 : i32
    %mul3A_46 = arith.muli %arg0, %mul3A_45 : i32
    %add3A_47 = arith.addi %mul3A_46, %mul3A_8 : i32
    %add3A_48 = arith.constant 256 : i32
    %add3A_49 = arith.addi %add3A_47, %add3A_48 : i32
    "tpu.region"() ({
      %run_scoped3A = tpu.sem_alloc : memref<!tpu.dma_semaphore, #tpu.memory_space<semaphore_mem>>
      %dma_start3A = arith.constant 0 : i32
      %dma_start3A_69 = tpu.memref_slice %arg5[%add3A_49, %dma_start3A] : memref<20000x128xf32, #tpu.memory_space<hbm>> -> memref<128x128xf32, #tpu.memory_space<hbm>>
      %dma_start3A_70 = arith.constant 0 : i32
      %dma_start3A_71 = tpu.memref_slice %arg10[%add3A_44, %dma_start3A_70] : memref<10000x128xf32, #tpu.memory_space<vmem_shared>> -> memref<128x128xf32, #tpu.memory_space<vmem_shared>>
      tpu.enqueue_dma source(%dma_start3A_71 : memref<128x128xf32, #tpu.memory_space<vmem_shared>>) target(%dma_start3A_69 : memref<128x128xf32, #tpu.memory_space<hbm>>) target_semaphore(%run_scoped3A : memref<!tpu.dma_semaphore, #tpu.memory_space<semaphore_mem>>)
      %dma_wait3A = arith.constant 0 : i32
      %dma_wait3A_72 = tpu.memref_slice %arg5[%add3A_49, %dma_wait3A] : memref<20000x128xf32, #tpu.memory_space<hbm>> -> memref<128x128xf32, #tpu.memory_space<hbm>>
      %dma_wait3A_73 = arith.constant 0 : i32
      %dma_wait3A_74 = tpu.memref_slice %arg10[%add3A_44, %dma_wait3A_73] : memref<10000x128xf32, #tpu.memory_space<vmem_shared>> -> memref<128x128xf32, #tpu.memory_space<vmem_shared>>
      tpu.wait_dma2 semaphore(%run_scoped3A : memref<!tpu.dma_semaphore, #tpu.memory_space<semaphore_mem>>) src(%dma_wait3A_74 : memref<128x128xf32, #tpu.memory_space<vmem_shared>>) dst(%dma_wait3A_72 : memref<128x128xf32, #tpu.memory_space<hbm>>)
      tpu.yield
    }) : () -> ()
    %add3A_50 = arith.constant 384 : i32
    %add3A_51 = arith.addi %mul3A_8, %add3A_50 : i32
    %mul3A_52 = arith.constant 10000 : i32
    %mul3A_53 = arith.muli %arg0, %mul3A_52 : i32
    %add3A_54 = arith.addi %mul3A_53, %mul3A_8 : i32
    %add3A_55 = arith.constant 384 : i32
    %add3A_56 = arith.addi %add3A_54, %add3A_55 : i32
    "tpu.region"() ({
      %run_scoped3A = tpu.sem_alloc : memref<!tpu.dma_semaphore, #tpu.memory_space<semaphore_mem>>
      %dma_start3A = arith.constant 0 : i32
      %dma_start3A_69 = tpu.memref_slice %arg5[%add3A_56, %dma_start3A] : memref<20000x128xf32, #tpu.memory_space<hbm>> -> memref<128x128xf32, #tpu.memory_space<hbm>>
      %dma_start3A_70 = arith.constant 0 : i32
      %dma_start3A_71 = tpu.memref_slice %arg10[%add3A_51, %dma_start3A_70] : memref<10000x128xf32, #tpu.memory_space<vmem_shared>> -> memref<128x128xf32, #tpu.memory_space<vmem_shared>>
      tpu.enqueue_dma source(%dma_start3A_71 : memref<128x128xf32, #tpu.memory_space<vmem_shared>>) target(%dma_start3A_69 : memref<128x128xf32, #tpu.memory_space<hbm>>) target_semaphore(%run_scoped3A : memref<!tpu.dma_semaphore, #tpu.memory_space<semaphore_mem>>)
      %dma_wait3A = arith.constant 0 : i32
      %dma_wait3A_72 = tpu.memref_slice %arg5[%add3A_56, %dma_wait3A] : memref<20000x128xf32, #tpu.memory_space<hbm>> -> memref<128x128xf32, #tpu.memory_space<hbm>>
      %dma_wait3A_73 = arith.constant 0 : i32
      %dma_wait3A_74 = tpu.memref_slice %arg10[%add3A_51, %dma_wait3A_73] : memref<10000x128xf32, #tpu.memory_space<vmem_shared>> -> memref<128x128xf32, #tpu.memory_space<vmem_shared>>
      tpu.wait_dma2 semaphore(%run_scoped3A : memref<!tpu.dma_semaphore, #tpu.memory_space<semaphore_mem>>) src(%dma_wait3A_74 : memref<128x128xf32, #tpu.memory_space<vmem_shared>>) dst(%dma_wait3A_72 : memref<128x128xf32, #tpu.memory_space<hbm>>)
      tpu.yield
    }) : () -> ()
    %add3A_57 = arith.constant 512 : i32
    %add3A_58 = arith.addi %mul3A_8, %add3A_57 : i32
    %mul3A_59 = arith.constant 10000 : i32
    %mul3A_60 = arith.muli %arg0, %mul3A_59 : i32
    %add3A_61 = arith.addi %mul3A_60, %mul3A_8 : i32
    %add3A_62 = arith.constant 512 : i32
    %add3A_63 = arith.addi %add3A_61, %add3A_62 : i32
    "tpu.region"() ({
      %run_scoped3A = tpu.sem_alloc : memref<!tpu.dma_semaphore, #tpu.memory_space<semaphore_mem>>
      %dma_start3A = arith.constant 0 : i32
      %dma_start3A_69 = tpu.memref_slice %arg5[%add3A_63, %dma_start3A] : memref<20000x128xf32, #tpu.memory_space<hbm>> -> memref<112x128xf32, #tpu.memory_space<hbm>>
      %dma_start3A_70 = arith.constant 0 : i32
      %dma_start3A_71 = tpu.memref_slice %arg10[%add3A_58, %dma_start3A_70] : memref<10000x128xf32, #tpu.memory_space<vmem_shared>> -> memref<112x128xf32, #tpu.memory_space<vmem_shared>>
      tpu.enqueue_dma source(%dma_start3A_71 : memref<112x128xf32, #tpu.memory_space<vmem_shared>>) target(%dma_start3A_69 : memref<112x128xf32, #tpu.memory_space<hbm>>) target_semaphore(%run_scoped3A : memref<!tpu.dma_semaphore, #tpu.memory_space<semaphore_mem>>)
      %dma_wait3A = arith.constant 0 : i32
      %dma_wait3A_72 = tpu.memref_slice %arg5[%add3A_63, %dma_wait3A] : memref<20000x128xf32, #tpu.memory_space<hbm>> -> memref<112x128xf32, #tpu.memory_space<hbm>>
      %dma_wait3A_73 = arith.constant 0 : i32
      %dma_wait3A_74 = tpu.memref_slice %arg10[%add3A_58, %dma_wait3A_73] : memref<10000x128xf32, #tpu.memory_space<vmem_shared>> -> memref<112x128xf32, #tpu.memory_space<vmem_shared>>
      tpu.wait_dma2 semaphore(%run_scoped3A : memref<!tpu.dma_semaphore, #tpu.memory_space<semaphore_mem>>) src(%dma_wait3A_74 : memref<112x128xf32, #tpu.memory_space<vmem_shared>>) dst(%dma_wait3A_72 : memref<112x128xf32, #tpu.memory_space<hbm>>)
      tpu.yield
    }) : () -> ()
    %eq3A_64 = arith.constant 15 : i32
    %eq3A_65 = arith.cmpi eq, %arg1, %eq3A_64 : i32
    %convert_element_type3A_66 = arith.extui %eq3A_65 : i1 to i32
    %cond3A_67 = arith.constant 0 : i32
    %cond3A_68 = arith.cmpi ne, %convert_element_type3A_66, %cond3A_67 : i32
    scf.if %cond3A_68 {
      %add3A_69 = arith.constant 624 : i32
      %add3A_70 = arith.addi %mul3A_8, %add3A_69 : i32
      %mul3A_71 = arith.constant 10000 : i32
      %mul3A_72 = arith.muli %arg0, %mul3A_71 : i32
      %add3A_73 = arith.addi %mul3A_72, %mul3A_8 : i32
      %add3A_74 = arith.constant 624 : i32
      %add3A_75 = arith.addi %add3A_73, %add3A_74 : i32
      "tpu.region"() ({
        %run_scoped3A = tpu.sem_alloc : memref<!tpu.dma_semaphore, #tpu.memory_space<semaphore_mem>>
        %dma_start3A = arith.constant 0 : i32
        %dma_start3A_76 = tpu.memref_slice %arg5[%add3A_75, %dma_start3A] : memref<20000x128xf32, #tpu.memory_space<hbm>> -> memref<16x128xf32, #tpu.memory_space<hbm>>
        %dma_start3A_77 = arith.constant 0 : i32
        %dma_start3A_78 = tpu.memref_slice %arg10[%add3A_70, %dma_start3A_77] : memref<10000x128xf32, #tpu.memory_space<vmem_shared>> -> memref<16x128xf32, #tpu.memory_space<vmem_shared>>
        tpu.enqueue_dma source(%dma_start3A_78 : memref<16x128xf32, #tpu.memory_space<vmem_shared>>) target(%dma_start3A_76 : memref<16x128xf32, #tpu.memory_space<hbm>>) target_semaphore(%run_scoped3A : memref<!tpu.dma_semaphore, #tpu.memory_space<semaphore_mem>>)
        %dma_wait3A = arith.constant 0 : i32
        %dma_wait3A_79 = tpu.memref_slice %arg5[%add3A_75, %dma_wait3A] : memref<20000x128xf32, #tpu.memory_space<hbm>> -> memref<16x128xf32, #tpu.memory_space<hbm>>
        %dma_wait3A_80 = arith.constant 0 : i32
        %dma_wait3A_81 = tpu.memref_slice %arg10[%add3A_70, %dma_wait3A_80] : memref<10000x128xf32, #tpu.memory_space<vmem_shared>> -> memref<16x128xf32, #tpu.memory_space<vmem_shared>>
        tpu.wait_dma2 semaphore(%run_scoped3A : memref<!tpu.dma_semaphore, #tpu.memory_space<semaphore_mem>>) src(%dma_wait3A_81 : memref<16x128xf32, #tpu.memory_space<vmem_shared>>) dst(%dma_wait3A_79 : memref<16x128xf32, #tpu.memory_space<hbm>>)
        tpu.yield
      }) : () -> ()
    } else {
    }
    return
  }
}

#map = affine_map<(d0, d1) -> (0, 0)>
#map1 = affine_map<(d0, d1) -> (0)>
module attributes {stable_mosaic.version = 14 : i64} {
  func.func @_degrees_sc(%arg0: i32, %arg1: i32, %arg2: memref<2504x128xi32, #tpu.memory_space<hbm>>, %arg3: memref<2504x128xi32, #tpu.memory_space<hbm>>, %arg4: memref<20000xf32, #tpu.memory_space<hbm>>, %arg5: memref<20000xf32, #tpu.memory_space<hbm>>, %arg6: memref<8x128xi32, #tpu.memory_space<vmem>>, %arg7: memref<8x128xi32, #tpu.memory_space<vmem>>, %arg8: memref<128xf32, #tpu.memory_space<vmem>>, %arg9: memref<2000xf32, #tpu.memory_space<vmem>>, %arg10: memref<10000xf32, #tpu.memory_space<vmem>>, %arg11: memref<10000xf32, #tpu.memory_space<vmem_shared>>, %arg12: memref<10000xf32, #tpu.memory_space<vmem_shared>>, %arg13: memref<!tpu.dma_semaphore, #tpu.memory_space<semaphore_mem>>) attributes {dimension_semantics = [#tpu.dimension_semantics<core_parallel>, #tpu.dimension_semantics<subcore_parallel>], iteration_bounds = array<i64: 2, 16>, scalar_prefetch = 0 : i64, scratch_operands = 8 : i64, tpu.core_type = #tpu.core_type<sc_vector_subcore>, window_params = [{transform_indices = #map}, {transform_indices = #map}, {transform_indices = #map1}, {transform_indices = #map1}]} {
    %mul3A = arith.constant 2 : i32
    %mul3A_0 = arith.muli %arg1, %mul3A : i32
    %add3A = arith.addi %mul3A_0, %arg0 : i32
    %scan3A = arith.constant 0 : i32
    %scan3A_1 = arith.constant 0 : i32
    %scan3A_2 = arith.constant 8 : i32
    %scan3A_3 = arith.addi %scan3A_1, %scan3A_2 : i32
    %scan3A_4 = arith.constant 1 : i32
    %scan3A_5 = scf.for %scan3A_39 = %scan3A_1 to %scan3A_3 step %scan3A_4 iter_args(%scan3A_40 = %scan3A) -> (i32)  : i32 {
      %broadcast_in_dim3A = arith.constant 1.000000e+00 : f32
      %broadcast_in_dim3A_41 = vector.broadcast %broadcast_in_dim3A : f32 to vector<16xf32>
      %mul3A_42 = arith.constant 16 : i32
      %mul3A_43 = arith.muli %scan3A_39, %mul3A_42 : i32
      %swap3A = arith.index_cast %mul3A_43 : i32 to index
      %swap3A_44 = tpu.vector_load %arg8[%swap3A] {strides = array<i32>} : memref<128xf32, #tpu.memory_space<vmem>>, vector<16xf32>,
      %swap3A_45 = vector.shape_cast %swap3A_44 : vector<16xf32> to vector<16xf32>
      %swap3A_46 = vector.shape_cast %broadcast_in_dim3A_41 : vector<16xf32> to vector<16xf32>
      tpu.vector_store %arg8[%swap3A], %swap3A_46 {strides = array<i32>} : memref<128xf32, #tpu.memory_space<vmem>>, vector<16xf32>,
      %scan3A_47 = arith.constant 0 : i32
      scf.yield %scan3A_47 : i32
    }
    %scan3A_6 = arith.constant 8 : i32
    %scan3A_7 = arith.constant 0 : i32
    %scan3A_8 = arith.constant 0 : i32
    %scan3A_9 = arith.constant 125 : i32
    %scan3A_10 = arith.addi %scan3A_8, %scan3A_9 : i32
    %scan3A_11 = arith.constant 1 : i32
    %scan3A_12 = scf.for %scan3A_39 = %scan3A_8 to %scan3A_10 step %scan3A_11 iter_args(%scan3A_40 = %scan3A_7) -> (i32)  : i32 {
      %broadcast_in_dim3A = arith.constant 0.000000e+00 : f32
      %broadcast_in_dim3A_41 = vector.broadcast %broadcast_in_dim3A : f32 to vector<16xf32>
      %mul3A_42 = arith.constant 16 : i32
      %mul3A_43 = arith.muli %scan3A_39, %mul3A_42 : i32
      %swap3A = arith.index_cast %mul3A_43 : i32 to index
      %swap3A_44 = tpu.vector_load %arg9[%swap3A] {strides = array<i32>} : memref<2000xf32, #tpu.memory_space<vmem>>, vector<16xf32>,
      %swap3A_45 = vector.shape_cast %swap3A_44 : vector<16xf32> to vector<16xf32>
      %swap3A_46 = vector.shape_cast %broadcast_in_dim3A_41 : vector<16xf32> to vector<16xf32>
      tpu.vector_store %arg9[%swap3A], %swap3A_46 {strides = array<i32>} : memref<2000xf32, #tpu.memory_space<vmem>>, vector<16xf32>,
      %scan3A_47 = arith.constant 0 : i32
      scf.yield %scan3A_47 : i32
    }
    %scan3A_13 = arith.constant 125 : i32
    %eq3A = arith.constant 0 : i32
    %eq3A_14 = arith.cmpi eq, %arg1, %eq3A : i32
    %convert_element_type3A = arith.extui %eq3A_14 : i1 to i32
    %cond3A = arith.constant 0 : i32
    %cond3A_15 = arith.cmpi ne, %convert_element_type3A, %cond3A : i32
    scf.if %cond3A_15 {
      "tpu.region"() ({
        %run_scoped3A = tpu.sem_alloc : memref<!tpu.dma_semaphore, #tpu.memory_space<semaphore_mem>>
        %dma_start3A = arith.constant 0 : i32
        %dma_start3A_39 = tpu.memref_slice %arg11[%dma_start3A] : memref<10000xf32, #tpu.memory_space<vmem_shared>> -> memref<2000xf32, #tpu.memory_space<vmem_shared>>
        %dma_start3A_40 = arith.constant 0 : i32
        %dma_start3A_41 = tpu.memref_slice %arg11[%dma_start3A_40] : memref<10000xf32, #tpu.memory_space<vmem_shared>> -> memref<2000xf32, #tpu.memory_space<vmem_shared>>
        tpu.enqueue_dma source(%arg9 : memref<2000xf32, #tpu.memory_space<vmem>>) target(%dma_start3A_41 : memref<2000xf32, #tpu.memory_space<vmem_shared>>) target_semaphore(%run_scoped3A : memref<!tpu.dma_semaphore, #tpu.memory_space<semaphore_mem>>)
        %dma_wait3A = arith.constant 0 : i32
        %dma_wait3A_42 = tpu.memref_slice %arg11[%dma_wait3A] : memref<10000xf32, #tpu.memory_space<vmem_shared>> -> memref<2000xf32, #tpu.memory_space<vmem_shared>>
        %dma_wait3A_43 = arith.constant 0 : i32
        %dma_wait3A_44 = tpu.memref_slice %arg11[%dma_wait3A_43] : memref<10000xf32, #tpu.memory_space<vmem_shared>> -> memref<2000xf32, #tpu.memory_space<vmem_shared>>
        tpu.wait_dma2 semaphore(%run_scoped3A : memref<!tpu.dma_semaphore, #tpu.memory_space<semaphore_mem>>) src(%arg9 : memref<2000xf32, #tpu.memory_space<vmem>>) dst(%dma_wait3A_44 : memref<2000xf32, #tpu.memory_space<vmem_shared>>)
        tpu.yield
      }) : () -> ()
      "tpu.region"() ({
        %run_scoped3A = tpu.sem_alloc : memref<!tpu.dma_semaphore, #tpu.memory_space<semaphore_mem>>
        %dma_start3A = arith.constant 2000 : i32
        %dma_start3A_39 = tpu.memref_slice %arg11[%dma_start3A] : memref<10000xf32, #tpu.memory_space<vmem_shared>> -> memref<2000xf32, #tpu.memory_space<vmem_shared>>
        %dma_start3A_40 = arith.constant 2000 : i32
        %dma_start3A_41 = tpu.memref_slice %arg11[%dma_start3A_40] : memref<10000xf32, #tpu.memory_space<vmem_shared>> -> memref<2000xf32, #tpu.memory_space<vmem_shared>>
        tpu.enqueue_dma source(%arg9 : memref<2000xf32, #tpu.memory_space<vmem>>) target(%dma_start3A_41 : memref<2000xf32, #tpu.memory_space<vmem_shared>>) target_semaphore(%run_scoped3A : memref<!tpu.dma_semaphore, #tpu.memory_space<semaphore_mem>>)
        %dma_wait3A = arith.constant 2000 : i32
        %dma_wait3A_42 = tpu.memref_slice %arg11[%dma_wait3A] : memref<10000xf32, #tpu.memory_space<vmem_shared>> -> memref<2000xf32, #tpu.memory_space<vmem_shared>>
        %dma_wait3A_43 = arith.constant 2000 : i32
        %dma_wait3A_44 = tpu.memref_slice %arg11[%dma_wait3A_43] : memref<10000xf32, #tpu.memory_space<vmem_shared>> -> memref<2000xf32, #tpu.memory_space<vmem_shared>>
        tpu.wait_dma2 semaphore(%run_scoped3A : memref<!tpu.dma_semaphore, #tpu.memory_space<semaphore_mem>>) src(%arg9 : memref<2000xf32, #tpu.memory_space<vmem>>) dst(%dma_wait3A_44 : memref<2000xf32, #tpu.memory_space<vmem_shared>>)
        tpu.yield
      }) : () -> ()
      "tpu.region"() ({
        %run_scoped3A = tpu.sem_alloc : memref<!tpu.dma_semaphore, #tpu.memory_space<semaphore_mem>>
        %dma_start3A = arith.constant 4000 : i32
        %dma_start3A_39 = tpu.memref_slice %arg11[%dma_start3A] : memref<10000xf32, #tpu.memory_space<vmem_shared>> -> memref<2000xf32, #tpu.memory_space<vmem_shared>>
        %dma_start3A_40 = arith.constant 4000 : i32
        %dma_start3A_41 = tpu.memref_slice %arg11[%dma_start3A_40] : memref<10000xf32, #tpu.memory_space<vmem_shared>> -> memref<2000xf32, #tpu.memory_space<vmem_shared>>
        tpu.enqueue_dma source(%arg9 : memref<2000xf32, #tpu.memory_space<vmem>>) target(%dma_start3A_41 : memref<2000xf32, #tpu.memory_space<vmem_shared>>) target_semaphore(%run_scoped3A : memref<!tpu.dma_semaphore, #tpu.memory_space<semaphore_mem>>)
        %dma_wait3A = arith.constant 4000 : i32
        %dma_wait3A_42 = tpu.memref_slice %arg11[%dma_wait3A] : memref<10000xf32, #tpu.memory_space<vmem_shared>> -> memref<2000xf32, #tpu.memory_space<vmem_shared>>
        %dma_wait3A_43 = arith.constant 4000 : i32
        %dma_wait3A_44 = tpu.memref_slice %arg11[%dma_wait3A_43] : memref<10000xf32, #tpu.memory_space<vmem_shared>> -> memref<2000xf32, #tpu.memory_space<vmem_shared>>
        tpu.wait_dma2 semaphore(%run_scoped3A : memref<!tpu.dma_semaphore, #tpu.memory_space<semaphore_mem>>) src(%arg9 : memref<2000xf32, #tpu.memory_space<vmem>>) dst(%dma_wait3A_44 : memref<2000xf32, #tpu.memory_space<vmem_shared>>)
        tpu.yield
      }) : () -> ()
      "tpu.region"() ({
        %run_scoped3A = tpu.sem_alloc : memref<!tpu.dma_semaphore, #tpu.memory_space<semaphore_mem>>
        %dma_start3A = arith.constant 6000 : i32
        %dma_start3A_39 = tpu.memref_slice %arg11[%dma_start3A] : memref<10000xf32, #tpu.memory_space<vmem_shared>> -> memref<2000xf32, #tpu.memory_space<vmem_shared>>
        %dma_start3A_40 = arith.constant 6000 : i32
        %dma_start3A_41 = tpu.memref_slice %arg11[%dma_start3A_40] : memref<10000xf32, #tpu.memory_space<vmem_shared>> -> memref<2000xf32, #tpu.memory_space<vmem_shared>>
        tpu.enqueue_dma source(%arg9 : memref<2000xf32, #tpu.memory_space<vmem>>) target(%dma_start3A_41 : memref<2000xf32, #tpu.memory_space<vmem_shared>>) target_semaphore(%run_scoped3A : memref<!tpu.dma_semaphore, #tpu.memory_space<semaphore_mem>>)
        %dma_wait3A = arith.constant 6000 : i32
        %dma_wait3A_42 = tpu.memref_slice %arg11[%dma_wait3A] : memref<10000xf32, #tpu.memory_space<vmem_shared>> -> memref<2000xf32, #tpu.memory_space<vmem_shared>>
        %dma_wait3A_43 = arith.constant 6000 : i32
        %dma_wait3A_44 = tpu.memref_slice %arg11[%dma_wait3A_43] : memref<10000xf32, #tpu.memory_space<vmem_shared>> -> memref<2000xf32, #tpu.memory_space<vmem_shared>>
        tpu.wait_dma2 semaphore(%run_scoped3A : memref<!tpu.dma_semaphore, #tpu.memory_space<semaphore_mem>>) src(%arg9 : memref<2000xf32, #tpu.memory_space<vmem>>) dst(%dma_wait3A_44 : memref<2000xf32, #tpu.memory_space<vmem_shared>>)
        tpu.yield
      }) : () -> ()
      "tpu.region"() ({
        %run_scoped3A = tpu.sem_alloc : memref<!tpu.dma_semaphore, #tpu.memory_space<semaphore_mem>>
        %dma_start3A = arith.constant 8000 : i32
        %dma_start3A_39 = tpu.memref_slice %arg11[%dma_start3A] : memref<10000xf32, #tpu.memory_space<vmem_shared>> -> memref<2000xf32, #tpu.memory_space<vmem_shared>>
        %dma_start3A_40 = arith.constant 8000 : i32
        %dma_start3A_41 = tpu.memref_slice %arg11[%dma_start3A_40] : memref<10000xf32, #tpu.memory_space<vmem_shared>> -> memref<2000xf32, #tpu.memory_space<vmem_shared>>
        tpu.enqueue_dma source(%arg9 : memref<2000xf32, #tpu.memory_space<vmem>>) target(%dma_start3A_41 : memref<2000xf32, #tpu.memory_space<vmem_shared>>) target_semaphore(%run_scoped3A : memref<!tpu.dma_semaphore, #tpu.memory_space<semaphore_mem>>)
        %dma_wait3A = arith.constant 8000 : i32
        %dma_wait3A_42 = tpu.memref_slice %arg11[%dma_wait3A] : memref<10000xf32, #tpu.memory_space<vmem_shared>> -> memref<2000xf32, #tpu.memory_space<vmem_shared>>
        %dma_wait3A_43 = arith.constant 8000 : i32
        %dma_wait3A_44 = tpu.memref_slice %arg11[%dma_wait3A_43] : memref<10000xf32, #tpu.memory_space<vmem_shared>> -> memref<2000xf32, #tpu.memory_space<vmem_shared>>
        tpu.wait_dma2 semaphore(%run_scoped3A : memref<!tpu.dma_semaphore, #tpu.memory_space<semaphore_mem>>) src(%arg9 : memref<2000xf32, #tpu.memory_space<vmem>>) dst(%dma_wait3A_44 : memref<2000xf32, #tpu.memory_space<vmem_shared>>)
        tpu.yield
      }) : () -> ()
    } else {
    }
    %eq3A_16 = arith.constant 1 : i32
    %eq3A_17 = arith.cmpi eq, %arg1, %eq3A_16 : i32
    %convert_element_type3A_18 = arith.extui %eq3A_17 : i1 to i32
    %cond3A_19 = arith.constant 0 : i32
    %cond3A_20 = arith.cmpi ne, %convert_element_type3A_18, %cond3A_19 : i32
    scf.if %cond3A_20 {
      "tpu.region"() ({
        %run_scoped3A = tpu.sem_alloc : memref<!tpu.dma_semaphore, #tpu.memory_space<semaphore_mem>>
        %dma_start3A = arith.constant 0 : i32
        %dma_start3A_39 = tpu.memref_slice %arg12[%dma_start3A] : memref<10000xf32, #tpu.memory_space<vmem_shared>> -> memref<2000xf32, #tpu.memory_space<vmem_shared>>
        %dma_start3A_40 = arith.constant 0 : i32
        %dma_start3A_41 = tpu.memref_slice %arg12[%dma_start3A_40] : memref<10000xf32, #tpu.memory_space<vmem_shared>> -> memref<2000xf32, #tpu.memory_space<vmem_shared>>
        tpu.enqueue_dma source(%arg9 : memref<2000xf32, #tpu.memory_space<vmem>>) target(%dma_start3A_41 : memref<2000xf32, #tpu.memory_space<vmem_shared>>) target_semaphore(%run_scoped3A : memref<!tpu.dma_semaphore, #tpu.memory_space<semaphore_mem>>)
        %dma_wait3A = arith.constant 0 : i32
        %dma_wait3A_42 = tpu.memref_slice %arg12[%dma_wait3A] : memref<10000xf32, #tpu.memory_space<vmem_shared>> -> memref<2000xf32, #tpu.memory_space<vmem_shared>>
        %dma_wait3A_43 = arith.constant 0 : i32
        %dma_wait3A_44 = tpu.memref_slice %arg12[%dma_wait3A_43] : memref<10000xf32, #tpu.memory_space<vmem_shared>> -> memref<2000xf32, #tpu.memory_space<vmem_shared>>
        tpu.wait_dma2 semaphore(%run_scoped3A : memref<!tpu.dma_semaphore, #tpu.memory_space<semaphore_mem>>) src(%arg9 : memref<2000xf32, #tpu.memory_space<vmem>>) dst(%dma_wait3A_44 : memref<2000xf32, #tpu.memory_space<vmem_shared>>)
        tpu.yield
      }) : () -> ()
      "tpu.region"() ({
        %run_scoped3A = tpu.sem_alloc : memref<!tpu.dma_semaphore, #tpu.memory_space<semaphore_mem>>
        %dma_start3A = arith.constant 2000 : i32
        %dma_start3A_39 = tpu.memref_slice %arg12[%dma_start3A] : memref<10000xf32, #tpu.memory_space<vmem_shared>> -> memref<2000xf32, #tpu.memory_space<vmem_shared>>
        %dma_start3A_40 = arith.constant 2000 : i32
        %dma_start3A_41 = tpu.memref_slice %arg12[%dma_start3A_40] : memref<10000xf32, #tpu.memory_space<vmem_shared>> -> memref<2000xf32, #tpu.memory_space<vmem_shared>>
        tpu.enqueue_dma source(%arg9 : memref<2000xf32, #tpu.memory_space<vmem>>) target(%dma_start3A_41 : memref<2000xf32, #tpu.memory_space<vmem_shared>>) target_semaphore(%run_scoped3A : memref<!tpu.dma_semaphore, #tpu.memory_space<semaphore_mem>>)
        %dma_wait3A = arith.constant 2000 : i32
        %dma_wait3A_42 = tpu.memref_slice %arg12[%dma_wait3A] : memref<10000xf32, #tpu.memory_space<vmem_shared>> -> memref<2000xf32, #tpu.memory_space<vmem_shared>>
        %dma_wait3A_43 = arith.constant 2000 : i32
        %dma_wait3A_44 = tpu.memref_slice %arg12[%dma_wait3A_43] : memref<10000xf32, #tpu.memory_space<vmem_shared>> -> memref<2000xf32, #tpu.memory_space<vmem_shared>>
        tpu.wait_dma2 semaphore(%run_scoped3A : memref<!tpu.dma_semaphore, #tpu.memory_space<semaphore_mem>>) src(%arg9 : memref<2000xf32, #tpu.memory_space<vmem>>) dst(%dma_wait3A_44 : memref<2000xf32, #tpu.memory_space<vmem_shared>>)
        tpu.yield
      }) : () -> ()
      "tpu.region"() ({
        %run_scoped3A = tpu.sem_alloc : memref<!tpu.dma_semaphore, #tpu.memory_space<semaphore_mem>>
        %dma_start3A = arith.constant 4000 : i32
        %dma_start3A_39 = tpu.memref_slice %arg12[%dma_start3A] : memref<10000xf32, #tpu.memory_space<vmem_shared>> -> memref<2000xf32, #tpu.memory_space<vmem_shared>>
        %dma_start3A_40 = arith.constant 4000 : i32
        %dma_start3A_41 = tpu.memref_slice %arg12[%dma_start3A_40] : memref<10000xf32, #tpu.memory_space<vmem_shared>> -> memref<2000xf32, #tpu.memory_space<vmem_shared>>
        tpu.enqueue_dma source(%arg9 : memref<2000xf32, #tpu.memory_space<vmem>>) target(%dma_start3A_41 : memref<2000xf32, #tpu.memory_space<vmem_shared>>) target_semaphore(%run_scoped3A : memref<!tpu.dma_semaphore, #tpu.memory_space<semaphore_mem>>)
        %dma_wait3A = arith.constant 4000 : i32
        %dma_wait3A_42 = tpu.memref_slice %arg12[%dma_wait3A] : memref<10000xf32, #tpu.memory_space<vmem_shared>> -> memref<2000xf32, #tpu.memory_space<vmem_shared>>
        %dma_wait3A_43 = arith.constant 4000 : i32
        %dma_wait3A_44 = tpu.memref_slice %arg12[%dma_wait3A_43] : memref<10000xf32, #tpu.memory_space<vmem_shared>> -> memref<2000xf32, #tpu.memory_space<vmem_shared>>
        tpu.wait_dma2 semaphore(%run_scoped3A : memref<!tpu.dma_semaphore, #tpu.memory_space<semaphore_mem>>) src(%arg9 : memref<2000xf32, #tpu.memory_space<vmem>>) dst(%dma_wait3A_44 : memref<2000xf32, #tpu.memory_space<vmem_shared>>)
        tpu.yield
      }) : () -> ()
      "tpu.region"() ({
        %run_scoped3A = tpu.sem_alloc : memref<!tpu.dma_semaphore, #tpu.memory_space<semaphore_mem>>
        %dma_start3A = arith.constant 6000 : i32
        %dma_start3A_39 = tpu.memref_slice %arg12[%dma_start3A] : memref<10000xf32, #tpu.memory_space<vmem_shared>> -> memref<2000xf32, #tpu.memory_space<vmem_shared>>
        %dma_start3A_40 = arith.constant 6000 : i32
        %dma_start3A_41 = tpu.memref_slice %arg12[%dma_start3A_40] : memref<10000xf32, #tpu.memory_space<vmem_shared>> -> memref<2000xf32, #tpu.memory_space<vmem_shared>>
        tpu.enqueue_dma source(%arg9 : memref<2000xf32, #tpu.memory_space<vmem>>) target(%dma_start3A_41 : memref<2000xf32, #tpu.memory_space<vmem_shared>>) target_semaphore(%run_scoped3A : memref<!tpu.dma_semaphore, #tpu.memory_space<semaphore_mem>>)
        %dma_wait3A = arith.constant 6000 : i32
        %dma_wait3A_42 = tpu.memref_slice %arg12[%dma_wait3A] : memref<10000xf32, #tpu.memory_space<vmem_shared>> -> memref<2000xf32, #tpu.memory_space<vmem_shared>>
        %dma_wait3A_43 = arith.constant 6000 : i32
        %dma_wait3A_44 = tpu.memref_slice %arg12[%dma_wait3A_43] : memref<10000xf32, #tpu.memory_space<vmem_shared>> -> memref<2000xf32, #tpu.memory_space<vmem_shared>>
        tpu.wait_dma2 semaphore(%run_scoped3A : memref<!tpu.dma_semaphore, #tpu.memory_space<semaphore_mem>>) src(%arg9 : memref<2000xf32, #tpu.memory_space<vmem>>) dst(%dma_wait3A_44 : memref<2000xf32, #tpu.memory_space<vmem_shared>>)
        tpu.yield
      }) : () -> ()
      "tpu.region"() ({
        %run_scoped3A = tpu.sem_alloc : memref<!tpu.dma_semaphore, #tpu.memory_space<semaphore_mem>>
        %dma_start3A = arith.constant 8000 : i32
        %dma_start3A_39 = tpu.memref_slice %arg12[%dma_start3A] : memref<10000xf32, #tpu.memory_space<vmem_shared>> -> memref<2000xf32, #tpu.memory_space<vmem_shared>>
        %dma_start3A_40 = arith.constant 8000 : i32
        %dma_start3A_41 = tpu.memref_slice %arg12[%dma_start3A_40] : memref<10000xf32, #tpu.memory_space<vmem_shared>> -> memref<2000xf32, #tpu.memory_space<vmem_shared>>
        tpu.enqueue_dma source(%arg9 : memref<2000xf32, #tpu.memory_space<vmem>>) target(%dma_start3A_41 : memref<2000xf32, #tpu.memory_space<vmem_shared>>) target_semaphore(%run_scoped3A : memref<!tpu.dma_semaphore, #tpu.memory_space<semaphore_mem>>)
        %dma_wait3A = arith.constant 8000 : i32
        %dma_wait3A_42 = tpu.memref_slice %arg12[%dma_wait3A] : memref<10000xf32, #tpu.memory_space<vmem_shared>> -> memref<2000xf32, #tpu.memory_space<vmem_shared>>
        %dma_wait3A_43 = arith.constant 8000 : i32
        %dma_wait3A_44 = tpu.memref_slice %arg12[%dma_wait3A_43] : memref<10000xf32, #tpu.memory_space<vmem_shared>> -> memref<2000xf32, #tpu.memory_space<vmem_shared>>
        tpu.wait_dma2 semaphore(%run_scoped3A : memref<!tpu.dma_semaphore, #tpu.memory_space<semaphore_mem>>) src(%arg9 : memref<2000xf32, #tpu.memory_space<vmem>>) dst(%dma_wait3A_44 : memref<2000xf32, #tpu.memory_space<vmem_shared>>)
        tpu.yield
      }) : () -> ()
    } else {
    }
    %barrier3A = arith.constant 0 : index
    tpu.barrier barrier_id(%barrier3A)
    %scan3A_21 = arith.constant 0 : i32
    %scan3A_22 = arith.constant 0 : i32
    %scan3A_23 = arith.constant 10 : i32
    %scan3A_24 = arith.addi %scan3A_22, %scan3A_23 : i32
    %scan3A_25 = arith.constant 1 : i32
    %scan3A_26 = scf.for %scan3A_39 = %scan3A_22 to %scan3A_24 step %scan3A_25 iter_args(%scan3A_40 = %scan3A_21) -> (i32)  : i32 {
      %mul3A_41 = arith.constant 32 : i32
      %mul3A_42 = arith.muli %mul3A_41, %scan3A_39 : i32
      %add3A_43 = arith.addi %add3A, %mul3A_42 : i32
      %mul3A_44 = arith.constant 8 : i32
      %mul3A_45 = arith.muli %add3A_43, %mul3A_44 : i32
      %lt3A = arith.constant 313 : i32
      %lt3A_46 = arith.cmpi slt, %add3A_43, %lt3A : i32
      %convert_element_type3A_47 = arith.extui %lt3A_46 : i1 to i32
      %cond3A_48 = arith.constant 0 : i32
      %cond3A_49 = arith.cmpi ne, %convert_element_type3A_47, %cond3A_48 : i32
      scf.if %cond3A_49 {
        %mul3A_51 = arith.constant 8 : i32
        %mul3A_52 = arith.muli %add3A_43, %mul3A_51 : i32
        "tpu.region"() ({
          %run_scoped3A = tpu.sem_alloc : memref<!tpu.dma_semaphore, #tpu.memory_space<semaphore_mem>>
          %dma_start3A = arith.constant 0 : i32
          %dma_start3A_167 = tpu.memref_slice %arg2[%mul3A_52, %dma_start3A] : memref<2504x128xi32, #tpu.memory_space<hbm>> -> memref<8x128xi32, #tpu.memory_space<hbm>>
          %dma_start3A_168 = arith.constant 0 : i32
          %dma_start3A_169 = tpu.memref_slice %arg2[%mul3A_52, %dma_start3A_168] : memref<2504x128xi32, #tpu.memory_space<hbm>> -> memref<8x128xi32, #tpu.memory_space<hbm>>
          tpu.enqueue_dma source(%dma_start3A_169 : memref<8x128xi32, #tpu.memory_space<hbm>>) target(%arg6 : memref<8x128xi32, #tpu.memory_space<vmem>>) target_semaphore(%run_scoped3A : memref<!tpu.dma_semaphore, #tpu.memory_space<semaphore_mem>>)
          %dma_wait3A = arith.constant 0 : i32
          %dma_wait3A_170 = tpu.memref_slice %arg2[%mul3A_52, %dma_wait3A] : memref<2504x128xi32, #tpu.memory_space<hbm>> -> memref<8x128xi32, #tpu.memory_space<hbm>>
          %dma_wait3A_171 = arith.constant 0 : i32
          %dma_wait3A_172 = tpu.memref_slice %arg2[%mul3A_52, %dma_wait3A_171] : memref<2504x128xi32, #tpu.memory_space<hbm>> -> memref<8x128xi32, #tpu.memory_space<hbm>>
          tpu.wait_dma2 semaphore(%run_scoped3A : memref<!tpu.dma_semaphore, #tpu.memory_space<semaphore_mem>>) src(%dma_wait3A_172 : memref<8x128xi32, #tpu.memory_space<hbm>>) dst(%arg6 : memref<8x128xi32, #tpu.memory_space<vmem>>)
          tpu.yield
        }) : () -> ()
        %mul3A_53 = arith.constant 8 : i32
        %mul3A_54 = arith.muli %add3A_43, %mul3A_53 : i32
        "tpu.region"() ({
          %run_scoped3A = tpu.sem_alloc : memref<!tpu.dma_semaphore, #tpu.memory_space<semaphore_mem>>
          %dma_start3A = arith.constant 0 : i32
          %dma_start3A_167 = tpu.memref_slice %arg3[%mul3A_54, %dma_start3A] : memref<2504x128xi32, #tpu.memory_space<hbm>> -> memref<8x128xi32, #tpu.memory_space<hbm>>
          %dma_start3A_168 = arith.constant 0 : i32
          %dma_start3A_169 = tpu.memref_slice %arg3[%mul3A_54, %dma_start3A_168] : memref<2504x128xi32, #tpu.memory_space<hbm>> -> memref<8x128xi32, #tpu.memory_space<hbm>>
          tpu.enqueue_dma source(%dma_start3A_169 : memref<8x128xi32, #tpu.memory_space<hbm>>) target(%arg7 : memref<8x128xi32, #tpu.memory_space<vmem>>) target_semaphore(%run_scoped3A : memref<!tpu.dma_semaphore, #tpu.memory_space<semaphore_mem>>)
          %dma_wait3A = arith.constant 0 : i32
          %dma_wait3A_170 = tpu.memref_slice %arg3[%mul3A_54, %dma_wait3A] : memref<2504x128xi32, #tpu.memory_space<hbm>> -> memref<8x128xi32, #tpu.memory_space<hbm>>
          %dma_wait3A_171 = arith.constant 0 : i32
          %dma_wait3A_172 = tpu.memref_slice %arg3[%mul3A_54, %dma_wait3A_171] : memref<2504x128xi32, #tpu.memory_space<hbm>> -> memref<8x128xi32, #tpu.memory_space<hbm>>
          tpu.wait_dma2 semaphore(%run_scoped3A : memref<!tpu.dma_semaphore, #tpu.memory_space<semaphore_mem>>) src(%dma_wait3A_172 : memref<8x128xi32, #tpu.memory_space<hbm>>) dst(%arg7 : memref<8x128xi32, #tpu.memory_space<vmem>>)
          tpu.yield
        }) : () -> ()
        %add3A_55 = arith.constant 0 : i32
        %add3A_56 = arith.addi %mul3A_45, %add3A_55 : i32
        %lt3A_57 = arith.constant 2500 : i32
        %lt3A_58 = arith.cmpi slt, %add3A_56, %lt3A_57 : i32
        %convert_element_type3A_59 = arith.extui %lt3A_58 : i1 to i32
        %cond3A_60 = arith.constant 0 : i32
        %cond3A_61 = arith.cmpi ne, %convert_element_type3A_59, %cond3A_60 : i32
        scf.if %cond3A_61 {
          %dma_start3A = arith.constant 0 : i32
          %dma_start3A_167 = arith.constant 0 : i32
          %dma_start3A_168 = tpu.memref_slice %arg6[%dma_start3A, %dma_start3A_167] : memref<8x128xi32, #tpu.memory_space<vmem>> -> memref<1x128xi32, #tpu.memory_space<vmem>>
          %dma_start3A_169 = tpu.memref_squeeze %dma_start3A_168 : memref<1x128xi32, #tpu.memory_space<vmem>> -> memref<128xi32, #tpu.memory_space<vmem>>
          %dma_start3A_170 = arith.constant 0 : i32
          %dma_start3A_171 = tpu.memref_slice %arg11[%dma_start3A_170] : memref<10000xf32, #tpu.memory_space<vmem_shared>> -> memref<10000xf32, #tpu.memory_space<vmem_shared>>
          tpu.enqueue_indirect_dma source(%arg8 : memref<128xf32, #tpu.memory_space<vmem>>) target(%dma_start3A_171 : memref<10000xf32, #tpu.memory_space<vmem_shared>>) offsets(%dma_start3A_169 : memref<128xi32, #tpu.memory_space<vmem>>) semaphore(%arg13 : memref<!tpu.dma_semaphore, #tpu.memory_space<semaphore_mem>>) {add = true}
          %dma_start3A_172 = arith.constant 0 : i32
          %dma_start3A_173 = arith.constant 0 : i32
          %dma_start3A_174 = tpu.memref_slice %arg7[%dma_start3A_172, %dma_start3A_173] : memref<8x128xi32, #tpu.memory_space<vmem>> -> memref<1x128xi32, #tpu.memory_space<vmem>>
          %dma_start3A_175 = tpu.memref_squeeze %dma_start3A_174 : memref<1x128xi32, #tpu.memory_space<vmem>> -> memref<128xi32, #tpu.memory_space<vmem>>
          %dma_start3A_176 = arith.constant 0 : i32
          %dma_start3A_177 = tpu.memref_slice %arg12[%dma_start3A_176] : memref<10000xf32, #tpu.memory_space<vmem_shared>> -> memref<10000xf32, #tpu.memory_space<vmem_shared>>
          tpu.enqueue_indirect_dma source(%arg8 : memref<128xf32, #tpu.memory_space<vmem>>) target(%dma_start3A_177 : memref<10000xf32, #tpu.memory_space<vmem_shared>>) offsets(%dma_start3A_175 : memref<128xi32, #tpu.memory_space<vmem>>) semaphore(%arg13 : memref<!tpu.dma_semaphore, #tpu.memory_space<semaphore_mem>>) {add = true}
        } else {
        }
        %add3A_62 = arith.constant 1 : i32
        %add3A_63 = arith.addi %mul3A_45, %add3A_62 : i32
        %lt3A_64 = arith.constant 2500 : i32
        %lt3A_65 = arith.cmpi slt, %add3A_63, %lt3A_64 : i32
        %convert_element_type3A_66 = arith.extui %lt3A_65 : i1 to i32
        %cond3A_67 = arith.constant 0 : i32
        %cond3A_68 = arith.cmpi ne, %convert_element_type3A_66, %cond3A_67 : i32
        scf.if %cond3A_68 {
          %dma_start3A = arith.constant 1 : i32
          %dma_start3A_167 = arith.constant 0 : i32
          %dma_start3A_168 = tpu.memref_slice %arg6[%dma_start3A, %dma_start3A_167] : memref<8x128xi32, #tpu.memory_space<vmem>> -> memref<1x128xi32, #tpu.memory_space<vmem>>
          %dma_start3A_169 = tpu.memref_squeeze %dma_start3A_168 : memref<1x128xi32, #tpu.memory_space<vmem>> -> memref<128xi32, #tpu.memory_space<vmem>>
          %dma_start3A_170 = arith.constant 0 : i32
          %dma_start3A_171 = tpu.memref_slice %arg11[%dma_start3A_170] : memref<10000xf32, #tpu.memory_space<vmem_shared>> -> memref<10000xf32, #tpu.memory_space<vmem_shared>>
          tpu.enqueue_indirect_dma source(%arg8 : memref<128xf32, #tpu.memory_space<vmem>>) target(%dma_start3A_171 : memref<10000xf32, #tpu.memory_space<vmem_shared>>) offsets(%dma_start3A_169 : memref<128xi32, #tpu.memory_space<vmem>>) semaphore(%arg13 : memref<!tpu.dma_semaphore, #tpu.memory_space<semaphore_mem>>) {add = true}
          %dma_start3A_172 = arith.constant 1 : i32
          %dma_start3A_173 = arith.constant 0 : i32
          %dma_start3A_174 = tpu.memref_slice %arg7[%dma_start3A_172, %dma_start3A_173] : memref<8x128xi32, #tpu.memory_space<vmem>> -> memref<1x128xi32, #tpu.memory_space<vmem>>
          %dma_start3A_175 = tpu.memref_squeeze %dma_start3A_174 : memref<1x128xi32, #tpu.memory_space<vmem>> -> memref<128xi32, #tpu.memory_space<vmem>>
          %dma_start3A_176 = arith.constant 0 : i32
          %dma_start3A_177 = tpu.memref_slice %arg12[%dma_start3A_176] : memref<10000xf32, #tpu.memory_space<vmem_shared>> -> memref<10000xf32, #tpu.memory_space<vmem_shared>>
          tpu.enqueue_indirect_dma source(%arg8 : memref<128xf32, #tpu.memory_space<vmem>>) target(%dma_start3A_177 : memref<10000xf32, #tpu.memory_space<vmem_shared>>) offsets(%dma_start3A_175 : memref<128xi32, #tpu.memory_space<vmem>>) semaphore(%arg13 : memref<!tpu.dma_semaphore, #tpu.memory_space<semaphore_mem>>) {add = true}
        } else {
        }
        %add3A_69 = arith.constant 2 : i32
        %add3A_70 = arith.addi %mul3A_45, %add3A_69 : i32
        %lt3A_71 = arith.constant 2500 : i32
        %lt3A_72 = arith.cmpi slt, %add3A_70, %lt3A_71 : i32
        %convert_element_type3A_73 = arith.extui %lt3A_72 : i1 to i32
        %cond3A_74 = arith.constant 0 : i32
        %cond3A_75 = arith.cmpi ne, %convert_element_type3A_73, %cond3A_74 : i32
        scf.if %cond3A_75 {
          %dma_start3A = arith.constant 2 : i32
          %dma_start3A_167 = arith.constant 0 : i32
          %dma_start3A_168 = tpu.memref_slice %arg6[%dma_start3A, %dma_start3A_167] : memref<8x128xi32, #tpu.memory_space<vmem>> -> memref<1x128xi32, #tpu.memory_space<vmem>>
          %dma_start3A_169 = tpu.memref_squeeze %dma_start3A_168 : memref<1x128xi32, #tpu.memory_space<vmem>> -> memref<128xi32, #tpu.memory_space<vmem>>
          %dma_start3A_170 = arith.constant 0 : i32
          %dma_start3A_171 = tpu.memref_slice %arg11[%dma_start3A_170] : memref<10000xf32, #tpu.memory_space<vmem_shared>> -> memref<10000xf32, #tpu.memory_space<vmem_shared>>
          tpu.enqueue_indirect_dma source(%arg8 : memref<128xf32, #tpu.memory_space<vmem>>) target(%dma_start3A_171 : memref<10000xf32, #tpu.memory_space<vmem_shared>>) offsets(%dma_start3A_169 : memref<128xi32, #tpu.memory_space<vmem>>) semaphore(%arg13 : memref<!tpu.dma_semaphore, #tpu.memory_space<semaphore_mem>>) {add = true}
          %dma_start3A_172 = arith.constant 2 : i32
          %dma_start3A_173 = arith.constant 0 : i32
          %dma_start3A_174 = tpu.memref_slice %arg7[%dma_start3A_172, %dma_start3A_173] : memref<8x128xi32, #tpu.memory_space<vmem>> -> memref<1x128xi32, #tpu.memory_space<vmem>>
          %dma_start3A_175 = tpu.memref_squeeze %dma_start3A_174 : memref<1x128xi32, #tpu.memory_space<vmem>> -> memref<128xi32, #tpu.memory_space<vmem>>
          %dma_start3A_176 = arith.constant 0 : i32
          %dma_start3A_177 = tpu.memref_slice %arg12[%dma_start3A_176] : memref<10000xf32, #tpu.memory_space<vmem_shared>> -> memref<10000xf32, #tpu.memory_space<vmem_shared>>
          tpu.enqueue_indirect_dma source(%arg8 : memref<128xf32, #tpu.memory_space<vmem>>) target(%dma_start3A_177 : memref<10000xf32, #tpu.memory_space<vmem_shared>>) offsets(%dma_start3A_175 : memref<128xi32, #tpu.memory_space<vmem>>) semaphore(%arg13 : memref<!tpu.dma_semaphore, #tpu.memory_space<semaphore_mem>>) {add = true}
        } else {
        }
        %add3A_76 = arith.constant 3 : i32
        %add3A_77 = arith.addi %mul3A_45, %add3A_76 : i32
        %lt3A_78 = arith.constant 2500 : i32
        %lt3A_79 = arith.cmpi slt, %add3A_77, %lt3A_78 : i32
        %convert_element_type3A_80 = arith.extui %lt3A_79 : i1 to i32
        %cond3A_81 = arith.constant 0 : i32
        %cond3A_82 = arith.cmpi ne, %convert_element_type3A_80, %cond3A_81 : i32
        scf.if %cond3A_82 {
          %dma_start3A = arith.constant 3 : i32
          %dma_start3A_167 = arith.constant 0 : i32
          %dma_start3A_168 = tpu.memref_slice %arg6[%dma_start3A, %dma_start3A_167] : memref<8x128xi32, #tpu.memory_space<vmem>> -> memref<1x128xi32, #tpu.memory_space<vmem>>
          %dma_start3A_169 = tpu.memref_squeeze %dma_start3A_168 : memref<1x128xi32, #tpu.memory_space<vmem>> -> memref<128xi32, #tpu.memory_space<vmem>>
          %dma_start3A_170 = arith.constant 0 : i32
          %dma_start3A_171 = tpu.memref_slice %arg11[%dma_start3A_170] : memref<10000xf32, #tpu.memory_space<vmem_shared>> -> memref<10000xf32, #tpu.memory_space<vmem_shared>>
          tpu.enqueue_indirect_dma source(%arg8 : memref<128xf32, #tpu.memory_space<vmem>>) target(%dma_start3A_171 : memref<10000xf32, #tpu.memory_space<vmem_shared>>) offsets(%dma_start3A_169 : memref<128xi32, #tpu.memory_space<vmem>>) semaphore(%arg13 : memref<!tpu.dma_semaphore, #tpu.memory_space<semaphore_mem>>) {add = true}
          %dma_start3A_172 = arith.constant 3 : i32
          %dma_start3A_173 = arith.constant 0 : i32
          %dma_start3A_174 = tpu.memref_slice %arg7[%dma_start3A_172, %dma_start3A_173] : memref<8x128xi32, #tpu.memory_space<vmem>> -> memref<1x128xi32, #tpu.memory_space<vmem>>
          %dma_start3A_175 = tpu.memref_squeeze %dma_start3A_174 : memref<1x128xi32, #tpu.memory_space<vmem>> -> memref<128xi32, #tpu.memory_space<vmem>>
          %dma_start3A_176 = arith.constant 0 : i32
          %dma_start3A_177 = tpu.memref_slice %arg12[%dma_start3A_176] : memref<10000xf32, #tpu.memory_space<vmem_shared>> -> memref<10000xf32, #tpu.memory_space<vmem_shared>>
          tpu.enqueue_indirect_dma source(%arg8 : memref<128xf32, #tpu.memory_space<vmem>>) target(%dma_start3A_177 : memref<10000xf32, #tpu.memory_space<vmem_shared>>) offsets(%dma_start3A_175 : memref<128xi32, #tpu.memory_space<vmem>>) semaphore(%arg13 : memref<!tpu.dma_semaphore, #tpu.memory_space<semaphore_mem>>) {add = true}
        } else {
        }
        %add3A_83 = arith.constant 4 : i32
        %add3A_84 = arith.addi %mul3A_45, %add3A_83 : i32
        %lt3A_85 = arith.constant 2500 : i32
        %lt3A_86 = arith.cmpi slt, %add3A_84, %lt3A_85 : i32
        %convert_element_type3A_87 = arith.extui %lt3A_86 : i1 to i32
        %cond3A_88 = arith.constant 0 : i32
        %cond3A_89 = arith.cmpi ne, %convert_element_type3A_87, %cond3A_88 : i32
        scf.if %cond3A_89 {
          %dma_start3A = arith.constant 4 : i32
          %dma_start3A_167 = arith.constant 0 : i32
          %dma_start3A_168 = tpu.memref_slice %arg6[%dma_start3A, %dma_start3A_167] : memref<8x128xi32, #tpu.memory_space<vmem>> -> memref<1x128xi32, #tpu.memory_space<vmem>>
          %dma_start3A_169 = tpu.memref_squeeze %dma_start3A_168 : memref<1x128xi32, #tpu.memory_space<vmem>> -> memref<128xi32, #tpu.memory_space<vmem>>
          %dma_start3A_170 = arith.constant 0 : i32
          %dma_start3A_171 = tpu.memref_slice %arg11[%dma_start3A_170] : memref<10000xf32, #tpu.memory_space<vmem_shared>> -> memref<10000xf32, #tpu.memory_space<vmem_shared>>
          tpu.enqueue_indirect_dma source(%arg8 : memref<128xf32, #tpu.memory_space<vmem>>) target(%dma_start3A_171 : memref<10000xf32, #tpu.memory_space<vmem_shared>>) offsets(%dma_start3A_169 : memref<128xi32, #tpu.memory_space<vmem>>) semaphore(%arg13 : memref<!tpu.dma_semaphore, #tpu.memory_space<semaphore_mem>>) {add = true}
          %dma_start3A_172 = arith.constant 4 : i32
          %dma_start3A_173 = arith.constant 0 : i32
          %dma_start3A_174 = tpu.memref_slice %arg7[%dma_start3A_172, %dma_start3A_173] : memref<8x128xi32, #tpu.memory_space<vmem>> -> memref<1x128xi32, #tpu.memory_space<vmem>>
          %dma_start3A_175 = tpu.memref_squeeze %dma_start3A_174 : memref<1x128xi32, #tpu.memory_space<vmem>> -> memref<128xi32, #tpu.memory_space<vmem>>
          %dma_start3A_176 = arith.constant 0 : i32
          %dma_start3A_177 = tpu.memref_slice %arg12[%dma_start3A_176] : memref<10000xf32, #tpu.memory_space<vmem_shared>> -> memref<10000xf32, #tpu.memory_space<vmem_shared>>
          tpu.enqueue_indirect_dma source(%arg8 : memref<128xf32, #tpu.memory_space<vmem>>) target(%dma_start3A_177 : memref<10000xf32, #tpu.memory_space<vmem_shared>>) offsets(%dma_start3A_175 : memref<128xi32, #tpu.memory_space<vmem>>) semaphore(%arg13 : memref<!tpu.dma_semaphore, #tpu.memory_space<semaphore_mem>>) {add = true}
        } else {
        }
        %add3A_90 = arith.constant 5 : i32
        %add3A_91 = arith.addi %mul3A_45, %add3A_90 : i32
        %lt3A_92 = arith.constant 2500 : i32
        %lt3A_93 = arith.cmpi slt, %add3A_91, %lt3A_92 : i32
        %convert_element_type3A_94 = arith.extui %lt3A_93 : i1 to i32
        %cond3A_95 = arith.constant 0 : i32
        %cond3A_96 = arith.cmpi ne, %convert_element_type3A_94, %cond3A_95 : i32
        scf.if %cond3A_96 {
          %dma_start3A = arith.constant 5 : i32
          %dma_start3A_167 = arith.constant 0 : i32
          %dma_start3A_168 = tpu.memref_slice %arg6[%dma_start3A, %dma_start3A_167] : memref<8x128xi32, #tpu.memory_space<vmem>> -> memref<1x128xi32, #tpu.memory_space<vmem>>
          %dma_start3A_169 = tpu.memref_squeeze %dma_start3A_168 : memref<1x128xi32, #tpu.memory_space<vmem>> -> memref<128xi32, #tpu.memory_space<vmem>>
          %dma_start3A_170 = arith.constant 0 : i32
          %dma_start3A_171 = tpu.memref_slice %arg11[%dma_start3A_170] : memref<10000xf32, #tpu.memory_space<vmem_shared>> -> memref<10000xf32, #tpu.memory_space<vmem_shared>>
          tpu.enqueue_indirect_dma source(%arg8 : memref<128xf32, #tpu.memory_space<vmem>>) target(%dma_start3A_171 : memref<10000xf32, #tpu.memory_space<vmem_shared>>) offsets(%dma_start3A_169 : memref<128xi32, #tpu.memory_space<vmem>>) semaphore(%arg13 : memref<!tpu.dma_semaphore, #tpu.memory_space<semaphore_mem>>) {add = true}
          %dma_start3A_172 = arith.constant 5 : i32
          %dma_start3A_173 = arith.constant 0 : i32
          %dma_start3A_174 = tpu.memref_slice %arg7[%dma_start3A_172, %dma_start3A_173] : memref<8x128xi32, #tpu.memory_space<vmem>> -> memref<1x128xi32, #tpu.memory_space<vmem>>
          %dma_start3A_175 = tpu.memref_squeeze %dma_start3A_174 : memref<1x128xi32, #tpu.memory_space<vmem>> -> memref<128xi32, #tpu.memory_space<vmem>>
          %dma_start3A_176 = arith.constant 0 : i32
          %dma_start3A_177 = tpu.memref_slice %arg12[%dma_start3A_176] : memref<10000xf32, #tpu.memory_space<vmem_shared>> -> memref<10000xf32, #tpu.memory_space<vmem_shared>>
          tpu.enqueue_indirect_dma source(%arg8 : memref<128xf32, #tpu.memory_space<vmem>>) target(%dma_start3A_177 : memref<10000xf32, #tpu.memory_space<vmem_shared>>) offsets(%dma_start3A_175 : memref<128xi32, #tpu.memory_space<vmem>>) semaphore(%arg13 : memref<!tpu.dma_semaphore, #tpu.memory_space<semaphore_mem>>) {add = true}
        } else {
        }
        %add3A_97 = arith.constant 6 : i32
        %add3A_98 = arith.addi %mul3A_45, %add3A_97 : i32
        %lt3A_99 = arith.constant 2500 : i32
        %lt3A_100 = arith.cmpi slt, %add3A_98, %lt3A_99 : i32
        %convert_element_type3A_101 = arith.extui %lt3A_100 : i1 to i32
        %cond3A_102 = arith.constant 0 : i32
        %cond3A_103 = arith.cmpi ne, %convert_element_type3A_101, %cond3A_102 : i32
        scf.if %cond3A_103 {
          %dma_start3A = arith.constant 6 : i32
          %dma_start3A_167 = arith.constant 0 : i32
          %dma_start3A_168 = tpu.memref_slice %arg6[%dma_start3A, %dma_start3A_167] : memref<8x128xi32, #tpu.memory_space<vmem>> -> memref<1x128xi32, #tpu.memory_space<vmem>>
          %dma_start3A_169 = tpu.memref_squeeze %dma_start3A_168 : memref<1x128xi32, #tpu.memory_space<vmem>> -> memref<128xi32, #tpu.memory_space<vmem>>
          %dma_start3A_170 = arith.constant 0 : i32
          %dma_start3A_171 = tpu.memref_slice %arg11[%dma_start3A_170] : memref<10000xf32, #tpu.memory_space<vmem_shared>> -> memref<10000xf32, #tpu.memory_space<vmem_shared>>
          tpu.enqueue_indirect_dma source(%arg8 : memref<128xf32, #tpu.memory_space<vmem>>) target(%dma_start3A_171 : memref<10000xf32, #tpu.memory_space<vmem_shared>>) offsets(%dma_start3A_169 : memref<128xi32, #tpu.memory_space<vmem>>) semaphore(%arg13 : memref<!tpu.dma_semaphore, #tpu.memory_space<semaphore_mem>>) {add = true}
          %dma_start3A_172 = arith.constant 6 : i32
          %dma_start3A_173 = arith.constant 0 : i32
          %dma_start3A_174 = tpu.memref_slice %arg7[%dma_start3A_172, %dma_start3A_173] : memref<8x128xi32, #tpu.memory_space<vmem>> -> memref<1x128xi32, #tpu.memory_space<vmem>>
          %dma_start3A_175 = tpu.memref_squeeze %dma_start3A_174 : memref<1x128xi32, #tpu.memory_space<vmem>> -> memref<128xi32, #tpu.memory_space<vmem>>
          %dma_start3A_176 = arith.constant 0 : i32
          %dma_start3A_177 = tpu.memref_slice %arg12[%dma_start3A_176] : memref<10000xf32, #tpu.memory_space<vmem_shared>> -> memref<10000xf32, #tpu.memory_space<vmem_shared>>
          tpu.enqueue_indirect_dma source(%arg8 : memref<128xf32, #tpu.memory_space<vmem>>) target(%dma_start3A_177 : memref<10000xf32, #tpu.memory_space<vmem_shared>>) offsets(%dma_start3A_175 : memref<128xi32, #tpu.memory_space<vmem>>) semaphore(%arg13 : memref<!tpu.dma_semaphore, #tpu.memory_space<semaphore_mem>>) {add = true}
        } else {
        }
        %add3A_104 = arith.constant 7 : i32
        %add3A_105 = arith.addi %mul3A_45, %add3A_104 : i32
        %lt3A_106 = arith.constant 2500 : i32
        %lt3A_107 = arith.cmpi slt, %add3A_105, %lt3A_106 : i32
        %convert_element_type3A_108 = arith.extui %lt3A_107 : i1 to i32
        %cond3A_109 = arith.constant 0 : i32
        %cond3A_110 = arith.cmpi ne, %convert_element_type3A_108, %cond3A_109 : i32
        scf.if %cond3A_110 {
          %dma_start3A = arith.constant 7 : i32
          %dma_start3A_167 = arith.constant 0 : i32
          %dma_start3A_168 = tpu.memref_slice %arg6[%dma_start3A, %dma_start3A_167] : memref<8x128xi32, #tpu.memory_space<vmem>> -> memref<1x128xi32, #tpu.memory_space<vmem>>
          %dma_start3A_169 = tpu.memref_squeeze %dma_start3A_168 : memref<1x128xi32, #tpu.memory_space<vmem>> -> memref<128xi32, #tpu.memory_space<vmem>>
          %dma_start3A_170 = arith.constant 0 : i32
          %dma_start3A_171 = tpu.memref_slice %arg11[%dma_start3A_170] : memref<10000xf32, #tpu.memory_space<vmem_shared>> -> memref<10000xf32, #tpu.memory_space<vmem_shared>>
          tpu.enqueue_indirect_dma source(%arg8 : memref<128xf32, #tpu.memory_space<vmem>>) target(%dma_start3A_171 : memref<10000xf32, #tpu.memory_space<vmem_shared>>) offsets(%dma_start3A_169 : memref<128xi32, #tpu.memory_space<vmem>>) semaphore(%arg13 : memref<!tpu.dma_semaphore, #tpu.memory_space<semaphore_mem>>) {add = true}
          %dma_start3A_172 = arith.constant 7 : i32
          %dma_start3A_173 = arith.constant 0 : i32
          %dma_start3A_174 = tpu.memref_slice %arg7[%dma_start3A_172, %dma_start3A_173] : memref<8x128xi32, #tpu.memory_space<vmem>> -> memref<1x128xi32, #tpu.memory_space<vmem>>
          %dma_start3A_175 = tpu.memref_squeeze %dma_start3A_174 : memref<1x128xi32, #tpu.memory_space<vmem>> -> memref<128xi32, #tpu.memory_space<vmem>>
          %dma_start3A_176 = arith.constant 0 : i32
          %dma_start3A_177 = tpu.memref_slice %arg12[%dma_start3A_176] : memref<10000xf32, #tpu.memory_space<vmem_shared>> -> memref<10000xf32, #tpu.memory_space<vmem_shared>>
          tpu.enqueue_indirect_dma source(%arg8 : memref<128xf32, #tpu.memory_space<vmem>>) target(%dma_start3A_177 : memref<10000xf32, #tpu.memory_space<vmem_shared>>) offsets(%dma_start3A_175 : memref<128xi32, #tpu.memory_space<vmem>>) semaphore(%arg13 : memref<!tpu.dma_semaphore, #tpu.memory_space<semaphore_mem>>) {add = true}
        } else {
        }
        %add3A_111 = arith.constant 0 : i32
        %add3A_112 = arith.addi %mul3A_45, %add3A_111 : i32
        %lt3A_113 = arith.constant 2500 : i32
        %lt3A_114 = arith.cmpi slt, %add3A_112, %lt3A_113 : i32
        %convert_element_type3A_115 = arith.extui %lt3A_114 : i1 to i32
        %cond3A_116 = arith.constant 0 : i32
        %cond3A_117 = arith.cmpi ne, %convert_element_type3A_115, %cond3A_116 : i32
        scf.if %cond3A_117 {
          %dma_wait3A = arith.constant 0 : i32
          %dma_wait3A_167 = arith.constant 0 : i32
          %dma_wait3A_168 = tpu.memref_slice %arg6[%dma_wait3A, %dma_wait3A_167] : memref<8x128xi32, #tpu.memory_space<vmem>> -> memref<1x128xi32, #tpu.memory_space<vmem>>
          %dma_wait3A_169 = tpu.memref_squeeze %dma_wait3A_168 : memref<1x128xi32, #tpu.memory_space<vmem>> -> memref<128xi32, #tpu.memory_space<vmem>>
          %dma_wait3A_170 = arith.constant 0 : i32
          %dma_wait3A_171 = tpu.memref_slice %arg11[%dma_wait3A_170] : memref<10000xf32, #tpu.memory_space<vmem_shared>> -> memref<10000xf32, #tpu.memory_space<vmem_shared>>
          tpu.wait_indirect_dma semaphore(%arg13 : memref<!tpu.dma_semaphore, #tpu.memory_space<semaphore_mem>>) src(%arg8 : memref<128xf32, #tpu.memory_space<vmem>>) dst(%dma_wait3A_171 : memref<10000xf32, #tpu.memory_space<vmem_shared>>)
          %dma_wait3A_172 = arith.constant 0 : i32
          %dma_wait3A_173 = arith.constant 0 : i32
          %dma_wait3A_174 = tpu.memref_slice %arg7[%dma_wait3A_172, %dma_wait3A_173] : memref<8x128xi32, #tpu.memory_space<vmem>> -> memref<1x128xi32, #tpu.memory_space<vmem>>
          %dma_wait3A_175 = tpu.memref_squeeze %dma_wait3A_174 : memref<1x128xi32, #tpu.memory_space<vmem>> -> memref<128xi32, #tpu.memory_space<vmem>>
          %dma_wait3A_176 = arith.constant 0 : i32
          %dma_wait3A_177 = tpu.memref_slice %arg12[%dma_wait3A_176] : memref<10000xf32, #tpu.memory_space<vmem_shared>> -> memref<10000xf32, #tpu.memory_space<vmem_shared>>
          tpu.wait_indirect_dma semaphore(%arg13 : memref<!tpu.dma_semaphore, #tpu.memory_space<semaphore_mem>>) src(%arg8 : memref<128xf32, #tpu.memory_space<vmem>>) dst(%dma_wait3A_177 : memref<10000xf32, #tpu.memory_space<vmem_shared>>)
        } else {
        }
        %add3A_118 = arith.constant 1 : i32
        %add3A_119 = arith.addi %mul3A_45, %add3A_118 : i32
        %lt3A_120 = arith.constant 2500 : i32
        %lt3A_121 = arith.cmpi slt, %add3A_119, %lt3A_120 : i32
        %convert_element_type3A_122 = arith.extui %lt3A_121 : i1 to i32
        %cond3A_123 = arith.constant 0 : i32
        %cond3A_124 = arith.cmpi ne, %convert_element_type3A_122, %cond3A_123 : i32
        scf.if %cond3A_124 {
          %dma_wait3A = arith.constant 1 : i32
          %dma_wait3A_167 = arith.constant 0 : i32
          %dma_wait3A_168 = tpu.memref_slice %arg6[%dma_wait3A, %dma_wait3A_167] : memref<8x128xi32, #tpu.memory_space<vmem>> -> memref<1x128xi32, #tpu.memory_space<vmem>>
          %dma_wait3A_169 = tpu.memref_squeeze %dma_wait3A_168 : memref<1x128xi32, #tpu.memory_space<vmem>> -> memref<128xi32, #tpu.memory_space<vmem>>
          %dma_wait3A_170 = arith.constant 0 : i32
          %dma_wait3A_171 = tpu.memref_slice %arg11[%dma_wait3A_170] : memref<10000xf32, #tpu.memory_space<vmem_shared>> -> memref<10000xf32, #tpu.memory_space<vmem_shared>>
          tpu.wait_indirect_dma semaphore(%arg13 : memref<!tpu.dma_semaphore, #tpu.memory_space<semaphore_mem>>) src(%arg8 : memref<128xf32, #tpu.memory_space<vmem>>) dst(%dma_wait3A_171 : memref<10000xf32, #tpu.memory_space<vmem_shared>>)
          %dma_wait3A_172 = arith.constant 1 : i32
          %dma_wait3A_173 = arith.constant 0 : i32
          %dma_wait3A_174 = tpu.memref_slice %arg7[%dma_wait3A_172, %dma_wait3A_173] : memref<8x128xi32, #tpu.memory_space<vmem>> -> memref<1x128xi32, #tpu.memory_space<vmem>>
          %dma_wait3A_175 = tpu.memref_squeeze %dma_wait3A_174 : memref<1x128xi32, #tpu.memory_space<vmem>> -> memref<128xi32, #tpu.memory_space<vmem>>
          %dma_wait3A_176 = arith.constant 0 : i32
          %dma_wait3A_177 = tpu.memref_slice %arg12[%dma_wait3A_176] : memref<10000xf32, #tpu.memory_space<vmem_shared>> -> memref<10000xf32, #tpu.memory_space<vmem_shared>>
          tpu.wait_indirect_dma semaphore(%arg13 : memref<!tpu.dma_semaphore, #tpu.memory_space<semaphore_mem>>) src(%arg8 : memref<128xf32, #tpu.memory_space<vmem>>) dst(%dma_wait3A_177 : memref<10000xf32, #tpu.memory_space<vmem_shared>>)
        } else {
        }
        %add3A_125 = arith.constant 2 : i32
        %add3A_126 = arith.addi %mul3A_45, %add3A_125 : i32
        %lt3A_127 = arith.constant 2500 : i32
        %lt3A_128 = arith.cmpi slt, %add3A_126, %lt3A_127 : i32
        %convert_element_type3A_129 = arith.extui %lt3A_128 : i1 to i32
        %cond3A_130 = arith.constant 0 : i32
        %cond3A_131 = arith.cmpi ne, %convert_element_type3A_129, %cond3A_130 : i32
        scf.if %cond3A_131 {
          %dma_wait3A = arith.constant 2 : i32
          %dma_wait3A_167 = arith.constant 0 : i32
          %dma_wait3A_168 = tpu.memref_slice %arg6[%dma_wait3A, %dma_wait3A_167] : memref<8x128xi32, #tpu.memory_space<vmem>> -> memref<1x128xi32, #tpu.memory_space<vmem>>
          %dma_wait3A_169 = tpu.memref_squeeze %dma_wait3A_168 : memref<1x128xi32, #tpu.memory_space<vmem>> -> memref<128xi32, #tpu.memory_space<vmem>>
          %dma_wait3A_170 = arith.constant 0 : i32
          %dma_wait3A_171 = tpu.memref_slice %arg11[%dma_wait3A_170] : memref<10000xf32, #tpu.memory_space<vmem_shared>> -> memref<10000xf32, #tpu.memory_space<vmem_shared>>
          tpu.wait_indirect_dma semaphore(%arg13 : memref<!tpu.dma_semaphore, #tpu.memory_space<semaphore_mem>>) src(%arg8 : memref<128xf32, #tpu.memory_space<vmem>>) dst(%dma_wait3A_171 : memref<10000xf32, #tpu.memory_space<vmem_shared>>)
          %dma_wait3A_172 = arith.constant 2 : i32
          %dma_wait3A_173 = arith.constant 0 : i32
          %dma_wait3A_174 = tpu.memref_slice %arg7[%dma_wait3A_172, %dma_wait3A_173] : memref<8x128xi32, #tpu.memory_space<vmem>> -> memref<1x128xi32, #tpu.memory_space<vmem>>
          %dma_wait3A_175 = tpu.memref_squeeze %dma_wait3A_174 : memref<1x128xi32, #tpu.memory_space<vmem>> -> memref<128xi32, #tpu.memory_space<vmem>>
          %dma_wait3A_176 = arith.constant 0 : i32
          %dma_wait3A_177 = tpu.memref_slice %arg12[%dma_wait3A_176] : memref<10000xf32, #tpu.memory_space<vmem_shared>> -> memref<10000xf32, #tpu.memory_space<vmem_shared>>
          tpu.wait_indirect_dma semaphore(%arg13 : memref<!tpu.dma_semaphore, #tpu.memory_space<semaphore_mem>>) src(%arg8 : memref<128xf32, #tpu.memory_space<vmem>>) dst(%dma_wait3A_177 : memref<10000xf32, #tpu.memory_space<vmem_shared>>)
        } else {
        }
        %add3A_132 = arith.constant 3 : i32
        %add3A_133 = arith.addi %mul3A_45, %add3A_132 : i32
        %lt3A_134 = arith.constant 2500 : i32
        %lt3A_135 = arith.cmpi slt, %add3A_133, %lt3A_134 : i32
        %convert_element_type3A_136 = arith.extui %lt3A_135 : i1 to i32
        %cond3A_137 = arith.constant 0 : i32
        %cond3A_138 = arith.cmpi ne, %convert_element_type3A_136, %cond3A_137 : i32
        scf.if %cond3A_138 {
          %dma_wait3A = arith.constant 3 : i32
          %dma_wait3A_167 = arith.constant 0 : i32
          %dma_wait3A_168 = tpu.memref_slice %arg6[%dma_wait3A, %dma_wait3A_167] : memref<8x128xi32, #tpu.memory_space<vmem>> -> memref<1x128xi32, #tpu.memory_space<vmem>>
          %dma_wait3A_169 = tpu.memref_squeeze %dma_wait3A_168 : memref<1x128xi32, #tpu.memory_space<vmem>> -> memref<128xi32, #tpu.memory_space<vmem>>
          %dma_wait3A_170 = arith.constant 0 : i32
          %dma_wait3A_171 = tpu.memref_slice %arg11[%dma_wait3A_170] : memref<10000xf32, #tpu.memory_space<vmem_shared>> -> memref<10000xf32, #tpu.memory_space<vmem_shared>>
          tpu.wait_indirect_dma semaphore(%arg13 : memref<!tpu.dma_semaphore, #tpu.memory_space<semaphore_mem>>) src(%arg8 : memref<128xf32, #tpu.memory_space<vmem>>) dst(%dma_wait3A_171 : memref<10000xf32, #tpu.memory_space<vmem_shared>>)
          %dma_wait3A_172 = arith.constant 3 : i32
          %dma_wait3A_173 = arith.constant 0 : i32
          %dma_wait3A_174 = tpu.memref_slice %arg7[%dma_wait3A_172, %dma_wait3A_173] : memref<8x128xi32, #tpu.memory_space<vmem>> -> memref<1x128xi32, #tpu.memory_space<vmem>>
          %dma_wait3A_175 = tpu.memref_squeeze %dma_wait3A_174 : memref<1x128xi32, #tpu.memory_space<vmem>> -> memref<128xi32, #tpu.memory_space<vmem>>
          %dma_wait3A_176 = arith.constant 0 : i32
          %dma_wait3A_177 = tpu.memref_slice %arg12[%dma_wait3A_176] : memref<10000xf32, #tpu.memory_space<vmem_shared>> -> memref<10000xf32, #tpu.memory_space<vmem_shared>>
          tpu.wait_indirect_dma semaphore(%arg13 : memref<!tpu.dma_semaphore, #tpu.memory_space<semaphore_mem>>) src(%arg8 : memref<128xf32, #tpu.memory_space<vmem>>) dst(%dma_wait3A_177 : memref<10000xf32, #tpu.memory_space<vmem_shared>>)
        } else {
        }
        %add3A_139 = arith.constant 4 : i32
        %add3A_140 = arith.addi %mul3A_45, %add3A_139 : i32
        %lt3A_141 = arith.constant 2500 : i32
        %lt3A_142 = arith.cmpi slt, %add3A_140, %lt3A_141 : i32
        %convert_element_type3A_143 = arith.extui %lt3A_142 : i1 to i32
        %cond3A_144 = arith.constant 0 : i32
        %cond3A_145 = arith.cmpi ne, %convert_element_type3A_143, %cond3A_144 : i32
        scf.if %cond3A_145 {
          %dma_wait3A = arith.constant 4 : i32
          %dma_wait3A_167 = arith.constant 0 : i32
          %dma_wait3A_168 = tpu.memref_slice %arg6[%dma_wait3A, %dma_wait3A_167] : memref<8x128xi32, #tpu.memory_space<vmem>> -> memref<1x128xi32, #tpu.memory_space<vmem>>
          %dma_wait3A_169 = tpu.memref_squeeze %dma_wait3A_168 : memref<1x128xi32, #tpu.memory_space<vmem>> -> memref<128xi32, #tpu.memory_space<vmem>>
          %dma_wait3A_170 = arith.constant 0 : i32
          %dma_wait3A_171 = tpu.memref_slice %arg11[%dma_wait3A_170] : memref<10000xf32, #tpu.memory_space<vmem_shared>> -> memref<10000xf32, #tpu.memory_space<vmem_shared>>
          tpu.wait_indirect_dma semaphore(%arg13 : memref<!tpu.dma_semaphore, #tpu.memory_space<semaphore_mem>>) src(%arg8 : memref<128xf32, #tpu.memory_space<vmem>>) dst(%dma_wait3A_171 : memref<10000xf32, #tpu.memory_space<vmem_shared>>)
          %dma_wait3A_172 = arith.constant 4 : i32
          %dma_wait3A_173 = arith.constant 0 : i32
          %dma_wait3A_174 = tpu.memref_slice %arg7[%dma_wait3A_172, %dma_wait3A_173] : memref<8x128xi32, #tpu.memory_space<vmem>> -> memref<1x128xi32, #tpu.memory_space<vmem>>
          %dma_wait3A_175 = tpu.memref_squeeze %dma_wait3A_174 : memref<1x128xi32, #tpu.memory_space<vmem>> -> memref<128xi32, #tpu.memory_space<vmem>>
          %dma_wait3A_176 = arith.constant 0 : i32
          %dma_wait3A_177 = tpu.memref_slice %arg12[%dma_wait3A_176] : memref<10000xf32, #tpu.memory_space<vmem_shared>> -> memref<10000xf32, #tpu.memory_space<vmem_shared>>
          tpu.wait_indirect_dma semaphore(%arg13 : memref<!tpu.dma_semaphore, #tpu.memory_space<semaphore_mem>>) src(%arg8 : memref<128xf32, #tpu.memory_space<vmem>>) dst(%dma_wait3A_177 : memref<10000xf32, #tpu.memory_space<vmem_shared>>)
        } else {
        }
        %add3A_146 = arith.constant 5 : i32
        %add3A_147 = arith.addi %mul3A_45, %add3A_146 : i32
        %lt3A_148 = arith.constant 2500 : i32
        %lt3A_149 = arith.cmpi slt, %add3A_147, %lt3A_148 : i32
        %convert_element_type3A_150 = arith.extui %lt3A_149 : i1 to i32
        %cond3A_151 = arith.constant 0 : i32
        %cond3A_152 = arith.cmpi ne, %convert_element_type3A_150, %cond3A_151 : i32
        scf.if %cond3A_152 {
          %dma_wait3A = arith.constant 5 : i32
          %dma_wait3A_167 = arith.constant 0 : i32
          %dma_wait3A_168 = tpu.memref_slice %arg6[%dma_wait3A, %dma_wait3A_167] : memref<8x128xi32, #tpu.memory_space<vmem>> -> memref<1x128xi32, #tpu.memory_space<vmem>>
          %dma_wait3A_169 = tpu.memref_squeeze %dma_wait3A_168 : memref<1x128xi32, #tpu.memory_space<vmem>> -> memref<128xi32, #tpu.memory_space<vmem>>
          %dma_wait3A_170 = arith.constant 0 : i32
          %dma_wait3A_171 = tpu.memref_slice %arg11[%dma_wait3A_170] : memref<10000xf32, #tpu.memory_space<vmem_shared>> -> memref<10000xf32, #tpu.memory_space<vmem_shared>>
          tpu.wait_indirect_dma semaphore(%arg13 : memref<!tpu.dma_semaphore, #tpu.memory_space<semaphore_mem>>) src(%arg8 : memref<128xf32, #tpu.memory_space<vmem>>) dst(%dma_wait3A_171 : memref<10000xf32, #tpu.memory_space<vmem_shared>>)
          %dma_wait3A_172 = arith.constant 5 : i32
          %dma_wait3A_173 = arith.constant 0 : i32
          %dma_wait3A_174 = tpu.memref_slice %arg7[%dma_wait3A_172, %dma_wait3A_173] : memref<8x128xi32, #tpu.memory_space<vmem>> -> memref<1x128xi32, #tpu.memory_space<vmem>>
          %dma_wait3A_175 = tpu.memref_squeeze %dma_wait3A_174 : memref<1x128xi32, #tpu.memory_space<vmem>> -> memref<128xi32, #tpu.memory_space<vmem>>
          %dma_wait3A_176 = arith.constant 0 : i32
          %dma_wait3A_177 = tpu.memref_slice %arg12[%dma_wait3A_176] : memref<10000xf32, #tpu.memory_space<vmem_shared>> -> memref<10000xf32, #tpu.memory_space<vmem_shared>>
          tpu.wait_indirect_dma semaphore(%arg13 : memref<!tpu.dma_semaphore, #tpu.memory_space<semaphore_mem>>) src(%arg8 : memref<128xf32, #tpu.memory_space<vmem>>) dst(%dma_wait3A_177 : memref<10000xf32, #tpu.memory_space<vmem_shared>>)
        } else {
        }
        %add3A_153 = arith.constant 6 : i32
        %add3A_154 = arith.addi %mul3A_45, %add3A_153 : i32
        %lt3A_155 = arith.constant 2500 : i32
        %lt3A_156 = arith.cmpi slt, %add3A_154, %lt3A_155 : i32
        %convert_element_type3A_157 = arith.extui %lt3A_156 : i1 to i32
        %cond3A_158 = arith.constant 0 : i32
        %cond3A_159 = arith.cmpi ne, %convert_element_type3A_157, %cond3A_158 : i32
        scf.if %cond3A_159 {
          %dma_wait3A = arith.constant 6 : i32
          %dma_wait3A_167 = arith.constant 0 : i32
          %dma_wait3A_168 = tpu.memref_slice %arg6[%dma_wait3A, %dma_wait3A_167] : memref<8x128xi32, #tpu.memory_space<vmem>> -> memref<1x128xi32, #tpu.memory_space<vmem>>
          %dma_wait3A_169 = tpu.memref_squeeze %dma_wait3A_168 : memref<1x128xi32, #tpu.memory_space<vmem>> -> memref<128xi32, #tpu.memory_space<vmem>>
          %dma_wait3A_170 = arith.constant 0 : i32
          %dma_wait3A_171 = tpu.memref_slice %arg11[%dma_wait3A_170] : memref<10000xf32, #tpu.memory_space<vmem_shared>> -> memref<10000xf32, #tpu.memory_space<vmem_shared>>
          tpu.wait_indirect_dma semaphore(%arg13 : memref<!tpu.dma_semaphore, #tpu.memory_space<semaphore_mem>>) src(%arg8 : memref<128xf32, #tpu.memory_space<vmem>>) dst(%dma_wait3A_171 : memref<10000xf32, #tpu.memory_space<vmem_shared>>)
          %dma_wait3A_172 = arith.constant 6 : i32
          %dma_wait3A_173 = arith.constant 0 : i32
          %dma_wait3A_174 = tpu.memref_slice %arg7[%dma_wait3A_172, %dma_wait3A_173] : memref<8x128xi32, #tpu.memory_space<vmem>> -> memref<1x128xi32, #tpu.memory_space<vmem>>
          %dma_wait3A_175 = tpu.memref_squeeze %dma_wait3A_174 : memref<1x128xi32, #tpu.memory_space<vmem>> -> memref<128xi32, #tpu.memory_space<vmem>>
          %dma_wait3A_176 = arith.constant 0 : i32
          %dma_wait3A_177 = tpu.memref_slice %arg12[%dma_wait3A_176] : memref<10000xf32, #tpu.memory_space<vmem_shared>> -> memref<10000xf32, #tpu.memory_space<vmem_shared>>
          tpu.wait_indirect_dma semaphore(%arg13 : memref<!tpu.dma_semaphore, #tpu.memory_space<semaphore_mem>>) src(%arg8 : memref<128xf32, #tpu.memory_space<vmem>>) dst(%dma_wait3A_177 : memref<10000xf32, #tpu.memory_space<vmem_shared>>)
        } else {
        }
        %add3A_160 = arith.constant 7 : i32
        %add3A_161 = arith.addi %mul3A_45, %add3A_160 : i32
        %lt3A_162 = arith.constant 2500 : i32
        %lt3A_163 = arith.cmpi slt, %add3A_161, %lt3A_162 : i32
        %convert_element_type3A_164 = arith.extui %lt3A_163 : i1 to i32
        %cond3A_165 = arith.constant 0 : i32
        %cond3A_166 = arith.cmpi ne, %convert_element_type3A_164, %cond3A_165 : i32
        scf.if %cond3A_166 {
          %dma_wait3A = arith.constant 7 : i32
          %dma_wait3A_167 = arith.constant 0 : i32
          %dma_wait3A_168 = tpu.memref_slice %arg6[%dma_wait3A, %dma_wait3A_167] : memref<8x128xi32, #tpu.memory_space<vmem>> -> memref<1x128xi32, #tpu.memory_space<vmem>>
          %dma_wait3A_169 = tpu.memref_squeeze %dma_wait3A_168 : memref<1x128xi32, #tpu.memory_space<vmem>> -> memref<128xi32, #tpu.memory_space<vmem>>
          %dma_wait3A_170 = arith.constant 0 : i32
          %dma_wait3A_171 = tpu.memref_slice %arg11[%dma_wait3A_170] : memref<10000xf32, #tpu.memory_space<vmem_shared>> -> memref<10000xf32, #tpu.memory_space<vmem_shared>>
          tpu.wait_indirect_dma semaphore(%arg13 : memref<!tpu.dma_semaphore, #tpu.memory_space<semaphore_mem>>) src(%arg8 : memref<128xf32, #tpu.memory_space<vmem>>) dst(%dma_wait3A_171 : memref<10000xf32, #tpu.memory_space<vmem_shared>>)
          %dma_wait3A_172 = arith.constant 7 : i32
          %dma_wait3A_173 = arith.constant 0 : i32
          %dma_wait3A_174 = tpu.memref_slice %arg7[%dma_wait3A_172, %dma_wait3A_173] : memref<8x128xi32, #tpu.memory_space<vmem>> -> memref<1x128xi32, #tpu.memory_space<vmem>>
          %dma_wait3A_175 = tpu.memref_squeeze %dma_wait3A_174 : memref<1x128xi32, #tpu.memory_space<vmem>> -> memref<128xi32, #tpu.memory_space<vmem>>
          %dma_wait3A_176 = arith.constant 0 : i32
          %dma_wait3A_177 = tpu.memref_slice %arg12[%dma_wait3A_176] : memref<10000xf32, #tpu.memory_space<vmem_shared>> -> memref<10000xf32, #tpu.memory_space<vmem_shared>>
          tpu.wait_indirect_dma semaphore(%arg13 : memref<!tpu.dma_semaphore, #tpu.memory_space<semaphore_mem>>) src(%arg8 : memref<128xf32, #tpu.memory_space<vmem>>) dst(%dma_wait3A_177 : memref<10000xf32, #tpu.memory_space<vmem_shared>>)
        } else {
        }
      } else {
      }
      %scan3A_50 = arith.constant 0 : i32
      scf.yield %scan3A_50 : i32
    }
    %scan3A_27 = arith.constant 10 : i32
    %barrier3A_28 = arith.constant 0 : index
    tpu.barrier barrier_id(%barrier3A_28)
    %eq3A_29 = arith.constant 0 : i32
    %eq3A_30 = arith.cmpi eq, %arg1, %eq3A_29 : i32
    %convert_element_type3A_31 = arith.extui %eq3A_30 : i1 to i32
    %cond3A_32 = arith.constant 0 : i32
    %cond3A_33 = arith.cmpi ne, %convert_element_type3A_31, %cond3A_32 : i32
    scf.if %cond3A_33 {
      "tpu.region"() ({
        %run_scoped3A = tpu.sem_alloc : memref<!tpu.dma_semaphore, #tpu.memory_space<semaphore_mem>>
        tpu.enqueue_dma source(%arg11 : memref<10000xf32, #tpu.memory_space<vmem_shared>>) target(%arg10 : memref<10000xf32, #tpu.memory_space<vmem>>) target_semaphore(%run_scoped3A : memref<!tpu.dma_semaphore, #tpu.memory_space<semaphore_mem>>)
        tpu.wait_dma2 semaphore(%run_scoped3A : memref<!tpu.dma_semaphore, #tpu.memory_space<semaphore_mem>>) src(%arg11 : memref<10000xf32, #tpu.memory_space<vmem_shared>>) dst(%arg10 : memref<10000xf32, #tpu.memory_space<vmem>>)
        tpu.yield
      }) : () -> ()
      %mul3A_39 = arith.constant 10000 : i32
      %mul3A_40 = arith.muli %arg0, %mul3A_39 : i32
      "tpu.region"() ({
        %run_scoped3A = tpu.sem_alloc : memref<!tpu.dma_semaphore, #tpu.memory_space<semaphore_mem>>
        %dma_start3A = tpu.memref_slice %arg4[%mul3A_40] : memref<20000xf32, #tpu.memory_space<hbm>> -> memref<10000xf32, #tpu.memory_space<hbm>>
        %dma_start3A_41 = tpu.memref_slice %arg4[%mul3A_40] : memref<20000xf32, #tpu.memory_space<hbm>> -> memref<10000xf32, #tpu.memory_space<hbm>>
        tpu.enqueue_dma source(%arg10 : memref<10000xf32, #tpu.memory_space<vmem>>) target(%dma_start3A_41 : memref<10000xf32, #tpu.memory_space<hbm>>) target_semaphore(%run_scoped3A : memref<!tpu.dma_semaphore, #tpu.memory_space<semaphore_mem>>)
        %dma_wait3A = tpu.memref_slice %arg4[%mul3A_40] : memref<20000xf32, #tpu.memory_space<hbm>> -> memref<10000xf32, #tpu.memory_space<hbm>>
        %dma_wait3A_42 = tpu.memref_slice %arg4[%mul3A_40] : memref<20000xf32, #tpu.memory_space<hbm>> -> memref<10000xf32, #tpu.memory_space<hbm>>
        tpu.wait_dma2 semaphore(%run_scoped3A : memref<!tpu.dma_semaphore, #tpu.memory_space<semaphore_mem>>) src(%arg10 : memref<10000xf32, #tpu.memory_space<vmem>>) dst(%dma_wait3A_42 : memref<10000xf32, #tpu.memory_space<hbm>>)
        tpu.yield
      }) : () -> ()
    } else {
    }
    %eq3A_34 = arith.constant 1 : i32
    %eq3A_35 = arith.cmpi eq, %arg1, %eq3A_34 : i32
    %convert_element_type3A_36 = arith.extui %eq3A_35 : i1 to i32
    %cond3A_37 = arith.constant 0 : i32
    %cond3A_38 = arith.cmpi ne, %convert_element_type3A_36, %cond3A_37 : i32
    scf.if %cond3A_38 {
      "tpu.region"() ({
        %run_scoped3A = tpu.sem_alloc : memref<!tpu.dma_semaphore, #tpu.memory_space<semaphore_mem>>
        tpu.enqueue_dma source(%arg12 : memref<10000xf32, #tpu.memory_space<vmem_shared>>) target(%arg10 : memref<10000xf32, #tpu.memory_space<vmem>>) target_semaphore(%run_scoped3A : memref<!tpu.dma_semaphore, #tpu.memory_space<semaphore_mem>>)
        tpu.wait_dma2 semaphore(%run_scoped3A : memref<!tpu.dma_semaphore, #tpu.memory_space<semaphore_mem>>) src(%arg12 : memref<10000xf32, #tpu.memory_space<vmem_shared>>) dst(%arg10 : memref<10000xf32, #tpu.memory_space<vmem>>)
        tpu.yield
      }) : () -> ()
      %mul3A_39 = arith.constant 10000 : i32
      %mul3A_40 = arith.muli %arg0, %mul3A_39 : i32
      "tpu.region"() ({
        %run_scoped3A = tpu.sem_alloc : memref<!tpu.dma_semaphore, #tpu.memory_space<semaphore_mem>>
        %dma_start3A = tpu.memref_slice %arg5[%mul3A_40] : memref<20000xf32, #tpu.memory_space<hbm>> -> memref<10000xf32, #tpu.memory_space<hbm>>
        %dma_start3A_41 = tpu.memref_slice %arg5[%mul3A_40] : memref<20000xf32, #tpu.memory_space<hbm>> -> memref<10000xf32, #tpu.memory_space<hbm>>
        tpu.enqueue_dma source(%arg10 : memref<10000xf32, #tpu.memory_space<vmem>>) target(%dma_start3A_41 : memref<10000xf32, #tpu.memory_space<hbm>>) target_semaphore(%run_scoped3A : memref<!tpu.dma_semaphore, #tpu.memory_space<semaphore_mem>>)
        %dma_wait3A = tpu.memref_slice %arg5[%mul3A_40] : memref<20000xf32, #tpu.memory_space<hbm>> -> memref<10000xf32, #tpu.memory_space<hbm>>
        %dma_wait3A_42 = tpu.memref_slice %arg5[%mul3A_40] : memref<20000xf32, #tpu.memory_space<hbm>> -> memref<10000xf32, #tpu.memory_space<hbm>>
        tpu.wait_dma2 semaphore(%run_scoped3A : memref<!tpu.dma_semaphore, #tpu.memory_space<semaphore_mem>>) src(%arg10 : memref<10000xf32, #tpu.memory_space<vmem>>) dst(%dma_wait3A_42 : memref<10000xf32, #tpu.memory_space<hbm>>)
        tpu.yield
      }) : () -> ()
    } else {
    }
    return
  }
}

#map = affine_map<(d0, d1) -> (0, 0)>
module attributes {stable_mosaic.version = 14 : i64} {
  func.func @_conv_sc(%arg0: i32, %arg1: i32, %arg2: memref<2504x128xi32, #tpu.memory_space<hbm>>, %arg3: memref<2504x128xi32, #tpu.memory_space<hbm>>, %arg4: memref<10000x128xf32, #tpu.memory_space<hbm>>, %arg5: memref<20000x128xf32, #tpu.memory_space<hbm>>, %arg6: memref<8x128xi32, #tpu.memory_space<vmem>>, %arg7: memref<8x128xi32, #tpu.memory_space<vmem>>, %arg8: memref<128x128xf32, #tpu.memory_space<vmem>>, %arg9: memref<128x128xf32, #tpu.memory_space<vmem>>, %arg10: memref<10000x128xf32, #tpu.memory_space<vmem_shared>>, %arg11: memref<!tpu.dma_semaphore, #tpu.memory_space<semaphore_mem>>, %arg12: memref<!tpu.dma_semaphore, #tpu.memory_space<semaphore_mem>>) attributes {dimension_semantics = [#tpu.dimension_semantics<core_parallel>, #tpu.dimension_semantics<subcore_parallel>], iteration_bounds = array<i64: 2, 16>, scalar_prefetch = 0 : i64, scratch_operands = 7 : i64, tpu.core_type = #tpu.core_type<sc_vector_subcore>, window_params = [{transform_indices = #map}, {transform_indices = #map}, {transform_indices = #map}, {transform_indices = #map}]} {
    %mul3A = arith.constant 2 : i32
    %mul3A_0 = arith.muli %arg1, %mul3A : i32
    %add3A = arith.addi %mul3A_0, %arg0 : i32
    %scan3A = arith.constant 0 : i32
    %scan3A_1 = arith.constant 0 : i32
    %scan3A_2 = arith.constant 1024 : i32
    %scan3A_3 = arith.addi %scan3A_1, %scan3A_2 : i32
    %scan3A_4 = arith.constant 1 : i32
    %scan3A_5 = scf.for %scan3A_69 = %scan3A_1 to %scan3A_3 step %scan3A_4 iter_args(%scan3A_70 = %scan3A) -> (i32)  : i32 {
      %jit3A = arith.constant 8 : i32
      %div3A = arith.divsi %scan3A_69, %jit3A : i32
      %sign3A = arith.constant 0 : i32
      %sign3A_71 = arith.cmpi sgt, %scan3A_69, %sign3A : i32
      %sign3A_72 = arith.extui %sign3A_71 : i1 to i32
      %sign3A_73 = arith.constant 0 : i32
      %sign3A_74 = arith.cmpi slt, %scan3A_69, %sign3A_73 : i32
      %sign3A_75 = arith.extui %sign3A_74 : i1 to i32
      %sign3A_76 = arith.subi %sign3A_72, %sign3A_75 : i32
      %sign3A_77 = arith.constant 0 : i32
      %sign3A_78 = arith.cmpi sgt, %jit3A, %sign3A_77 : i32
      %sign3A_79 = arith.extui %sign3A_78 : i1 to i32
      %sign3A_80 = arith.constant 0 : i32
      %sign3A_81 = arith.cmpi slt, %jit3A, %sign3A_80 : i32
      %sign3A_82 = arith.extui %sign3A_81 : i1 to i32
      %sign3A_83 = arith.subi %sign3A_79, %sign3A_82 : i32
      %ne3A = arith.cmpi ne, %sign3A_76, %sign3A_83 : i32
      %rem3A = arith.remsi %scan3A_69, %jit3A : i32
      %ne3A_84 = arith.constant 0 : i32
      %ne3A_85 = arith.cmpi ne, %rem3A, %ne3A_84 : i32
      %and3A = arith.andi %ne3A, %ne3A_85 : i1
      %sub3A = arith.constant 1 : i32
      %sub3A_86 = arith.subi %div3A, %sub3A : i32
      %select_n3A = arith.select %and3A, %sub3A_86, %div3A : i32
      %jit3A_87 = arith.constant 8 : i32
      %eq3A_88 = arith.constant 0 : i32
      %eq3A_89 = arith.cmpi eq, %jit3A_87, %eq3A_88 : i32
      %jit3A_90 = arith.constant 1 : i32
      %select_n3A_91 = arith.select %eq3A_89, %jit3A_90, %jit3A_87 : i32
      %rem3A_92 = arith.remsi %scan3A_69, %select_n3A_91 : i32
      %ne3A_93 = arith.constant 0 : i32
      %ne3A_94 = arith.cmpi ne, %rem3A_92, %ne3A_93 : i32
      %lt3A = arith.constant 0 : i32
      %lt3A_95 = arith.cmpi slt, %rem3A_92, %lt3A : i32
      %lt3A_96 = arith.constant 0 : i32
      %lt3A_97 = arith.cmpi slt, %select_n3A_91, %lt3A_96 : i32
      %ne3A_98 = arith.xori %lt3A_95, %lt3A_97 : i1
      %and3A_99 = arith.andi %ne3A_98, %ne3A_94 : i1
      %add3A_100 = arith.addi %rem3A_92, %select_n3A_91 : i32
      %select_n3A_101 = arith.select %and3A_99, %add3A_100, %rem3A_92 : i32
      %mul3A_102 = arith.constant 16 : i32
      %mul3A_103 = arith.muli %select_n3A_101, %mul3A_102 : i32
      %broadcast_in_dim3A = arith.constant 0.000000e+00 : f32
      %broadcast_in_dim3A_104 = vector.broadcast %broadcast_in_dim3A : f32 to vector<16xf32>
      %swap3A = arith.index_cast %select_n3A : i32 to index
      %swap3A_105 = arith.index_cast %mul3A_103 : i32 to index
      %swap3A_106 = tpu.vector_load %arg8[%swap3A, %swap3A_105] {strides = array<i32>} : memref<128x128xf32, #tpu.memory_space<vmem>>, vector<1x16xf32>,
      %swap3A_107 = vector.shape_cast %swap3A_106 : vector<1x16xf32> to vector<16xf32>
      %swap3A_108 = vector.shape_cast %broadcast_in_dim3A_104 : vector<16xf32> to vector<1x16xf32>
      tpu.vector_store %arg8[%swap3A, %swap3A_105], %swap3A_108 {strides = array<i32>} : memref<128x128xf32, #tpu.memory_space<vmem>>, vector<1x16xf32>,
      %scan3A_109 = arith.constant 0 : i32
      scf.yield %scan3A_109 : i32
    }
    %scan3A_6 = arith.constant 1024 : i32
    %mul3A_7 = arith.constant 624 : i32
    %mul3A_8 = arith.muli %arg1, %mul3A_7 : i32
    %add3A_9 = arith.constant 0 : i32
    %add3A_10 = arith.addi %mul3A_8, %add3A_9 : i32
    "tpu.region"() ({
      %run_scoped3A = tpu.sem_alloc : memref<!tpu.dma_semaphore, #tpu.memory_space<semaphore_mem>>
      %dma_start3A = arith.constant 0 : i32
      %dma_start3A_69 = arith.constant 0 : i32
      %dma_start3A_70 = tpu.memref_slice %arg8[%dma_start3A, %dma_start3A_69] : memref<128x128xf32, #tpu.memory_space<vmem>> -> memref<128x128xf32, #tpu.memory_space<vmem>>
      %dma_start3A_71 = arith.constant 0 : i32
      %dma_start3A_72 = tpu.memref_slice %arg10[%add3A_10, %dma_start3A_71] : memref<10000x128xf32, #tpu.memory_space<vmem_shared>> -> memref<128x128xf32, #tpu.memory_space<vmem_shared>>
      %dma_start3A_73 = arith.constant 0 : i32
      %dma_start3A_74 = tpu.memref_slice %arg10[%add3A_10, %dma_start3A_73] : memref<10000x128xf32, #tpu.memory_space<vmem_shared>> -> memref<128x128xf32, #tpu.memory_space<vmem_shared>>
      %dma_start3A_75 = arith.constant 0 : i32
      %dma_start3A_76 = arith.constant 0 : i32
      %dma_start3A_77 = tpu.memref_slice %arg8[%dma_start3A_75, %dma_start3A_76] : memref<128x128xf32, #tpu.memory_space<vmem>> -> memref<128x128xf32, #tpu.memory_space<vmem>>
      tpu.enqueue_dma source(%dma_start3A_77 : memref<128x128xf32, #tpu.memory_space<vmem>>) target(%dma_start3A_74 : memref<128x128xf32, #tpu.memory_space<vmem_shared>>) target_semaphore(%run_scoped3A : memref<!tpu.dma_semaphore, #tpu.memory_space<semaphore_mem>>)
      %dma_wait3A = arith.constant 0 : i32
      %dma_wait3A_78 = arith.constant 0 : i32
      %dma_wait3A_79 = tpu.memref_slice %arg8[%dma_wait3A, %dma_wait3A_78] : memref<128x128xf32, #tpu.memory_space<vmem>> -> memref<128x128xf32, #tpu.memory_space<vmem>>
      %dma_wait3A_80 = arith.constant 0 : i32
      %dma_wait3A_81 = tpu.memref_slice %arg10[%add3A_10, %dma_wait3A_80] : memref<10000x128xf32, #tpu.memory_space<vmem_shared>> -> memref<128x128xf32, #tpu.memory_space<vmem_shared>>
      %dma_wait3A_82 = arith.constant 0 : i32
      %dma_wait3A_83 = tpu.memref_slice %arg10[%add3A_10, %dma_wait3A_82] : memref<10000x128xf32, #tpu.memory_space<vmem_shared>> -> memref<128x128xf32, #tpu.memory_space<vmem_shared>>
      %dma_wait3A_84 = arith.constant 0 : i32
      %dma_wait3A_85 = arith.constant 0 : i32
      %dma_wait3A_86 = tpu.memref_slice %arg8[%dma_wait3A_84, %dma_wait3A_85] : memref<128x128xf32, #tpu.memory_space<vmem>> -> memref<128x128xf32, #tpu.memory_space<vmem>>
      tpu.wait_dma2 semaphore(%run_scoped3A : memref<!tpu.dma_semaphore, #tpu.memory_space<semaphore_mem>>) src(%dma_wait3A_86 : memref<128x128xf32, #tpu.memory_space<vmem>>) dst(%dma_wait3A_83 : memref<128x128xf32, #tpu.memory_space<vmem_shared>>)
      tpu.yield
    }) : () -> ()
    %add3A_11 = arith.constant 128 : i32
    %add3A_12 = arith.addi %mul3A_8, %add3A_11 : i32
    "tpu.region"() ({
      %run_scoped3A = tpu.sem_alloc : memref<!tpu.dma_semaphore, #tpu.memory_space<semaphore_mem>>
      %dma_start3A = arith.constant 0 : i32
      %dma_start3A_69 = arith.constant 0 : i32
      %dma_start3A_70 = tpu.memref_slice %arg8[%dma_start3A, %dma_start3A_69] : memref<128x128xf32, #tpu.memory_space<vmem>> -> memref<128x128xf32, #tpu.memory_space<vmem>>
      %dma_start3A_71 = arith.constant 0 : i32
      %dma_start3A_72 = tpu.memref_slice %arg10[%add3A_12, %dma_start3A_71] : memref<10000x128xf32, #tpu.memory_space<vmem_shared>> -> memref<128x128xf32, #tpu.memory_space<vmem_shared>>
      %dma_start3A_73 = arith.constant 0 : i32
      %dma_start3A_74 = tpu.memref_slice %arg10[%add3A_12, %dma_start3A_73] : memref<10000x128xf32, #tpu.memory_space<vmem_shared>> -> memref<128x128xf32, #tpu.memory_space<vmem_shared>>
      %dma_start3A_75 = arith.constant 0 : i32
      %dma_start3A_76 = arith.constant 0 : i32
      %dma_start3A_77 = tpu.memref_slice %arg8[%dma_start3A_75, %dma_start3A_76] : memref<128x128xf32, #tpu.memory_space<vmem>> -> memref<128x128xf32, #tpu.memory_space<vmem>>
      tpu.enqueue_dma source(%dma_start3A_77 : memref<128x128xf32, #tpu.memory_space<vmem>>) target(%dma_start3A_74 : memref<128x128xf32, #tpu.memory_space<vmem_shared>>) target_semaphore(%run_scoped3A : memref<!tpu.dma_semaphore, #tpu.memory_space<semaphore_mem>>)
      %dma_wait3A = arith.constant 0 : i32
      %dma_wait3A_78 = arith.constant 0 : i32
      %dma_wait3A_79 = tpu.memref_slice %arg8[%dma_wait3A, %dma_wait3A_78] : memref<128x128xf32, #tpu.memory_space<vmem>> -> memref<128x128xf32, #tpu.memory_space<vmem>>
      %dma_wait3A_80 = arith.constant 0 : i32
      %dma_wait3A_81 = tpu.memref_slice %arg10[%add3A_12, %dma_wait3A_80] : memref<10000x128xf32, #tpu.memory_space<vmem_shared>> -> memref<128x128xf32, #tpu.memory_space<vmem_shared>>
      %dma_wait3A_82 = arith.constant 0 : i32
      %dma_wait3A_83 = tpu.memref_slice %arg10[%add3A_12, %dma_wait3A_82] : memref<10000x128xf32, #tpu.memory_space<vmem_shared>> -> memref<128x128xf32, #tpu.memory_space<vmem_shared>>
      %dma_wait3A_84 = arith.constant 0 : i32
      %dma_wait3A_85 = arith.constant 0 : i32
      %dma_wait3A_86 = tpu.memref_slice %arg8[%dma_wait3A_84, %dma_wait3A_85] : memref<128x128xf32, #tpu.memory_space<vmem>> -> memref<128x128xf32, #tpu.memory_space<vmem>>
      tpu.wait_dma2 semaphore(%run_scoped3A : memref<!tpu.dma_semaphore, #tpu.memory_space<semaphore_mem>>) src(%dma_wait3A_86 : memref<128x128xf32, #tpu.memory_space<vmem>>) dst(%dma_wait3A_83 : memref<128x128xf32, #tpu.memory_space<vmem_shared>>)
      tpu.yield
    }) : () -> ()
    %add3A_13 = arith.constant 256 : i32
    %add3A_14 = arith.addi %mul3A_8, %add3A_13 : i32
    "tpu.region"() ({
      %run_scoped3A = tpu.sem_alloc : memref<!tpu.dma_semaphore, #tpu.memory_space<semaphore_mem>>
      %dma_start3A = arith.constant 0 : i32
      %dma_start3A_69 = arith.constant 0 : i32
      %dma_start3A_70 = tpu.memref_slice %arg8[%dma_start3A, %dma_start3A_69] : memref<128x128xf32, #tpu.memory_space<vmem>> -> memref<128x128xf32, #tpu.memory_space<vmem>>
      %dma_start3A_71 = arith.constant 0 : i32
      %dma_start3A_72 = tpu.memref_slice %arg10[%add3A_14, %dma_start3A_71] : memref<10000x128xf32, #tpu.memory_space<vmem_shared>> -> memref<128x128xf32, #tpu.memory_space<vmem_shared>>
      %dma_start3A_73 = arith.constant 0 : i32
      %dma_start3A_74 = tpu.memref_slice %arg10[%add3A_14, %dma_start3A_73] : memref<10000x128xf32, #tpu.memory_space<vmem_shared>> -> memref<128x128xf32, #tpu.memory_space<vmem_shared>>
      %dma_start3A_75 = arith.constant 0 : i32
      %dma_start3A_76 = arith.constant 0 : i32
      %dma_start3A_77 = tpu.memref_slice %arg8[%dma_start3A_75, %dma_start3A_76] : memref<128x128xf32, #tpu.memory_space<vmem>> -> memref<128x128xf32, #tpu.memory_space<vmem>>
      tpu.enqueue_dma source(%dma_start3A_77 : memref<128x128xf32, #tpu.memory_space<vmem>>) target(%dma_start3A_74 : memref<128x128xf32, #tpu.memory_space<vmem_shared>>) target_semaphore(%run_scoped3A : memref<!tpu.dma_semaphore, #tpu.memory_space<semaphore_mem>>)
      %dma_wait3A = arith.constant 0 : i32
      %dma_wait3A_78 = arith.constant 0 : i32
      %dma_wait3A_79 = tpu.memref_slice %arg8[%dma_wait3A, %dma_wait3A_78] : memref<128x128xf32, #tpu.memory_space<vmem>> -> memref<128x128xf32, #tpu.memory_space<vmem>>
      %dma_wait3A_80 = arith.constant 0 : i32
      %dma_wait3A_81 = tpu.memref_slice %arg10[%add3A_14, %dma_wait3A_80] : memref<10000x128xf32, #tpu.memory_space<vmem_shared>> -> memref<128x128xf32, #tpu.memory_space<vmem_shared>>
      %dma_wait3A_82 = arith.constant 0 : i32
      %dma_wait3A_83 = tpu.memref_slice %arg10[%add3A_14, %dma_wait3A_82] : memref<10000x128xf32, #tpu.memory_space<vmem_shared>> -> memref<128x128xf32, #tpu.memory_space<vmem_shared>>
      %dma_wait3A_84 = arith.constant 0 : i32
      %dma_wait3A_85 = arith.constant 0 : i32
      %dma_wait3A_86 = tpu.memref_slice %arg8[%dma_wait3A_84, %dma_wait3A_85] : memref<128x128xf32, #tpu.memory_space<vmem>> -> memref<128x128xf32, #tpu.memory_space<vmem>>
      tpu.wait_dma2 semaphore(%run_scoped3A : memref<!tpu.dma_semaphore, #tpu.memory_space<semaphore_mem>>) src(%dma_wait3A_86 : memref<128x128xf32, #tpu.memory_space<vmem>>) dst(%dma_wait3A_83 : memref<128x128xf32, #tpu.memory_space<vmem_shared>>)
      tpu.yield
    }) : () -> ()
    %add3A_15 = arith.constant 384 : i32
    %add3A_16 = arith.addi %mul3A_8, %add3A_15 : i32
    "tpu.region"() ({
      %run_scoped3A = tpu.sem_alloc : memref<!tpu.dma_semaphore, #tpu.memory_space<semaphore_mem>>
      %dma_start3A = arith.constant 0 : i32
      %dma_start3A_69 = arith.constant 0 : i32
      %dma_start3A_70 = tpu.memref_slice %arg8[%dma_start3A, %dma_start3A_69] : memref<128x128xf32, #tpu.memory_space<vmem>> -> memref<128x128xf32, #tpu.memory_space<vmem>>
      %dma_start3A_71 = arith.constant 0 : i32
      %dma_start3A_72 = tpu.memref_slice %arg10[%add3A_16, %dma_start3A_71] : memref<10000x128xf32, #tpu.memory_space<vmem_shared>> -> memref<128x128xf32, #tpu.memory_space<vmem_shared>>
      %dma_start3A_73 = arith.constant 0 : i32
      %dma_start3A_74 = tpu.memref_slice %arg10[%add3A_16, %dma_start3A_73] : memref<10000x128xf32, #tpu.memory_space<vmem_shared>> -> memref<128x128xf32, #tpu.memory_space<vmem_shared>>
      %dma_start3A_75 = arith.constant 0 : i32
      %dma_start3A_76 = arith.constant 0 : i32
      %dma_start3A_77 = tpu.memref_slice %arg8[%dma_start3A_75, %dma_start3A_76] : memref<128x128xf32, #tpu.memory_space<vmem>> -> memref<128x128xf32, #tpu.memory_space<vmem>>
      tpu.enqueue_dma source(%dma_start3A_77 : memref<128x128xf32, #tpu.memory_space<vmem>>) target(%dma_start3A_74 : memref<128x128xf32, #tpu.memory_space<vmem_shared>>) target_semaphore(%run_scoped3A : memref<!tpu.dma_semaphore, #tpu.memory_space<semaphore_mem>>)
      %dma_wait3A = arith.constant 0 : i32
      %dma_wait3A_78 = arith.constant 0 : i32
      %dma_wait3A_79 = tpu.memref_slice %arg8[%dma_wait3A, %dma_wait3A_78] : memref<128x128xf32, #tpu.memory_space<vmem>> -> memref<128x128xf32, #tpu.memory_space<vmem>>
      %dma_wait3A_80 = arith.constant 0 : i32
      %dma_wait3A_81 = tpu.memref_slice %arg10[%add3A_16, %dma_wait3A_80] : memref<10000x128xf32, #tpu.memory_space<vmem_shared>> -> memref<128x128xf32, #tpu.memory_space<vmem_shared>>
      %dma_wait3A_82 = arith.constant 0 : i32
      %dma_wait3A_83 = tpu.memref_slice %arg10[%add3A_16, %dma_wait3A_82] : memref<10000x128xf32, #tpu.memory_space<vmem_shared>> -> memref<128x128xf32, #tpu.memory_space<vmem_shared>>
      %dma_wait3A_84 = arith.constant 0 : i32
      %dma_wait3A_85 = arith.constant 0 : i32
      %dma_wait3A_86 = tpu.memref_slice %arg8[%dma_wait3A_84, %dma_wait3A_85] : memref<128x128xf32, #tpu.memory_space<vmem>> -> memref<128x128xf32, #tpu.memory_space<vmem>>
      tpu.wait_dma2 semaphore(%run_scoped3A : memref<!tpu.dma_semaphore, #tpu.memory_space<semaphore_mem>>) src(%dma_wait3A_86 : memref<128x128xf32, #tpu.memory_space<vmem>>) dst(%dma_wait3A_83 : memref<128x128xf32, #tpu.memory_space<vmem_shared>>)
      tpu.yield
    }) : () -> ()
    %add3A_17 = arith.constant 512 : i32
    %add3A_18 = arith.addi %mul3A_8, %add3A_17 : i32
    "tpu.region"() ({
      %run_scoped3A = tpu.sem_alloc : memref<!tpu.dma_semaphore, #tpu.memory_space<semaphore_mem>>
      %dma_start3A = arith.constant 0 : i32
      %dma_start3A_69 = arith.constant 0 : i32
      %dma_start3A_70 = tpu.memref_slice %arg8[%dma_start3A, %dma_start3A_69] : memref<128x128xf32, #tpu.memory_space<vmem>> -> memref<112x128xf32, #tpu.memory_space<vmem>>
      %dma_start3A_71 = arith.constant 0 : i32
      %dma_start3A_72 = tpu.memref_slice %arg10[%add3A_18, %dma_start3A_71] : memref<10000x128xf32, #tpu.memory_space<vmem_shared>> -> memref<112x128xf32, #tpu.memory_space<vmem_shared>>
      %dma_start3A_73 = arith.constant 0 : i32
      %dma_start3A_74 = tpu.memref_slice %arg10[%add3A_18, %dma_start3A_73] : memref<10000x128xf32, #tpu.memory_space<vmem_shared>> -> memref<112x128xf32, #tpu.memory_space<vmem_shared>>
      %dma_start3A_75 = arith.constant 0 : i32
      %dma_start3A_76 = arith.constant 0 : i32
      %dma_start3A_77 = tpu.memref_slice %arg8[%dma_start3A_75, %dma_start3A_76] : memref<128x128xf32, #tpu.memory_space<vmem>> -> memref<112x128xf32, #tpu.memory_space<vmem>>
      tpu.enqueue_dma source(%dma_start3A_77 : memref<112x128xf32, #tpu.memory_space<vmem>>) target(%dma_start3A_74 : memref<112x128xf32, #tpu.memory_space<vmem_shared>>) target_semaphore(%run_scoped3A : memref<!tpu.dma_semaphore, #tpu.memory_space<semaphore_mem>>)
      %dma_wait3A = arith.constant 0 : i32
      %dma_wait3A_78 = arith.constant 0 : i32
      %dma_wait3A_79 = tpu.memref_slice %arg8[%dma_wait3A, %dma_wait3A_78] : memref<128x128xf32, #tpu.memory_space<vmem>> -> memref<112x128xf32, #tpu.memory_space<vmem>>
      %dma_wait3A_80 = arith.constant 0 : i32
      %dma_wait3A_81 = tpu.memref_slice %arg10[%add3A_18, %dma_wait3A_80] : memref<10000x128xf32, #tpu.memory_space<vmem_shared>> -> memref<112x128xf32, #tpu.memory_space<vmem_shared>>
      %dma_wait3A_82 = arith.constant 0 : i32
      %dma_wait3A_83 = tpu.memref_slice %arg10[%add3A_18, %dma_wait3A_82] : memref<10000x128xf32, #tpu.memory_space<vmem_shared>> -> memref<112x128xf32, #tpu.memory_space<vmem_shared>>
      %dma_wait3A_84 = arith.constant 0 : i32
      %dma_wait3A_85 = arith.constant 0 : i32
      %dma_wait3A_86 = tpu.memref_slice %arg8[%dma_wait3A_84, %dma_wait3A_85] : memref<128x128xf32, #tpu.memory_space<vmem>> -> memref<112x128xf32, #tpu.memory_space<vmem>>
      tpu.wait_dma2 semaphore(%run_scoped3A : memref<!tpu.dma_semaphore, #tpu.memory_space<semaphore_mem>>) src(%dma_wait3A_86 : memref<112x128xf32, #tpu.memory_space<vmem>>) dst(%dma_wait3A_83 : memref<112x128xf32, #tpu.memory_space<vmem_shared>>)
      tpu.yield
    }) : () -> ()
    %eq3A = arith.constant 15 : i32
    %eq3A_19 = arith.cmpi eq, %arg1, %eq3A : i32
    %convert_element_type3A = arith.extui %eq3A_19 : i1 to i32
    %cond3A = arith.constant 0 : i32
    %cond3A_20 = arith.cmpi ne, %convert_element_type3A, %cond3A : i32
    scf.if %cond3A_20 {
      %add3A_69 = arith.constant 624 : i32
      %add3A_70 = arith.addi %mul3A_8, %add3A_69 : i32
      "tpu.region"() ({
        %run_scoped3A = tpu.sem_alloc : memref<!tpu.dma_semaphore, #tpu.memory_space<semaphore_mem>>
        %dma_start3A = arith.constant 0 : i32
        %dma_start3A_71 = arith.constant 0 : i32
        %dma_start3A_72 = tpu.memref_slice %arg8[%dma_start3A, %dma_start3A_71] : memref<128x128xf32, #tpu.memory_space<vmem>> -> memref<16x128xf32, #tpu.memory_space<vmem>>
        %dma_start3A_73 = arith.constant 0 : i32
        %dma_start3A_74 = tpu.memref_slice %arg10[%add3A_70, %dma_start3A_73] : memref<10000x128xf32, #tpu.memory_space<vmem_shared>> -> memref<16x128xf32, #tpu.memory_space<vmem_shared>>
        %dma_start3A_75 = arith.constant 0 : i32
        %dma_start3A_76 = tpu.memref_slice %arg10[%add3A_70, %dma_start3A_75] : memref<10000x128xf32, #tpu.memory_space<vmem_shared>> -> memref<16x128xf32, #tpu.memory_space<vmem_shared>>
        %dma_start3A_77 = arith.constant 0 : i32
        %dma_start3A_78 = arith.constant 0 : i32
        %dma_start3A_79 = tpu.memref_slice %arg8[%dma_start3A_77, %dma_start3A_78] : memref<128x128xf32, #tpu.memory_space<vmem>> -> memref<16x128xf32, #tpu.memory_space<vmem>>
        tpu.enqueue_dma source(%dma_start3A_79 : memref<16x128xf32, #tpu.memory_space<vmem>>) target(%dma_start3A_76 : memref<16x128xf32, #tpu.memory_space<vmem_shared>>) target_semaphore(%run_scoped3A : memref<!tpu.dma_semaphore, #tpu.memory_space<semaphore_mem>>)
        %dma_wait3A = arith.constant 0 : i32
        %dma_wait3A_80 = arith.constant 0 : i32
        %dma_wait3A_81 = tpu.memref_slice %arg8[%dma_wait3A, %dma_wait3A_80] : memref<128x128xf32, #tpu.memory_space<vmem>> -> memref<16x128xf32, #tpu.memory_space<vmem>>
        %dma_wait3A_82 = arith.constant 0 : i32
        %dma_wait3A_83 = tpu.memref_slice %arg10[%add3A_70, %dma_wait3A_82] : memref<10000x128xf32, #tpu.memory_space<vmem_shared>> -> memref<16x128xf32, #tpu.memory_space<vmem_shared>>
        %dma_wait3A_84 = arith.constant 0 : i32
        %dma_wait3A_85 = tpu.memref_slice %arg10[%add3A_70, %dma_wait3A_84] : memref<10000x128xf32, #tpu.memory_space<vmem_shared>> -> memref<16x128xf32, #tpu.memory_space<vmem_shared>>
        %dma_wait3A_86 = arith.constant 0 : i32
        %dma_wait3A_87 = arith.constant 0 : i32
        %dma_wait3A_88 = tpu.memref_slice %arg8[%dma_wait3A_86, %dma_wait3A_87] : memref<128x128xf32, #tpu.memory_space<vmem>> -> memref<16x128xf32, #tpu.memory_space<vmem>>
        tpu.wait_dma2 semaphore(%run_scoped3A : memref<!tpu.dma_semaphore, #tpu.memory_space<semaphore_mem>>) src(%dma_wait3A_88 : memref<16x128xf32, #tpu.memory_space<vmem>>) dst(%dma_wait3A_85 : memref<16x128xf32, #tpu.memory_space<vmem_shared>>)
        tpu.yield
      }) : () -> ()
    } else {
    }
    %barrier3A = arith.constant 0 : index
    tpu.barrier barrier_id(%barrier3A)
    %scan3A_21 = arith.constant 0 : i32
    %scan3A_22 = arith.constant 0 : i32
    %scan3A_23 = arith.constant 10 : i32
    %scan3A_24 = arith.addi %scan3A_22, %scan3A_23 : i32
    %scan3A_25 = arith.constant 1 : i32
    %scan3A_26 = scf.for %scan3A_69 = %scan3A_22 to %scan3A_24 step %scan3A_25 iter_args(%scan3A_70 = %scan3A_21) -> (i32)  : i32 {
      %mul3A_71 = arith.constant 32 : i32
      %mul3A_72 = arith.muli %mul3A_71, %scan3A_69 : i32
      %add3A_73 = arith.addi %add3A, %mul3A_72 : i32
      %mul3A_74 = arith.constant 8 : i32
      %mul3A_75 = arith.muli %add3A_73, %mul3A_74 : i32
      %lt3A = arith.constant 313 : i32
      %lt3A_76 = arith.cmpi slt, %add3A_73, %lt3A : i32
      %convert_element_type3A_77 = arith.extui %lt3A_76 : i1 to i32
      %cond3A_78 = arith.constant 0 : i32
      %cond3A_79 = arith.cmpi ne, %convert_element_type3A_77, %cond3A_78 : i32
      scf.if %cond3A_79 {
        %mul3A_81 = arith.constant 8 : i32
        %mul3A_82 = arith.muli %add3A_73, %mul3A_81 : i32
        "tpu.region"() ({
          %run_scoped3A = tpu.sem_alloc : memref<!tpu.dma_semaphore, #tpu.memory_space<semaphore_mem>>
          %dma_start3A = arith.constant 0 : i32
          %dma_start3A_209 = tpu.memref_slice %arg2[%mul3A_82, %dma_start3A] : memref<2504x128xi32, #tpu.memory_space<hbm>> -> memref<8x128xi32, #tpu.memory_space<hbm>>
          %dma_start3A_210 = arith.constant 0 : i32
          %dma_start3A_211 = tpu.memref_slice %arg2[%mul3A_82, %dma_start3A_210] : memref<2504x128xi32, #tpu.memory_space<hbm>> -> memref<8x128xi32, #tpu.memory_space<hbm>>
          tpu.enqueue_dma source(%dma_start3A_211 : memref<8x128xi32, #tpu.memory_space<hbm>>) target(%arg6 : memref<8x128xi32, #tpu.memory_space<vmem>>) target_semaphore(%run_scoped3A : memref<!tpu.dma_semaphore, #tpu.memory_space<semaphore_mem>>)
          %dma_wait3A = arith.constant 0 : i32
          %dma_wait3A_212 = tpu.memref_slice %arg2[%mul3A_82, %dma_wait3A] : memref<2504x128xi32, #tpu.memory_space<hbm>> -> memref<8x128xi32, #tpu.memory_space<hbm>>
          %dma_wait3A_213 = arith.constant 0 : i32
          %dma_wait3A_214 = tpu.memref_slice %arg2[%mul3A_82, %dma_wait3A_213] : memref<2504x128xi32, #tpu.memory_space<hbm>> -> memref<8x128xi32, #tpu.memory_space<hbm>>
          tpu.wait_dma2 semaphore(%run_scoped3A : memref<!tpu.dma_semaphore, #tpu.memory_space<semaphore_mem>>) src(%dma_wait3A_214 : memref<8x128xi32, #tpu.memory_space<hbm>>) dst(%arg6 : memref<8x128xi32, #tpu.memory_space<vmem>>)
          tpu.yield
        }) : () -> ()
        %mul3A_83 = arith.constant 8 : i32
        %mul3A_84 = arith.muli %add3A_73, %mul3A_83 : i32
        "tpu.region"() ({
          %run_scoped3A = tpu.sem_alloc : memref<!tpu.dma_semaphore, #tpu.memory_space<semaphore_mem>>
          %dma_start3A = arith.constant 0 : i32
          %dma_start3A_209 = tpu.memref_slice %arg3[%mul3A_84, %dma_start3A] : memref<2504x128xi32, #tpu.memory_space<hbm>> -> memref<8x128xi32, #tpu.memory_space<hbm>>
          %dma_start3A_210 = arith.constant 0 : i32
          %dma_start3A_211 = tpu.memref_slice %arg3[%mul3A_84, %dma_start3A_210] : memref<2504x128xi32, #tpu.memory_space<hbm>> -> memref<8x128xi32, #tpu.memory_space<hbm>>
          tpu.enqueue_dma source(%dma_start3A_211 : memref<8x128xi32, #tpu.memory_space<hbm>>) target(%arg7 : memref<8x128xi32, #tpu.memory_space<vmem>>) target_semaphore(%run_scoped3A : memref<!tpu.dma_semaphore, #tpu.memory_space<semaphore_mem>>)
          %dma_wait3A = arith.constant 0 : i32
          %dma_wait3A_212 = tpu.memref_slice %arg3[%mul3A_84, %dma_wait3A] : memref<2504x128xi32, #tpu.memory_space<hbm>> -> memref<8x128xi32, #tpu.memory_space<hbm>>
          %dma_wait3A_213 = arith.constant 0 : i32
          %dma_wait3A_214 = tpu.memref_slice %arg3[%mul3A_84, %dma_wait3A_213] : memref<2504x128xi32, #tpu.memory_space<hbm>> -> memref<8x128xi32, #tpu.memory_space<hbm>>
          tpu.wait_dma2 semaphore(%run_scoped3A : memref<!tpu.dma_semaphore, #tpu.memory_space<semaphore_mem>>) src(%dma_wait3A_214 : memref<8x128xi32, #tpu.memory_space<hbm>>) dst(%arg7 : memref<8x128xi32, #tpu.memory_space<vmem>>)
          tpu.yield
        }) : () -> ()
        %add3A_85 = arith.constant 0 : i32
        %add3A_86 = arith.addi %mul3A_75, %add3A_85 : i32
        %lt3A_87 = arith.constant 2500 : i32
        %lt3A_88 = arith.cmpi slt, %add3A_86, %lt3A_87 : i32
        %convert_element_type3A_89 = arith.extui %lt3A_88 : i1 to i32
        %cond3A_90 = arith.constant 0 : i32
        %cond3A_91 = arith.cmpi ne, %convert_element_type3A_89, %cond3A_90 : i32
        scf.if %cond3A_91 {
          %dma_start3A = arith.constant 0 : i32
          %dma_start3A_209 = arith.constant 0 : i32
          %dma_start3A_210 = tpu.memref_slice %arg6[%dma_start3A, %dma_start3A_209] : memref<8x128xi32, #tpu.memory_space<vmem>> -> memref<1x128xi32, #tpu.memory_space<vmem>>
          %dma_start3A_211 = tpu.memref_squeeze %dma_start3A_210 : memref<1x128xi32, #tpu.memory_space<vmem>> -> memref<128xi32, #tpu.memory_space<vmem>>
          %dma_start3A_212 = arith.constant 0 : i32
          %dma_start3A_213 = arith.constant 0 : i32
          %dma_start3A_214 = tpu.memref_slice %arg4[%dma_start3A_212, %dma_start3A_213] : memref<10000x128xf32, #tpu.memory_space<hbm>> -> memref<10000x128xf32, #tpu.memory_space<hbm>>
          tpu.enqueue_indirect_dma source(%dma_start3A_214 : memref<10000x128xf32, #tpu.memory_space<hbm>>) target(%arg8 : memref<128x128xf32, #tpu.memory_space<vmem>>) offsets(%dma_start3A_211 : memref<128xi32, #tpu.memory_space<vmem>>) semaphore(%arg11 : memref<!tpu.dma_semaphore, #tpu.memory_space<semaphore_mem>>)
        } else {
        }
        %add3A_92 = arith.constant 1 : i32
        %add3A_93 = arith.addi %mul3A_75, %add3A_92 : i32
        %lt3A_94 = arith.constant 2500 : i32
        %lt3A_95 = arith.cmpi slt, %add3A_93, %lt3A_94 : i32
        %convert_element_type3A_96 = arith.extui %lt3A_95 : i1 to i32
        %cond3A_97 = arith.constant 0 : i32
        %cond3A_98 = arith.cmpi ne, %convert_element_type3A_96, %cond3A_97 : i32
        scf.if %cond3A_98 {
          %dma_start3A = arith.constant 1 : i32
          %dma_start3A_209 = arith.constant 0 : i32
          %dma_start3A_210 = tpu.memref_slice %arg6[%dma_start3A, %dma_start3A_209] : memref<8x128xi32, #tpu.memory_space<vmem>> -> memref<1x128xi32, #tpu.memory_space<vmem>>
          %dma_start3A_211 = tpu.memref_squeeze %dma_start3A_210 : memref<1x128xi32, #tpu.memory_space<vmem>> -> memref<128xi32, #tpu.memory_space<vmem>>
          %dma_start3A_212 = arith.constant 0 : i32
          %dma_start3A_213 = arith.constant 0 : i32
          %dma_start3A_214 = tpu.memref_slice %arg4[%dma_start3A_212, %dma_start3A_213] : memref<10000x128xf32, #tpu.memory_space<hbm>> -> memref<10000x128xf32, #tpu.memory_space<hbm>>
          tpu.enqueue_indirect_dma source(%dma_start3A_214 : memref<10000x128xf32, #tpu.memory_space<hbm>>) target(%arg9 : memref<128x128xf32, #tpu.memory_space<vmem>>) offsets(%dma_start3A_211 : memref<128xi32, #tpu.memory_space<vmem>>) semaphore(%arg12 : memref<!tpu.dma_semaphore, #tpu.memory_space<semaphore_mem>>)
        } else {
        }
        %add3A_99 = arith.constant 0 : i32
        %add3A_100 = arith.addi %mul3A_75, %add3A_99 : i32
        %lt3A_101 = arith.constant 2500 : i32
        %lt3A_102 = arith.cmpi slt, %add3A_100, %lt3A_101 : i32
        %convert_element_type3A_103 = arith.extui %lt3A_102 : i1 to i32
        %cond3A_104 = arith.constant 0 : i32
        %cond3A_105 = arith.cmpi ne, %convert_element_type3A_103, %cond3A_104 : i32
        scf.if %cond3A_105 {
          %dma_wait3A = arith.constant 0 : i32
          %dma_wait3A_209 = arith.constant 0 : i32
          %dma_wait3A_210 = tpu.memref_slice %arg6[%dma_wait3A, %dma_wait3A_209] : memref<8x128xi32, #tpu.memory_space<vmem>> -> memref<1x128xi32, #tpu.memory_space<vmem>>
          %dma_wait3A_211 = tpu.memref_squeeze %dma_wait3A_210 : memref<1x128xi32, #tpu.memory_space<vmem>> -> memref<128xi32, #tpu.memory_space<vmem>>
          %dma_wait3A_212 = arith.constant 0 : i32
          %dma_wait3A_213 = arith.constant 0 : i32
          %dma_wait3A_214 = tpu.memref_slice %arg4[%dma_wait3A_212, %dma_wait3A_213] : memref<10000x128xf32, #tpu.memory_space<hbm>> -> memref<10000x128xf32, #tpu.memory_space<hbm>>
          tpu.wait_indirect_dma semaphore(%arg11 : memref<!tpu.dma_semaphore, #tpu.memory_space<semaphore_mem>>) src(%dma_wait3A_214 : memref<10000x128xf32, #tpu.memory_space<hbm>>) dst(%arg8 : memref<128x128xf32, #tpu.memory_space<vmem>>)
          %run_scoped3A = arith.constant 0 : i32
          "tpu.region"() ({
            %run_scoped3A_215 = tpu.sem_alloc : memref<!tpu.dma_semaphore, #tpu.memory_space<semaphore_mem>>
            %dma_start3A = arith.constant 0 : i32
            %dma_start3A_216 = tpu.memref_slice %arg7[%run_scoped3A, %dma_start3A] : memref<8x128xi32, #tpu.memory_space<vmem>> -> memref<1x128xi32, #tpu.memory_space<vmem>>
            %dma_start3A_217 = tpu.memref_squeeze %dma_start3A_216 : memref<1x128xi32, #tpu.memory_space<vmem>> -> memref<128xi32, #tpu.memory_space<vmem>>
            %dma_start3A_218 = arith.constant 0 : i32
            %dma_start3A_219 = arith.constant 0 : i32
            %dma_start3A_220 = tpu.memref_slice %arg10[%dma_start3A_218, %dma_start3A_219] : memref<10000x128xf32, #tpu.memory_space<vmem_shared>> -> memref<10000x128xf32, #tpu.memory_space<vmem_shared>>
            tpu.enqueue_indirect_dma source(%arg8 : memref<128x128xf32, #tpu.memory_space<vmem>>) target(%dma_start3A_220 : memref<10000x128xf32, #tpu.memory_space<vmem_shared>>) offsets(%dma_start3A_217 : memref<128xi32, #tpu.memory_space<vmem>>) semaphore(%run_scoped3A_215 : memref<!tpu.dma_semaphore, #tpu.memory_space<semaphore_mem>>) {add = true}
            %dma_wait3A_221 = arith.constant 0 : i32
            %dma_wait3A_222 = tpu.memref_slice %arg7[%run_scoped3A, %dma_wait3A_221] : memref<8x128xi32, #tpu.memory_space<vmem>> -> memref<1x128xi32, #tpu.memory_space<vmem>>
            %dma_wait3A_223 = tpu.memref_squeeze %dma_wait3A_222 : memref<1x128xi32, #tpu.memory_space<vmem>> -> memref<128xi32, #tpu.memory_space<vmem>>
            %dma_wait3A_224 = arith.constant 0 : i32
            %dma_wait3A_225 = arith.constant 0 : i32
            %dma_wait3A_226 = tpu.memref_slice %arg10[%dma_wait3A_224, %dma_wait3A_225] : memref<10000x128xf32, #tpu.memory_space<vmem_shared>> -> memref<10000x128xf32, #tpu.memory_space<vmem_shared>>
            tpu.wait_indirect_dma semaphore(%run_scoped3A_215 : memref<!tpu.dma_semaphore, #tpu.memory_space<semaphore_mem>>) src(%arg8 : memref<128x128xf32, #tpu.memory_space<vmem>>) dst(%dma_wait3A_226 : memref<10000x128xf32, #tpu.memory_space<vmem_shared>>)
            tpu.yield
          }) : () -> ()
        } else {
        }
        %add3A_106 = arith.constant 0 : i32
        %add3A_107 = arith.addi %mul3A_75, %add3A_106 : i32
        %add3A_108 = arith.constant 2 : i32
        %add3A_109 = arith.addi %add3A_107, %add3A_108 : i32
        %lt3A_110 = arith.constant 2500 : i32
        %lt3A_111 = arith.cmpi slt, %add3A_109, %lt3A_110 : i32
        %convert_element_type3A_112 = arith.extui %lt3A_111 : i1 to i32
        %cond3A_113 = arith.constant 0 : i32
        %cond3A_114 = arith.cmpi ne, %convert_element_type3A_112, %cond3A_113 : i32
        scf.if %cond3A_114 {
          %dma_start3A = arith.constant 2 : i32
          %dma_start3A_209 = arith.constant 0 : i32
          %dma_start3A_210 = tpu.memref_slice %arg6[%dma_start3A, %dma_start3A_209] : memref<8x128xi32, #tpu.memory_space<vmem>> -> memref<1x128xi32, #tpu.memory_space<vmem>>
          %dma_start3A_211 = tpu.memref_squeeze %dma_start3A_210 : memref<1x128xi32, #tpu.memory_space<vmem>> -> memref<128xi32, #tpu.memory_space<vmem>>
          %dma_start3A_212 = arith.constant 0 : i32
          %dma_start3A_213 = arith.constant 0 : i32
          %dma_start3A_214 = tpu.memref_slice %arg4[%dma_start3A_212, %dma_start3A_213] : memref<10000x128xf32, #tpu.memory_space<hbm>> -> memref<10000x128xf32, #tpu.memory_space<hbm>>
          tpu.enqueue_indirect_dma source(%dma_start3A_214 : memref<10000x128xf32, #tpu.memory_space<hbm>>) target(%arg8 : memref<128x128xf32, #tpu.memory_space<vmem>>) offsets(%dma_start3A_211 : memref<128xi32, #tpu.memory_space<vmem>>) semaphore(%arg11 : memref<!tpu.dma_semaphore, #tpu.memory_space<semaphore_mem>>)
        } else {
        }
        %add3A_115 = arith.constant 1 : i32
        %add3A_116 = arith.addi %mul3A_75, %add3A_115 : i32
        %lt3A_117 = arith.constant 2500 : i32
        %lt3A_118 = arith.cmpi slt, %add3A_116, %lt3A_117 : i32
        %convert_element_type3A_119 = arith.extui %lt3A_118 : i1 to i32
        %cond3A_120 = arith.constant 0 : i32
        %cond3A_121 = arith.cmpi ne, %convert_element_type3A_119, %cond3A_120 : i32
        scf.if %cond3A_121 {
          %dma_wait3A = arith.constant 1 : i32
          %dma_wait3A_209 = arith.constant 0 : i32
          %dma_wait3A_210 = tpu.memref_slice %arg6[%dma_wait3A, %dma_wait3A_209] : memref<8x128xi32, #tpu.memory_space<vmem>> -> memref<1x128xi32, #tpu.memory_space<vmem>>
          %dma_wait3A_211 = tpu.memref_squeeze %dma_wait3A_210 : memref<1x128xi32, #tpu.memory_space<vmem>> -> memref<128xi32, #tpu.memory_space<vmem>>
          %dma_wait3A_212 = arith.constant 0 : i32
          %dma_wait3A_213 = arith.constant 0 : i32
          %dma_wait3A_214 = tpu.memref_slice %arg4[%dma_wait3A_212, %dma_wait3A_213] : memref<10000x128xf32, #tpu.memory_space<hbm>> -> memref<10000x128xf32, #tpu.memory_space<hbm>>
          tpu.wait_indirect_dma semaphore(%arg12 : memref<!tpu.dma_semaphore, #tpu.memory_space<semaphore_mem>>) src(%dma_wait3A_214 : memref<10000x128xf32, #tpu.memory_space<hbm>>) dst(%arg9 : memref<128x128xf32, #tpu.memory_space<vmem>>)
          %run_scoped3A = arith.constant 1 : i32
          "tpu.region"() ({
            %run_scoped3A_215 = tpu.sem_alloc : memref<!tpu.dma_semaphore, #tpu.memory_space<semaphore_mem>>
            %dma_start3A = arith.constant 0 : i32
            %dma_start3A_216 = tpu.memref_slice %arg7[%run_scoped3A, %dma_start3A] : memref<8x128xi32, #tpu.memory_space<vmem>> -> memref<1x128xi32, #tpu.memory_space<vmem>>
            %dma_start3A_217 = tpu.memref_squeeze %dma_start3A_216 : memref<1x128xi32, #tpu.memory_space<vmem>> -> memref<128xi32, #tpu.memory_space<vmem>>
            %dma_start3A_218 = arith.constant 0 : i32
            %dma_start3A_219 = arith.constant 0 : i32
            %dma_start3A_220 = tpu.memref_slice %arg10[%dma_start3A_218, %dma_start3A_219] : memref<10000x128xf32, #tpu.memory_space<vmem_shared>> -> memref<10000x128xf32, #tpu.memory_space<vmem_shared>>
            tpu.enqueue_indirect_dma source(%arg9 : memref<128x128xf32, #tpu.memory_space<vmem>>) target(%dma_start3A_220 : memref<10000x128xf32, #tpu.memory_space<vmem_shared>>) offsets(%dma_start3A_217 : memref<128xi32, #tpu.memory_space<vmem>>) semaphore(%run_scoped3A_215 : memref<!tpu.dma_semaphore, #tpu.memory_space<semaphore_mem>>) {add = true}
            %dma_wait3A_221 = arith.constant 0 : i32
            %dma_wait3A_222 = tpu.memref_slice %arg7[%run_scoped3A, %dma_wait3A_221] : memref<8x128xi32, #tpu.memory_space<vmem>> -> memref<1x128xi32, #tpu.memory_space<vmem>>
            %dma_wait3A_223 = tpu.memref_squeeze %dma_wait3A_222 : memref<1x128xi32, #tpu.memory_space<vmem>> -> memref<128xi32, #tpu.memory_space<vmem>>
            %dma_wait3A_224 = arith.constant 0 : i32
            %dma_wait3A_225 = arith.constant 0 : i32
            %dma_wait3A_226 = tpu.memref_slice %arg10[%dma_wait3A_224, %dma_wait3A_225] : memref<10000x128xf32, #tpu.memory_space<vmem_shared>> -> memref<10000x128xf32, #tpu.memory_space<vmem_shared>>
            tpu.wait_indirect_dma semaphore(%run_scoped3A_215 : memref<!tpu.dma_semaphore, #tpu.memory_space<semaphore_mem>>) src(%arg9 : memref<128x128xf32, #tpu.memory_space<vmem>>) dst(%dma_wait3A_226 : memref<10000x128xf32, #tpu.memory_space<vmem_shared>>)
            tpu.yield
          }) : () -> ()
        } else {
        }
        %add3A_122 = arith.constant 1 : i32
        %add3A_123 = arith.addi %mul3A_75, %add3A_122 : i32
        %add3A_124 = arith.constant 2 : i32
        %add3A_125 = arith.addi %add3A_123, %add3A_124 : i32
        %lt3A_126 = arith.constant 2500 : i32
        %lt3A_127 = arith.cmpi slt, %add3A_125, %lt3A_126 : i32
        %convert_element_type3A_128 = arith.extui %lt3A_127 : i1 to i32
        %cond3A_129 = arith.constant 0 : i32
        %cond3A_130 = arith.cmpi ne, %convert_element_type3A_128, %cond3A_129 : i32
        scf.if %cond3A_130 {
          %dma_start3A = arith.constant 3 : i32
          %dma_start3A_209 = arith.constant 0 : i32
          %dma_start3A_210 = tpu.memref_slice %arg6[%dma_start3A, %dma_start3A_209] : memref<8x128xi32, #tpu.memory_space<vmem>> -> memref<1x128xi32, #tpu.memory_space<vmem>>
          %dma_start3A_211 = tpu.memref_squeeze %dma_start3A_210 : memref<1x128xi32, #tpu.memory_space<vmem>> -> memref<128xi32, #tpu.memory_space<vmem>>
          %dma_start3A_212 = arith.constant 0 : i32
          %dma_start3A_213 = arith.constant 0 : i32
          %dma_start3A_214 = tpu.memref_slice %arg4[%dma_start3A_212, %dma_start3A_213] : memref<10000x128xf32, #tpu.memory_space<hbm>> -> memref<10000x128xf32, #tpu.memory_space<hbm>>
          tpu.enqueue_indirect_dma source(%dma_start3A_214 : memref<10000x128xf32, #tpu.memory_space<hbm>>) target(%arg9 : memref<128x128xf32, #tpu.memory_space<vmem>>) offsets(%dma_start3A_211 : memref<128xi32, #tpu.memory_space<vmem>>) semaphore(%arg12 : memref<!tpu.dma_semaphore, #tpu.memory_space<semaphore_mem>>)
        } else {
        }
        %add3A_131 = arith.constant 2 : i32
        %add3A_132 = arith.addi %mul3A_75, %add3A_131 : i32
        %lt3A_133 = arith.constant 2500 : i32
        %lt3A_134 = arith.cmpi slt, %add3A_132, %lt3A_133 : i32
        %convert_element_type3A_135 = arith.extui %lt3A_134 : i1 to i32
        %cond3A_136 = arith.constant 0 : i32
        %cond3A_137 = arith.cmpi ne, %convert_element_type3A_135, %cond3A_136 : i32
        scf.if %cond3A_137 {
          %dma_wait3A = arith.constant 2 : i32
          %dma_wait3A_209 = arith.constant 0 : i32
          %dma_wait3A_210 = tpu.memref_slice %arg6[%dma_wait3A, %dma_wait3A_209] : memref<8x128xi32, #tpu.memory_space<vmem>> -> memref<1x128xi32, #tpu.memory_space<vmem>>
          %dma_wait3A_211 = tpu.memref_squeeze %dma_wait3A_210 : memref<1x128xi32, #tpu.memory_space<vmem>> -> memref<128xi32, #tpu.memory_space<vmem>>
          %dma_wait3A_212 = arith.constant 0 : i32
          %dma_wait3A_213 = arith.constant 0 : i32
          %dma_wait3A_214 = tpu.memref_slice %arg4[%dma_wait3A_212, %dma_wait3A_213] : memref<10000x128xf32, #tpu.memory_space<hbm>> -> memref<10000x128xf32, #tpu.memory_space<hbm>>
          tpu.wait_indirect_dma semaphore(%arg11 : memref<!tpu.dma_semaphore, #tpu.memory_space<semaphore_mem>>) src(%dma_wait3A_214 : memref<10000x128xf32, #tpu.memory_space<hbm>>) dst(%arg8 : memref<128x128xf32, #tpu.memory_space<vmem>>)
          %run_scoped3A = arith.constant 2 : i32
          "tpu.region"() ({
            %run_scoped3A_215 = tpu.sem_alloc : memref<!tpu.dma_semaphore, #tpu.memory_space<semaphore_mem>>
            %dma_start3A = arith.constant 0 : i32
            %dma_start3A_216 = tpu.memref_slice %arg7[%run_scoped3A, %dma_start3A] : memref<8x128xi32, #tpu.memory_space<vmem>> -> memref<1x128xi32, #tpu.memory_space<vmem>>
            %dma_start3A_217 = tpu.memref_squeeze %dma_start3A_216 : memref<1x128xi32, #tpu.memory_space<vmem>> -> memref<128xi32, #tpu.memory_space<vmem>>
            %dma_start3A_218 = arith.constant 0 : i32
            %dma_start3A_219 = arith.constant 0 : i32
            %dma_start3A_220 = tpu.memref_slice %arg10[%dma_start3A_218, %dma_start3A_219] : memref<10000x128xf32, #tpu.memory_space<vmem_shared>> -> memref<10000x128xf32, #tpu.memory_space<vmem_shared>>
            tpu.enqueue_indirect_dma source(%arg8 : memref<128x128xf32, #tpu.memory_space<vmem>>) target(%dma_start3A_220 : memref<10000x128xf32, #tpu.memory_space<vmem_shared>>) offsets(%dma_start3A_217 : memref<128xi32, #tpu.memory_space<vmem>>) semaphore(%run_scoped3A_215 : memref<!tpu.dma_semaphore, #tpu.memory_space<semaphore_mem>>) {add = true}
            %dma_wait3A_221 = arith.constant 0 : i32
            %dma_wait3A_222 = tpu.memref_slice %arg7[%run_scoped3A, %dma_wait3A_221] : memref<8x128xi32, #tpu.memory_space<vmem>> -> memref<1x128xi32, #tpu.memory_space<vmem>>
            %dma_wait3A_223 = tpu.memref_squeeze %dma_wait3A_222 : memref<1x128xi32, #tpu.memory_space<vmem>> -> memref<128xi32, #tpu.memory_space<vmem>>
            %dma_wait3A_224 = arith.constant 0 : i32
            %dma_wait3A_225 = arith.constant 0 : i32
            %dma_wait3A_226 = tpu.memref_slice %arg10[%dma_wait3A_224, %dma_wait3A_225] : memref<10000x128xf32, #tpu.memory_space<vmem_shared>> -> memref<10000x128xf32, #tpu.memory_space<vmem_shared>>
            tpu.wait_indirect_dma semaphore(%run_scoped3A_215 : memref<!tpu.dma_semaphore, #tpu.memory_space<semaphore_mem>>) src(%arg8 : memref<128x128xf32, #tpu.memory_space<vmem>>) dst(%dma_wait3A_226 : memref<10000x128xf32, #tpu.memory_space<vmem_shared>>)
            tpu.yield
          }) : () -> ()
        } else {
        }
        %add3A_138 = arith.constant 2 : i32
        %add3A_139 = arith.addi %mul3A_75, %add3A_138 : i32
        %add3A_140 = arith.constant 2 : i32
        %add3A_141 = arith.addi %add3A_139, %add3A_140 : i32
        %lt3A_142 = arith.constant 2500 : i32
        %lt3A_143 = arith.cmpi slt, %add3A_141, %lt3A_142 : i32
        %convert_element_type3A_144 = arith.extui %lt3A_143 : i1 to i32
        %cond3A_145 = arith.constant 0 : i32
        %cond3A_146 = arith.cmpi ne, %convert_element_type3A_144, %cond3A_145 : i32
        scf.if %cond3A_146 {
          %dma_start3A = arith.constant 4 : i32
          %dma_start3A_209 = arith.constant 0 : i32
          %dma_start3A_210 = tpu.memref_slice %arg6[%dma_start3A, %dma_start3A_209] : memref<8x128xi32, #tpu.memory_space<vmem>> -> memref<1x128xi32, #tpu.memory_space<vmem>>
          %dma_start3A_211 = tpu.memref_squeeze %dma_start3A_210 : memref<1x128xi32, #tpu.memory_space<vmem>> -> memref<128xi32, #tpu.memory_space<vmem>>
          %dma_start3A_212 = arith.constant 0 : i32
          %dma_start3A_213 = arith.constant 0 : i32
          %dma_start3A_214 = tpu.memref_slice %arg4[%dma_start3A_212, %dma_start3A_213] : memref<10000x128xf32, #tpu.memory_space<hbm>> -> memref<10000x128xf32, #tpu.memory_space<hbm>>
          tpu.enqueue_indirect_dma source(%dma_start3A_214 : memref<10000x128xf32, #tpu.memory_space<hbm>>) target(%arg8 : memref<128x128xf32, #tpu.memory_space<vmem>>) offsets(%dma_start3A_211 : memref<128xi32, #tpu.memory_space<vmem>>) semaphore(%arg11 : memref<!tpu.dma_semaphore, #tpu.memory_space<semaphore_mem>>)
        } else {
        }
        %add3A_147 = arith.constant 3 : i32
        %add3A_148 = arith.addi %mul3A_75, %add3A_147 : i32
        %lt3A_149 = arith.constant 2500 : i32
        %lt3A_150 = arith.cmpi slt, %add3A_148, %lt3A_149 : i32
        %convert_element_type3A_151 = arith.extui %lt3A_150 : i1 to i32
        %cond3A_152 = arith.constant 0 : i32
        %cond3A_153 = arith.cmpi ne, %convert_element_type3A_151, %cond3A_152 : i32
        scf.if %cond3A_153 {
          %dma_wait3A = arith.constant 3 : i32
          %dma_wait3A_209 = arith.constant 0 : i32
          %dma_wait3A_210 = tpu.memref_slice %arg6[%dma_wait3A, %dma_wait3A_209] : memref<8x128xi32, #tpu.memory_space<vmem>> -> memref<1x128xi32, #tpu.memory_space<vmem>>
          %dma_wait3A_211 = tpu.memref_squeeze %dma_wait3A_210 : memref<1x128xi32, #tpu.memory_space<vmem>> -> memref<128xi32, #tpu.memory_space<vmem>>
          %dma_wait3A_212 = arith.constant 0 : i32
          %dma_wait3A_213 = arith.constant 0 : i32
          %dma_wait3A_214 = tpu.memref_slice %arg4[%dma_wait3A_212, %dma_wait3A_213] : memref<10000x128xf32, #tpu.memory_space<hbm>> -> memref<10000x128xf32, #tpu.memory_space<hbm>>
          tpu.wait_indirect_dma semaphore(%arg12 : memref<!tpu.dma_semaphore, #tpu.memory_space<semaphore_mem>>) src(%dma_wait3A_214 : memref<10000x128xf32, #tpu.memory_space<hbm>>) dst(%arg9 : memref<128x128xf32, #tpu.memory_space<vmem>>)
          %run_scoped3A = arith.constant 3 : i32
          "tpu.region"() ({
            %run_scoped3A_215 = tpu.sem_alloc : memref<!tpu.dma_semaphore, #tpu.memory_space<semaphore_mem>>
            %dma_start3A = arith.constant 0 : i32
            %dma_start3A_216 = tpu.memref_slice %arg7[%run_scoped3A, %dma_start3A] : memref<8x128xi32, #tpu.memory_space<vmem>> -> memref<1x128xi32, #tpu.memory_space<vmem>>
            %dma_start3A_217 = tpu.memref_squeeze %dma_start3A_216 : memref<1x128xi32, #tpu.memory_space<vmem>> -> memref<128xi32, #tpu.memory_space<vmem>>
            %dma_start3A_218 = arith.constant 0 : i32
            %dma_start3A_219 = arith.constant 0 : i32
            %dma_start3A_220 = tpu.memref_slice %arg10[%dma_start3A_218, %dma_start3A_219] : memref<10000x128xf32, #tpu.memory_space<vmem_shared>> -> memref<10000x128xf32, #tpu.memory_space<vmem_shared>>
            tpu.enqueue_indirect_dma source(%arg9 : memref<128x128xf32, #tpu.memory_space<vmem>>) target(%dma_start3A_220 : memref<10000x128xf32, #tpu.memory_space<vmem_shared>>) offsets(%dma_start3A_217 : memref<128xi32, #tpu.memory_space<vmem>>) semaphore(%run_scoped3A_215 : memref<!tpu.dma_semaphore, #tpu.memory_space<semaphore_mem>>) {add = true}
            %dma_wait3A_221 = arith.constant 0 : i32
            %dma_wait3A_222 = tpu.memref_slice %arg7[%run_scoped3A, %dma_wait3A_221] : memref<8x128xi32, #tpu.memory_space<vmem>> -> memref<1x128xi32, #tpu.memory_space<vmem>>
            %dma_wait3A_223 = tpu.memref_squeeze %dma_wait3A_222 : memref<1x128xi32, #tpu.memory_space<vmem>> -> memref<128xi32, #tpu.memory_space<vmem>>
            %dma_wait3A_224 = arith.constant 0 : i32
            %dma_wait3A_225 = arith.constant 0 : i32
            %dma_wait3A_226 = tpu.memref_slice %arg10[%dma_wait3A_224, %dma_wait3A_225] : memref<10000x128xf32, #tpu.memory_space<vmem_shared>> -> memref<10000x128xf32, #tpu.memory_space<vmem_shared>>
            tpu.wait_indirect_dma semaphore(%run_scoped3A_215 : memref<!tpu.dma_semaphore, #tpu.memory_space<semaphore_mem>>) src(%arg9 : memref<128x128xf32, #tpu.memory_space<vmem>>) dst(%dma_wait3A_226 : memref<10000x128xf32, #tpu.memory_space<vmem_shared>>)
            tpu.yield
          }) : () -> ()
        } else {
        }
        %add3A_154 = arith.constant 3 : i32
        %add3A_155 = arith.addi %mul3A_75, %add3A_154 : i32
        %add3A_156 = arith.constant 2 : i32
        %add3A_157 = arith.addi %add3A_155, %add3A_156 : i32
        %lt3A_158 = arith.constant 2500 : i32
        %lt3A_159 = arith.cmpi slt, %add3A_157, %lt3A_158 : i32
        %convert_element_type3A_160 = arith.extui %lt3A_159 : i1 to i32
        %cond3A_161 = arith.constant 0 : i32
        %cond3A_162 = arith.cmpi ne, %convert_element_type3A_160, %cond3A_161 : i32
        scf.if %cond3A_162 {
          %dma_start3A = arith.constant 5 : i32
          %dma_start3A_209 = arith.constant 0 : i32
          %dma_start3A_210 = tpu.memref_slice %arg6[%dma_start3A, %dma_start3A_209] : memref<8x128xi32, #tpu.memory_space<vmem>> -> memref<1x128xi32, #tpu.memory_space<vmem>>
          %dma_start3A_211 = tpu.memref_squeeze %dma_start3A_210 : memref<1x128xi32, #tpu.memory_space<vmem>> -> memref<128xi32, #tpu.memory_space<vmem>>
          %dma_start3A_212 = arith.constant 0 : i32
          %dma_start3A_213 = arith.constant 0 : i32
          %dma_start3A_214 = tpu.memref_slice %arg4[%dma_start3A_212, %dma_start3A_213] : memref<10000x128xf32, #tpu.memory_space<hbm>> -> memref<10000x128xf32, #tpu.memory_space<hbm>>
          tpu.enqueue_indirect_dma source(%dma_start3A_214 : memref<10000x128xf32, #tpu.memory_space<hbm>>) target(%arg9 : memref<128x128xf32, #tpu.memory_space<vmem>>) offsets(%dma_start3A_211 : memref<128xi32, #tpu.memory_space<vmem>>) semaphore(%arg12 : memref<!tpu.dma_semaphore, #tpu.memory_space<semaphore_mem>>)
        } else {
        }
        %add3A_163 = arith.constant 4 : i32
        %add3A_164 = arith.addi %mul3A_75, %add3A_163 : i32
        %lt3A_165 = arith.constant 2500 : i32
        %lt3A_166 = arith.cmpi slt, %add3A_164, %lt3A_165 : i32
        %convert_element_type3A_167 = arith.extui %lt3A_166 : i1 to i32
        %cond3A_168 = arith.constant 0 : i32
        %cond3A_169 = arith.cmpi ne, %convert_element_type3A_167, %cond3A_168 : i32
        scf.if %cond3A_169 {
          %dma_wait3A = arith.constant 4 : i32
          %dma_wait3A_209 = arith.constant 0 : i32
          %dma_wait3A_210 = tpu.memref_slice %arg6[%dma_wait3A, %dma_wait3A_209] : memref<8x128xi32, #tpu.memory_space<vmem>> -> memref<1x128xi32, #tpu.memory_space<vmem>>
          %dma_wait3A_211 = tpu.memref_squeeze %dma_wait3A_210 : memref<1x128xi32, #tpu.memory_space<vmem>> -> memref<128xi32, #tpu.memory_space<vmem>>
          %dma_wait3A_212 = arith.constant 0 : i32
          %dma_wait3A_213 = arith.constant 0 : i32
          %dma_wait3A_214 = tpu.memref_slice %arg4[%dma_wait3A_212, %dma_wait3A_213] : memref<10000x128xf32, #tpu.memory_space<hbm>> -> memref<10000x128xf32, #tpu.memory_space<hbm>>
          tpu.wait_indirect_dma semaphore(%arg11 : memref<!tpu.dma_semaphore, #tpu.memory_space<semaphore_mem>>) src(%dma_wait3A_214 : memref<10000x128xf32, #tpu.memory_space<hbm>>) dst(%arg8 : memref<128x128xf32, #tpu.memory_space<vmem>>)
          %run_scoped3A = arith.constant 4 : i32
          "tpu.region"() ({
            %run_scoped3A_215 = tpu.sem_alloc : memref<!tpu.dma_semaphore, #tpu.memory_space<semaphore_mem>>
            %dma_start3A = arith.constant 0 : i32
            %dma_start3A_216 = tpu.memref_slice %arg7[%run_scoped3A, %dma_start3A] : memref<8x128xi32, #tpu.memory_space<vmem>> -> memref<1x128xi32, #tpu.memory_space<vmem>>
            %dma_start3A_217 = tpu.memref_squeeze %dma_start3A_216 : memref<1x128xi32, #tpu.memory_space<vmem>> -> memref<128xi32, #tpu.memory_space<vmem>>
            %dma_start3A_218 = arith.constant 0 : i32
            %dma_start3A_219 = arith.constant 0 : i32
            %dma_start3A_220 = tpu.memref_slice %arg10[%dma_start3A_218, %dma_start3A_219] : memref<10000x128xf32, #tpu.memory_space<vmem_shared>> -> memref<10000x128xf32, #tpu.memory_space<vmem_shared>>
            tpu.enqueue_indirect_dma source(%arg8 : memref<128x128xf32, #tpu.memory_space<vmem>>) target(%dma_start3A_220 : memref<10000x128xf32, #tpu.memory_space<vmem_shared>>) offsets(%dma_start3A_217 : memref<128xi32, #tpu.memory_space<vmem>>) semaphore(%run_scoped3A_215 : memref<!tpu.dma_semaphore, #tpu.memory_space<semaphore_mem>>) {add = true}
            %dma_wait3A_221 = arith.constant 0 : i32
            %dma_wait3A_222 = tpu.memref_slice %arg7[%run_scoped3A, %dma_wait3A_221] : memref<8x128xi32, #tpu.memory_space<vmem>> -> memref<1x128xi32, #tpu.memory_space<vmem>>
            %dma_wait3A_223 = tpu.memref_squeeze %dma_wait3A_222 : memref<1x128xi32, #tpu.memory_space<vmem>> -> memref<128xi32, #tpu.memory_space<vmem>>
            %dma_wait3A_224 = arith.constant 0 : i32
            %dma_wait3A_225 = arith.constant 0 : i32
            %dma_wait3A_226 = tpu.memref_slice %arg10[%dma_wait3A_224, %dma_wait3A_225] : memref<10000x128xf32, #tpu.memory_space<vmem_shared>> -> memref<10000x128xf32, #tpu.memory_space<vmem_shared>>
            tpu.wait_indirect_dma semaphore(%run_scoped3A_215 : memref<!tpu.dma_semaphore, #tpu.memory_space<semaphore_mem>>) src(%arg8 : memref<128x128xf32, #tpu.memory_space<vmem>>) dst(%dma_wait3A_226 : memref<10000x128xf32, #tpu.memory_space<vmem_shared>>)
            tpu.yield
          }) : () -> ()
        } else {
        }
        %add3A_170 = arith.constant 4 : i32
        %add3A_171 = arith.addi %mul3A_75, %add3A_170 : i32
        %add3A_172 = arith.constant 2 : i32
        %add3A_173 = arith.addi %add3A_171, %add3A_172 : i32
        %lt3A_174 = arith.constant 2500 : i32
        %lt3A_175 = arith.cmpi slt, %add3A_173, %lt3A_174 : i32
        %convert_element_type3A_176 = arith.extui %lt3A_175 : i1 to i32
        %cond3A_177 = arith.constant 0 : i32
        %cond3A_178 = arith.cmpi ne, %convert_element_type3A_176, %cond3A_177 : i32
        scf.if %cond3A_178 {
          %dma_start3A = arith.constant 6 : i32
          %dma_start3A_209 = arith.constant 0 : i32
          %dma_start3A_210 = tpu.memref_slice %arg6[%dma_start3A, %dma_start3A_209] : memref<8x128xi32, #tpu.memory_space<vmem>> -> memref<1x128xi32, #tpu.memory_space<vmem>>
          %dma_start3A_211 = tpu.memref_squeeze %dma_start3A_210 : memref<1x128xi32, #tpu.memory_space<vmem>> -> memref<128xi32, #tpu.memory_space<vmem>>
          %dma_start3A_212 = arith.constant 0 : i32
          %dma_start3A_213 = arith.constant 0 : i32
          %dma_start3A_214 = tpu.memref_slice %arg4[%dma_start3A_212, %dma_start3A_213] : memref<10000x128xf32, #tpu.memory_space<hbm>> -> memref<10000x128xf32, #tpu.memory_space<hbm>>
          tpu.enqueue_indirect_dma source(%dma_start3A_214 : memref<10000x128xf32, #tpu.memory_space<hbm>>) target(%arg8 : memref<128x128xf32, #tpu.memory_space<vmem>>) offsets(%dma_start3A_211 : memref<128xi32, #tpu.memory_space<vmem>>) semaphore(%arg11 : memref<!tpu.dma_semaphore, #tpu.memory_space<semaphore_mem>>)
        } else {
        }
        %add3A_179 = arith.constant 5 : i32
        %add3A_180 = arith.addi %mul3A_75, %add3A_179 : i32
        %lt3A_181 = arith.constant 2500 : i32
        %lt3A_182 = arith.cmpi slt, %add3A_180, %lt3A_181 : i32
        %convert_element_type3A_183 = arith.extui %lt3A_182 : i1 to i32
        %cond3A_184 = arith.constant 0 : i32
        %cond3A_185 = arith.cmpi ne, %convert_element_type3A_183, %cond3A_184 : i32
        scf.if %cond3A_185 {
          %dma_wait3A = arith.constant 5 : i32
          %dma_wait3A_209 = arith.constant 0 : i32
          %dma_wait3A_210 = tpu.memref_slice %arg6[%dma_wait3A, %dma_wait3A_209] : memref<8x128xi32, #tpu.memory_space<vmem>> -> memref<1x128xi32, #tpu.memory_space<vmem>>
          %dma_wait3A_211 = tpu.memref_squeeze %dma_wait3A_210 : memref<1x128xi32, #tpu.memory_space<vmem>> -> memref<128xi32, #tpu.memory_space<vmem>>
          %dma_wait3A_212 = arith.constant 0 : i32
          %dma_wait3A_213 = arith.constant 0 : i32
          %dma_wait3A_214 = tpu.memref_slice %arg4[%dma_wait3A_212, %dma_wait3A_213] : memref<10000x128xf32, #tpu.memory_space<hbm>> -> memref<10000x128xf32, #tpu.memory_space<hbm>>
          tpu.wait_indirect_dma semaphore(%arg12 : memref<!tpu.dma_semaphore, #tpu.memory_space<semaphore_mem>>) src(%dma_wait3A_214 : memref<10000x128xf32, #tpu.memory_space<hbm>>) dst(%arg9 : memref<128x128xf32, #tpu.memory_space<vmem>>)
          %run_scoped3A = arith.constant 5 : i32
          "tpu.region"() ({
            %run_scoped3A_215 = tpu.sem_alloc : memref<!tpu.dma_semaphore, #tpu.memory_space<semaphore_mem>>
            %dma_start3A = arith.constant 0 : i32
            %dma_start3A_216 = tpu.memref_slice %arg7[%run_scoped3A, %dma_start3A] : memref<8x128xi32, #tpu.memory_space<vmem>> -> memref<1x128xi32, #tpu.memory_space<vmem>>
            %dma_start3A_217 = tpu.memref_squeeze %dma_start3A_216 : memref<1x128xi32, #tpu.memory_space<vmem>> -> memref<128xi32, #tpu.memory_space<vmem>>
            %dma_start3A_218 = arith.constant 0 : i32
            %dma_start3A_219 = arith.constant 0 : i32
            %dma_start3A_220 = tpu.memref_slice %arg10[%dma_start3A_218, %dma_start3A_219] : memref<10000x128xf32, #tpu.memory_space<vmem_shared>> -> memref<10000x128xf32, #tpu.memory_space<vmem_shared>>
            tpu.enqueue_indirect_dma source(%arg9 : memref<128x128xf32, #tpu.memory_space<vmem>>) target(%dma_start3A_220 : memref<10000x128xf32, #tpu.memory_space<vmem_shared>>) offsets(%dma_start3A_217 : memref<128xi32, #tpu.memory_space<vmem>>) semaphore(%run_scoped3A_215 : memref<!tpu.dma_semaphore, #tpu.memory_space<semaphore_mem>>) {add = true}
            %dma_wait3A_221 = arith.constant 0 : i32
            %dma_wait3A_222 = tpu.memref_slice %arg7[%run_scoped3A, %dma_wait3A_221] : memref<8x128xi32, #tpu.memory_space<vmem>> -> memref<1x128xi32, #tpu.memory_space<vmem>>
            %dma_wait3A_223 = tpu.memref_squeeze %dma_wait3A_222 : memref<1x128xi32, #tpu.memory_space<vmem>> -> memref<128xi32, #tpu.memory_space<vmem>>
            %dma_wait3A_224 = arith.constant 0 : i32
            %dma_wait3A_225 = arith.constant 0 : i32
            %dma_wait3A_226 = tpu.memref_slice %arg10[%dma_wait3A_224, %dma_wait3A_225] : memref<10000x128xf32, #tpu.memory_space<vmem_shared>> -> memref<10000x128xf32, #tpu.memory_space<vmem_shared>>
            tpu.wait_indirect_dma semaphore(%run_scoped3A_215 : memref<!tpu.dma_semaphore, #tpu.memory_space<semaphore_mem>>) src(%arg9 : memref<128x128xf32, #tpu.memory_space<vmem>>) dst(%dma_wait3A_226 : memref<10000x128xf32, #tpu.memory_space<vmem_shared>>)
            tpu.yield
          }) : () -> ()
        } else {
        }
        %add3A_186 = arith.constant 5 : i32
        %add3A_187 = arith.addi %mul3A_75, %add3A_186 : i32
        %add3A_188 = arith.constant 2 : i32
        %add3A_189 = arith.addi %add3A_187, %add3A_188 : i32
        %lt3A_190 = arith.constant 2500 : i32
        %lt3A_191 = arith.cmpi slt, %add3A_189, %lt3A_190 : i32
        %convert_element_type3A_192 = arith.extui %lt3A_191 : i1 to i32
        %cond3A_193 = arith.constant 0 : i32
        %cond3A_194 = arith.cmpi ne, %convert_element_type3A_192, %cond3A_193 : i32
        scf.if %cond3A_194 {
          %dma_start3A = arith.constant 7 : i32
          %dma_start3A_209 = arith.constant 0 : i32
          %dma_start3A_210 = tpu.memref_slice %arg6[%dma_start3A, %dma_start3A_209] : memref<8x128xi32, #tpu.memory_space<vmem>> -> memref<1x128xi32, #tpu.memory_space<vmem>>
          %dma_start3A_211 = tpu.memref_squeeze %dma_start3A_210 : memref<1x128xi32, #tpu.memory_space<vmem>> -> memref<128xi32, #tpu.memory_space<vmem>>
          %dma_start3A_212 = arith.constant 0 : i32
          %dma_start3A_213 = arith.constant 0 : i32
          %dma_start3A_214 = tpu.memref_slice %arg4[%dma_start3A_212, %dma_start3A_213] : memref<10000x128xf32, #tpu.memory_space<hbm>> -> memref<10000x128xf32, #tpu.memory_space<hbm>>
          tpu.enqueue_indirect_dma source(%dma_start3A_214 : memref<10000x128xf32, #tpu.memory_space<hbm>>) target(%arg9 : memref<128x128xf32, #tpu.memory_space<vmem>>) offsets(%dma_start3A_211 : memref<128xi32, #tpu.memory_space<vmem>>) semaphore(%arg12 : memref<!tpu.dma_semaphore, #tpu.memory_space<semaphore_mem>>)
        } else {
        }
        %add3A_195 = arith.constant 6 : i32
        %add3A_196 = arith.addi %mul3A_75, %add3A_195 : i32
        %lt3A_197 = arith.constant 2500 : i32
        %lt3A_198 = arith.cmpi slt, %add3A_196, %lt3A_197 : i32
        %convert_element_type3A_199 = arith.extui %lt3A_198 : i1 to i32
        %cond3A_200 = arith.constant 0 : i32
        %cond3A_201 = arith.cmpi ne, %convert_element_type3A_199, %cond3A_200 : i32
        scf.if %cond3A_201 {
          %dma_wait3A = arith.constant 6 : i32
          %dma_wait3A_209 = arith.constant 0 : i32
          %dma_wait3A_210 = tpu.memref_slice %arg6[%dma_wait3A, %dma_wait3A_209] : memref<8x128xi32, #tpu.memory_space<vmem>> -> memref<1x128xi32, #tpu.memory_space<vmem>>
          %dma_wait3A_211 = tpu.memref_squeeze %dma_wait3A_210 : memref<1x128xi32, #tpu.memory_space<vmem>> -> memref<128xi32, #tpu.memory_space<vmem>>
          %dma_wait3A_212 = arith.constant 0 : i32
          %dma_wait3A_213 = arith.constant 0 : i32
          %dma_wait3A_214 = tpu.memref_slice %arg4[%dma_wait3A_212, %dma_wait3A_213] : memref<10000x128xf32, #tpu.memory_space<hbm>> -> memref<10000x128xf32, #tpu.memory_space<hbm>>
          tpu.wait_indirect_dma semaphore(%arg11 : memref<!tpu.dma_semaphore, #tpu.memory_space<semaphore_mem>>) src(%dma_wait3A_214 : memref<10000x128xf32, #tpu.memory_space<hbm>>) dst(%arg8 : memref<128x128xf32, #tpu.memory_space<vmem>>)
          %run_scoped3A = arith.constant 6 : i32
          "tpu.region"() ({
            %run_scoped3A_215 = tpu.sem_alloc : memref<!tpu.dma_semaphore, #tpu.memory_space<semaphore_mem>>
            %dma_start3A = arith.constant 0 : i32
            %dma_start3A_216 = tpu.memref_slice %arg7[%run_scoped3A, %dma_start3A] : memref<8x128xi32, #tpu.memory_space<vmem>> -> memref<1x128xi32, #tpu.memory_space<vmem>>
            %dma_start3A_217 = tpu.memref_squeeze %dma_start3A_216 : memref<1x128xi32, #tpu.memory_space<vmem>> -> memref<128xi32, #tpu.memory_space<vmem>>
            %dma_start3A_218 = arith.constant 0 : i32
            %dma_start3A_219 = arith.constant 0 : i32
            %dma_start3A_220 = tpu.memref_slice %arg10[%dma_start3A_218, %dma_start3A_219] : memref<10000x128xf32, #tpu.memory_space<vmem_shared>> -> memref<10000x128xf32, #tpu.memory_space<vmem_shared>>
            tpu.enqueue_indirect_dma source(%arg8 : memref<128x128xf32, #tpu.memory_space<vmem>>) target(%dma_start3A_220 : memref<10000x128xf32, #tpu.memory_space<vmem_shared>>) offsets(%dma_start3A_217 : memref<128xi32, #tpu.memory_space<vmem>>) semaphore(%run_scoped3A_215 : memref<!tpu.dma_semaphore, #tpu.memory_space<semaphore_mem>>) {add = true}
            %dma_wait3A_221 = arith.constant 0 : i32
            %dma_wait3A_222 = tpu.memref_slice %arg7[%run_scoped3A, %dma_wait3A_221] : memref<8x128xi32, #tpu.memory_space<vmem>> -> memref<1x128xi32, #tpu.memory_space<vmem>>
            %dma_wait3A_223 = tpu.memref_squeeze %dma_wait3A_222 : memref<1x128xi32, #tpu.memory_space<vmem>> -> memref<128xi32, #tpu.memory_space<vmem>>
            %dma_wait3A_224 = arith.constant 0 : i32
            %dma_wait3A_225 = arith.constant 0 : i32
            %dma_wait3A_226 = tpu.memref_slice %arg10[%dma_wait3A_224, %dma_wait3A_225] : memref<10000x128xf32, #tpu.memory_space<vmem_shared>> -> memref<10000x128xf32, #tpu.memory_space<vmem_shared>>
            tpu.wait_indirect_dma semaphore(%run_scoped3A_215 : memref<!tpu.dma_semaphore, #tpu.memory_space<semaphore_mem>>) src(%arg8 : memref<128x128xf32, #tpu.memory_space<vmem>>) dst(%dma_wait3A_226 : memref<10000x128xf32, #tpu.memory_space<vmem_shared>>)
            tpu.yield
          }) : () -> ()
        } else {
        }
        %add3A_202 = arith.constant 7 : i32
        %add3A_203 = arith.addi %mul3A_75, %add3A_202 : i32
        %lt3A_204 = arith.constant 2500 : i32
        %lt3A_205 = arith.cmpi slt, %add3A_203, %lt3A_204 : i32
        %convert_element_type3A_206 = arith.extui %lt3A_205 : i1 to i32
        %cond3A_207 = arith.constant 0 : i32
        %cond3A_208 = arith.cmpi ne, %convert_element_type3A_206, %cond3A_207 : i32
        scf.if %cond3A_208 {
          %dma_wait3A = arith.constant 7 : i32
          %dma_wait3A_209 = arith.constant 0 : i32
          %dma_wait3A_210 = tpu.memref_slice %arg6[%dma_wait3A, %dma_wait3A_209] : memref<8x128xi32, #tpu.memory_space<vmem>> -> memref<1x128xi32, #tpu.memory_space<vmem>>
          %dma_wait3A_211 = tpu.memref_squeeze %dma_wait3A_210 : memref<1x128xi32, #tpu.memory_space<vmem>> -> memref<128xi32, #tpu.memory_space<vmem>>
          %dma_wait3A_212 = arith.constant 0 : i32
          %dma_wait3A_213 = arith.constant 0 : i32
          %dma_wait3A_214 = tpu.memref_slice %arg4[%dma_wait3A_212, %dma_wait3A_213] : memref<10000x128xf32, #tpu.memory_space<hbm>> -> memref<10000x128xf32, #tpu.memory_space<hbm>>
          tpu.wait_indirect_dma semaphore(%arg12 : memref<!tpu.dma_semaphore, #tpu.memory_space<semaphore_mem>>) src(%dma_wait3A_214 : memref<10000x128xf32, #tpu.memory_space<hbm>>) dst(%arg9 : memref<128x128xf32, #tpu.memory_space<vmem>>)
          %run_scoped3A = arith.constant 7 : i32
          "tpu.region"() ({
            %run_scoped3A_215 = tpu.sem_alloc : memref<!tpu.dma_semaphore, #tpu.memory_space<semaphore_mem>>
            %dma_start3A = arith.constant 0 : i32
            %dma_start3A_216 = tpu.memref_slice %arg7[%run_scoped3A, %dma_start3A] : memref<8x128xi32, #tpu.memory_space<vmem>> -> memref<1x128xi32, #tpu.memory_space<vmem>>
            %dma_start3A_217 = tpu.memref_squeeze %dma_start3A_216 : memref<1x128xi32, #tpu.memory_space<vmem>> -> memref<128xi32, #tpu.memory_space<vmem>>
            %dma_start3A_218 = arith.constant 0 : i32
            %dma_start3A_219 = arith.constant 0 : i32
            %dma_start3A_220 = tpu.memref_slice %arg10[%dma_start3A_218, %dma_start3A_219] : memref<10000x128xf32, #tpu.memory_space<vmem_shared>> -> memref<10000x128xf32, #tpu.memory_space<vmem_shared>>
            tpu.enqueue_indirect_dma source(%arg9 : memref<128x128xf32, #tpu.memory_space<vmem>>) target(%dma_start3A_220 : memref<10000x128xf32, #tpu.memory_space<vmem_shared>>) offsets(%dma_start3A_217 : memref<128xi32, #tpu.memory_space<vmem>>) semaphore(%run_scoped3A_215 : memref<!tpu.dma_semaphore, #tpu.memory_space<semaphore_mem>>) {add = true}
            %dma_wait3A_221 = arith.constant 0 : i32
            %dma_wait3A_222 = tpu.memref_slice %arg7[%run_scoped3A, %dma_wait3A_221] : memref<8x128xi32, #tpu.memory_space<vmem>> -> memref<1x128xi32, #tpu.memory_space<vmem>>
            %dma_wait3A_223 = tpu.memref_squeeze %dma_wait3A_222 : memref<1x128xi32, #tpu.memory_space<vmem>> -> memref<128xi32, #tpu.memory_space<vmem>>
            %dma_wait3A_224 = arith.constant 0 : i32
            %dma_wait3A_225 = arith.constant 0 : i32
            %dma_wait3A_226 = tpu.memref_slice %arg10[%dma_wait3A_224, %dma_wait3A_225] : memref<10000x128xf32, #tpu.memory_space<vmem_shared>> -> memref<10000x128xf32, #tpu.memory_space<vmem_shared>>
            tpu.wait_indirect_dma semaphore(%run_scoped3A_215 : memref<!tpu.dma_semaphore, #tpu.memory_space<semaphore_mem>>) src(%arg9 : memref<128x128xf32, #tpu.memory_space<vmem>>) dst(%dma_wait3A_226 : memref<10000x128xf32, #tpu.memory_space<vmem_shared>>)
            tpu.yield
          }) : () -> ()
        } else {
        }
      } else {
      }
      %scan3A_80 = arith.constant 0 : i32
      scf.yield %scan3A_80 : i32
    }
    %scan3A_27 = arith.constant 10 : i32
    %barrier3A_28 = arith.constant 0 : index
    tpu.barrier barrier_id(%barrier3A_28)
    %add3A_29 = arith.constant 0 : i32
    %add3A_30 = arith.addi %mul3A_8, %add3A_29 : i32
    %mul3A_31 = arith.constant 10000 : i32
    %mul3A_32 = arith.muli %arg0, %mul3A_31 : i32
    %add3A_33 = arith.addi %mul3A_32, %mul3A_8 : i32
    %add3A_34 = arith.constant 0 : i32
    %add3A_35 = arith.addi %add3A_33, %add3A_34 : i32
    "tpu.region"() ({
      %run_scoped3A = tpu.sem_alloc : memref<!tpu.dma_semaphore, #tpu.memory_space<semaphore_mem>>
      %dma_start3A = arith.constant 0 : i32
      %dma_start3A_69 = tpu.memref_slice %arg5[%add3A_35, %dma_start3A] : memref<20000x128xf32, #tpu.memory_space<hbm>> -> memref<128x128xf32, #tpu.memory_space<hbm>>
      %dma_start3A_70 = arith.constant 0 : i32
      %dma_start3A_71 = tpu.memref_slice %arg10[%add3A_30, %dma_start3A_70] : memref<10000x128xf32, #tpu.memory_space<vmem_shared>> -> memref<128x128xf32, #tpu.memory_space<vmem_shared>>
      tpu.enqueue_dma source(%dma_start3A_71 : memref<128x128xf32, #tpu.memory_space<vmem_shared>>) target(%dma_start3A_69 : memref<128x128xf32, #tpu.memory_space<hbm>>) target_semaphore(%run_scoped3A : memref<!tpu.dma_semaphore, #tpu.memory_space<semaphore_mem>>)
      %dma_wait3A = arith.constant 0 : i32
      %dma_wait3A_72 = tpu.memref_slice %arg5[%add3A_35, %dma_wait3A] : memref<20000x128xf32, #tpu.memory_space<hbm>> -> memref<128x128xf32, #tpu.memory_space<hbm>>
      %dma_wait3A_73 = arith.constant 0 : i32
      %dma_wait3A_74 = tpu.memref_slice %arg10[%add3A_30, %dma_wait3A_73] : memref<10000x128xf32, #tpu.memory_space<vmem_shared>> -> memref<128x128xf32, #tpu.memory_space<vmem_shared>>
      tpu.wait_dma2 semaphore(%run_scoped3A : memref<!tpu.dma_semaphore, #tpu.memory_space<semaphore_mem>>) src(%dma_wait3A_74 : memref<128x128xf32, #tpu.memory_space<vmem_shared>>) dst(%dma_wait3A_72 : memref<128x128xf32, #tpu.memory_space<hbm>>)
      tpu.yield
    }) : () -> ()
    %add3A_36 = arith.constant 128 : i32
    %add3A_37 = arith.addi %mul3A_8, %add3A_36 : i32
    %mul3A_38 = arith.constant 10000 : i32
    %mul3A_39 = arith.muli %arg0, %mul3A_38 : i32
    %add3A_40 = arith.addi %mul3A_39, %mul3A_8 : i32
    %add3A_41 = arith.constant 128 : i32
    %add3A_42 = arith.addi %add3A_40, %add3A_41 : i32
    "tpu.region"() ({
      %run_scoped3A = tpu.sem_alloc : memref<!tpu.dma_semaphore, #tpu.memory_space<semaphore_mem>>
      %dma_start3A = arith.constant 0 : i32
      %dma_start3A_69 = tpu.memref_slice %arg5[%add3A_42, %dma_start3A] : memref<20000x128xf32, #tpu.memory_space<hbm>> -> memref<128x128xf32, #tpu.memory_space<hbm>>
      %dma_start3A_70 = arith.constant 0 : i32
      %dma_start3A_71 = tpu.memref_slice %arg10[%add3A_37, %dma_start3A_70] : memref<10000x128xf32, #tpu.memory_space<vmem_shared>> -> memref<128x128xf32, #tpu.memory_space<vmem_shared>>
      tpu.enqueue_dma source(%dma_start3A_71 : memref<128x128xf32, #tpu.memory_space<vmem_shared>>) target(%dma_start3A_69 : memref<128x128xf32, #tpu.memory_space<hbm>>) target_semaphore(%run_scoped3A : memref<!tpu.dma_semaphore, #tpu.memory_space<semaphore_mem>>)
      %dma_wait3A = arith.constant 0 : i32
      %dma_wait3A_72 = tpu.memref_slice %arg5[%add3A_42, %dma_wait3A] : memref<20000x128xf32, #tpu.memory_space<hbm>> -> memref<128x128xf32, #tpu.memory_space<hbm>>
      %dma_wait3A_73 = arith.constant 0 : i32
      %dma_wait3A_74 = tpu.memref_slice %arg10[%add3A_37, %dma_wait3A_73] : memref<10000x128xf32, #tpu.memory_space<vmem_shared>> -> memref<128x128xf32, #tpu.memory_space<vmem_shared>>
      tpu.wait_dma2 semaphore(%run_scoped3A : memref<!tpu.dma_semaphore, #tpu.memory_space<semaphore_mem>>) src(%dma_wait3A_74 : memref<128x128xf32, #tpu.memory_space<vmem_shared>>) dst(%dma_wait3A_72 : memref<128x128xf32, #tpu.memory_space<hbm>>)
      tpu.yield
    }) : () -> ()
    %add3A_43 = arith.constant 256 : i32
    %add3A_44 = arith.addi %mul3A_8, %add3A_43 : i32
    %mul3A_45 = arith.constant 10000 : i32
    %mul3A_46 = arith.muli %arg0, %mul3A_45 : i32
    %add3A_47 = arith.addi %mul3A_46, %mul3A_8 : i32
    %add3A_48 = arith.constant 256 : i32
    %add3A_49 = arith.addi %add3A_47, %add3A_48 : i32
    "tpu.region"() ({
      %run_scoped3A = tpu.sem_alloc : memref<!tpu.dma_semaphore, #tpu.memory_space<semaphore_mem>>
      %dma_start3A = arith.constant 0 : i32
      %dma_start3A_69 = tpu.memref_slice %arg5[%add3A_49, %dma_start3A] : memref<20000x128xf32, #tpu.memory_space<hbm>> -> memref<128x128xf32, #tpu.memory_space<hbm>>
      %dma_start3A_70 = arith.constant 0 : i32
      %dma_start3A_71 = tpu.memref_slice %arg10[%add3A_44, %dma_start3A_70] : memref<10000x128xf32, #tpu.memory_space<vmem_shared>> -> memref<128x128xf32, #tpu.memory_space<vmem_shared>>
      tpu.enqueue_dma source(%dma_start3A_71 : memref<128x128xf32, #tpu.memory_space<vmem_shared>>) target(%dma_start3A_69 : memref<128x128xf32, #tpu.memory_space<hbm>>) target_semaphore(%run_scoped3A : memref<!tpu.dma_semaphore, #tpu.memory_space<semaphore_mem>>)
      %dma_wait3A = arith.constant 0 : i32
      %dma_wait3A_72 = tpu.memref_slice %arg5[%add3A_49, %dma_wait3A] : memref<20000x128xf32, #tpu.memory_space<hbm>> -> memref<128x128xf32, #tpu.memory_space<hbm>>
      %dma_wait3A_73 = arith.constant 0 : i32
      %dma_wait3A_74 = tpu.memref_slice %arg10[%add3A_44, %dma_wait3A_73] : memref<10000x128xf32, #tpu.memory_space<vmem_shared>> -> memref<128x128xf32, #tpu.memory_space<vmem_shared>>
      tpu.wait_dma2 semaphore(%run_scoped3A : memref<!tpu.dma_semaphore, #tpu.memory_space<semaphore_mem>>) src(%dma_wait3A_74 : memref<128x128xf32, #tpu.memory_space<vmem_shared>>) dst(%dma_wait3A_72 : memref<128x128xf32, #tpu.memory_space<hbm>>)
      tpu.yield
    }) : () -> ()
    %add3A_50 = arith.constant 384 : i32
    %add3A_51 = arith.addi %mul3A_8, %add3A_50 : i32
    %mul3A_52 = arith.constant 10000 : i32
    %mul3A_53 = arith.muli %arg0, %mul3A_52 : i32
    %add3A_54 = arith.addi %mul3A_53, %mul3A_8 : i32
    %add3A_55 = arith.constant 384 : i32
    %add3A_56 = arith.addi %add3A_54, %add3A_55 : i32
    "tpu.region"() ({
      %run_scoped3A = tpu.sem_alloc : memref<!tpu.dma_semaphore, #tpu.memory_space<semaphore_mem>>
      %dma_start3A = arith.constant 0 : i32
      %dma_start3A_69 = tpu.memref_slice %arg5[%add3A_56, %dma_start3A] : memref<20000x128xf32, #tpu.memory_space<hbm>> -> memref<128x128xf32, #tpu.memory_space<hbm>>
      %dma_start3A_70 = arith.constant 0 : i32
      %dma_start3A_71 = tpu.memref_slice %arg10[%add3A_51, %dma_start3A_70] : memref<10000x128xf32, #tpu.memory_space<vmem_shared>> -> memref<128x128xf32, #tpu.memory_space<vmem_shared>>
      tpu.enqueue_dma source(%dma_start3A_71 : memref<128x128xf32, #tpu.memory_space<vmem_shared>>) target(%dma_start3A_69 : memref<128x128xf32, #tpu.memory_space<hbm>>) target_semaphore(%run_scoped3A : memref<!tpu.dma_semaphore, #tpu.memory_space<semaphore_mem>>)
      %dma_wait3A = arith.constant 0 : i32
      %dma_wait3A_72 = tpu.memref_slice %arg5[%add3A_56, %dma_wait3A] : memref<20000x128xf32, #tpu.memory_space<hbm>> -> memref<128x128xf32, #tpu.memory_space<hbm>>
      %dma_wait3A_73 = arith.constant 0 : i32
      %dma_wait3A_74 = tpu.memref_slice %arg10[%add3A_51, %dma_wait3A_73] : memref<10000x128xf32, #tpu.memory_space<vmem_shared>> -> memref<128x128xf32, #tpu.memory_space<vmem_shared>>
      tpu.wait_dma2 semaphore(%run_scoped3A : memref<!tpu.dma_semaphore, #tpu.memory_space<semaphore_mem>>) src(%dma_wait3A_74 : memref<128x128xf32, #tpu.memory_space<vmem_shared>>) dst(%dma_wait3A_72 : memref<128x128xf32, #tpu.memory_space<hbm>>)
      tpu.yield
    }) : () -> ()
    %add3A_57 = arith.constant 512 : i32
    %add3A_58 = arith.addi %mul3A_8, %add3A_57 : i32
    %mul3A_59 = arith.constant 10000 : i32
    %mul3A_60 = arith.muli %arg0, %mul3A_59 : i32
    %add3A_61 = arith.addi %mul3A_60, %mul3A_8 : i32
    %add3A_62 = arith.constant 512 : i32
    %add3A_63 = arith.addi %add3A_61, %add3A_62 : i32
    "tpu.region"() ({
      %run_scoped3A = tpu.sem_alloc : memref<!tpu.dma_semaphore, #tpu.memory_space<semaphore_mem>>
      %dma_start3A = arith.constant 0 : i32
      %dma_start3A_69 = tpu.memref_slice %arg5[%add3A_63, %dma_start3A] : memref<20000x128xf32, #tpu.memory_space<hbm>> -> memref<112x128xf32, #tpu.memory_space<hbm>>
      %dma_start3A_70 = arith.constant 0 : i32
      %dma_start3A_71 = tpu.memref_slice %arg10[%add3A_58, %dma_start3A_70] : memref<10000x128xf32, #tpu.memory_space<vmem_shared>> -> memref<112x128xf32, #tpu.memory_space<vmem_shared>>
      tpu.enqueue_dma source(%dma_start3A_71 : memref<112x128xf32, #tpu.memory_space<vmem_shared>>) target(%dma_start3A_69 : memref<112x128xf32, #tpu.memory_space<hbm>>) target_semaphore(%run_scoped3A : memref<!tpu.dma_semaphore, #tpu.memory_space<semaphore_mem>>)
      %dma_wait3A = arith.constant 0 : i32
      %dma_wait3A_72 = tpu.memref_slice %arg5[%add3A_63, %dma_wait3A] : memref<20000x128xf32, #tpu.memory_space<hbm>> -> memref<112x128xf32, #tpu.memory_space<hbm>>
      %dma_wait3A_73 = arith.constant 0 : i32
      %dma_wait3A_74 = tpu.memref_slice %arg10[%add3A_58, %dma_wait3A_73] : memref<10000x128xf32, #tpu.memory_space<vmem_shared>> -> memref<112x128xf32, #tpu.memory_space<vmem_shared>>
      tpu.wait_dma2 semaphore(%run_scoped3A : memref<!tpu.dma_semaphore, #tpu.memory_space<semaphore_mem>>) src(%dma_wait3A_74 : memref<112x128xf32, #tpu.memory_space<vmem_shared>>) dst(%dma_wait3A_72 : memref<112x128xf32, #tpu.memory_space<hbm>>)
      tpu.yield
    }) : () -> ()
    %eq3A_64 = arith.constant 15 : i32
    %eq3A_65 = arith.cmpi eq, %arg1, %eq3A_64 : i32
    %convert_element_type3A_66 = arith.extui %eq3A_65 : i1 to i32
    %cond3A_67 = arith.constant 0 : i32
    %cond3A_68 = arith.cmpi ne, %convert_element_type3A_66, %cond3A_67 : i32
    scf.if %cond3A_68 {
      %add3A_69 = arith.constant 624 : i32
      %add3A_70 = arith.addi %mul3A_8, %add3A_69 : i32
      %mul3A_71 = arith.constant 10000 : i32
      %mul3A_72 = arith.muli %arg0, %mul3A_71 : i32
      %add3A_73 = arith.addi %mul3A_72, %mul3A_8 : i32
      %add3A_74 = arith.constant 624 : i32
      %add3A_75 = arith.addi %add3A_73, %add3A_74 : i32
      "tpu.region"() ({
        %run_scoped3A = tpu.sem_alloc : memref<!tpu.dma_semaphore, #tpu.memory_space<semaphore_mem>>
        %dma_start3A = arith.constant 0 : i32
        %dma_start3A_76 = tpu.memref_slice %arg5[%add3A_75, %dma_start3A] : memref<20000x128xf32, #tpu.memory_space<hbm>> -> memref<16x128xf32, #tpu.memory_space<hbm>>
        %dma_start3A_77 = arith.constant 0 : i32
        %dma_start3A_78 = tpu.memref_slice %arg10[%add3A_70, %dma_start3A_77] : memref<10000x128xf32, #tpu.memory_space<vmem_shared>> -> memref<16x128xf32, #tpu.memory_space<vmem_shared>>
        tpu.enqueue_dma source(%dma_start3A_78 : memref<16x128xf32, #tpu.memory_space<vmem_shared>>) target(%dma_start3A_76 : memref<16x128xf32, #tpu.memory_space<hbm>>) target_semaphore(%run_scoped3A : memref<!tpu.dma_semaphore, #tpu.memory_space<semaphore_mem>>)
        %dma_wait3A = arith.constant 0 : i32
        %dma_wait3A_79 = tpu.memref_slice %arg5[%add3A_75, %dma_wait3A] : memref<20000x128xf32, #tpu.memory_space<hbm>> -> memref<16x128xf32, #tpu.memory_space<hbm>>
        %dma_wait3A_80 = arith.constant 0 : i32
        %dma_wait3A_81 = tpu.memref_slice %arg10[%add3A_70, %dma_wait3A_80] : memref<10000x128xf32, #tpu.memory_space<vmem_shared>> -> memref<16x128xf32, #tpu.memory_space<vmem_shared>>
        tpu.wait_dma2 semaphore(%run_scoped3A : memref<!tpu.dma_semaphore, #tpu.memory_space<semaphore_mem>>) src(%dma_wait3A_81 : memref<16x128xf32, #tpu.memory_space<vmem_shared>>) dst(%dma_wait3A_79 : memref<16x128xf32, #tpu.memory_space<hbm>>)
        tpu.yield
      }) : () -> ()
    } else {
    }
    return
  }
}

#map = affine_map<(d0, d1) -> (0, 0)>
module attributes {stable_mosaic.version = 14 : i64} {
  func.func @_conv_sc(%arg0: i32, %arg1: i32, %arg2: memref<2504x128xi32, #tpu.memory_space<hbm>>, %arg3: memref<2504x128xi32, #tpu.memory_space<hbm>>, %arg4: memref<10000x128xf32, #tpu.memory_space<hbm>>, %arg5: memref<20000x128xf32, #tpu.memory_space<hbm>>, %arg6: memref<8x128xi32, #tpu.memory_space<vmem>>, %arg7: memref<8x128xi32, #tpu.memory_space<vmem>>, %arg8: memref<128x128xf32, #tpu.memory_space<vmem>>, %arg9: memref<128x128xf32, #tpu.memory_space<vmem>>, %arg10: memref<10000x128xf32, #tpu.memory_space<vmem_shared>>, %arg11: memref<!tpu.dma_semaphore, #tpu.memory_space<semaphore_mem>>, %arg12: memref<!tpu.dma_semaphore, #tpu.memory_space<semaphore_mem>>) attributes {dimension_semantics = [#tpu.dimension_semantics<core_parallel>, #tpu.dimension_semantics<subcore_parallel>], iteration_bounds = array<i64: 2, 16>, scalar_prefetch = 0 : i64, scratch_operands = 7 : i64, tpu.core_type = #tpu.core_type<sc_vector_subcore>, window_params = [{transform_indices = #map}, {transform_indices = #map}, {transform_indices = #map}, {transform_indices = #map}]} {
    %mul3A = arith.constant 2 : i32
    %mul3A_0 = arith.muli %arg1, %mul3A : i32
    %add3A = arith.addi %mul3A_0, %arg0 : i32
    %scan3A = arith.constant 0 : i32
    %scan3A_1 = arith.constant 0 : i32
    %scan3A_2 = arith.constant 1024 : i32
    %scan3A_3 = arith.addi %scan3A_1, %scan3A_2 : i32
    %scan3A_4 = arith.constant 1 : i32
    %scan3A_5 = scf.for %scan3A_69 = %scan3A_1 to %scan3A_3 step %scan3A_4 iter_args(%scan3A_70 = %scan3A) -> (i32)  : i32 {
      %jit3A = arith.constant 8 : i32
      %div3A = arith.divsi %scan3A_69, %jit3A : i32
      %sign3A = arith.constant 0 : i32
      %sign3A_71 = arith.cmpi sgt, %scan3A_69, %sign3A : i32
      %sign3A_72 = arith.extui %sign3A_71 : i1 to i32
      %sign3A_73 = arith.constant 0 : i32
      %sign3A_74 = arith.cmpi slt, %scan3A_69, %sign3A_73 : i32
      %sign3A_75 = arith.extui %sign3A_74 : i1 to i32
      %sign3A_76 = arith.subi %sign3A_72, %sign3A_75 : i32
      %sign3A_77 = arith.constant 0 : i32
      %sign3A_78 = arith.cmpi sgt, %jit3A, %sign3A_77 : i32
      %sign3A_79 = arith.extui %sign3A_78 : i1 to i32
      %sign3A_80 = arith.constant 0 : i32
      %sign3A_81 = arith.cmpi slt, %jit3A, %sign3A_80 : i32
      %sign3A_82 = arith.extui %sign3A_81 : i1 to i32
      %sign3A_83 = arith.subi %sign3A_79, %sign3A_82 : i32
      %ne3A = arith.cmpi ne, %sign3A_76, %sign3A_83 : i32
      %rem3A = arith.remsi %scan3A_69, %jit3A : i32
      %ne3A_84 = arith.constant 0 : i32
      %ne3A_85 = arith.cmpi ne, %rem3A, %ne3A_84 : i32
      %and3A = arith.andi %ne3A, %ne3A_85 : i1
      %sub3A = arith.constant 1 : i32
      %sub3A_86 = arith.subi %div3A, %sub3A : i32
      %select_n3A = arith.select %and3A, %sub3A_86, %div3A : i32
      %jit3A_87 = arith.constant 8 : i32
      %eq3A_88 = arith.constant 0 : i32
      %eq3A_89 = arith.cmpi eq, %jit3A_87, %eq3A_88 : i32
      %jit3A_90 = arith.constant 1 : i32
      %select_n3A_91 = arith.select %eq3A_89, %jit3A_90, %jit3A_87 : i32
      %rem3A_92 = arith.remsi %scan3A_69, %select_n3A_91 : i32
      %ne3A_93 = arith.constant 0 : i32
      %ne3A_94 = arith.cmpi ne, %rem3A_92, %ne3A_93 : i32
      %lt3A = arith.constant 0 : i32
      %lt3A_95 = arith.cmpi slt, %rem3A_92, %lt3A : i32
      %lt3A_96 = arith.constant 0 : i32
      %lt3A_97 = arith.cmpi slt, %select_n3A_91, %lt3A_96 : i32
      %ne3A_98 = arith.xori %lt3A_95, %lt3A_97 : i1
      %and3A_99 = arith.andi %ne3A_98, %ne3A_94 : i1
      %add3A_100 = arith.addi %rem3A_92, %select_n3A_91 : i32
      %select_n3A_101 = arith.select %and3A_99, %add3A_100, %rem3A_92 : i32
      %mul3A_102 = arith.constant 16 : i32
      %mul3A_103 = arith.muli %select_n3A_101, %mul3A_102 : i32
      %broadcast_in_dim3A = arith.constant 0.000000e+00 : f32
      %broadcast_in_dim3A_104 = vector.broadcast %broadcast_in_dim3A : f32 to vector<16xf32>
      %swap3A = arith.index_cast %select_n3A : i32 to index
      %swap3A_105 = arith.index_cast %mul3A_103 : i32 to index
      %swap3A_106 = tpu.vector_load %arg8[%swap3A, %swap3A_105] {strides = array<i32>} : memref<128x128xf32, #tpu.memory_space<vmem>>, vector<1x16xf32>,
      %swap3A_107 = vector.shape_cast %swap3A_106 : vector<1x16xf32> to vector<16xf32>
      %swap3A_108 = vector.shape_cast %broadcast_in_dim3A_104 : vector<16xf32> to vector<1x16xf32>
      tpu.vector_store %arg8[%swap3A, %swap3A_105], %swap3A_108 {strides = array<i32>} : memref<128x128xf32, #tpu.memory_space<vmem>>, vector<1x16xf32>,
      %scan3A_109 = arith.constant 0 : i32
      scf.yield %scan3A_109 : i32
    }
    %scan3A_6 = arith.constant 1024 : i32
    %mul3A_7 = arith.constant 624 : i32
    %mul3A_8 = arith.muli %arg1, %mul3A_7 : i32
    %add3A_9 = arith.constant 0 : i32
    %add3A_10 = arith.addi %mul3A_8, %add3A_9 : i32
    "tpu.region"() ({
      %run_scoped3A = tpu.sem_alloc : memref<!tpu.dma_semaphore, #tpu.memory_space<semaphore_mem>>
      %dma_start3A = arith.constant 0 : i32
      %dma_start3A_69 = arith.constant 0 : i32
      %dma_start3A_70 = tpu.memref_slice %arg8[%dma_start3A, %dma_start3A_69] : memref<128x128xf32, #tpu.memory_space<vmem>> -> memref<128x128xf32, #tpu.memory_space<vmem>>
      %dma_start3A_71 = arith.constant 0 : i32
      %dma_start3A_72 = tpu.memref_slice %arg10[%add3A_10, %dma_start3A_71] : memref<10000x128xf32, #tpu.memory_space<vmem_shared>> -> memref<128x128xf32, #tpu.memory_space<vmem_shared>>
      %dma_start3A_73 = arith.constant 0 : i32
      %dma_start3A_74 = tpu.memref_slice %arg10[%add3A_10, %dma_start3A_73] : memref<10000x128xf32, #tpu.memory_space<vmem_shared>> -> memref<128x128xf32, #tpu.memory_space<vmem_shared>>
      %dma_start3A_75 = arith.constant 0 : i32
      %dma_start3A_76 = arith.constant 0 : i32
      %dma_start3A_77 = tpu.memref_slice %arg8[%dma_start3A_75, %dma_start3A_76] : memref<128x128xf32, #tpu.memory_space<vmem>> -> memref<128x128xf32, #tpu.memory_space<vmem>>
      tpu.enqueue_dma source(%dma_start3A_77 : memref<128x128xf32, #tpu.memory_space<vmem>>) target(%dma_start3A_74 : memref<128x128xf32, #tpu.memory_space<vmem_shared>>) target_semaphore(%run_scoped3A : memref<!tpu.dma_semaphore, #tpu.memory_space<semaphore_mem>>)
      %dma_wait3A = arith.constant 0 : i32
      %dma_wait3A_78 = arith.constant 0 : i32
      %dma_wait3A_79 = tpu.memref_slice %arg8[%dma_wait3A, %dma_wait3A_78] : memref<128x128xf32, #tpu.memory_space<vmem>> -> memref<128x128xf32, #tpu.memory_space<vmem>>
      %dma_wait3A_80 = arith.constant 0 : i32
      %dma_wait3A_81 = tpu.memref_slice %arg10[%add3A_10, %dma_wait3A_80] : memref<10000x128xf32, #tpu.memory_space<vmem_shared>> -> memref<128x128xf32, #tpu.memory_space<vmem_shared>>
      %dma_wait3A_82 = arith.constant 0 : i32
      %dma_wait3A_83 = tpu.memref_slice %arg10[%add3A_10, %dma_wait3A_82] : memref<10000x128xf32, #tpu.memory_space<vmem_shared>> -> memref<128x128xf32, #tpu.memory_space<vmem_shared>>
      %dma_wait3A_84 = arith.constant 0 : i32
      %dma_wait3A_85 = arith.constant 0 : i32
      %dma_wait3A_86 = tpu.memref_slice %arg8[%dma_wait3A_84, %dma_wait3A_85] : memref<128x128xf32, #tpu.memory_space<vmem>> -> memref<128x128xf32, #tpu.memory_space<vmem>>
      tpu.wait_dma2 semaphore(%run_scoped3A : memref<!tpu.dma_semaphore, #tpu.memory_space<semaphore_mem>>) src(%dma_wait3A_86 : memref<128x128xf32, #tpu.memory_space<vmem>>) dst(%dma_wait3A_83 : memref<128x128xf32, #tpu.memory_space<vmem_shared>>)
      tpu.yield
    }) : () -> ()
    %add3A_11 = arith.constant 128 : i32
    %add3A_12 = arith.addi %mul3A_8, %add3A_11 : i32
    "tpu.region"() ({
      %run_scoped3A = tpu.sem_alloc : memref<!tpu.dma_semaphore, #tpu.memory_space<semaphore_mem>>
      %dma_start3A = arith.constant 0 : i32
      %dma_start3A_69 = arith.constant 0 : i32
      %dma_start3A_70 = tpu.memref_slice %arg8[%dma_start3A, %dma_start3A_69] : memref<128x128xf32, #tpu.memory_space<vmem>> -> memref<128x128xf32, #tpu.memory_space<vmem>>
      %dma_start3A_71 = arith.constant 0 : i32
      %dma_start3A_72 = tpu.memref_slice %arg10[%add3A_12, %dma_start3A_71] : memref<10000x128xf32, #tpu.memory_space<vmem_shared>> -> memref<128x128xf32, #tpu.memory_space<vmem_shared>>
      %dma_start3A_73 = arith.constant 0 : i32
      %dma_start3A_74 = tpu.memref_slice %arg10[%add3A_12, %dma_start3A_73] : memref<10000x128xf32, #tpu.memory_space<vmem_shared>> -> memref<128x128xf32, #tpu.memory_space<vmem_shared>>
      %dma_start3A_75 = arith.constant 0 : i32
      %dma_start3A_76 = arith.constant 0 : i32
      %dma_start3A_77 = tpu.memref_slice %arg8[%dma_start3A_75, %dma_start3A_76] : memref<128x128xf32, #tpu.memory_space<vmem>> -> memref<128x128xf32, #tpu.memory_space<vmem>>
      tpu.enqueue_dma source(%dma_start3A_77 : memref<128x128xf32, #tpu.memory_space<vmem>>) target(%dma_start3A_74 : memref<128x128xf32, #tpu.memory_space<vmem_shared>>) target_semaphore(%run_scoped3A : memref<!tpu.dma_semaphore, #tpu.memory_space<semaphore_mem>>)
      %dma_wait3A = arith.constant 0 : i32
      %dma_wait3A_78 = arith.constant 0 : i32
      %dma_wait3A_79 = tpu.memref_slice %arg8[%dma_wait3A, %dma_wait3A_78] : memref<128x128xf32, #tpu.memory_space<vmem>> -> memref<128x128xf32, #tpu.memory_space<vmem>>
      %dma_wait3A_80 = arith.constant 0 : i32
      %dma_wait3A_81 = tpu.memref_slice %arg10[%add3A_12, %dma_wait3A_80] : memref<10000x128xf32, #tpu.memory_space<vmem_shared>> -> memref<128x128xf32, #tpu.memory_space<vmem_shared>>
      %dma_wait3A_82 = arith.constant 0 : i32
      %dma_wait3A_83 = tpu.memref_slice %arg10[%add3A_12, %dma_wait3A_82] : memref<10000x128xf32, #tpu.memory_space<vmem_shared>> -> memref<128x128xf32, #tpu.memory_space<vmem_shared>>
      %dma_wait3A_84 = arith.constant 0 : i32
      %dma_wait3A_85 = arith.constant 0 : i32
      %dma_wait3A_86 = tpu.memref_slice %arg8[%dma_wait3A_84, %dma_wait3A_85] : memref<128x128xf32, #tpu.memory_space<vmem>> -> memref<128x128xf32, #tpu.memory_space<vmem>>
      tpu.wait_dma2 semaphore(%run_scoped3A : memref<!tpu.dma_semaphore, #tpu.memory_space<semaphore_mem>>) src(%dma_wait3A_86 : memref<128x128xf32, #tpu.memory_space<vmem>>) dst(%dma_wait3A_83 : memref<128x128xf32, #tpu.memory_space<vmem_shared>>)
      tpu.yield
    }) : () -> ()
    %add3A_13 = arith.constant 256 : i32
    %add3A_14 = arith.addi %mul3A_8, %add3A_13 : i32
    "tpu.region"() ({
      %run_scoped3A = tpu.sem_alloc : memref<!tpu.dma_semaphore, #tpu.memory_space<semaphore_mem>>
      %dma_start3A = arith.constant 0 : i32
      %dma_start3A_69 = arith.constant 0 : i32
      %dma_start3A_70 = tpu.memref_slice %arg8[%dma_start3A, %dma_start3A_69] : memref<128x128xf32, #tpu.memory_space<vmem>> -> memref<128x128xf32, #tpu.memory_space<vmem>>
      %dma_start3A_71 = arith.constant 0 : i32
      %dma_start3A_72 = tpu.memref_slice %arg10[%add3A_14, %dma_start3A_71] : memref<10000x128xf32, #tpu.memory_space<vmem_shared>> -> memref<128x128xf32, #tpu.memory_space<vmem_shared>>
      %dma_start3A_73 = arith.constant 0 : i32
      %dma_start3A_74 = tpu.memref_slice %arg10[%add3A_14, %dma_start3A_73] : memref<10000x128xf32, #tpu.memory_space<vmem_shared>> -> memref<128x128xf32, #tpu.memory_space<vmem_shared>>
      %dma_start3A_75 = arith.constant 0 : i32
      %dma_start3A_76 = arith.constant 0 : i32
      %dma_start3A_77 = tpu.memref_slice %arg8[%dma_start3A_75, %dma_start3A_76] : memref<128x128xf32, #tpu.memory_space<vmem>> -> memref<128x128xf32, #tpu.memory_space<vmem>>
      tpu.enqueue_dma source(%dma_start3A_77 : memref<128x128xf32, #tpu.memory_space<vmem>>) target(%dma_start3A_74 : memref<128x128xf32, #tpu.memory_space<vmem_shared>>) target_semaphore(%run_scoped3A : memref<!tpu.dma_semaphore, #tpu.memory_space<semaphore_mem>>)
      %dma_wait3A = arith.constant 0 : i32
      %dma_wait3A_78 = arith.constant 0 : i32
      %dma_wait3A_79 = tpu.memref_slice %arg8[%dma_wait3A, %dma_wait3A_78] : memref<128x128xf32, #tpu.memory_space<vmem>> -> memref<128x128xf32, #tpu.memory_space<vmem>>
      %dma_wait3A_80 = arith.constant 0 : i32
      %dma_wait3A_81 = tpu.memref_slice %arg10[%add3A_14, %dma_wait3A_80] : memref<10000x128xf32, #tpu.memory_space<vmem_shared>> -> memref<128x128xf32, #tpu.memory_space<vmem_shared>>
      %dma_wait3A_82 = arith.constant 0 : i32
      %dma_wait3A_83 = tpu.memref_slice %arg10[%add3A_14, %dma_wait3A_82] : memref<10000x128xf32, #tpu.memory_space<vmem_shared>> -> memref<128x128xf32, #tpu.memory_space<vmem_shared>>
      %dma_wait3A_84 = arith.constant 0 : i32
      %dma_wait3A_85 = arith.constant 0 : i32
      %dma_wait3A_86 = tpu.memref_slice %arg8[%dma_wait3A_84, %dma_wait3A_85] : memref<128x128xf32, #tpu.memory_space<vmem>> -> memref<128x128xf32, #tpu.memory_space<vmem>>
      tpu.wait_dma2 semaphore(%run_scoped3A : memref<!tpu.dma_semaphore, #tpu.memory_space<semaphore_mem>>) src(%dma_wait3A_86 : memref<128x128xf32, #tpu.memory_space<vmem>>) dst(%dma_wait3A_83 : memref<128x128xf32, #tpu.memory_space<vmem_shared>>)
      tpu.yield
    }) : () -> ()
    %add3A_15 = arith.constant 384 : i32
    %add3A_16 = arith.addi %mul3A_8, %add3A_15 : i32
    "tpu.region"() ({
      %run_scoped3A = tpu.sem_alloc : memref<!tpu.dma_semaphore, #tpu.memory_space<semaphore_mem>>
      %dma_start3A = arith.constant 0 : i32
      %dma_start3A_69 = arith.constant 0 : i32
      %dma_start3A_70 = tpu.memref_slice %arg8[%dma_start3A, %dma_start3A_69] : memref<128x128xf32, #tpu.memory_space<vmem>> -> memref<128x128xf32, #tpu.memory_space<vmem>>
      %dma_start3A_71 = arith.constant 0 : i32
      %dma_start3A_72 = tpu.memref_slice %arg10[%add3A_16, %dma_start3A_71] : memref<10000x128xf32, #tpu.memory_space<vmem_shared>> -> memref<128x128xf32, #tpu.memory_space<vmem_shared>>
      %dma_start3A_73 = arith.constant 0 : i32
      %dma_start3A_74 = tpu.memref_slice %arg10[%add3A_16, %dma_start3A_73] : memref<10000x128xf32, #tpu.memory_space<vmem_shared>> -> memref<128x128xf32, #tpu.memory_space<vmem_shared>>
      %dma_start3A_75 = arith.constant 0 : i32
      %dma_start3A_76 = arith.constant 0 : i32
      %dma_start3A_77 = tpu.memref_slice %arg8[%dma_start3A_75, %dma_start3A_76] : memref<128x128xf32, #tpu.memory_space<vmem>> -> memref<128x128xf32, #tpu.memory_space<vmem>>
      tpu.enqueue_dma source(%dma_start3A_77 : memref<128x128xf32, #tpu.memory_space<vmem>>) target(%dma_start3A_74 : memref<128x128xf32, #tpu.memory_space<vmem_shared>>) target_semaphore(%run_scoped3A : memref<!tpu.dma_semaphore, #tpu.memory_space<semaphore_mem>>)
      %dma_wait3A = arith.constant 0 : i32
      %dma_wait3A_78 = arith.constant 0 : i32
      %dma_wait3A_79 = tpu.memref_slice %arg8[%dma_wait3A, %dma_wait3A_78] : memref<128x128xf32, #tpu.memory_space<vmem>> -> memref<128x128xf32, #tpu.memory_space<vmem>>
      %dma_wait3A_80 = arith.constant 0 : i32
      %dma_wait3A_81 = tpu.memref_slice %arg10[%add3A_16, %dma_wait3A_80] : memref<10000x128xf32, #tpu.memory_space<vmem_shared>> -> memref<128x128xf32, #tpu.memory_space<vmem_shared>>
      %dma_wait3A_82 = arith.constant 0 : i32
      %dma_wait3A_83 = tpu.memref_slice %arg10[%add3A_16, %dma_wait3A_82] : memref<10000x128xf32, #tpu.memory_space<vmem_shared>> -> memref<128x128xf32, #tpu.memory_space<vmem_shared>>
      %dma_wait3A_84 = arith.constant 0 : i32
      %dma_wait3A_85 = arith.constant 0 : i32
      %dma_wait3A_86 = tpu.memref_slice %arg8[%dma_wait3A_84, %dma_wait3A_85] : memref<128x128xf32, #tpu.memory_space<vmem>> -> memref<128x128xf32, #tpu.memory_space<vmem>>
      tpu.wait_dma2 semaphore(%run_scoped3A : memref<!tpu.dma_semaphore, #tpu.memory_space<semaphore_mem>>) src(%dma_wait3A_86 : memref<128x128xf32, #tpu.memory_space<vmem>>) dst(%dma_wait3A_83 : memref<128x128xf32, #tpu.memory_space<vmem_shared>>)
      tpu.yield
    }) : () -> ()
    %add3A_17 = arith.constant 512 : i32
    %add3A_18 = arith.addi %mul3A_8, %add3A_17 : i32
    "tpu.region"() ({
      %run_scoped3A = tpu.sem_alloc : memref<!tpu.dma_semaphore, #tpu.memory_space<semaphore_mem>>
      %dma_start3A = arith.constant 0 : i32
      %dma_start3A_69 = arith.constant 0 : i32
      %dma_start3A_70 = tpu.memref_slice %arg8[%dma_start3A, %dma_start3A_69] : memref<128x128xf32, #tpu.memory_space<vmem>> -> memref<112x128xf32, #tpu.memory_space<vmem>>
      %dma_start3A_71 = arith.constant 0 : i32
      %dma_start3A_72 = tpu.memref_slice %arg10[%add3A_18, %dma_start3A_71] : memref<10000x128xf32, #tpu.memory_space<vmem_shared>> -> memref<112x128xf32, #tpu.memory_space<vmem_shared>>
      %dma_start3A_73 = arith.constant 0 : i32
      %dma_start3A_74 = tpu.memref_slice %arg10[%add3A_18, %dma_start3A_73] : memref<10000x128xf32, #tpu.memory_space<vmem_shared>> -> memref<112x128xf32, #tpu.memory_space<vmem_shared>>
      %dma_start3A_75 = arith.constant 0 : i32
      %dma_start3A_76 = arith.constant 0 : i32
      %dma_start3A_77 = tpu.memref_slice %arg8[%dma_start3A_75, %dma_start3A_76] : memref<128x128xf32, #tpu.memory_space<vmem>> -> memref<112x128xf32, #tpu.memory_space<vmem>>
      tpu.enqueue_dma source(%dma_start3A_77 : memref<112x128xf32, #tpu.memory_space<vmem>>) target(%dma_start3A_74 : memref<112x128xf32, #tpu.memory_space<vmem_shared>>) target_semaphore(%run_scoped3A : memref<!tpu.dma_semaphore, #tpu.memory_space<semaphore_mem>>)
      %dma_wait3A = arith.constant 0 : i32
      %dma_wait3A_78 = arith.constant 0 : i32
      %dma_wait3A_79 = tpu.memref_slice %arg8[%dma_wait3A, %dma_wait3A_78] : memref<128x128xf32, #tpu.memory_space<vmem>> -> memref<112x128xf32, #tpu.memory_space<vmem>>
      %dma_wait3A_80 = arith.constant 0 : i32
      %dma_wait3A_81 = tpu.memref_slice %arg10[%add3A_18, %dma_wait3A_80] : memref<10000x128xf32, #tpu.memory_space<vmem_shared>> -> memref<112x128xf32, #tpu.memory_space<vmem_shared>>
      %dma_wait3A_82 = arith.constant 0 : i32
      %dma_wait3A_83 = tpu.memref_slice %arg10[%add3A_18, %dma_wait3A_82] : memref<10000x128xf32, #tpu.memory_space<vmem_shared>> -> memref<112x128xf32, #tpu.memory_space<vmem_shared>>
      %dma_wait3A_84 = arith.constant 0 : i32
      %dma_wait3A_85 = arith.constant 0 : i32
      %dma_wait3A_86 = tpu.memref_slice %arg8[%dma_wait3A_84, %dma_wait3A_85] : memref<128x128xf32, #tpu.memory_space<vmem>> -> memref<112x128xf32, #tpu.memory_space<vmem>>
      tpu.wait_dma2 semaphore(%run_scoped3A : memref<!tpu.dma_semaphore, #tpu.memory_space<semaphore_mem>>) src(%dma_wait3A_86 : memref<112x128xf32, #tpu.memory_space<vmem>>) dst(%dma_wait3A_83 : memref<112x128xf32, #tpu.memory_space<vmem_shared>>)
      tpu.yield
    }) : () -> ()
    %eq3A = arith.constant 15 : i32
    %eq3A_19 = arith.cmpi eq, %arg1, %eq3A : i32
    %convert_element_type3A = arith.extui %eq3A_19 : i1 to i32
    %cond3A = arith.constant 0 : i32
    %cond3A_20 = arith.cmpi ne, %convert_element_type3A, %cond3A : i32
    scf.if %cond3A_20 {
      %add3A_69 = arith.constant 624 : i32
      %add3A_70 = arith.addi %mul3A_8, %add3A_69 : i32
      "tpu.region"() ({
        %run_scoped3A = tpu.sem_alloc : memref<!tpu.dma_semaphore, #tpu.memory_space<semaphore_mem>>
        %dma_start3A = arith.constant 0 : i32
        %dma_start3A_71 = arith.constant 0 : i32
        %dma_start3A_72 = tpu.memref_slice %arg8[%dma_start3A, %dma_start3A_71] : memref<128x128xf32, #tpu.memory_space<vmem>> -> memref<16x128xf32, #tpu.memory_space<vmem>>
        %dma_start3A_73 = arith.constant 0 : i32
        %dma_start3A_74 = tpu.memref_slice %arg10[%add3A_70, %dma_start3A_73] : memref<10000x128xf32, #tpu.memory_space<vmem_shared>> -> memref<16x128xf32, #tpu.memory_space<vmem_shared>>
        %dma_start3A_75 = arith.constant 0 : i32
        %dma_start3A_76 = tpu.memref_slice %arg10[%add3A_70, %dma_start3A_75] : memref<10000x128xf32, #tpu.memory_space<vmem_shared>> -> memref<16x128xf32, #tpu.memory_space<vmem_shared>>
        %dma_start3A_77 = arith.constant 0 : i32
        %dma_start3A_78 = arith.constant 0 : i32
        %dma_start3A_79 = tpu.memref_slice %arg8[%dma_start3A_77, %dma_start3A_78] : memref<128x128xf32, #tpu.memory_space<vmem>> -> memref<16x128xf32, #tpu.memory_space<vmem>>
        tpu.enqueue_dma source(%dma_start3A_79 : memref<16x128xf32, #tpu.memory_space<vmem>>) target(%dma_start3A_76 : memref<16x128xf32, #tpu.memory_space<vmem_shared>>) target_semaphore(%run_scoped3A : memref<!tpu.dma_semaphore, #tpu.memory_space<semaphore_mem>>)
        %dma_wait3A = arith.constant 0 : i32
        %dma_wait3A_80 = arith.constant 0 : i32
        %dma_wait3A_81 = tpu.memref_slice %arg8[%dma_wait3A, %dma_wait3A_80] : memref<128x128xf32, #tpu.memory_space<vmem>> -> memref<16x128xf32, #tpu.memory_space<vmem>>
        %dma_wait3A_82 = arith.constant 0 : i32
        %dma_wait3A_83 = tpu.memref_slice %arg10[%add3A_70, %dma_wait3A_82] : memref<10000x128xf32, #tpu.memory_space<vmem_shared>> -> memref<16x128xf32, #tpu.memory_space<vmem_shared>>
        %dma_wait3A_84 = arith.constant 0 : i32
        %dma_wait3A_85 = tpu.memref_slice %arg10[%add3A_70, %dma_wait3A_84] : memref<10000x128xf32, #tpu.memory_space<vmem_shared>> -> memref<16x128xf32, #tpu.memory_space<vmem_shared>>
        %dma_wait3A_86 = arith.constant 0 : i32
        %dma_wait3A_87 = arith.constant 0 : i32
        %dma_wait3A_88 = tpu.memref_slice %arg8[%dma_wait3A_86, %dma_wait3A_87] : memref<128x128xf32, #tpu.memory_space<vmem>> -> memref<16x128xf32, #tpu.memory_space<vmem>>
        tpu.wait_dma2 semaphore(%run_scoped3A : memref<!tpu.dma_semaphore, #tpu.memory_space<semaphore_mem>>) src(%dma_wait3A_88 : memref<16x128xf32, #tpu.memory_space<vmem>>) dst(%dma_wait3A_85 : memref<16x128xf32, #tpu.memory_space<vmem_shared>>)
        tpu.yield
      }) : () -> ()
    } else {
    }
    %barrier3A = arith.constant 0 : index
    tpu.barrier barrier_id(%barrier3A)
    %scan3A_21 = arith.constant 0 : i32
    %scan3A_22 = arith.constant 0 : i32
    %scan3A_23 = arith.constant 10 : i32
    %scan3A_24 = arith.addi %scan3A_22, %scan3A_23 : i32
    %scan3A_25 = arith.constant 1 : i32
    %scan3A_26 = scf.for %scan3A_69 = %scan3A_22 to %scan3A_24 step %scan3A_25 iter_args(%scan3A_70 = %scan3A_21) -> (i32)  : i32 {
      %mul3A_71 = arith.constant 32 : i32
      %mul3A_72 = arith.muli %mul3A_71, %scan3A_69 : i32
      %add3A_73 = arith.addi %add3A, %mul3A_72 : i32
      %mul3A_74 = arith.constant 8 : i32
      %mul3A_75 = arith.muli %add3A_73, %mul3A_74 : i32
      %lt3A = arith.constant 313 : i32
      %lt3A_76 = arith.cmpi slt, %add3A_73, %lt3A : i32
      %convert_element_type3A_77 = arith.extui %lt3A_76 : i1 to i32
      %cond3A_78 = arith.constant 0 : i32
      %cond3A_79 = arith.cmpi ne, %convert_element_type3A_77, %cond3A_78 : i32
      scf.if %cond3A_79 {
        %mul3A_81 = arith.constant 8 : i32
        %mul3A_82 = arith.muli %add3A_73, %mul3A_81 : i32
        "tpu.region"() ({
          %run_scoped3A = tpu.sem_alloc : memref<!tpu.dma_semaphore, #tpu.memory_space<semaphore_mem>>
          %dma_start3A = arith.constant 0 : i32
          %dma_start3A_209 = tpu.memref_slice %arg2[%mul3A_82, %dma_start3A] : memref<2504x128xi32, #tpu.memory_space<hbm>> -> memref<8x128xi32, #tpu.memory_space<hbm>>
          %dma_start3A_210 = arith.constant 0 : i32
          %dma_start3A_211 = tpu.memref_slice %arg2[%mul3A_82, %dma_start3A_210] : memref<2504x128xi32, #tpu.memory_space<hbm>> -> memref<8x128xi32, #tpu.memory_space<hbm>>
          tpu.enqueue_dma source(%dma_start3A_211 : memref<8x128xi32, #tpu.memory_space<hbm>>) target(%arg6 : memref<8x128xi32, #tpu.memory_space<vmem>>) target_semaphore(%run_scoped3A : memref<!tpu.dma_semaphore, #tpu.memory_space<semaphore_mem>>)
          %dma_wait3A = arith.constant 0 : i32
          %dma_wait3A_212 = tpu.memref_slice %arg2[%mul3A_82, %dma_wait3A] : memref<2504x128xi32, #tpu.memory_space<hbm>> -> memref<8x128xi32, #tpu.memory_space<hbm>>
          %dma_wait3A_213 = arith.constant 0 : i32
          %dma_wait3A_214 = tpu.memref_slice %arg2[%mul3A_82, %dma_wait3A_213] : memref<2504x128xi32, #tpu.memory_space<hbm>> -> memref<8x128xi32, #tpu.memory_space<hbm>>
          tpu.wait_dma2 semaphore(%run_scoped3A : memref<!tpu.dma_semaphore, #tpu.memory_space<semaphore_mem>>) src(%dma_wait3A_214 : memref<8x128xi32, #tpu.memory_space<hbm>>) dst(%arg6 : memref<8x128xi32, #tpu.memory_space<vmem>>)
          tpu.yield
        }) : () -> ()
        %mul3A_83 = arith.constant 8 : i32
        %mul3A_84 = arith.muli %add3A_73, %mul3A_83 : i32
        "tpu.region"() ({
          %run_scoped3A = tpu.sem_alloc : memref<!tpu.dma_semaphore, #tpu.memory_space<semaphore_mem>>
          %dma_start3A = arith.constant 0 : i32
          %dma_start3A_209 = tpu.memref_slice %arg3[%mul3A_84, %dma_start3A] : memref<2504x128xi32, #tpu.memory_space<hbm>> -> memref<8x128xi32, #tpu.memory_space<hbm>>
          %dma_start3A_210 = arith.constant 0 : i32
          %dma_start3A_211 = tpu.memref_slice %arg3[%mul3A_84, %dma_start3A_210] : memref<2504x128xi32, #tpu.memory_space<hbm>> -> memref<8x128xi32, #tpu.memory_space<hbm>>
          tpu.enqueue_dma source(%dma_start3A_211 : memref<8x128xi32, #tpu.memory_space<hbm>>) target(%arg7 : memref<8x128xi32, #tpu.memory_space<vmem>>) target_semaphore(%run_scoped3A : memref<!tpu.dma_semaphore, #tpu.memory_space<semaphore_mem>>)
          %dma_wait3A = arith.constant 0 : i32
          %dma_wait3A_212 = tpu.memref_slice %arg3[%mul3A_84, %dma_wait3A] : memref<2504x128xi32, #tpu.memory_space<hbm>> -> memref<8x128xi32, #tpu.memory_space<hbm>>
          %dma_wait3A_213 = arith.constant 0 : i32
          %dma_wait3A_214 = tpu.memref_slice %arg3[%mul3A_84, %dma_wait3A_213] : memref<2504x128xi32, #tpu.memory_space<hbm>> -> memref<8x128xi32, #tpu.memory_space<hbm>>
          tpu.wait_dma2 semaphore(%run_scoped3A : memref<!tpu.dma_semaphore, #tpu.memory_space<semaphore_mem>>) src(%dma_wait3A_214 : memref<8x128xi32, #tpu.memory_space<hbm>>) dst(%arg7 : memref<8x128xi32, #tpu.memory_space<vmem>>)
          tpu.yield
        }) : () -> ()
        %add3A_85 = arith.constant 0 : i32
        %add3A_86 = arith.addi %mul3A_75, %add3A_85 : i32
        %lt3A_87 = arith.constant 2500 : i32
        %lt3A_88 = arith.cmpi slt, %add3A_86, %lt3A_87 : i32
        %convert_element_type3A_89 = arith.extui %lt3A_88 : i1 to i32
        %cond3A_90 = arith.constant 0 : i32
        %cond3A_91 = arith.cmpi ne, %convert_element_type3A_89, %cond3A_90 : i32
        scf.if %cond3A_91 {
          %dma_start3A = arith.constant 0 : i32
          %dma_start3A_209 = arith.constant 0 : i32
          %dma_start3A_210 = tpu.memref_slice %arg6[%dma_start3A, %dma_start3A_209] : memref<8x128xi32, #tpu.memory_space<vmem>> -> memref<1x128xi32, #tpu.memory_space<vmem>>
          %dma_start3A_211 = tpu.memref_squeeze %dma_start3A_210 : memref<1x128xi32, #tpu.memory_space<vmem>> -> memref<128xi32, #tpu.memory_space<vmem>>
          %dma_start3A_212 = arith.constant 0 : i32
          %dma_start3A_213 = arith.constant 0 : i32
          %dma_start3A_214 = tpu.memref_slice %arg4[%dma_start3A_212, %dma_start3A_213] : memref<10000x128xf32, #tpu.memory_space<hbm>> -> memref<10000x128xf32, #tpu.memory_space<hbm>>
          tpu.enqueue_indirect_dma source(%dma_start3A_214 : memref<10000x128xf32, #tpu.memory_space<hbm>>) target(%arg8 : memref<128x128xf32, #tpu.memory_space<vmem>>) offsets(%dma_start3A_211 : memref<128xi32, #tpu.memory_space<vmem>>) semaphore(%arg11 : memref<!tpu.dma_semaphore, #tpu.memory_space<semaphore_mem>>)
        } else {
        }
        %add3A_92 = arith.constant 1 : i32
        %add3A_93 = arith.addi %mul3A_75, %add3A_92 : i32
        %lt3A_94 = arith.constant 2500 : i32
        %lt3A_95 = arith.cmpi slt, %add3A_93, %lt3A_94 : i32
        %convert_element_type3A_96 = arith.extui %lt3A_95 : i1 to i32
        %cond3A_97 = arith.constant 0 : i32
        %cond3A_98 = arith.cmpi ne, %convert_element_type3A_96, %cond3A_97 : i32
        scf.if %cond3A_98 {
          %dma_start3A = arith.constant 1 : i32
          %dma_start3A_209 = arith.constant 0 : i32
          %dma_start3A_210 = tpu.memref_slice %arg6[%dma_start3A, %dma_start3A_209] : memref<8x128xi32, #tpu.memory_space<vmem>> -> memref<1x128xi32, #tpu.memory_space<vmem>>
          %dma_start3A_211 = tpu.memref_squeeze %dma_start3A_210 : memref<1x128xi32, #tpu.memory_space<vmem>> -> memref<128xi32, #tpu.memory_space<vmem>>
          %dma_start3A_212 = arith.constant 0 : i32
          %dma_start3A_213 = arith.constant 0 : i32
          %dma_start3A_214 = tpu.memref_slice %arg4[%dma_start3A_212, %dma_start3A_213] : memref<10000x128xf32, #tpu.memory_space<hbm>> -> memref<10000x128xf32, #tpu.memory_space<hbm>>
          tpu.enqueue_indirect_dma source(%dma_start3A_214 : memref<10000x128xf32, #tpu.memory_space<hbm>>) target(%arg9 : memref<128x128xf32, #tpu.memory_space<vmem>>) offsets(%dma_start3A_211 : memref<128xi32, #tpu.memory_space<vmem>>) semaphore(%arg12 : memref<!tpu.dma_semaphore, #tpu.memory_space<semaphore_mem>>)
        } else {
        }
        %add3A_99 = arith.constant 0 : i32
        %add3A_100 = arith.addi %mul3A_75, %add3A_99 : i32
        %lt3A_101 = arith.constant 2500 : i32
        %lt3A_102 = arith.cmpi slt, %add3A_100, %lt3A_101 : i32
        %convert_element_type3A_103 = arith.extui %lt3A_102 : i1 to i32
        %cond3A_104 = arith.constant 0 : i32
        %cond3A_105 = arith.cmpi ne, %convert_element_type3A_103, %cond3A_104 : i32
        scf.if %cond3A_105 {
          %dma_wait3A = arith.constant 0 : i32
          %dma_wait3A_209 = arith.constant 0 : i32
          %dma_wait3A_210 = tpu.memref_slice %arg6[%dma_wait3A, %dma_wait3A_209] : memref<8x128xi32, #tpu.memory_space<vmem>> -> memref<1x128xi32, #tpu.memory_space<vmem>>
          %dma_wait3A_211 = tpu.memref_squeeze %dma_wait3A_210 : memref<1x128xi32, #tpu.memory_space<vmem>> -> memref<128xi32, #tpu.memory_space<vmem>>
          %dma_wait3A_212 = arith.constant 0 : i32
          %dma_wait3A_213 = arith.constant 0 : i32
          %dma_wait3A_214 = tpu.memref_slice %arg4[%dma_wait3A_212, %dma_wait3A_213] : memref<10000x128xf32, #tpu.memory_space<hbm>> -> memref<10000x128xf32, #tpu.memory_space<hbm>>
          tpu.wait_indirect_dma semaphore(%arg11 : memref<!tpu.dma_semaphore, #tpu.memory_space<semaphore_mem>>) src(%dma_wait3A_214 : memref<10000x128xf32, #tpu.memory_space<hbm>>) dst(%arg8 : memref<128x128xf32, #tpu.memory_space<vmem>>)
          %run_scoped3A = arith.constant 0 : i32
          "tpu.region"() ({
            %run_scoped3A_215 = tpu.sem_alloc : memref<!tpu.dma_semaphore, #tpu.memory_space<semaphore_mem>>
            %dma_start3A = arith.constant 0 : i32
            %dma_start3A_216 = tpu.memref_slice %arg7[%run_scoped3A, %dma_start3A] : memref<8x128xi32, #tpu.memory_space<vmem>> -> memref<1x128xi32, #tpu.memory_space<vmem>>
            %dma_start3A_217 = tpu.memref_squeeze %dma_start3A_216 : memref<1x128xi32, #tpu.memory_space<vmem>> -> memref<128xi32, #tpu.memory_space<vmem>>
            %dma_start3A_218 = arith.constant 0 : i32
            %dma_start3A_219 = arith.constant 0 : i32
            %dma_start3A_220 = tpu.memref_slice %arg10[%dma_start3A_218, %dma_start3A_219] : memref<10000x128xf32, #tpu.memory_space<vmem_shared>> -> memref<10000x128xf32, #tpu.memory_space<vmem_shared>>
            tpu.enqueue_indirect_dma source(%arg8 : memref<128x128xf32, #tpu.memory_space<vmem>>) target(%dma_start3A_220 : memref<10000x128xf32, #tpu.memory_space<vmem_shared>>) offsets(%dma_start3A_217 : memref<128xi32, #tpu.memory_space<vmem>>) semaphore(%run_scoped3A_215 : memref<!tpu.dma_semaphore, #tpu.memory_space<semaphore_mem>>) {add = true}
            %dma_wait3A_221 = arith.constant 0 : i32
            %dma_wait3A_222 = tpu.memref_slice %arg7[%run_scoped3A, %dma_wait3A_221] : memref<8x128xi32, #tpu.memory_space<vmem>> -> memref<1x128xi32, #tpu.memory_space<vmem>>
            %dma_wait3A_223 = tpu.memref_squeeze %dma_wait3A_222 : memref<1x128xi32, #tpu.memory_space<vmem>> -> memref<128xi32, #tpu.memory_space<vmem>>
            %dma_wait3A_224 = arith.constant 0 : i32
            %dma_wait3A_225 = arith.constant 0 : i32
            %dma_wait3A_226 = tpu.memref_slice %arg10[%dma_wait3A_224, %dma_wait3A_225] : memref<10000x128xf32, #tpu.memory_space<vmem_shared>> -> memref<10000x128xf32, #tpu.memory_space<vmem_shared>>
            tpu.wait_indirect_dma semaphore(%run_scoped3A_215 : memref<!tpu.dma_semaphore, #tpu.memory_space<semaphore_mem>>) src(%arg8 : memref<128x128xf32, #tpu.memory_space<vmem>>) dst(%dma_wait3A_226 : memref<10000x128xf32, #tpu.memory_space<vmem_shared>>)
            tpu.yield
          }) : () -> ()
        } else {
        }
        %add3A_106 = arith.constant 0 : i32
        %add3A_107 = arith.addi %mul3A_75, %add3A_106 : i32
        %add3A_108 = arith.constant 2 : i32
        %add3A_109 = arith.addi %add3A_107, %add3A_108 : i32
        %lt3A_110 = arith.constant 2500 : i32
        %lt3A_111 = arith.cmpi slt, %add3A_109, %lt3A_110 : i32
        %convert_element_type3A_112 = arith.extui %lt3A_111 : i1 to i32
        %cond3A_113 = arith.constant 0 : i32
        %cond3A_114 = arith.cmpi ne, %convert_element_type3A_112, %cond3A_113 : i32
        scf.if %cond3A_114 {
          %dma_start3A = arith.constant 2 : i32
          %dma_start3A_209 = arith.constant 0 : i32
          %dma_start3A_210 = tpu.memref_slice %arg6[%dma_start3A, %dma_start3A_209] : memref<8x128xi32, #tpu.memory_space<vmem>> -> memref<1x128xi32, #tpu.memory_space<vmem>>
          %dma_start3A_211 = tpu.memref_squeeze %dma_start3A_210 : memref<1x128xi32, #tpu.memory_space<vmem>> -> memref<128xi32, #tpu.memory_space<vmem>>
          %dma_start3A_212 = arith.constant 0 : i32
          %dma_start3A_213 = arith.constant 0 : i32
          %dma_start3A_214 = tpu.memref_slice %arg4[%dma_start3A_212, %dma_start3A_213] : memref<10000x128xf32, #tpu.memory_space<hbm>> -> memref<10000x128xf32, #tpu.memory_space<hbm>>
          tpu.enqueue_indirect_dma source(%dma_start3A_214 : memref<10000x128xf32, #tpu.memory_space<hbm>>) target(%arg8 : memref<128x128xf32, #tpu.memory_space<vmem>>) offsets(%dma_start3A_211 : memref<128xi32, #tpu.memory_space<vmem>>) semaphore(%arg11 : memref<!tpu.dma_semaphore, #tpu.memory_space<semaphore_mem>>)
        } else {
        }
        %add3A_115 = arith.constant 1 : i32
        %add3A_116 = arith.addi %mul3A_75, %add3A_115 : i32
        %lt3A_117 = arith.constant 2500 : i32
        %lt3A_118 = arith.cmpi slt, %add3A_116, %lt3A_117 : i32
        %convert_element_type3A_119 = arith.extui %lt3A_118 : i1 to i32
        %cond3A_120 = arith.constant 0 : i32
        %cond3A_121 = arith.cmpi ne, %convert_element_type3A_119, %cond3A_120 : i32
        scf.if %cond3A_121 {
          %dma_wait3A = arith.constant 1 : i32
          %dma_wait3A_209 = arith.constant 0 : i32
          %dma_wait3A_210 = tpu.memref_slice %arg6[%dma_wait3A, %dma_wait3A_209] : memref<8x128xi32, #tpu.memory_space<vmem>> -> memref<1x128xi32, #tpu.memory_space<vmem>>
          %dma_wait3A_211 = tpu.memref_squeeze %dma_wait3A_210 : memref<1x128xi32, #tpu.memory_space<vmem>> -> memref<128xi32, #tpu.memory_space<vmem>>
          %dma_wait3A_212 = arith.constant 0 : i32
          %dma_wait3A_213 = arith.constant 0 : i32
          %dma_wait3A_214 = tpu.memref_slice %arg4[%dma_wait3A_212, %dma_wait3A_213] : memref<10000x128xf32, #tpu.memory_space<hbm>> -> memref<10000x128xf32, #tpu.memory_space<hbm>>
          tpu.wait_indirect_dma semaphore(%arg12 : memref<!tpu.dma_semaphore, #tpu.memory_space<semaphore_mem>>) src(%dma_wait3A_214 : memref<10000x128xf32, #tpu.memory_space<hbm>>) dst(%arg9 : memref<128x128xf32, #tpu.memory_space<vmem>>)
          %run_scoped3A = arith.constant 1 : i32
          "tpu.region"() ({
            %run_scoped3A_215 = tpu.sem_alloc : memref<!tpu.dma_semaphore, #tpu.memory_space<semaphore_mem>>
            %dma_start3A = arith.constant 0 : i32
            %dma_start3A_216 = tpu.memref_slice %arg7[%run_scoped3A, %dma_start3A] : memref<8x128xi32, #tpu.memory_space<vmem>> -> memref<1x128xi32, #tpu.memory_space<vmem>>
            %dma_start3A_217 = tpu.memref_squeeze %dma_start3A_216 : memref<1x128xi32, #tpu.memory_space<vmem>> -> memref<128xi32, #tpu.memory_space<vmem>>
            %dma_start3A_218 = arith.constant 0 : i32
            %dma_start3A_219 = arith.constant 0 : i32
            %dma_start3A_220 = tpu.memref_slice %arg10[%dma_start3A_218, %dma_start3A_219] : memref<10000x128xf32, #tpu.memory_space<vmem_shared>> -> memref<10000x128xf32, #tpu.memory_space<vmem_shared>>
            tpu.enqueue_indirect_dma source(%arg9 : memref<128x128xf32, #tpu.memory_space<vmem>>) target(%dma_start3A_220 : memref<10000x128xf32, #tpu.memory_space<vmem_shared>>) offsets(%dma_start3A_217 : memref<128xi32, #tpu.memory_space<vmem>>) semaphore(%run_scoped3A_215 : memref<!tpu.dma_semaphore, #tpu.memory_space<semaphore_mem>>) {add = true}
            %dma_wait3A_221 = arith.constant 0 : i32
            %dma_wait3A_222 = tpu.memref_slice %arg7[%run_scoped3A, %dma_wait3A_221] : memref<8x128xi32, #tpu.memory_space<vmem>> -> memref<1x128xi32, #tpu.memory_space<vmem>>
            %dma_wait3A_223 = tpu.memref_squeeze %dma_wait3A_222 : memref<1x128xi32, #tpu.memory_space<vmem>> -> memref<128xi32, #tpu.memory_space<vmem>>
            %dma_wait3A_224 = arith.constant 0 : i32
            %dma_wait3A_225 = arith.constant 0 : i32
            %dma_wait3A_226 = tpu.memref_slice %arg10[%dma_wait3A_224, %dma_wait3A_225] : memref<10000x128xf32, #tpu.memory_space<vmem_shared>> -> memref<10000x128xf32, #tpu.memory_space<vmem_shared>>
            tpu.wait_indirect_dma semaphore(%run_scoped3A_215 : memref<!tpu.dma_semaphore, #tpu.memory_space<semaphore_mem>>) src(%arg9 : memref<128x128xf32, #tpu.memory_space<vmem>>) dst(%dma_wait3A_226 : memref<10000x128xf32, #tpu.memory_space<vmem_shared>>)
            tpu.yield
          }) : () -> ()
        } else {
        }
        %add3A_122 = arith.constant 1 : i32
        %add3A_123 = arith.addi %mul3A_75, %add3A_122 : i32
        %add3A_124 = arith.constant 2 : i32
        %add3A_125 = arith.addi %add3A_123, %add3A_124 : i32
        %lt3A_126 = arith.constant 2500 : i32
        %lt3A_127 = arith.cmpi slt, %add3A_125, %lt3A_126 : i32
        %convert_element_type3A_128 = arith.extui %lt3A_127 : i1 to i32
        %cond3A_129 = arith.constant 0 : i32
        %cond3A_130 = arith.cmpi ne, %convert_element_type3A_128, %cond3A_129 : i32
        scf.if %cond3A_130 {
          %dma_start3A = arith.constant 3 : i32
          %dma_start3A_209 = arith.constant 0 : i32
          %dma_start3A_210 = tpu.memref_slice %arg6[%dma_start3A, %dma_start3A_209] : memref<8x128xi32, #tpu.memory_space<vmem>> -> memref<1x128xi32, #tpu.memory_space<vmem>>
          %dma_start3A_211 = tpu.memref_squeeze %dma_start3A_210 : memref<1x128xi32, #tpu.memory_space<vmem>> -> memref<128xi32, #tpu.memory_space<vmem>>
          %dma_start3A_212 = arith.constant 0 : i32
          %dma_start3A_213 = arith.constant 0 : i32
          %dma_start3A_214 = tpu.memref_slice %arg4[%dma_start3A_212, %dma_start3A_213] : memref<10000x128xf32, #tpu.memory_space<hbm>> -> memref<10000x128xf32, #tpu.memory_space<hbm>>
          tpu.enqueue_indirect_dma source(%dma_start3A_214 : memref<10000x128xf32, #tpu.memory_space<hbm>>) target(%arg9 : memref<128x128xf32, #tpu.memory_space<vmem>>) offsets(%dma_start3A_211 : memref<128xi32, #tpu.memory_space<vmem>>) semaphore(%arg12 : memref<!tpu.dma_semaphore, #tpu.memory_space<semaphore_mem>>)
        } else {
        }
        %add3A_131 = arith.constant 2 : i32
        %add3A_132 = arith.addi %mul3A_75, %add3A_131 : i32
        %lt3A_133 = arith.constant 2500 : i32
        %lt3A_134 = arith.cmpi slt, %add3A_132, %lt3A_133 : i32
        %convert_element_type3A_135 = arith.extui %lt3A_134 : i1 to i32
        %cond3A_136 = arith.constant 0 : i32
        %cond3A_137 = arith.cmpi ne, %convert_element_type3A_135, %cond3A_136 : i32
        scf.if %cond3A_137 {
          %dma_wait3A = arith.constant 2 : i32
          %dma_wait3A_209 = arith.constant 0 : i32
          %dma_wait3A_210 = tpu.memref_slice %arg6[%dma_wait3A, %dma_wait3A_209] : memref<8x128xi32, #tpu.memory_space<vmem>> -> memref<1x128xi32, #tpu.memory_space<vmem>>
          %dma_wait3A_211 = tpu.memref_squeeze %dma_wait3A_210 : memref<1x128xi32, #tpu.memory_space<vmem>> -> memref<128xi32, #tpu.memory_space<vmem>>
          %dma_wait3A_212 = arith.constant 0 : i32
          %dma_wait3A_213 = arith.constant 0 : i32
          %dma_wait3A_214 = tpu.memref_slice %arg4[%dma_wait3A_212, %dma_wait3A_213] : memref<10000x128xf32, #tpu.memory_space<hbm>> -> memref<10000x128xf32, #tpu.memory_space<hbm>>
          tpu.wait_indirect_dma semaphore(%arg11 : memref<!tpu.dma_semaphore, #tpu.memory_space<semaphore_mem>>) src(%dma_wait3A_214 : memref<10000x128xf32, #tpu.memory_space<hbm>>) dst(%arg8 : memref<128x128xf32, #tpu.memory_space<vmem>>)
          %run_scoped3A = arith.constant 2 : i32
          "tpu.region"() ({
            %run_scoped3A_215 = tpu.sem_alloc : memref<!tpu.dma_semaphore, #tpu.memory_space<semaphore_mem>>
            %dma_start3A = arith.constant 0 : i32
            %dma_start3A_216 = tpu.memref_slice %arg7[%run_scoped3A, %dma_start3A] : memref<8x128xi32, #tpu.memory_space<vmem>> -> memref<1x128xi32, #tpu.memory_space<vmem>>
            %dma_start3A_217 = tpu.memref_squeeze %dma_start3A_216 : memref<1x128xi32, #tpu.memory_space<vmem>> -> memref<128xi32, #tpu.memory_space<vmem>>
            %dma_start3A_218 = arith.constant 0 : i32
            %dma_start3A_219 = arith.constant 0 : i32
            %dma_start3A_220 = tpu.memref_slice %arg10[%dma_start3A_218, %dma_start3A_219] : memref<10000x128xf32, #tpu.memory_space<vmem_shared>> -> memref<10000x128xf32, #tpu.memory_space<vmem_shared>>
            tpu.enqueue_indirect_dma source(%arg8 : memref<128x128xf32, #tpu.memory_space<vmem>>) target(%dma_start3A_220 : memref<10000x128xf32, #tpu.memory_space<vmem_shared>>) offsets(%dma_start3A_217 : memref<128xi32, #tpu.memory_space<vmem>>) semaphore(%run_scoped3A_215 : memref<!tpu.dma_semaphore, #tpu.memory_space<semaphore_mem>>) {add = true}
            %dma_wait3A_221 = arith.constant 0 : i32
            %dma_wait3A_222 = tpu.memref_slice %arg7[%run_scoped3A, %dma_wait3A_221] : memref<8x128xi32, #tpu.memory_space<vmem>> -> memref<1x128xi32, #tpu.memory_space<vmem>>
            %dma_wait3A_223 = tpu.memref_squeeze %dma_wait3A_222 : memref<1x128xi32, #tpu.memory_space<vmem>> -> memref<128xi32, #tpu.memory_space<vmem>>
            %dma_wait3A_224 = arith.constant 0 : i32
            %dma_wait3A_225 = arith.constant 0 : i32
            %dma_wait3A_226 = tpu.memref_slice %arg10[%dma_wait3A_224, %dma_wait3A_225] : memref<10000x128xf32, #tpu.memory_space<vmem_shared>> -> memref<10000x128xf32, #tpu.memory_space<vmem_shared>>
            tpu.wait_indirect_dma semaphore(%run_scoped3A_215 : memref<!tpu.dma_semaphore, #tpu.memory_space<semaphore_mem>>) src(%arg8 : memref<128x128xf32, #tpu.memory_space<vmem>>) dst(%dma_wait3A_226 : memref<10000x128xf32, #tpu.memory_space<vmem_shared>>)
            tpu.yield
          }) : () -> ()
        } else {
        }
        %add3A_138 = arith.constant 2 : i32
        %add3A_139 = arith.addi %mul3A_75, %add3A_138 : i32
        %add3A_140 = arith.constant 2 : i32
        %add3A_141 = arith.addi %add3A_139, %add3A_140 : i32
        %lt3A_142 = arith.constant 2500 : i32
        %lt3A_143 = arith.cmpi slt, %add3A_141, %lt3A_142 : i32
        %convert_element_type3A_144 = arith.extui %lt3A_143 : i1 to i32
        %cond3A_145 = arith.constant 0 : i32
        %cond3A_146 = arith.cmpi ne, %convert_element_type3A_144, %cond3A_145 : i32
        scf.if %cond3A_146 {
          %dma_start3A = arith.constant 4 : i32
          %dma_start3A_209 = arith.constant 0 : i32
          %dma_start3A_210 = tpu.memref_slice %arg6[%dma_start3A, %dma_start3A_209] : memref<8x128xi32, #tpu.memory_space<vmem>> -> memref<1x128xi32, #tpu.memory_space<vmem>>
          %dma_start3A_211 = tpu.memref_squeeze %dma_start3A_210 : memref<1x128xi32, #tpu.memory_space<vmem>> -> memref<128xi32, #tpu.memory_space<vmem>>
          %dma_start3A_212 = arith.constant 0 : i32
          %dma_start3A_213 = arith.constant 0 : i32
          %dma_start3A_214 = tpu.memref_slice %arg4[%dma_start3A_212, %dma_start3A_213] : memref<10000x128xf32, #tpu.memory_space<hbm>> -> memref<10000x128xf32, #tpu.memory_space<hbm>>
          tpu.enqueue_indirect_dma source(%dma_start3A_214 : memref<10000x128xf32, #tpu.memory_space<hbm>>) target(%arg8 : memref<128x128xf32, #tpu.memory_space<vmem>>) offsets(%dma_start3A_211 : memref<128xi32, #tpu.memory_space<vmem>>) semaphore(%arg11 : memref<!tpu.dma_semaphore, #tpu.memory_space<semaphore_mem>>)
        } else {
        }
        %add3A_147 = arith.constant 3 : i32
        %add3A_148 = arith.addi %mul3A_75, %add3A_147 : i32
        %lt3A_149 = arith.constant 2500 : i32
        %lt3A_150 = arith.cmpi slt, %add3A_148, %lt3A_149 : i32
        %convert_element_type3A_151 = arith.extui %lt3A_150 : i1 to i32
        %cond3A_152 = arith.constant 0 : i32
        %cond3A_153 = arith.cmpi ne, %convert_element_type3A_151, %cond3A_152 : i32
        scf.if %cond3A_153 {
          %dma_wait3A = arith.constant 3 : i32
          %dma_wait3A_209 = arith.constant 0 : i32
          %dma_wait3A_210 = tpu.memref_slice %arg6[%dma_wait3A, %dma_wait3A_209] : memref<8x128xi32, #tpu.memory_space<vmem>> -> memref<1x128xi32, #tpu.memory_space<vmem>>
          %dma_wait3A_211 = tpu.memref_squeeze %dma_wait3A_210 : memref<1x128xi32, #tpu.memory_space<vmem>> -> memref<128xi32, #tpu.memory_space<vmem>>
          %dma_wait3A_212 = arith.constant 0 : i32
          %dma_wait3A_213 = arith.constant 0 : i32
          %dma_wait3A_214 = tpu.memref_slice %arg4[%dma_wait3A_212, %dma_wait3A_213] : memref<10000x128xf32, #tpu.memory_space<hbm>> -> memref<10000x128xf32, #tpu.memory_space<hbm>>
          tpu.wait_indirect_dma semaphore(%arg12 : memref<!tpu.dma_semaphore, #tpu.memory_space<semaphore_mem>>) src(%dma_wait3A_214 : memref<10000x128xf32, #tpu.memory_space<hbm>>) dst(%arg9 : memref<128x128xf32, #tpu.memory_space<vmem>>)
          %run_scoped3A = arith.constant 3 : i32
          "tpu.region"() ({
            %run_scoped3A_215 = tpu.sem_alloc : memref<!tpu.dma_semaphore, #tpu.memory_space<semaphore_mem>>
            %dma_start3A = arith.constant 0 : i32
            %dma_start3A_216 = tpu.memref_slice %arg7[%run_scoped3A, %dma_start3A] : memref<8x128xi32, #tpu.memory_space<vmem>> -> memref<1x128xi32, #tpu.memory_space<vmem>>
            %dma_start3A_217 = tpu.memref_squeeze %dma_start3A_216 : memref<1x128xi32, #tpu.memory_space<vmem>> -> memref<128xi32, #tpu.memory_space<vmem>>
            %dma_start3A_218 = arith.constant 0 : i32
            %dma_start3A_219 = arith.constant 0 : i32
            %dma_start3A_220 = tpu.memref_slice %arg10[%dma_start3A_218, %dma_start3A_219] : memref<10000x128xf32, #tpu.memory_space<vmem_shared>> -> memref<10000x128xf32, #tpu.memory_space<vmem_shared>>
            tpu.enqueue_indirect_dma source(%arg9 : memref<128x128xf32, #tpu.memory_space<vmem>>) target(%dma_start3A_220 : memref<10000x128xf32, #tpu.memory_space<vmem_shared>>) offsets(%dma_start3A_217 : memref<128xi32, #tpu.memory_space<vmem>>) semaphore(%run_scoped3A_215 : memref<!tpu.dma_semaphore, #tpu.memory_space<semaphore_mem>>) {add = true}
            %dma_wait3A_221 = arith.constant 0 : i32
            %dma_wait3A_222 = tpu.memref_slice %arg7[%run_scoped3A, %dma_wait3A_221] : memref<8x128xi32, #tpu.memory_space<vmem>> -> memref<1x128xi32, #tpu.memory_space<vmem>>
            %dma_wait3A_223 = tpu.memref_squeeze %dma_wait3A_222 : memref<1x128xi32, #tpu.memory_space<vmem>> -> memref<128xi32, #tpu.memory_space<vmem>>
            %dma_wait3A_224 = arith.constant 0 : i32
            %dma_wait3A_225 = arith.constant 0 : i32
            %dma_wait3A_226 = tpu.memref_slice %arg10[%dma_wait3A_224, %dma_wait3A_225] : memref<10000x128xf32, #tpu.memory_space<vmem_shared>> -> memref<10000x128xf32, #tpu.memory_space<vmem_shared>>
            tpu.wait_indirect_dma semaphore(%run_scoped3A_215 : memref<!tpu.dma_semaphore, #tpu.memory_space<semaphore_mem>>) src(%arg9 : memref<128x128xf32, #tpu.memory_space<vmem>>) dst(%dma_wait3A_226 : memref<10000x128xf32, #tpu.memory_space<vmem_shared>>)
            tpu.yield
          }) : () -> ()
        } else {
        }
        %add3A_154 = arith.constant 3 : i32
        %add3A_155 = arith.addi %mul3A_75, %add3A_154 : i32
        %add3A_156 = arith.constant 2 : i32
        %add3A_157 = arith.addi %add3A_155, %add3A_156 : i32
        %lt3A_158 = arith.constant 2500 : i32
        %lt3A_159 = arith.cmpi slt, %add3A_157, %lt3A_158 : i32
        %convert_element_type3A_160 = arith.extui %lt3A_159 : i1 to i32
        %cond3A_161 = arith.constant 0 : i32
        %cond3A_162 = arith.cmpi ne, %convert_element_type3A_160, %cond3A_161 : i32
        scf.if %cond3A_162 {
          %dma_start3A = arith.constant 5 : i32
          %dma_start3A_209 = arith.constant 0 : i32
          %dma_start3A_210 = tpu.memref_slice %arg6[%dma_start3A, %dma_start3A_209] : memref<8x128xi32, #tpu.memory_space<vmem>> -> memref<1x128xi32, #tpu.memory_space<vmem>>
          %dma_start3A_211 = tpu.memref_squeeze %dma_start3A_210 : memref<1x128xi32, #tpu.memory_space<vmem>> -> memref<128xi32, #tpu.memory_space<vmem>>
          %dma_start3A_212 = arith.constant 0 : i32
          %dma_start3A_213 = arith.constant 0 : i32
          %dma_start3A_214 = tpu.memref_slice %arg4[%dma_start3A_212, %dma_start3A_213] : memref<10000x128xf32, #tpu.memory_space<hbm>> -> memref<10000x128xf32, #tpu.memory_space<hbm>>
          tpu.enqueue_indirect_dma source(%dma_start3A_214 : memref<10000x128xf32, #tpu.memory_space<hbm>>) target(%arg9 : memref<128x128xf32, #tpu.memory_space<vmem>>) offsets(%dma_start3A_211 : memref<128xi32, #tpu.memory_space<vmem>>) semaphore(%arg12 : memref<!tpu.dma_semaphore, #tpu.memory_space<semaphore_mem>>)
        } else {
        }
        %add3A_163 = arith.constant 4 : i32
        %add3A_164 = arith.addi %mul3A_75, %add3A_163 : i32
        %lt3A_165 = arith.constant 2500 : i32
        %lt3A_166 = arith.cmpi slt, %add3A_164, %lt3A_165 : i32
        %convert_element_type3A_167 = arith.extui %lt3A_166 : i1 to i32
        %cond3A_168 = arith.constant 0 : i32
        %cond3A_169 = arith.cmpi ne, %convert_element_type3A_167, %cond3A_168 : i32
        scf.if %cond3A_169 {
          %dma_wait3A = arith.constant 4 : i32
          %dma_wait3A_209 = arith.constant 0 : i32
          %dma_wait3A_210 = tpu.memref_slice %arg6[%dma_wait3A, %dma_wait3A_209] : memref<8x128xi32, #tpu.memory_space<vmem>> -> memref<1x128xi32, #tpu.memory_space<vmem>>
          %dma_wait3A_211 = tpu.memref_squeeze %dma_wait3A_210 : memref<1x128xi32, #tpu.memory_space<vmem>> -> memref<128xi32, #tpu.memory_space<vmem>>
          %dma_wait3A_212 = arith.constant 0 : i32
          %dma_wait3A_213 = arith.constant 0 : i32
          %dma_wait3A_214 = tpu.memref_slice %arg4[%dma_wait3A_212, %dma_wait3A_213] : memref<10000x128xf32, #tpu.memory_space<hbm>> -> memref<10000x128xf32, #tpu.memory_space<hbm>>
          tpu.wait_indirect_dma semaphore(%arg11 : memref<!tpu.dma_semaphore, #tpu.memory_space<semaphore_mem>>) src(%dma_wait3A_214 : memref<10000x128xf32, #tpu.memory_space<hbm>>) dst(%arg8 : memref<128x128xf32, #tpu.memory_space<vmem>>)
          %run_scoped3A = arith.constant 4 : i32
          "tpu.region"() ({
            %run_scoped3A_215 = tpu.sem_alloc : memref<!tpu.dma_semaphore, #tpu.memory_space<semaphore_mem>>
            %dma_start3A = arith.constant 0 : i32
            %dma_start3A_216 = tpu.memref_slice %arg7[%run_scoped3A, %dma_start3A] : memref<8x128xi32, #tpu.memory_space<vmem>> -> memref<1x128xi32, #tpu.memory_space<vmem>>
            %dma_start3A_217 = tpu.memref_squeeze %dma_start3A_216 : memref<1x128xi32, #tpu.memory_space<vmem>> -> memref<128xi32, #tpu.memory_space<vmem>>
            %dma_start3A_218 = arith.constant 0 : i32
            %dma_start3A_219 = arith.constant 0 : i32
            %dma_start3A_220 = tpu.memref_slice %arg10[%dma_start3A_218, %dma_start3A_219] : memref<10000x128xf32, #tpu.memory_space<vmem_shared>> -> memref<10000x128xf32, #tpu.memory_space<vmem_shared>>
            tpu.enqueue_indirect_dma source(%arg8 : memref<128x128xf32, #tpu.memory_space<vmem>>) target(%dma_start3A_220 : memref<10000x128xf32, #tpu.memory_space<vmem_shared>>) offsets(%dma_start3A_217 : memref<128xi32, #tpu.memory_space<vmem>>) semaphore(%run_scoped3A_215 : memref<!tpu.dma_semaphore, #tpu.memory_space<semaphore_mem>>) {add = true}
            %dma_wait3A_221 = arith.constant 0 : i32
            %dma_wait3A_222 = tpu.memref_slice %arg7[%run_scoped3A, %dma_wait3A_221] : memref<8x128xi32, #tpu.memory_space<vmem>> -> memref<1x128xi32, #tpu.memory_space<vmem>>
            %dma_wait3A_223 = tpu.memref_squeeze %dma_wait3A_222 : memref<1x128xi32, #tpu.memory_space<vmem>> -> memref<128xi32, #tpu.memory_space<vmem>>
            %dma_wait3A_224 = arith.constant 0 : i32
            %dma_wait3A_225 = arith.constant 0 : i32
            %dma_wait3A_226 = tpu.memref_slice %arg10[%dma_wait3A_224, %dma_wait3A_225] : memref<10000x128xf32, #tpu.memory_space<vmem_shared>> -> memref<10000x128xf32, #tpu.memory_space<vmem_shared>>
            tpu.wait_indirect_dma semaphore(%run_scoped3A_215 : memref<!tpu.dma_semaphore, #tpu.memory_space<semaphore_mem>>) src(%arg8 : memref<128x128xf32, #tpu.memory_space<vmem>>) dst(%dma_wait3A_226 : memref<10000x128xf32, #tpu.memory_space<vmem_shared>>)
            tpu.yield
          }) : () -> ()
        } else {
        }
        %add3A_170 = arith.constant 4 : i32
        %add3A_171 = arith.addi %mul3A_75, %add3A_170 : i32
        %add3A_172 = arith.constant 2 : i32
        %add3A_173 = arith.addi %add3A_171, %add3A_172 : i32
        %lt3A_174 = arith.constant 2500 : i32
        %lt3A_175 = arith.cmpi slt, %add3A_173, %lt3A_174 : i32
        %convert_element_type3A_176 = arith.extui %lt3A_175 : i1 to i32
        %cond3A_177 = arith.constant 0 : i32
        %cond3A_178 = arith.cmpi ne, %convert_element_type3A_176, %cond3A_177 : i32
        scf.if %cond3A_178 {
          %dma_start3A = arith.constant 6 : i32
          %dma_start3A_209 = arith.constant 0 : i32
          %dma_start3A_210 = tpu.memref_slice %arg6[%dma_start3A, %dma_start3A_209] : memref<8x128xi32, #tpu.memory_space<vmem>> -> memref<1x128xi32, #tpu.memory_space<vmem>>
          %dma_start3A_211 = tpu.memref_squeeze %dma_start3A_210 : memref<1x128xi32, #tpu.memory_space<vmem>> -> memref<128xi32, #tpu.memory_space<vmem>>
          %dma_start3A_212 = arith.constant 0 : i32
          %dma_start3A_213 = arith.constant 0 : i32
          %dma_start3A_214 = tpu.memref_slice %arg4[%dma_start3A_212, %dma_start3A_213] : memref<10000x128xf32, #tpu.memory_space<hbm>> -> memref<10000x128xf32, #tpu.memory_space<hbm>>
          tpu.enqueue_indirect_dma source(%dma_start3A_214 : memref<10000x128xf32, #tpu.memory_space<hbm>>) target(%arg8 : memref<128x128xf32, #tpu.memory_space<vmem>>) offsets(%dma_start3A_211 : memref<128xi32, #tpu.memory_space<vmem>>) semaphore(%arg11 : memref<!tpu.dma_semaphore, #tpu.memory_space<semaphore_mem>>)
        } else {
        }
        %add3A_179 = arith.constant 5 : i32
        %add3A_180 = arith.addi %mul3A_75, %add3A_179 : i32
        %lt3A_181 = arith.constant 2500 : i32
        %lt3A_182 = arith.cmpi slt, %add3A_180, %lt3A_181 : i32
        %convert_element_type3A_183 = arith.extui %lt3A_182 : i1 to i32
        %cond3A_184 = arith.constant 0 : i32
        %cond3A_185 = arith.cmpi ne, %convert_element_type3A_183, %cond3A_184 : i32
        scf.if %cond3A_185 {
          %dma_wait3A = arith.constant 5 : i32
          %dma_wait3A_209 = arith.constant 0 : i32
          %dma_wait3A_210 = tpu.memref_slice %arg6[%dma_wait3A, %dma_wait3A_209] : memref<8x128xi32, #tpu.memory_space<vmem>> -> memref<1x128xi32, #tpu.memory_space<vmem>>
          %dma_wait3A_211 = tpu.memref_squeeze %dma_wait3A_210 : memref<1x128xi32, #tpu.memory_space<vmem>> -> memref<128xi32, #tpu.memory_space<vmem>>
          %dma_wait3A_212 = arith.constant 0 : i32
          %dma_wait3A_213 = arith.constant 0 : i32
          %dma_wait3A_214 = tpu.memref_slice %arg4[%dma_wait3A_212, %dma_wait3A_213] : memref<10000x128xf32, #tpu.memory_space<hbm>> -> memref<10000x128xf32, #tpu.memory_space<hbm>>
          tpu.wait_indirect_dma semaphore(%arg12 : memref<!tpu.dma_semaphore, #tpu.memory_space<semaphore_mem>>) src(%dma_wait3A_214 : memref<10000x128xf32, #tpu.memory_space<hbm>>) dst(%arg9 : memref<128x128xf32, #tpu.memory_space<vmem>>)
          %run_scoped3A = arith.constant 5 : i32
          "tpu.region"() ({
            %run_scoped3A_215 = tpu.sem_alloc : memref<!tpu.dma_semaphore, #tpu.memory_space<semaphore_mem>>
            %dma_start3A = arith.constant 0 : i32
            %dma_start3A_216 = tpu.memref_slice %arg7[%run_scoped3A, %dma_start3A] : memref<8x128xi32, #tpu.memory_space<vmem>> -> memref<1x128xi32, #tpu.memory_space<vmem>>
            %dma_start3A_217 = tpu.memref_squeeze %dma_start3A_216 : memref<1x128xi32, #tpu.memory_space<vmem>> -> memref<128xi32, #tpu.memory_space<vmem>>
            %dma_start3A_218 = arith.constant 0 : i32
            %dma_start3A_219 = arith.constant 0 : i32
            %dma_start3A_220 = tpu.memref_slice %arg10[%dma_start3A_218, %dma_start3A_219] : memref<10000x128xf32, #tpu.memory_space<vmem_shared>> -> memref<10000x128xf32, #tpu.memory_space<vmem_shared>>
            tpu.enqueue_indirect_dma source(%arg9 : memref<128x128xf32, #tpu.memory_space<vmem>>) target(%dma_start3A_220 : memref<10000x128xf32, #tpu.memory_space<vmem_shared>>) offsets(%dma_start3A_217 : memref<128xi32, #tpu.memory_space<vmem>>) semaphore(%run_scoped3A_215 : memref<!tpu.dma_semaphore, #tpu.memory_space<semaphore_mem>>) {add = true}
            %dma_wait3A_221 = arith.constant 0 : i32
            %dma_wait3A_222 = tpu.memref_slice %arg7[%run_scoped3A, %dma_wait3A_221] : memref<8x128xi32, #tpu.memory_space<vmem>> -> memref<1x128xi32, #tpu.memory_space<vmem>>
            %dma_wait3A_223 = tpu.memref_squeeze %dma_wait3A_222 : memref<1x128xi32, #tpu.memory_space<vmem>> -> memref<128xi32, #tpu.memory_space<vmem>>
            %dma_wait3A_224 = arith.constant 0 : i32
            %dma_wait3A_225 = arith.constant 0 : i32
            %dma_wait3A_226 = tpu.memref_slice %arg10[%dma_wait3A_224, %dma_wait3A_225] : memref<10000x128xf32, #tpu.memory_space<vmem_shared>> -> memref<10000x128xf32, #tpu.memory_space<vmem_shared>>
            tpu.wait_indirect_dma semaphore(%run_scoped3A_215 : memref<!tpu.dma_semaphore, #tpu.memory_space<semaphore_mem>>) src(%arg9 : memref<128x128xf32, #tpu.memory_space<vmem>>) dst(%dma_wait3A_226 : memref<10000x128xf32, #tpu.memory_space<vmem_shared>>)
            tpu.yield
          }) : () -> ()
        } else {
        }
        %add3A_186 = arith.constant 5 : i32
        %add3A_187 = arith.addi %mul3A_75, %add3A_186 : i32
        %add3A_188 = arith.constant 2 : i32
        %add3A_189 = arith.addi %add3A_187, %add3A_188 : i32
        %lt3A_190 = arith.constant 2500 : i32
        %lt3A_191 = arith.cmpi slt, %add3A_189, %lt3A_190 : i32
        %convert_element_type3A_192 = arith.extui %lt3A_191 : i1 to i32
        %cond3A_193 = arith.constant 0 : i32
        %cond3A_194 = arith.cmpi ne, %convert_element_type3A_192, %cond3A_193 : i32
        scf.if %cond3A_194 {
          %dma_start3A = arith.constant 7 : i32
          %dma_start3A_209 = arith.constant 0 : i32
          %dma_start3A_210 = tpu.memref_slice %arg6[%dma_start3A, %dma_start3A_209] : memref<8x128xi32, #tpu.memory_space<vmem>> -> memref<1x128xi32, #tpu.memory_space<vmem>>
          %dma_start3A_211 = tpu.memref_squeeze %dma_start3A_210 : memref<1x128xi32, #tpu.memory_space<vmem>> -> memref<128xi32, #tpu.memory_space<vmem>>
          %dma_start3A_212 = arith.constant 0 : i32
          %dma_start3A_213 = arith.constant 0 : i32
          %dma_start3A_214 = tpu.memref_slice %arg4[%dma_start3A_212, %dma_start3A_213] : memref<10000x128xf32, #tpu.memory_space<hbm>> -> memref<10000x128xf32, #tpu.memory_space<hbm>>
          tpu.enqueue_indirect_dma source(%dma_start3A_214 : memref<10000x128xf32, #tpu.memory_space<hbm>>) target(%arg9 : memref<128x128xf32, #tpu.memory_space<vmem>>) offsets(%dma_start3A_211 : memref<128xi32, #tpu.memory_space<vmem>>) semaphore(%arg12 : memref<!tpu.dma_semaphore, #tpu.memory_space<semaphore_mem>>)
        } else {
        }
        %add3A_195 = arith.constant 6 : i32
        %add3A_196 = arith.addi %mul3A_75, %add3A_195 : i32
        %lt3A_197 = arith.constant 2500 : i32
        %lt3A_198 = arith.cmpi slt, %add3A_196, %lt3A_197 : i32
        %convert_element_type3A_199 = arith.extui %lt3A_198 : i1 to i32
        %cond3A_200 = arith.constant 0 : i32
        %cond3A_201 = arith.cmpi ne, %convert_element_type3A_199, %cond3A_200 : i32
        scf.if %cond3A_201 {
          %dma_wait3A = arith.constant 6 : i32
          %dma_wait3A_209 = arith.constant 0 : i32
          %dma_wait3A_210 = tpu.memref_slice %arg6[%dma_wait3A, %dma_wait3A_209] : memref<8x128xi32, #tpu.memory_space<vmem>> -> memref<1x128xi32, #tpu.memory_space<vmem>>
          %dma_wait3A_211 = tpu.memref_squeeze %dma_wait3A_210 : memref<1x128xi32, #tpu.memory_space<vmem>> -> memref<128xi32, #tpu.memory_space<vmem>>
          %dma_wait3A_212 = arith.constant 0 : i32
          %dma_wait3A_213 = arith.constant 0 : i32
          %dma_wait3A_214 = tpu.memref_slice %arg4[%dma_wait3A_212, %dma_wait3A_213] : memref<10000x128xf32, #tpu.memory_space<hbm>> -> memref<10000x128xf32, #tpu.memory_space<hbm>>
          tpu.wait_indirect_dma semaphore(%arg11 : memref<!tpu.dma_semaphore, #tpu.memory_space<semaphore_mem>>) src(%dma_wait3A_214 : memref<10000x128xf32, #tpu.memory_space<hbm>>) dst(%arg8 : memref<128x128xf32, #tpu.memory_space<vmem>>)
          %run_scoped3A = arith.constant 6 : i32
          "tpu.region"() ({
            %run_scoped3A_215 = tpu.sem_alloc : memref<!tpu.dma_semaphore, #tpu.memory_space<semaphore_mem>>
            %dma_start3A = arith.constant 0 : i32
            %dma_start3A_216 = tpu.memref_slice %arg7[%run_scoped3A, %dma_start3A] : memref<8x128xi32, #tpu.memory_space<vmem>> -> memref<1x128xi32, #tpu.memory_space<vmem>>
            %dma_start3A_217 = tpu.memref_squeeze %dma_start3A_216 : memref<1x128xi32, #tpu.memory_space<vmem>> -> memref<128xi32, #tpu.memory_space<vmem>>
            %dma_start3A_218 = arith.constant 0 : i32
            %dma_start3A_219 = arith.constant 0 : i32
            %dma_start3A_220 = tpu.memref_slice %arg10[%dma_start3A_218, %dma_start3A_219] : memref<10000x128xf32, #tpu.memory_space<vmem_shared>> -> memref<10000x128xf32, #tpu.memory_space<vmem_shared>>
            tpu.enqueue_indirect_dma source(%arg8 : memref<128x128xf32, #tpu.memory_space<vmem>>) target(%dma_start3A_220 : memref<10000x128xf32, #tpu.memory_space<vmem_shared>>) offsets(%dma_start3A_217 : memref<128xi32, #tpu.memory_space<vmem>>) semaphore(%run_scoped3A_215 : memref<!tpu.dma_semaphore, #tpu.memory_space<semaphore_mem>>) {add = true}
            %dma_wait3A_221 = arith.constant 0 : i32
            %dma_wait3A_222 = tpu.memref_slice %arg7[%run_scoped3A, %dma_wait3A_221] : memref<8x128xi32, #tpu.memory_space<vmem>> -> memref<1x128xi32, #tpu.memory_space<vmem>>
            %dma_wait3A_223 = tpu.memref_squeeze %dma_wait3A_222 : memref<1x128xi32, #tpu.memory_space<vmem>> -> memref<128xi32, #tpu.memory_space<vmem>>
            %dma_wait3A_224 = arith.constant 0 : i32
            %dma_wait3A_225 = arith.constant 0 : i32
            %dma_wait3A_226 = tpu.memref_slice %arg10[%dma_wait3A_224, %dma_wait3A_225] : memref<10000x128xf32, #tpu.memory_space<vmem_shared>> -> memref<10000x128xf32, #tpu.memory_space<vmem_shared>>
            tpu.wait_indirect_dma semaphore(%run_scoped3A_215 : memref<!tpu.dma_semaphore, #tpu.memory_space<semaphore_mem>>) src(%arg8 : memref<128x128xf32, #tpu.memory_space<vmem>>) dst(%dma_wait3A_226 : memref<10000x128xf32, #tpu.memory_space<vmem_shared>>)
            tpu.yield
          }) : () -> ()
        } else {
        }
        %add3A_202 = arith.constant 7 : i32
        %add3A_203 = arith.addi %mul3A_75, %add3A_202 : i32
        %lt3A_204 = arith.constant 2500 : i32
        %lt3A_205 = arith.cmpi slt, %add3A_203, %lt3A_204 : i32
        %convert_element_type3A_206 = arith.extui %lt3A_205 : i1 to i32
        %cond3A_207 = arith.constant 0 : i32
        %cond3A_208 = arith.cmpi ne, %convert_element_type3A_206, %cond3A_207 : i32
        scf.if %cond3A_208 {
          %dma_wait3A = arith.constant 7 : i32
          %dma_wait3A_209 = arith.constant 0 : i32
          %dma_wait3A_210 = tpu.memref_slice %arg6[%dma_wait3A, %dma_wait3A_209] : memref<8x128xi32, #tpu.memory_space<vmem>> -> memref<1x128xi32, #tpu.memory_space<vmem>>
          %dma_wait3A_211 = tpu.memref_squeeze %dma_wait3A_210 : memref<1x128xi32, #tpu.memory_space<vmem>> -> memref<128xi32, #tpu.memory_space<vmem>>
          %dma_wait3A_212 = arith.constant 0 : i32
          %dma_wait3A_213 = arith.constant 0 : i32
          %dma_wait3A_214 = tpu.memref_slice %arg4[%dma_wait3A_212, %dma_wait3A_213] : memref<10000x128xf32, #tpu.memory_space<hbm>> -> memref<10000x128xf32, #tpu.memory_space<hbm>>
          tpu.wait_indirect_dma semaphore(%arg12 : memref<!tpu.dma_semaphore, #tpu.memory_space<semaphore_mem>>) src(%dma_wait3A_214 : memref<10000x128xf32, #tpu.memory_space<hbm>>) dst(%arg9 : memref<128x128xf32, #tpu.memory_space<vmem>>)
          %run_scoped3A = arith.constant 7 : i32
          "tpu.region"() ({
            %run_scoped3A_215 = tpu.sem_alloc : memref<!tpu.dma_semaphore, #tpu.memory_space<semaphore_mem>>
            %dma_start3A = arith.constant 0 : i32
            %dma_start3A_216 = tpu.memref_slice %arg7[%run_scoped3A, %dma_start3A] : memref<8x128xi32, #tpu.memory_space<vmem>> -> memref<1x128xi32, #tpu.memory_space<vmem>>
            %dma_start3A_217 = tpu.memref_squeeze %dma_start3A_216 : memref<1x128xi32, #tpu.memory_space<vmem>> -> memref<128xi32, #tpu.memory_space<vmem>>
            %dma_start3A_218 = arith.constant 0 : i32
            %dma_start3A_219 = arith.constant 0 : i32
            %dma_start3A_220 = tpu.memref_slice %arg10[%dma_start3A_218, %dma_start3A_219] : memref<10000x128xf32, #tpu.memory_space<vmem_shared>> -> memref<10000x128xf32, #tpu.memory_space<vmem_shared>>
            tpu.enqueue_indirect_dma source(%arg9 : memref<128x128xf32, #tpu.memory_space<vmem>>) target(%dma_start3A_220 : memref<10000x128xf32, #tpu.memory_space<vmem_shared>>) offsets(%dma_start3A_217 : memref<128xi32, #tpu.memory_space<vmem>>) semaphore(%run_scoped3A_215 : memref<!tpu.dma_semaphore, #tpu.memory_space<semaphore_mem>>) {add = true}
            %dma_wait3A_221 = arith.constant 0 : i32
            %dma_wait3A_222 = tpu.memref_slice %arg7[%run_scoped3A, %dma_wait3A_221] : memref<8x128xi32, #tpu.memory_space<vmem>> -> memref<1x128xi32, #tpu.memory_space<vmem>>
            %dma_wait3A_223 = tpu.memref_squeeze %dma_wait3A_222 : memref<1x128xi32, #tpu.memory_space<vmem>> -> memref<128xi32, #tpu.memory_space<vmem>>
            %dma_wait3A_224 = arith.constant 0 : i32
            %dma_wait3A_225 = arith.constant 0 : i32
            %dma_wait3A_226 = tpu.memref_slice %arg10[%dma_wait3A_224, %dma_wait3A_225] : memref<10000x128xf32, #tpu.memory_space<vmem_shared>> -> memref<10000x128xf32, #tpu.memory_space<vmem_shared>>
            tpu.wait_indirect_dma semaphore(%run_scoped3A_215 : memref<!tpu.dma_semaphore, #tpu.memory_space<semaphore_mem>>) src(%arg9 : memref<128x128xf32, #tpu.memory_space<vmem>>) dst(%dma_wait3A_226 : memref<10000x128xf32, #tpu.memory_space<vmem_shared>>)
            tpu.yield
          }) : () -> ()
        } else {
        }
      } else {
      }
      %scan3A_80 = arith.constant 0 : i32
      scf.yield %scan3A_80 : i32
    }
    %scan3A_27 = arith.constant 10 : i32
    %barrier3A_28 = arith.constant 0 : index
    tpu.barrier barrier_id(%barrier3A_28)
    %add3A_29 = arith.constant 0 : i32
    %add3A_30 = arith.addi %mul3A_8, %add3A_29 : i32
    %mul3A_31 = arith.constant 10000 : i32
    %mul3A_32 = arith.muli %arg0, %mul3A_31 : i32
    %add3A_33 = arith.addi %mul3A_32, %mul3A_8 : i32
    %add3A_34 = arith.constant 0 : i32
    %add3A_35 = arith.addi %add3A_33, %add3A_34 : i32
    "tpu.region"() ({
      %run_scoped3A = tpu.sem_alloc : memref<!tpu.dma_semaphore, #tpu.memory_space<semaphore_mem>>
      %dma_start3A = arith.constant 0 : i32
      %dma_start3A_69 = tpu.memref_slice %arg5[%add3A_35, %dma_start3A] : memref<20000x128xf32, #tpu.memory_space<hbm>> -> memref<128x128xf32, #tpu.memory_space<hbm>>
      %dma_start3A_70 = arith.constant 0 : i32
      %dma_start3A_71 = tpu.memref_slice %arg10[%add3A_30, %dma_start3A_70] : memref<10000x128xf32, #tpu.memory_space<vmem_shared>> -> memref<128x128xf32, #tpu.memory_space<vmem_shared>>
      tpu.enqueue_dma source(%dma_start3A_71 : memref<128x128xf32, #tpu.memory_space<vmem_shared>>) target(%dma_start3A_69 : memref<128x128xf32, #tpu.memory_space<hbm>>) target_semaphore(%run_scoped3A : memref<!tpu.dma_semaphore, #tpu.memory_space<semaphore_mem>>)
      %dma_wait3A = arith.constant 0 : i32
      %dma_wait3A_72 = tpu.memref_slice %arg5[%add3A_35, %dma_wait3A] : memref<20000x128xf32, #tpu.memory_space<hbm>> -> memref<128x128xf32, #tpu.memory_space<hbm>>
      %dma_wait3A_73 = arith.constant 0 : i32
      %dma_wait3A_74 = tpu.memref_slice %arg10[%add3A_30, %dma_wait3A_73] : memref<10000x128xf32, #tpu.memory_space<vmem_shared>> -> memref<128x128xf32, #tpu.memory_space<vmem_shared>>
      tpu.wait_dma2 semaphore(%run_scoped3A : memref<!tpu.dma_semaphore, #tpu.memory_space<semaphore_mem>>) src(%dma_wait3A_74 : memref<128x128xf32, #tpu.memory_space<vmem_shared>>) dst(%dma_wait3A_72 : memref<128x128xf32, #tpu.memory_space<hbm>>)
      tpu.yield
    }) : () -> ()
    %add3A_36 = arith.constant 128 : i32
    %add3A_37 = arith.addi %mul3A_8, %add3A_36 : i32
    %mul3A_38 = arith.constant 10000 : i32
    %mul3A_39 = arith.muli %arg0, %mul3A_38 : i32
    %add3A_40 = arith.addi %mul3A_39, %mul3A_8 : i32
    %add3A_41 = arith.constant 128 : i32
    %add3A_42 = arith.addi %add3A_40, %add3A_41 : i32
    "tpu.region"() ({
      %run_scoped3A = tpu.sem_alloc : memref<!tpu.dma_semaphore, #tpu.memory_space<semaphore_mem>>
      %dma_start3A = arith.constant 0 : i32
      %dma_start3A_69 = tpu.memref_slice %arg5[%add3A_42, %dma_start3A] : memref<20000x128xf32, #tpu.memory_space<hbm>> -> memref<128x128xf32, #tpu.memory_space<hbm>>
      %dma_start3A_70 = arith.constant 0 : i32
      %dma_start3A_71 = tpu.memref_slice %arg10[%add3A_37, %dma_start3A_70] : memref<10000x128xf32, #tpu.memory_space<vmem_shared>> -> memref<128x128xf32, #tpu.memory_space<vmem_shared>>
      tpu.enqueue_dma source(%dma_start3A_71 : memref<128x128xf32, #tpu.memory_space<vmem_shared>>) target(%dma_start3A_69 : memref<128x128xf32, #tpu.memory_space<hbm>>) target_semaphore(%run_scoped3A : memref<!tpu.dma_semaphore, #tpu.memory_space<semaphore_mem>>)
      %dma_wait3A = arith.constant 0 : i32
      %dma_wait3A_72 = tpu.memref_slice %arg5[%add3A_42, %dma_wait3A] : memref<20000x128xf32, #tpu.memory_space<hbm>> -> memref<128x128xf32, #tpu.memory_space<hbm>>
      %dma_wait3A_73 = arith.constant 0 : i32
      %dma_wait3A_74 = tpu.memref_slice %arg10[%add3A_37, %dma_wait3A_73] : memref<10000x128xf32, #tpu.memory_space<vmem_shared>> -> memref<128x128xf32, #tpu.memory_space<vmem_shared>>
      tpu.wait_dma2 semaphore(%run_scoped3A : memref<!tpu.dma_semaphore, #tpu.memory_space<semaphore_mem>>) src(%dma_wait3A_74 : memref<128x128xf32, #tpu.memory_space<vmem_shared>>) dst(%dma_wait3A_72 : memref<128x128xf32, #tpu.memory_space<hbm>>)
      tpu.yield
    }) : () -> ()
    %add3A_43 = arith.constant 256 : i32
    %add3A_44 = arith.addi %mul3A_8, %add3A_43 : i32
    %mul3A_45 = arith.constant 10000 : i32
    %mul3A_46 = arith.muli %arg0, %mul3A_45 : i32
    %add3A_47 = arith.addi %mul3A_46, %mul3A_8 : i32
    %add3A_48 = arith.constant 256 : i32
    %add3A_49 = arith.addi %add3A_47, %add3A_48 : i32
    "tpu.region"() ({
      %run_scoped3A = tpu.sem_alloc : memref<!tpu.dma_semaphore, #tpu.memory_space<semaphore_mem>>
      %dma_start3A = arith.constant 0 : i32
      %dma_start3A_69 = tpu.memref_slice %arg5[%add3A_49, %dma_start3A] : memref<20000x128xf32, #tpu.memory_space<hbm>> -> memref<128x128xf32, #tpu.memory_space<hbm>>
      %dma_start3A_70 = arith.constant 0 : i32
      %dma_start3A_71 = tpu.memref_slice %arg10[%add3A_44, %dma_start3A_70] : memref<10000x128xf32, #tpu.memory_space<vmem_shared>> -> memref<128x128xf32, #tpu.memory_space<vmem_shared>>
      tpu.enqueue_dma source(%dma_start3A_71 : memref<128x128xf32, #tpu.memory_space<vmem_shared>>) target(%dma_start3A_69 : memref<128x128xf32, #tpu.memory_space<hbm>>) target_semaphore(%run_scoped3A : memref<!tpu.dma_semaphore, #tpu.memory_space<semaphore_mem>>)
      %dma_wait3A = arith.constant 0 : i32
      %dma_wait3A_72 = tpu.memref_slice %arg5[%add3A_49, %dma_wait3A] : memref<20000x128xf32, #tpu.memory_space<hbm>> -> memref<128x128xf32, #tpu.memory_space<hbm>>
      %dma_wait3A_73 = arith.constant 0 : i32
      %dma_wait3A_74 = tpu.memref_slice %arg10[%add3A_44, %dma_wait3A_73] : memref<10000x128xf32, #tpu.memory_space<vmem_shared>> -> memref<128x128xf32, #tpu.memory_space<vmem_shared>>
      tpu.wait_dma2 semaphore(%run_scoped3A : memref<!tpu.dma_semaphore, #tpu.memory_space<semaphore_mem>>) src(%dma_wait3A_74 : memref<128x128xf32, #tpu.memory_space<vmem_shared>>) dst(%dma_wait3A_72 : memref<128x128xf32, #tpu.memory_space<hbm>>)
      tpu.yield
    }) : () -> ()
    %add3A_50 = arith.constant 384 : i32
    %add3A_51 = arith.addi %mul3A_8, %add3A_50 : i32
    %mul3A_52 = arith.constant 10000 : i32
    %mul3A_53 = arith.muli %arg0, %mul3A_52 : i32
    %add3A_54 = arith.addi %mul3A_53, %mul3A_8 : i32
    %add3A_55 = arith.constant 384 : i32
    %add3A_56 = arith.addi %add3A_54, %add3A_55 : i32
    "tpu.region"() ({
      %run_scoped3A = tpu.sem_alloc : memref<!tpu.dma_semaphore, #tpu.memory_space<semaphore_mem>>
      %dma_start3A = arith.constant 0 : i32
      %dma_start3A_69 = tpu.memref_slice %arg5[%add3A_56, %dma_start3A] : memref<20000x128xf32, #tpu.memory_space<hbm>> -> memref<128x128xf32, #tpu.memory_space<hbm>>
      %dma_start3A_70 = arith.constant 0 : i32
      %dma_start3A_71 = tpu.memref_slice %arg10[%add3A_51, %dma_start3A_70] : memref<10000x128xf32, #tpu.memory_space<vmem_shared>> -> memref<128x128xf32, #tpu.memory_space<vmem_shared>>
      tpu.enqueue_dma source(%dma_start3A_71 : memref<128x128xf32, #tpu.memory_space<vmem_shared>>) target(%dma_start3A_69 : memref<128x128xf32, #tpu.memory_space<hbm>>) target_semaphore(%run_scoped3A : memref<!tpu.dma_semaphore, #tpu.memory_space<semaphore_mem>>)
      %dma_wait3A = arith.constant 0 : i32
      %dma_wait3A_72 = tpu.memref_slice %arg5[%add3A_56, %dma_wait3A] : memref<20000x128xf32, #tpu.memory_space<hbm>> -> memref<128x128xf32, #tpu.memory_space<hbm>>
      %dma_wait3A_73 = arith.constant 0 : i32
      %dma_wait3A_74 = tpu.memref_slice %arg10[%add3A_51, %dma_wait3A_73] : memref<10000x128xf32, #tpu.memory_space<vmem_shared>> -> memref<128x128xf32, #tpu.memory_space<vmem_shared>>
      tpu.wait_dma2 semaphore(%run_scoped3A : memref<!tpu.dma_semaphore, #tpu.memory_space<semaphore_mem>>) src(%dma_wait3A_74 : memref<128x128xf32, #tpu.memory_space<vmem_shared>>) dst(%dma_wait3A_72 : memref<128x128xf32, #tpu.memory_space<hbm>>)
      tpu.yield
    }) : () -> ()
    %add3A_57 = arith.constant 512 : i32
    %add3A_58 = arith.addi %mul3A_8, %add3A_57 : i32
    %mul3A_59 = arith.constant 10000 : i32
    %mul3A_60 = arith.muli %arg0, %mul3A_59 : i32
    %add3A_61 = arith.addi %mul3A_60, %mul3A_8 : i32
    %add3A_62 = arith.constant 512 : i32
    %add3A_63 = arith.addi %add3A_61, %add3A_62 : i32
    "tpu.region"() ({
      %run_scoped3A = tpu.sem_alloc : memref<!tpu.dma_semaphore, #tpu.memory_space<semaphore_mem>>
      %dma_start3A = arith.constant 0 : i32
      %dma_start3A_69 = tpu.memref_slice %arg5[%add3A_63, %dma_start3A] : memref<20000x128xf32, #tpu.memory_space<hbm>> -> memref<112x128xf32, #tpu.memory_space<hbm>>
      %dma_start3A_70 = arith.constant 0 : i32
      %dma_start3A_71 = tpu.memref_slice %arg10[%add3A_58, %dma_start3A_70] : memref<10000x128xf32, #tpu.memory_space<vmem_shared>> -> memref<112x128xf32, #tpu.memory_space<vmem_shared>>
      tpu.enqueue_dma source(%dma_start3A_71 : memref<112x128xf32, #tpu.memory_space<vmem_shared>>) target(%dma_start3A_69 : memref<112x128xf32, #tpu.memory_space<hbm>>) target_semaphore(%run_scoped3A : memref<!tpu.dma_semaphore, #tpu.memory_space<semaphore_mem>>)
      %dma_wait3A = arith.constant 0 : i32
      %dma_wait3A_72 = tpu.memref_slice %arg5[%add3A_63, %dma_wait3A] : memref<20000x128xf32, #tpu.memory_space<hbm>> -> memref<112x128xf32, #tpu.memory_space<hbm>>
      %dma_wait3A_73 = arith.constant 0 : i32
      %dma_wait3A_74 = tpu.memref_slice %arg10[%add3A_58, %dma_wait3A_73] : memref<10000x128xf32, #tpu.memory_space<vmem_shared>> -> memref<112x128xf32, #tpu.memory_space<vmem_shared>>
      tpu.wait_dma2 semaphore(%run_scoped3A : memref<!tpu.dma_semaphore, #tpu.memory_space<semaphore_mem>>) src(%dma_wait3A_74 : memref<112x128xf32, #tpu.memory_space<vmem_shared>>) dst(%dma_wait3A_72 : memref<112x128xf32, #tpu.memory_space<hbm>>)
      tpu.yield
    }) : () -> ()
    %eq3A_64 = arith.constant 15 : i32
    %eq3A_65 = arith.cmpi eq, %arg1, %eq3A_64 : i32
    %convert_element_type3A_66 = arith.extui %eq3A_65 : i1 to i32
    %cond3A_67 = arith.constant 0 : i32
    %cond3A_68 = arith.cmpi ne, %convert_element_type3A_66, %cond3A_67 : i32
    scf.if %cond3A_68 {
      %add3A_69 = arith.constant 624 : i32
      %add3A_70 = arith.addi %mul3A_8, %add3A_69 : i32
      %mul3A_71 = arith.constant 10000 : i32
      %mul3A_72 = arith.muli %arg0, %mul3A_71 : i32
      %add3A_73 = arith.addi %mul3A_72, %mul3A_8 : i32
      %add3A_74 = arith.constant 624 : i32
      %add3A_75 = arith.addi %add3A_73, %add3A_74 : i32
      "tpu.region"() ({
        %run_scoped3A = tpu.sem_alloc : memref<!tpu.dma_semaphore, #tpu.memory_space<semaphore_mem>>
        %dma_start3A = arith.constant 0 : i32
        %dma_start3A_76 = tpu.memref_slice %arg5[%add3A_75, %dma_start3A] : memref<20000x128xf32, #tpu.memory_space<hbm>> -> memref<16x128xf32, #tpu.memory_space<hbm>>
        %dma_start3A_77 = arith.constant 0 : i32
        %dma_start3A_78 = tpu.memref_slice %arg10[%add3A_70, %dma_start3A_77] : memref<10000x128xf32, #tpu.memory_space<vmem_shared>> -> memref<16x128xf32, #tpu.memory_space<vmem_shared>>
        tpu.enqueue_dma source(%dma_start3A_78 : memref<16x128xf32, #tpu.memory_space<vmem_shared>>) target(%dma_start3A_76 : memref<16x128xf32, #tpu.memory_space<hbm>>) target_semaphore(%run_scoped3A : memref<!tpu.dma_semaphore, #tpu.memory_space<semaphore_mem>>)
        %dma_wait3A = arith.constant 0 : i32
        %dma_wait3A_79 = tpu.memref_slice %arg5[%add3A_75, %dma_wait3A] : memref<20000x128xf32, #tpu.memory_space<hbm>> -> memref<16x128xf32, #tpu.memory_space<hbm>>
        %dma_wait3A_80 = arith.constant 0 : i32
        %dma_wait3A_81 = tpu.memref_slice %arg10[%add3A_70, %dma_wait3A_80] : memref<10000x128xf32, #tpu.memory_space<vmem_shared>> -> memref<16x128xf32, #tpu.memory_space<vmem_shared>>
        tpu.wait_dma2 semaphore(%run_scoped3A : memref<!tpu.dma_semaphore, #tpu.memory_space<semaphore_mem>>) src(%dma_wait3A_81 : memref<16x128xf32, #tpu.memory_space<vmem_shared>>) dst(%dma_wait3A_79 : memref<16x128xf32, #tpu.memory_space<hbm>>)
        tpu.yield
      }) : () -> ()
    } else {
    }
    return
  }
}

module attributes {stable_mosaic.version = 14 : i64} {
  func.func @_deg_tc_body(%arg0: memref<2x10240xf32, #tpu.memory_space<vmem>>, %arg1: memref<2x10240xf32, #tpu.memory_space<vmem>>, %arg2: memref<1x10240xf32, #tpu.memory_space<vmem>>, %arg3: memref<1x10240xf32, #tpu.memory_space<vmem>>, %arg4: memref<1x10240xf32, #tpu.memory_space<vmem>>) attributes {dimension_semantics = [], scalar_prefetch = 0 : i64, scratch_operands = 0 : i64, tpu.core_type = #tpu.core_type<tc>} {
    %get3A = arith.constant 0 : index
    %get3A_0 = arith.constant 0 : index
    %get3A_1 = vector.load %arg0[%get3A, %get3A_0] : memref<2x10240xf32, #tpu.memory_space<vmem>>, vector<1x10240xf32>
    %get3A_2 = arith.constant 1 : index
    %get3A_3 = arith.constant 0 : index
    %get3A_4 = vector.load %arg0[%get3A_2, %get3A_3] : memref<2x10240xf32, #tpu.memory_space<vmem>>, vector<1x10240xf32>
    %add3A = arith.addf %get3A_1, %get3A_4 : vector<1x10240xf32>
    %max3A = arith.constant 1.000000e+00 : f32
    %max3A_5 = vector.broadcast %max3A : f32 to vector<1x10240xf32>
    %max3A_6 = arith.maximumf %add3A, %max3A_5 : vector<1x10240xf32>
    %get3A_7 = arith.constant 0 : index
    %get3A_8 = arith.constant 0 : index
    %get3A_9 = vector.load %arg1[%get3A_7, %get3A_8] : memref<2x10240xf32, #tpu.memory_space<vmem>>, vector<1x10240xf32>
    %get3A_10 = arith.constant 1 : index
    %get3A_11 = arith.constant 0 : index
    %get3A_12 = vector.load %arg1[%get3A_10, %get3A_11] : memref<2x10240xf32, #tpu.memory_space<vmem>>, vector<1x10240xf32>
    %add3A_13 = arith.addf %get3A_9, %get3A_12 : vector<1x10240xf32>
    %max3A_14 = arith.constant 1.000000e+00 : f32
    %max3A_15 = vector.broadcast %max3A_14 : f32 to vector<1x10240xf32>
    %max3A_16 = arith.maximumf %add3A_13, %max3A_15 : vector<1x10240xf32>
    %rsqrt3A = math.rsqrt %max3A_6 : vector<1x10240xf32>
    %rsqrt3A_17 = math.rsqrt %max3A_16 : vector<1x10240xf32>
    %swap3A = arith.constant 0 : index
    %swap3A_18 = arith.constant 0 : index
    %swap3A_19 = vector.load %arg2[%swap3A, %swap3A_18] : memref<1x10240xf32, #tpu.memory_space<vmem>>, vector<1x10240xf32>
    tpu.vector_store %arg2[%swap3A, %swap3A_18], %rsqrt3A {strides = array<i32>} : memref<1x10240xf32, #tpu.memory_space<vmem>>, vector<1x10240xf32>,
    %swap3A_20 = arith.constant 0 : index
    %swap3A_21 = arith.constant 0 : index
    %swap3A_22 = vector.load %arg3[%swap3A_20, %swap3A_21] : memref<1x10240xf32, #tpu.memory_space<vmem>>, vector<1x10240xf32>
    tpu.vector_store %arg3[%swap3A_20, %swap3A_21], %rsqrt3A_17 {strides = array<i32>} : memref<1x10240xf32, #tpu.memory_space<vmem>>, vector<1x10240xf32>,
    %mul3A = arith.mulf %rsqrt3A, %rsqrt3A_17 : vector<1x10240xf32>
    %swap3A_23 = arith.constant 0 : index
    %swap3A_24 = arith.constant 0 : index
    %swap3A_25 = vector.load %arg4[%swap3A_23, %swap3A_24] : memref<1x10240xf32, #tpu.memory_space<vmem>>, vector<1x10240xf32>
    tpu.vector_store %arg4[%swap3A_23, %swap3A_24], %mul3A {strides = array<i32>} : memref<1x10240xf32, #tpu.memory_space<vmem>>, vector<1x10240xf32>,
    return
  }
}

module attributes {stable_mosaic.version = 14 : i64} {
  func.func @_mask_tc_body(%arg0: i32, %arg1: memref<1000x128xf32, #tpu.memory_space<vmem>>, %arg2: memref<1000x1xf32, #tpu.memory_space<vmem>>, %arg3: memref<1000x1xf32, #tpu.memory_space<vmem>>, %arg4: memref<1x128xf32, #tpu.memory_space<vmem>>, %arg5: memref<1000x128xf32, #tpu.memory_space<vmem>>) attributes {dimension_semantics = [#tpu.dimension_semantics<arbitrary>], iteration_bounds = array<i64: 10>, scalar_prefetch = 0 : i64, scratch_operands = 0 : i64, tpu.core_type = #tpu.core_type<tc>, window_params = [{transform_indices = @transform_0, window_bounds = array<i64: 1000, 128>}, {transform_indices = @transform_1, window_bounds = array<i64: 1000, 1>}, {transform_indices = @transform_2, window_bounds = array<i64: 1000, 1>}, {pipeline_mode = #tpu.pipeline_mode<synchronous>, transform_indices = @transform_3, window_bounds = array<i64: 1, 128>}, {transform_indices = @transform_4, window_bounds = array<i64: 1000, 128>}]} {
    %get3A = arith.constant 0 : index
    %get3A_0 = arith.constant 0 : index
    %get3A_1 = vector.load %arg3[%get3A, %get3A_0] : memref<1000x1xf32, #tpu.memory_space<vmem>>, vector<1000x1xf32>
    %get3A_2 = arith.constant 0 : index
    %get3A_3 = arith.constant 0 : index
    %get3A_4 = vector.load %arg1[%get3A_2, %get3A_3] : memref<1000x128xf32, #tpu.memory_space<vmem>>, vector<1000x128xf32>
    %sub3A = arith.constant 1.000000e+00 : f32
    %sub3A_5 = vector.broadcast %sub3A : f32 to vector<1000x1xf32>
    %sub3A_6 = arith.subf %sub3A_5, %get3A_1 : vector<1000x1xf32>
    %mul3A = vector.broadcast %sub3A_6 : vector<1000x1xf32> to vector<1000x128xf32>
    %mul3A_7 = arith.mulf %get3A_4, %mul3A : vector<1000x128xf32>
    %get3A_8 = arith.constant 0 : index
    %get3A_9 = arith.constant 0 : index
    %get3A_10 = vector.load %arg4[%get3A_8, %get3A_9] : memref<1x128xf32, #tpu.memory_space<vmem>>, vector<1x128xf32>
    %mul3A_11 = vector.broadcast %get3A_1 : vector<1000x1xf32> to vector<1000x128xf32>
    %mul3A_12 = vector.broadcast %get3A_10 : vector<1x128xf32> to vector<1000x128xf32>
    %mul3A_13 = arith.mulf %mul3A_11, %mul3A_12 : vector<1000x128xf32>
    %add3A = arith.addf %mul3A_7, %mul3A_13 : vector<1000x128xf32>
    %get3A_14 = arith.constant 0 : index
    %get3A_15 = arith.constant 0 : index
    %get3A_16 = vector.load %arg2[%get3A_14, %get3A_15] : memref<1000x1xf32, #tpu.memory_space<vmem>>, vector<1000x1xf32>
    %mul3A_17 = vector.broadcast %get3A_16 : vector<1000x1xf32> to vector<1000x128xf32>
    %mul3A_18 = arith.mulf %add3A, %mul3A_17 : vector<1000x128xf32>
    %swap3A = arith.constant 0 : index
    %swap3A_19 = arith.constant 0 : index
    %swap3A_20 = vector.load %arg5[%swap3A, %swap3A_19] : memref<1000x128xf32, #tpu.memory_space<vmem>>, vector<1000x128xf32>
    tpu.vector_store %arg5[%swap3A, %swap3A_19], %mul3A_18 {strides = array<i32>} : memref<1000x128xf32, #tpu.memory_space<vmem>>, vector<1000x128xf32>,
    return
  }
  func.func @transform_0(%arg0: i32) -> (i32, i32) {
    %c0_i32 = arith.constant 0 : i32
    %c0_i32_0 = arith.constant 0 : i32
    return %arg0, %c0_i32 : i32, i32
  }
  func.func @transform_1(%arg0: i32) -> (i32, i32) {
    %c0_i32 = arith.constant 0 : i32
    %c0_i32_0 = arith.constant 0 : i32
    return %arg0, %c0_i32 : i32, i32
  }
  func.func @transform_2(%arg0: i32) -> (i32, i32) {
    %c0_i32 = arith.constant 0 : i32
    %c0_i32_0 = arith.constant 0 : i32
    return %arg0, %c0_i32 : i32, i32
  }
  func.func @transform_3(%arg0: i32) -> (i32, i32) {
    %c0_i32 = arith.constant 0 : i32
    %c0_i32_0 = arith.constant 0 : i32
    %c0_i32_1 = arith.constant 0 : i32
    return %c0_i32, %c0_i32_0 : i32, i32
  }
  func.func @transform_4(%arg0: i32) -> (i32, i32) {
    %c0_i32 = arith.constant 0 : i32
    %c0_i32_0 = arith.constant 0 : i32
    return %arg0, %c0_i32 : i32, i32
  }
}

module attributes {stable_mosaic.version = 14 : i64} {
  func.func @_mid_tc_body(%arg0: i32, %arg1: memref<1000x128xf32, #tpu.memory_space<vmem>>, %arg2: memref<1000x128xf32, #tpu.memory_space<vmem>>, %arg3: memref<1000x1xf32, #tpu.memory_space<vmem>>, %arg4: memref<1000x128xf32, #tpu.memory_space<vmem>>, %arg5: memref<1000x128xf32, #tpu.memory_space<vmem>>) attributes {dimension_semantics = [#tpu.dimension_semantics<arbitrary>], iteration_bounds = array<i64: 10>, scalar_prefetch = 0 : i64, scratch_operands = 0 : i64, tpu.core_type = #tpu.core_type<tc>, window_params = [{transform_indices = @transform_0, window_bounds = array<i64: 1000, 128>}, {transform_indices = @transform_1, window_bounds = array<i64: 1000, 128>}, {transform_indices = @transform_2, window_bounds = array<i64: 1000, 1>}, {transform_indices = @transform_3, window_bounds = array<i64: 1000, 128>}, {transform_indices = @transform_4, window_bounds = array<i64: 1000, 128>}]} {
    %get3A = arith.constant 0 : index
    %get3A_0 = arith.constant 0 : index
    %get3A_1 = vector.load %arg1[%get3A, %get3A_0] : memref<1000x128xf32, #tpu.memory_space<vmem>>, vector<1000x128xf32>
    %get3A_2 = arith.constant 0 : index
    %get3A_3 = arith.constant 0 : index
    %get3A_4 = vector.load %arg2[%get3A_2, %get3A_3] : memref<1000x128xf32, #tpu.memory_space<vmem>>, vector<1000x128xf32>
    %add3A = arith.addf %get3A_1, %get3A_4 : vector<1000x128xf32>
    %swap3A = arith.constant 0 : index
    %swap3A_5 = arith.constant 0 : index
    %swap3A_6 = vector.load %arg5[%swap3A, %swap3A_5] : memref<1000x128xf32, #tpu.memory_space<vmem>>, vector<1000x128xf32>
    tpu.vector_store %arg5[%swap3A, %swap3A_5], %add3A {strides = array<i32>} : memref<1000x128xf32, #tpu.memory_space<vmem>>, vector<1000x128xf32>,
    %get3A_7 = arith.constant 0 : index
    %get3A_8 = arith.constant 0 : index
    %get3A_9 = vector.load %arg3[%get3A_7, %get3A_8] : memref<1000x1xf32, #tpu.memory_space<vmem>>, vector<1000x1xf32>
    %mul3A = vector.broadcast %get3A_9 : vector<1000x1xf32> to vector<1000x128xf32>
    %mul3A_10 = arith.mulf %add3A, %mul3A : vector<1000x128xf32>
    %swap3A_11 = arith.constant 0 : index
    %swap3A_12 = arith.constant 0 : index
    %swap3A_13 = vector.load %arg4[%swap3A_11, %swap3A_12] : memref<1000x128xf32, #tpu.memory_space<vmem>>, vector<1000x128xf32>
    tpu.vector_store %arg4[%swap3A_11, %swap3A_12], %mul3A_10 {strides = array<i32>} : memref<1000x128xf32, #tpu.memory_space<vmem>>, vector<1000x128xf32>,
    return
  }
  func.func @transform_0(%arg0: i32) -> (i32, i32) {
    %c0_i32 = arith.constant 0 : i32
    %c0_i32_0 = arith.constant 0 : i32
    return %arg0, %c0_i32 : i32, i32
  }
  func.func @transform_1(%arg0: i32) -> (i32, i32) {
    %add3A = arith.constant 10 : i32
    %add3A_0 = arith.addi %arg0, %add3A : i32
    %c0_i32 = arith.constant 0 : i32
    %c0_i32_1 = arith.constant 0 : i32
    return %add3A_0, %c0_i32 : i32, i32
  }
  func.func @transform_2(%arg0: i32) -> (i32, i32) {
    %c0_i32 = arith.constant 0 : i32
    %c0_i32_0 = arith.constant 0 : i32
    return %arg0, %c0_i32 : i32, i32
  }
  func.func @transform_3(%arg0: i32) -> (i32, i32) {
    %c0_i32 = arith.constant 0 : i32
    %c0_i32_0 = arith.constant 0 : i32
    return %arg0, %c0_i32 : i32, i32
  }
  func.func @transform_4(%arg0: i32) -> (i32, i32) {
    %c0_i32 = arith.constant 0 : i32
    %c0_i32_0 = arith.constant 0 : i32
    return %arg0, %c0_i32 : i32, i32
  }
}

module attributes {stable_mosaic.version = 14 : i64} {
  func.func @_dec_tc_body(%arg0: i32, %arg1: memref<1000x128xf32, #tpu.memory_space<vmem>>, %arg2: memref<1000x128xf32, #tpu.memory_space<vmem>>, %arg3: memref<1000x128xf32, #tpu.memory_space<vmem>>, %arg4: memref<1000x1xf32, #tpu.memory_space<vmem>>, %arg5: memref<1000x1xf32, #tpu.memory_space<vmem>>, %arg6: memref<1000x1xf32, #tpu.memory_space<vmem>>, %arg7: memref<1000x1xf32, #tpu.memory_space<vmem>>, %arg8: memref<128x128xf32, #tpu.memory_space<vmem>>, %arg9: memref<1x128xf32, #tpu.memory_space<vmem>>, %arg10: memref<1000x128xf32, #tpu.memory_space<vmem>>) attributes {dimension_semantics = [#tpu.dimension_semantics<arbitrary>], iteration_bounds = array<i64: 10>, scalar_prefetch = 0 : i64, scratch_operands = 0 : i64, tpu.core_type = #tpu.core_type<tc>, window_params = [{transform_indices = @transform_0, window_bounds = array<i64: 1000, 128>}, {transform_indices = @transform_1, window_bounds = array<i64: 1000, 128>}, {transform_indices = @transform_2, window_bounds = array<i64: 1000, 128>}, {transform_indices = @transform_3, window_bounds = array<i64: 1000, 1>}, {transform_indices = @transform_4, window_bounds = array<i64: 1000, 1>}, {transform_indices = @transform_5, window_bounds = array<i64: 1000, 1>}, {transform_indices = @transform_6, window_bounds = array<i64: 1000, 1>}, {pipeline_mode = #tpu.pipeline_mode<synchronous>, transform_indices = @transform_7, window_bounds = array<i64: 128, 128>}, {pipeline_mode = #tpu.pipeline_mode<synchronous>, transform_indices = @transform_8, window_bounds = array<i64: 1, 128>}, {transform_indices = @transform_9, window_bounds = array<i64: 1000, 128>}]} {
    %get3A = arith.constant 0 : index
    %get3A_0 = arith.constant 0 : index
    %get3A_1 = vector.load %arg2[%get3A, %get3A_0] : memref<1000x128xf32, #tpu.memory_space<vmem>>, vector<1000x128xf32>
    %get3A_2 = arith.constant 0 : index
    %get3A_3 = arith.constant 0 : index
    %get3A_4 = vector.load %arg3[%get3A_2, %get3A_3] : memref<1000x128xf32, #tpu.memory_space<vmem>>, vector<1000x128xf32>
    %add3A = arith.addf %get3A_1, %get3A_4 : vector<1000x128xf32>
    %get3A_5 = arith.constant 0 : index
    %get3A_6 = arith.constant 0 : index
    %get3A_7 = vector.load %arg4[%get3A_5, %get3A_6] : memref<1000x1xf32, #tpu.memory_space<vmem>>, vector<1000x1xf32>
    %mul3A = arith.constant 5.000000e-01 : f32
    %mul3A_8 = vector.broadcast %mul3A : f32 to vector<1000x1xf32>
    %mul3A_9 = arith.mulf %mul3A_8, %get3A_7 : vector<1000x1xf32>
    %get3A_10 = arith.constant 0 : index
    %get3A_11 = arith.constant 0 : index
    %get3A_12 = vector.load %arg1[%get3A_10, %get3A_11] : memref<1000x128xf32, #tpu.memory_space<vmem>>, vector<1000x128xf32>
    %add3A_13 = arith.addf %get3A_12, %add3A : vector<1000x128xf32>
    %mul3A_14 = vector.broadcast %mul3A_9 : vector<1000x1xf32> to vector<1000x128xf32>
    %mul3A_15 = arith.mulf %mul3A_14, %add3A_13 : vector<1000x128xf32>
    %get3A_16 = arith.constant 0 : index
    %get3A_17 = arith.constant 0 : index
    %get3A_18 = vector.load %arg8[%get3A_16, %get3A_17] : memref<128x128xf32, #tpu.memory_space<vmem>>, vector<128x128xf32>
    %dot_general3A = arith.constant dense<0.000000e+00> : vector<1000x128xf32>
    %dot_general3A_19 = tpu.matmul %mul3A_15, %get3A_18, %dot_general3A {dimension_numbers = #tpu.dot_dimension_numbers<[1], [1], [0], [0], [0, 0, 1, 0], [], []>, transpose_lhs_hint = false} : vector<1000x128xf32>, vector<128x128xf32>, vector<1000x128xf32> -> vector<1000x128xf32>
    %get3A_20 = arith.constant 0 : index
    %get3A_21 = arith.constant 0 : index
    %get3A_22 = vector.load %arg6[%get3A_20, %get3A_21] : memref<1000x1xf32, #tpu.memory_space<vmem>>, vector<1000x1xf32>
    %mul3A_23 = vector.broadcast %get3A_22 : vector<1000x1xf32> to vector<1000x128xf32>
    %mul3A_24 = arith.mulf %mul3A_23, %dot_general3A_19 : vector<1000x128xf32>
    %get3A_25 = arith.constant 0 : index
    %get3A_26 = arith.constant 0 : index
    %get3A_27 = vector.load %arg7[%get3A_25, %get3A_26] : memref<1000x1xf32, #tpu.memory_space<vmem>>, vector<1000x1xf32>
    %get3A_28 = arith.constant 0 : index
    %get3A_29 = arith.constant 0 : index
    %get3A_30 = vector.load %arg9[%get3A_28, %get3A_29] : memref<1x128xf32, #tpu.memory_space<vmem>>, vector<1x128xf32>
    %mul3A_31 = vector.broadcast %get3A_27 : vector<1000x1xf32> to vector<1000x128xf32>
    %mul3A_32 = vector.broadcast %get3A_30 : vector<1x128xf32> to vector<1000x128xf32>
    %mul3A_33 = arith.mulf %mul3A_31, %mul3A_32 : vector<1000x128xf32>
    %add3A_34 = arith.addf %mul3A_24, %mul3A_33 : vector<1000x128xf32>
    %get3A_35 = arith.constant 0 : index
    %get3A_36 = arith.constant 0 : index
    %get3A_37 = vector.load %arg5[%get3A_35, %get3A_36] : memref<1000x1xf32, #tpu.memory_space<vmem>>, vector<1000x1xf32>
    %mul3A_38 = vector.broadcast %get3A_37 : vector<1000x1xf32> to vector<1000x128xf32>
    %mul3A_39 = arith.mulf %add3A_34, %mul3A_38 : vector<1000x128xf32>
    %swap3A = arith.constant 0 : index
    %swap3A_40 = arith.constant 0 : index
    %swap3A_41 = vector.load %arg10[%swap3A, %swap3A_40] : memref<1000x128xf32, #tpu.memory_space<vmem>>, vector<1000x128xf32>
    tpu.vector_store %arg10[%swap3A, %swap3A_40], %mul3A_39 {strides = array<i32>} : memref<1000x128xf32, #tpu.memory_space<vmem>>, vector<1000x128xf32>,
    return
  }
  func.func @transform_0(%arg0: i32) -> (i32, i32) {
    %c0_i32 = arith.constant 0 : i32
    %c0_i32_0 = arith.constant 0 : i32
    return %arg0, %c0_i32 : i32, i32
  }
  func.func @transform_1(%arg0: i32) -> (i32, i32) {
    %c0_i32 = arith.constant 0 : i32
    %c0_i32_0 = arith.constant 0 : i32
    return %arg0, %c0_i32 : i32, i32
  }
  func.func @transform_2(%arg0: i32) -> (i32, i32) {
    %add3A = arith.constant 10 : i32
    %add3A_0 = arith.addi %arg0, %add3A : i32
    %c0_i32 = arith.constant 0 : i32
    %c0_i32_1 = arith.constant 0 : i32
    return %add3A_0, %c0_i32 : i32, i32
  }
  func.func @transform_3(%arg0: i32) -> (i32, i32) {
    %c0_i32 = arith.constant 0 : i32
    %c0_i32_0 = arith.constant 0 : i32
    return %arg0, %c0_i32 : i32, i32
  }
  func.func @transform_4(%arg0: i32) -> (i32, i32) {
    %c0_i32 = arith.constant 0 : i32
    %c0_i32_0 = arith.constant 0 : i32
    return %arg0, %c0_i32 : i32, i32
  }
  func.func @transform_5(%arg0: i32) -> (i32, i32) {
    %c0_i32 = arith.constant 0 : i32
    %c0_i32_0 = arith.constant 0 : i32
    return %arg0, %c0_i32 : i32, i32
  }
  func.func @transform_6(%arg0: i32) -> (i32, i32) {
    %c0_i32 = arith.constant 0 : i32
    %c0_i32_0 = arith.constant 0 : i32
    return %arg0, %c0_i32 : i32, i32
  }
  func.func @transform_7(%arg0: i32) -> (i32, i32) {
    %c0_i32 = arith.constant 0 : i32
    %c0_i32_0 = arith.constant 0 : i32
    %c0_i32_1 = arith.constant 0 : i32
    return %c0_i32, %c0_i32_0 : i32, i32
  }
  func.func @transform_8(%arg0: i32) -> (i32, i32) {
    %c0_i32 = arith.constant 0 : i32
    %c0_i32_0 = arith.constant 0 : i32
    %c0_i32_1 = arith.constant 0 : i32
    return %c0_i32, %c0_i32_0 : i32, i32
  }
  func.func @transform_9(%arg0: i32) -> (i32, i32) {
    %c0_i32 = arith.constant 0 : i32
    %c0_i32_0 = arith.constant 0 : i32
    return %arg0, %c0_i32 : i32, i32
  }
}

module attributes {stable_mosaic.version = 14 : i64} {
  func.func @_out_tc_body(%arg0: i32, %arg1: memref<1000x128xf32, #tpu.memory_space<vmem>>, %arg2: memref<1000x128xf32, #tpu.memory_space<vmem>>, %arg3: memref<1000x1xf32, #tpu.memory_space<vmem>>, %arg4: memref<128x128xf32, #tpu.memory_space<vmem>>, %arg5: memref<1000x128xf32, #tpu.memory_space<vmem>>) attributes {dimension_semantics = [#tpu.dimension_semantics<arbitrary>], iteration_bounds = array<i64: 10>, scalar_prefetch = 0 : i64, scratch_operands = 0 : i64, tpu.core_type = #tpu.core_type<tc>, window_params = [{transform_indices = @transform_0, window_bounds = array<i64: 1000, 128>}, {transform_indices = @transform_1, window_bounds = array<i64: 1000, 128>}, {transform_indices = @transform_2, window_bounds = array<i64: 1000, 1>}, {pipeline_mode = #tpu.pipeline_mode<synchronous>, transform_indices = @transform_3, window_bounds = array<i64: 128, 128>}, {transform_indices = @transform_4, window_bounds = array<i64: 1000, 128>}]} {
    %get3A = arith.constant 0 : index
    %get3A_0 = arith.constant 0 : index
    %get3A_1 = vector.load %arg1[%get3A, %get3A_0] : memref<1000x128xf32, #tpu.memory_space<vmem>>, vector<1000x128xf32>
    %get3A_2 = arith.constant 0 : index
    %get3A_3 = arith.constant 0 : index
    %get3A_4 = vector.load %arg2[%get3A_2, %get3A_3] : memref<1000x128xf32, #tpu.memory_space<vmem>>, vector<1000x128xf32>
    %add3A = arith.addf %get3A_1, %get3A_4 : vector<1000x128xf32>
    %get3A_5 = arith.constant 0 : index
    %get3A_6 = arith.constant 0 : index
    %get3A_7 = vector.load %arg3[%get3A_5, %get3A_6] : memref<1000x1xf32, #tpu.memory_space<vmem>>, vector<1000x1xf32>
    %mul3A = vector.broadcast %get3A_7 : vector<1000x1xf32> to vector<1000x128xf32>
    %mul3A_8 = arith.mulf %add3A, %mul3A : vector<1000x128xf32>
    %get3A_9 = arith.constant 0 : index
    %get3A_10 = arith.constant 0 : index
    %get3A_11 = vector.load %arg4[%get3A_9, %get3A_10] : memref<128x128xf32, #tpu.memory_space<vmem>>, vector<128x128xf32>
    %dot_general3A = arith.constant dense<0.000000e+00> : vector<1000x128xf32>
    %dot_general3A_12 = tpu.matmul %mul3A_8, %get3A_11, %dot_general3A {dimension_numbers = #tpu.dot_dimension_numbers<[1], [1], [0], [0], [0, 0, 1, 0], [], []>, transpose_lhs_hint = false} : vector<1000x128xf32>, vector<128x128xf32>, vector<1000x128xf32> -> vector<1000x128xf32>
    %swap3A = arith.constant 0 : index
    %swap3A_13 = arith.constant 0 : index
    %swap3A_14 = vector.load %arg5[%swap3A, %swap3A_13] : memref<1000x128xf32, #tpu.memory_space<vmem>>, vector<1000x128xf32>
    tpu.vector_store %arg5[%swap3A, %swap3A_13], %dot_general3A_12 {strides = array<i32>} : memref<1000x128xf32, #tpu.memory_space<vmem>>, vector<1000x128xf32>,
    return
  }
  func.func @transform_0(%arg0: i32) -> (i32, i32) {
    %c0_i32 = arith.constant 0 : i32
    %c0_i32_0 = arith.constant 0 : i32
    return %arg0, %c0_i32 : i32, i32
  }
  func.func @transform_1(%arg0: i32) -> (i32, i32) {
    %add3A = arith.constant 10 : i32
    %add3A_0 = arith.addi %arg0, %add3A : i32
    %c0_i32 = arith.constant 0 : i32
    %c0_i32_1 = arith.constant 0 : i32
    return %add3A_0, %c0_i32 : i32, i32
  }
  func.func @transform_2(%arg0: i32) -> (i32, i32) {
    %c0_i32 = arith.constant 0 : i32
    %c0_i32_0 = arith.constant 0 : i32
    return %arg0, %c0_i32 : i32, i32
  }
  func.func @transform_3(%arg0: i32) -> (i32, i32) {
    %c0_i32 = arith.constant 0 : i32
    %c0_i32_0 = arith.constant 0 : i32
    %c0_i32_1 = arith.constant 0 : i32
    return %c0_i32, %c0_i32_0 : i32, i32
  }
  func.func @transform_4(%arg0: i32) -> (i32, i32) {
    %c0_i32 = arith.constant 0 : i32
    %c0_i32_0 = arith.constant 0 : i32
    return %arg0, %c0_i32 : i32, i32
  }
}

</mosaic_0001>

<sc_bundles>
// kernel: kernel.11.cloned.1.call-start
scs
__scs_entry_jumppad:
0x0: {  	(pc) =	sbr.rel $0x88, $3  }
0x1: {  	(tag) =	ssettag $0x0;
	lr =	simm.s32 $0x1  }
0x2: {  	[smem:$0x3F9B] =	sst lr;
	_ =	strace $0xD0000000  }
0x3: {  	_ = 	snop  }
0x4: {  	_ = 	snop  }
0x5: {  	_ = 	snop  }
0x6: {  	_ = 	snop  }
0x7: {  	_ = 	snop  }
__scs_overlays_trampoline_lowered:
0x8: {  	[smem:$0x3FAA] =	sst s0  }
0x9: {  	[smem:$0x3FAB] =	sst s1  }
0xa: {  	[smem:$0x3FAC] =	sst s2  }
0xb: {  	[smem:$0x3FAD] =	sst s3  }
0xc: {  	[smem:$0x3FAE] =	sst s4  }
0xd: {  	[smem:$0x3FAF] =	sst s5  }
0xe: {  	[smem:$0x3FB0] =	sst s6  }
0xf: {  	[smem:$0x3FB1] =	sst s7  }
0x10: {  	[smem:$0x3FB2] =	sst s8  }
0x11: {  	[smem:$0x3FB3] =	sst s9;
	s0 =	simm.s32 @!p0 $0x0  }
0x12: {  	s1 =	sld [smem:$0x3F99];
	s0 =	simm.s32 @p0 $0x1  }
0x13: {  	[smem:$0x3FB4] =	sst s0;
	s0 =	simm.s32 @!p1 $0x0  }
0x14: {  	s2 =	sld [smem:$0x3F98];
	s0 =	simm.s32 @p1 $0x1  }
0x15: {  	[smem:$0x3FB5] =	sst s0;
	s0 =	simm.s32 @!p2 $0x0  }
0x16: {  	s3 =	sld [smem:$0x3FDB];
	s0 =	simm.s32 @p2 $0x1  }
0x17: {  	s4 =	simm.s32 $0x1BF5;
	[smem:$0x3FB7] =	sst s0  }
0x18: {  	s0 =	sld [smem:$0x3F9A];
	_ =	swait.ge [sflag:s4], $0x0  }
0x19: {  	s7 =	sld [smem:$0x3F9B]  }
0x1a: {  	s8 =	sadd.s32 $0xFFFFE003, lr  }
0x1b: {  	s9 =	sadd.s32 $0xFFFFFEF7, lr;
	s5 =	simm.s32 $0xFFFFFFFF;
	p2 =	slt.u32 s8, $0xFFFFF086  }
0x1c: {  	p1 =	slt.u32 s9, $0xF7A;
	s5 =	simm.s32 @!p2 $0x0  }
0x1d: {  	s5 =	simm.s32 @p1 $0x1;
	p0 =	seq.s32 s7, s2  }
0x1e: {  	s7 =	smul.u32 @!p0 $0xF7A, s2;
	p2 =	seq.s32 @!p0 s5, $0x0  }
0x1f: {  	s9 =	smul.u32 $0xF7A, s1;
	s8 =	simm.s32 @!p0 $0x1BF5;
	p2 =	por !p2, p0  }
0x20: {  	[sflag:s8] =	ssyncset.s32 @!p0 $0xFFFFF086;
	s6 =	sadd.s32 @!p0 s3, s7;
	s7 =	simm.s32 @!p0 $0x108  }
0x21: {  	s3 =	sadd.s32 s3, s9;
	s6 =	sadd.s32 @!p0 $0x88, s6;
	s7 =	simm.s32 @p2 $0x1082  }
0x22: {  	[simem:s7], [sflag:s8] =	dma.local @!p0 [hbm:s6], $0xF7A  }
0x23: {  	s9 =	sor.u32 $0xD0000000, s2;
	s6 =	simm.s32 $0x108;
	_ =	swait.ge @!p0 [sflag:s8], $0x0  }
0x24: {  	s3 =	sadd.s32 $0x88, s3;
	s6 =	simm.s32 @!p1 $0x1082;
	[sflag:s4] =	ssyncset.s32 $0xFFFFF086  }
0x25: {  	[simem:s6], [sflag:s4] =	dma.local [hbm:s3], $0xF7A  }
0x26: {  	[smem:$0x3F9B] =	sst s1;
	(tag) =	ssettag s2;
	_ =	strace s9  }
0x27: {  	s1 =	sld [smem:$0x3FAB]  }
0x28: {  	s2 =	sld [smem:$0x3FAC]  }
0x29: {  	s4 =	sld [smem:$0x3FAE]  }
0x2a: {  	p0 =	seq.s32 s5, $0x0;
	s5 =	sld [smem:$0x3FAF]  }
0x2b: {  	s6 =	sld [smem:$0x3FB0]  }
0x2c: {  	s7 =	sld [smem:$0x3FB1]  }
0x2d: {  	s3 =	simm.s32 $0x108;
	s8 =	sld [smem:$0x3FB2]  }
0x2e: {  	s3 =	simm.s32 @!p0 $0x1082;
	s9 =	sld [smem:$0x3FB3]  }
0x2f: {  	lr =	sadd.s32 s0, s3;
	s0 =	sld [smem:$0x3FAA]  }
0x30: {  	s3 =	sld [smem:$0x3FAD]  }
0x31: {  	[smem:$0x3FB6] =	sst s10  }
0x32: {  	s10 =	sld [smem:$0x3FB4];
	_ =	sdelay $0x3  }
0x33: {  	p0 =	seq.s32 s10, $0x1;
	s10 =	sld [smem:$0x3FB6];
	_ =	sdelay $0x3  }
0x34: {  	[smem:$0x3FB6] =	sst s10  }
0x35: {  	s10 =	sld [smem:$0x3FB5];
	_ =	sdelay $0x3  }
0x36: {  	p1 =	seq.s32 s10, $0x1;
	s10 =	sld [smem:$0x3FB6];
	_ =	sdelay $0x3  }
0x37: {  	[smem:$0x3FB6] =	sst s10  }
0x38: {  	s10 =	sld [smem:$0x3FB7]  }
0x39: {  	_ = 	snop;
	(pc) =	sbr.ind lr, $3  }
0x3a: {  	_ = 	snop  }
0x3b: {  	_ = 	snop  }
0x3c: {  	p2 =	seq.s32 s10, $0x1;
	s10 =	sld [smem:$0x3FB6]  }
0x3d: {  	_ =	shalt  }
0x3e: {  	_ =	shalt  }
0x3f: {  	_ =	shalt  }
0x40: {  	_ =	shalt  }
0x41: {  	_ =	shalt  }
0x42: {  	_ =	shalt  }
0x43: {  	_ =	shalt  }
0x44: {  	_ =	shalt  }
0x45: {  	_ =	shalt  }
0x46: {  	_ =	shalt  }
0x47: {  	_ =	shalt  }
0x48: {  	_ =	shalt  }
0x49: {  	_ =	shalt  }
0x4a: {  	_ =	shalt  }
0x4b: {  	_ =	shalt  }
0x4c: {  	_ =	shalt  }
0x4d: {  	_ =	shalt  }
0x4e: {  	_ =	shalt  }
0x4f: {  	_ =	shalt  }
0x50: {  	_ =	shalt  }
0x51: {  	_ =	shalt  }
0x52: {  	_ =	shalt  }
0x53: {  	_ =	shalt  }
0x54: {  	_ =	shalt  }
0x55: {  	_ =	shalt  }
0x56: {  	_ =	shalt  }
0x57: {  	_ =	shalt  }
0x58: {  	_ =	shalt  }
0x59: {  	_ =	shalt  }
0x5a: {  	_ =	shalt  }
0x5b: {  	_ =	shalt  }
0x5c: {  	_ =	shalt  }
0x5d: {  	_ =	shalt  }
0x5e: {  	_ =	shalt  }
0x5f: {  	_ =	shalt  }
0x60: {  	_ =	shalt  }
0x61: {  	_ =	shalt  }
0x62: {  	_ =	shalt  }
0x63: {  	_ =	shalt  }
0x64: {  	_ =	shalt  }
0x65: {  	_ =	shalt  }
0x66: {  	_ =	shalt  }
0x67: {  	_ =	shalt  }
0x68: {  	_ =	shalt  }
0x69: {  	_ =	shalt  }
0x6a: {  	_ =	shalt  }
0x6b: {  	_ =	shalt  }
0x6c: {  	_ =	shalt  }
0x6d: {  	_ =	shalt  }
0x6e: {  	_ =	shalt  }
0x6f: {  	_ =	shalt  }
0x70: {  	_ =	shalt  }
0x71: {  	_ =	shalt  }
0x72: {  	_ =	shalt  }
0x73: {  	_ =	shalt  }
0x74: {  	_ =	shalt  }
0x75: {  	_ =	shalt  }
0x76: {  	_ =	shalt  }
0x77: {  	_ =	shalt  }
0x78: {  	_ =	shalt  }
0x79: {  	_ =	shalt  }
0x7a: {  	_ =	shalt  }
0x7b: {  	_ =	shalt  }
0x7c: {  	_ =	shalt  }
0x7d: {  	_ =	shalt  }
0x7e: {  	_ =	shalt  }
0x7f: {  	_ =	shalt  }
0x80: {  	_ =	shalt  }
0x81: {  	_ =	shalt  }
0x82: {  	_ =	shalt  }
0x83: {  	_ =	shalt  }
0x84: {  	_ =	shalt  }
0x85: {  	_ =	shalt  }
0x86: {  	_ =	shalt  }
0x87: {  	_ =	shalt  }
.Lfunc_end0:
.L_simem_size_0:
called_computation_lowered:
.L_overlay_start_0:
0x88: {  	s2 =	sld [smem:$0x3FD9]  }
0x89: {  	s3 =	sld [smem:$0x3FFE];
	_ =	sdelay $0x1  }
0x8a: {  	s1 =	srdreg.scid  }
0x8b: {  	s0 =	sand.u32 $0x1, s1  }
0x8c: {  	s17 =	sshll.u32 s0, $0xA;
	s2 =	sadd.s32 s3, s2  }
0x8d: {  	s2 =	sadd.s32 s2, s17  }
0x8e: {  	[smem:$0x3FC2] =	sst s2  }
0x8f: {  	_ = 	snop  }
0x90: {  	s2 =	sld [smem:$0x3FD0];
	(tm) =	ssettm $0x1  }
0x91: {  	s18 =	sld [smem:$0x3FFB];
	_ =	sdelay $0x3  }
0x92: {  	_ =	strace s18  }
0x93: {  	s3 =	sld [smem:$0x3FFC];
	_ =	sdelay $0x3  }
0x94: {  	_ =	strace s3  }
0x95: {  	s3 =	sld [smem:$0x3FFD];
	_ =	sdelay $0x3  }
0x96: {  	_ =	strace s3  }
0x97: {  	_ =	strace $0x8FFFFFFF  }
0x98: {  	s19 =	sld [smem:$0x3FDB];
	_ =	sdelay $0x1  }
0x99: {  	s4 =	simm.s32 $_scs_section_size  }
0x9a: {  	s5 =	simm.s32 $_size__tile_overlayer_lowered;
	s6 =	simm.s32 $_tile_overlayer_lowered  }
0x9b: {  	s22 =	simm.s32 $0x1BFF;
	s21 =	sshll.u32 s6, $0x1;
	s3 =	sadd.s32 s4, s19  }
0x9c: {  	s7 =	simm.s32 $0x0;
	s20 =	sshll.u32 s5, $0x1;
	s5 =	sadd.s32 s21, s3  }
0x9d: {  	[timem:s7], [sflag:s22] =	dma.local [hbm:s5], s20  }
0x9e: {  	_ =	swait.ge [sflag:s22], s20  }
0x9f: {  	s4 =	ssub.s32 $0x0, s20;
	[sflag:s22] =	ssyncset.done $0x0  }
0xa0: {  	[sflag:s22] =	ssyncadd.s32 s4;
	_ =	sdelay $0x1  }
0xa1: {  	s23 =	simm.s32 $0x1B8B  }
0xa2: {  	_ =	swait.ge [sflag:s23], $0x1  }
0xa3: {  	[sflag:s23] =	ssyncset.done $0x0  }
0xa4: {  	s25 =	simm.s32 $0x1B8E;
	s24 =	sld [smem:$0x3FFE];
	[sflag:s23] =	ssyncadd.s32 $0xFFFFFFFF  }
0xa5: {  	s26 =	simm.s32 $execute0_lowered;
	[smem:$0x3FD2] =	sst s25  }
0xa6: {  	s5 =	sshll.u32 s26, $0x1;
	_ =	strace $0x80000046;
	[dreg:$0x1] =	wrdreg $0xFFFFFFFF  }
0xa7: {  	s28 =	simm.s32 $_size_execute0_lowered;
	s3 =	sadd.s32 s3, s5;
	[dreg:$0x0] =	wrdreg $0x0  }
0xa8: {  	s5 =	sshll.u32 s28, $0x1;
	[dreg:$0x2] =	wrdreg s3  }
0xa9: {  	[dreg:$0x3] =	wrdreg s5  }
0xaa: {  	[dreg:$0x4] =	wrdreg $0xC0  }
0xab: {  	_ =	task [dreg:s7], $0x5FFFF  }
0xac: {  	[dreg:$0x1] =	wrdreg $0xFFFFFFFF  }
0xad: {  	[dreg:$0x0] =	wrdreg $0x60  }
0xae: {  	[dreg:$0x2] =	wrdreg s24  }
0xaf: {  	[dreg:$0x3] =	wrdreg s2  }
0xb0: {  	[dreg:$0x4] =	wrdreg $0x38000  }
0xb1: {  	[dreg:$0x5] =	wrdreg $0x3A780  }
0xb2: {  	[dreg:$0x6] =	wrdreg $0x9  }
0xb3: {  	_ =	task.clear_ibuf [dreg:s7], $0x7FFFF;
	_ =	strace $0x90000046  }
0xb4: {  	s29 =	simm.s32 $0x9;
	_ =	strace $0x80000048  }
0xb5: {  	_ =	swait.ge [sflag:s29], $0x1  }
0xb6: {  	[sflag:s29] =	ssyncadd.s32 $0xFFFFFFFF  }
0xb7: {  	_ =	strace $0x90000048  }
0xb8: {  	_ =	sfence  }
0xb9: {  	s30 =	sld [smem:$0x0];
	_ =	sdelay $0x2  }
0xba: {  	s31 =	sshll.u32 s1, $0xD;
	s1 =	sshrl.u32 s1, $0x2  }
0xbb: {  	s3 =	sand.u32 $0x4000, s31;
	s1 =	sadd.s32 s1, s30  }
0xbc: {  	s0 =	sor.u32 s3, s0;
	s1 =	sshll.u32 s1, $0x11  }
0xbd: {  	s0 =	sor.u32 s1, s0  }
0xbe: {  	s0 =	sadd.s32 $0x8F2B, s0  }
0xbf: {  	[sflag:s0] =	ssyncadd.remote.s32 $0x1  }
0xc0: {  	_ =	sfence.sel $0xFFFF  }
0xc1: {  	[dreg:$0x0] =	wrdreg $0xFFFFFFFF;
	(pc) =	sbr.abs _section_cstart, $3  }
0xc2: {  	[dreg:$0x1] =	wrdreg $0xFFFFFFFF  }
0xc3: {  	_ =	task.clear_ibuf [dreg:s7], $0x2FFFF;
	_ =	strace $0x9FFFFFFF  }
0xc4: {  	(tm) =	ssettm $0x7FFFFFFF  }
0xc5: {  	_ =	shalt  }
tec
execute0_lowered:
.L_overlay_start_1:
0x0: {  	(tag) =	ssettag $0x1  }
0x1: {  	s12 =	rddreg [dreg:$0x0]  }
0x2: {  	s7 =	rddreg [dreg:$0x1]  }
0x3: {  	s1 =	rddreg [dreg:$0x2]  }
0x4: {  	s2 =	rddreg [dreg:$0x3]  }
0x5: {  	s4 =	srdreg.scid;
	s3 =	simm.s32 $0x0;
	s16 =	stileid.u32  }
0x6: {  	p2 =	por $0x0, $0x0;
	s17 =	simm.s32 $0x400;
	s18 =	simm.s32 $0x80  }
0x7: {  	s19 =	simm.s32 $0x800;
	s20 =	simm.s32 $0x480;
	s21 =	simm.s32 $0x100  }
0x8: {  	s22 =	simm.s32 $0x500;
	s23 =	simm.s32 $0x180;
	s24 =	simm.s32 $0x580  }
0x9: {  	s25 =	simm.s32 $0x1;
	s26 =	simm.s32 $0x0;
	s4 =	sand.u32 $0x1, s4  }
0xa: {  	[smem:$0x7FF] =	sst s3;
	p0 =	sne.s32 s16, $0x0;
	s13 =	sshll.u32 s16, $0x8  }
0xb: {  	p1 =	sgt.u32 s16, $0x1;
	s8 =	smul.u32 $0x4E2, s4;
	_ =	strace $0x80000047  }
0xc: {  	s5 =	ssub.s32 $0x2, s4;
	s14 =	sshll.u32 s4, $0x7;
	s15 =	sadd.s32 s13, s12  }
0xd: {  	p2 =	por @!p1 p0, p0;
	s6 =	sshrl.u32 s5, $0x1;
	s14 =	sadd.s32 s14, s15  }
.Ltmp0:
0xe: {  	s9 =	sadd.s32 s8, s12;
	s10 =	ssub.s32 s5, s6;
	(pc) =	sbr.rel .LBB2_1-.Ltmp0, $4  }
0xf: {  	s5 =	sshll.u32 s16, $0x1;
	s6 =	smov.u32 s1;
	s7 =	sadd.s32 s7, s8  }
0x10: {  	s15 =	sadd.s32 $0x9E00, s14;
	s16 =	simm.s32 $0x2;
	s6 =	smov.u32 @p0 s2  }
0x11: {  	s8 =	sadd.s32 $0x13C00, s9;
	s9 =	smax.u32 s10, $0x1;
	s10 =	sadd.s32 $0x1F40, s6  }
0x12: {  	v0 =	vimm.f32 $1.000000000e+00;
	v1 =	vimm.f32 $0.0e+00;
	s11 =	sadd.s32 $0x1770, s6;
	s12 =	sadd.s32 $0xFA0, s6;
	s13 =	sadd.s32 $0x7D0, s6  }
.LBB2_7:
0x13: {  	[bflag:$0x0] =	sbarrier.arrive $0xFFFF;
	s0 =	simm.s32 @!p0 $0x1080;
	s28 =	simm.s32 @!p0 $0x2  }
0x14: {  	[tilespmem:s0], [sflag:$0x2] =	stream.linear.gather @!p0 [spmem:s1], $0x2780, $0x38;
	[tilespmem:$0x3CF0] =	vst v63  }
0x15: {  	_ =	swait.ge @!p0 [sflag:s28], $0x2780  }
0x16: {  	[sflag:s28] =	ssyncset.done @!p0 $0x0  }
0x17: {  	s29 =	simm.s32 @!p0 $0x0;
	[sflag:s28] =	ssyncadd.s32 @!p0 $0xFFFFD880  }
0x18: {  	[hbm4b:s7+s29] =	stream.linear.scatter @!p0 [tilespmem:s0], [sflag:$0x2], $0x2710, $0x38;
	[tilespmem:$0x3CF0] =	vst v63  }
0x19: {  	_ =	swait.ge @!p0 [sflag:s28], $0x2710  }
0x1a: {  	[sflag:s28] =	ssyncset.done @!p0 $0x0  }
0x1b: {  	s0 =	simm.s32 @p2 $0x1080;
	[sflag:s28] =	ssyncadd.s32 @!p0 $0xFFFFD8F0;
	s28 =	simm.s32 @p2 $0x2  }
0x1c: {  	[tilespmem:s0], [sflag:$0x2] =	stream.linear.gather @p2 [spmem:s2], $0x2780, $0x38;
	[tilespmem:$0x3CF0] =	vst v63  }
0x1d: {  	s26 =	sadd.s32 $0x1, s26;
	_ =	swait.ge @p2 [sflag:s28], $0x2780  }
0x1e: {  	p3 =	sne.s32 s26, s9;
	[sflag:s28] =	ssyncset.done @p2 $0x0  }
.Ltmp1:
0x1f: {  	s29 =	simm.s32 @p2 $0x0;
	[sflag:s28] =	ssyncadd.s32 @p2 $0xFFFFD880;
	(pc) =	sbr.rel @!p3 .LBB2_8-.Ltmp1, $4  }
0x20: {  	[hbm4b:s8+s29] =	stream.linear.scatter @p2 [tilespmem:s0], [sflag:$0x2], $0x2710, $0x38;
	[tilespmem:$0x3CF0] =	vst v63  }
0x21: {  	_ =	swait.ge @p2 [sflag:s28], $0x2710  }
0x22: {  	[sflag:s28] =	ssyncset.done @p2 $0x0  }
0x23: {  	[sflag:s28] =	ssyncadd.s32 @p2 $0xFFFFD8F0  }
.LBB2_1:
0x24: {  	[tilespmem:$0x800] =	vst v0  }
0x25: {  	[tilespmem:$0x810] =	vst v0  }
0x26: {  	[tilespmem:$0x820] =	vst v0  }
0x27: {  	[tilespmem:$0x830] =	vst v0  }
0x28: {  	[tilespmem:$0x840] =	vst v0  }
0x29: {  	[tilespmem:$0x850] =	vst v0  }
0x2a: {  	[tilespmem:$0x860] =	vst v0  }
0x2b: {  	[tilespmem:$0x870] =	vst v0;
	s28 =	simm.s32 $0x40;
	s29 =	simm.s32 $0x0  }
.LBB2_2:
0x2c: {  	p3 =	sne.s32 s28, $0x1F00;
	[tilespmem:s29+$0x880] =	vst v1;
	s29 =	smov.u32 s28;
	s28 =	sadd.s32 $0x40, s28  }
.Ltmp2:
0x2d: {  	(pc) =	sbr.rel @p3 .LBB2_2-.Ltmp2, $2  }
0x2e: {  	_ =	sdelay $0x2  }
0x2f: {  	s29 =	sshra.s32 s29, $0x2  }
0x30: {  	[tilespmem:s29+$0x880] =	vst v1;
	s28 =	simm.s32 @!p1 $0x880;
	s29 =	simm.s32 @!p1 $0x2  }
0x31: {  	[spmem:s6] =	stream.linear.scatter @!p1 [tilespmem:s28], [sflag:$0x2], $0x7D0, $0x38;
	[tilespmem:$0x3CF0] =	vst v63  }
0x32: {  	_ =	swait.ge @!p1 [sflag:s29], $0x7D0  }
0x33: {  	[sflag:s29] =	ssyncset.done @!p1 $0x0  }
0x34: {  	[sflag:s29] =	ssyncadd.s32 @!p1 $0xFFFFF830  }
0x35: {  	[spmem:s13] =	stream.linear.scatter @!p1 [tilespmem:s28], [sflag:$0x2], $0x7D0, $0x38;
	[tilespmem:$0x3CF0] =	vst v63  }
0x36: {  	_ =	swait.ge @!p1 [sflag:s29], $0x7D0  }
0x37: {  	[sflag:s29] =	ssyncset.done @!p1 $0x0  }
0x38: {  	[sflag:s29] =	ssyncadd.s32 @!p1 $0xFFFFF830  }
0x39: {  	[spmem:s12] =	stream.linear.scatter @!p1 [tilespmem:s28], [sflag:$0x2], $0x7D0, $0x38;
	[tilespmem:$0x3CF0] =	vst v63  }
0x3a: {  	_ =	swait.ge @!p1 [sflag:s29], $0x7D0  }
0x3b: {  	[sflag:s29] =	ssyncset.done @!p1 $0x0  }
0x3c: {  	[sflag:s29] =	ssyncadd.s32 @!p1 $0xFFFFF830  }
0x3d: {  	[spmem:s11] =	stream.linear.scatter @!p1 [tilespmem:s28], [sflag:$0x2], $0x7D0, $0x38;
	[tilespmem:$0x3CF0] =	vst v63  }
0x3e: {  	_ =	swait.ge @!p1 [sflag:s29], $0x7D0  }
0x3f: {  	[sflag:s29] =	ssyncset.done @!p1 $0x0  }
0x40: {  	[sflag:s29] =	ssyncadd.s32 @!p1 $0xFFFFF830  }
0x41: {  	[spmem:s10] =	stream.linear.scatter @!p1 [tilespmem:s28], [sflag:$0x2], $0x7D0, $0x38;
	[tilespmem:$0x3CF0] =	vst v63  }
.Ltmp3:
0x42: {  	_ =	swait.ge @!p1 [sflag:s29], $0x7D0;
	(pc) =	sbr.rel .LBB2_4-.Ltmp3, $4  }
0x43: {  	[sflag:s29] =	ssyncset.done @!p1 $0x0  }
0x44: {  	[sflag:s29] =	ssyncadd.s32 @!p1 $0xFFFFF830  }
0x45: {  	[bflag:$0x0] =	sbarrier.arrive $0xFFFF  }
0x46: {  	s28 =	simm.s32 $0x0;
	s29 =	smov.u32 s5  }
.LBB2_6:
0x47: {  	s28 =	sadd.s32 $0x1000, s28  }
0x48: {  	p3 =	sne.s32 s28, $0xA000  }
.Ltmp4:
0x49: {  	_ = 	snop;
	(pc) =	sbr.rel @!p3 .LBB2_7-.Ltmp4, $2  }
0x4a: {  	_ =	sdelay $0x2  }
0x4b: {  	s29 =	sadd.s32 $0x20, s29  }
.LBB2_4:
0x4c: {  	s30 =	sadd.s32 s29, s4  }
0x4d: {  	p3 =	sgt.u32 s30, $0x138  }
.Ltmp5:
0x4e: {  	_ = 	snop;
	(pc) =	sbr.rel @p3 .LBB2_6-.Ltmp5, $1  }
0x4f: {  	_ =	sdelay $0x3  }
0x50: {  	s30 =	sadd.s32 s28, s14  }
0x51: {  	[tilespmem:s3], [sflag:$0x2] =	stream.linear.gather [hbm4b:s30+s3], $0x400, $0x38;
	[tilespmem:$0x3CF0] =	vst v63  }
0x52: {  	_ =	swait.ge [sflag:s16], $0x400  }
0x53: {  	[sflag:s16] =	ssyncset.done $0x0  }
0x54: {  	s31 =	sadd.s32 s28, s15;
	[sflag:s16] =	ssyncadd.s32 $0xFFFFFC00  }
0x55: {  	[tilespmem:s17], [sflag:$0x2] =	stream.linear.gather [hbm4b:s31+s3], $0x400, $0x38;
	[tilespmem:$0x3CF0] =	vst v63  }
0x56: {  	_ =	swait.ge [sflag:s16], $0x400  }
0x57: {  	[sflag:s16] =	ssyncset.done $0x0  }
0x58: {  	[sflag:s16] =	ssyncadd.s32 $0xFFFFFC00  }
0x59: {  	[spmem:s1] =	stream.indirect.scatter.add.f32 [tilespmem:s19], [sflag:$0x1], $0x1, s3, s18, $0xb8;
	[tilespmem:$0x3CF0] =	vst v63  }
0x5a: {  	_ = 	snop  }
0x5b: {  	[spmem:s2] =	stream.indirect.scatter.add.f32 [tilespmem:s19], [sflag:$0x1], $0x1, s17, s18, $0xb8;
	[tilespmem:$0x3CF0] =	vst v63  }
0x5c: {  	_ = 	snop  }
0x5d: {  	[spmem:s1] =	stream.indirect.scatter.add.f32 [tilespmem:s19], [sflag:$0x1], $0x1, s18, s18, $0xb8;
	[tilespmem:$0x3CF0] =	vst v63  }
0x5e: {  	_ = 	snop  }
0x5f: {  	[spmem:s2] =	stream.indirect.scatter.add.f32 [tilespmem:s19], [sflag:$0x1], $0x1, s20, s18, $0xb8;
	[tilespmem:$0x3CF0] =	vst v63  }
0x60: {  	_ = 	snop  }
0x61: {  	[spmem:s1] =	stream.indirect.scatter.add.f32 [tilespmem:s19], [sflag:$0x1], $0x1, s21, s18, $0xb8;
	[tilespmem:$0x3CF0] =	vst v63  }
0x62: {  	_ = 	snop  }
0x63: {  	[spmem:s2] =	stream.indirect.scatter.add.f32 [tilespmem:s19], [sflag:$0x1], $0x1, s22, s18, $0xb8;
	[tilespmem:$0x3CF0] =	vst v63  }
0x64: {  	_ = 	snop  }
0x65: {  	[spmem:s1] =	stream.indirect.scatter.add.f32 [tilespmem:s19], [sflag:$0x1], $0x1, s23, s18, $0xb8;
	[tilespmem:$0x3CF0] =	vst v63  }
0x66: {  	p3 =	sgt.u32 s29, $0x137  }
0x67: {  	[spmem:s2] =	stream.indirect.scatter.add.f32 [tilespmem:s19], [sflag:$0x1], $0x1, s24, s18, $0xb8;
	[tilespmem:$0x3CF0] =	vst v63  }
0x68: {  	s30 =	simm.s32 @!p3 $0x80;
	s0 =	simm.s32 @!p3 $0x800;
	s31 =	simm.s32 @!p3 $0x200  }
0x69: {  	[spmem:s1] =	stream.indirect.scatter.add.f32 @!p3 [tilespmem:s0], [sflag:$0x1], $0x1, s31, s30, $0xb8;
	[tilespmem:$0x3CF0] =	vst v63  }
0x6a: {  	s31 =	simm.s32 @!p3 $0x600  }
0x6b: {  	[spmem:s2] =	stream.indirect.scatter.add.f32 @!p3 [tilespmem:s0], [sflag:$0x1], $0x1, s31, s30, $0xb8;
	[tilespmem:$0x3CF0] =	vst v63  }
0x6c: {  	s31 =	simm.s32 @!p3 $0x280  }
0x6d: {  	[spmem:s1] =	stream.indirect.scatter.add.f32 @!p3 [tilespmem:s0], [sflag:$0x1], $0x1, s31, s30, $0xb8;
	[tilespmem:$0x3CF0] =	vst v63  }
0x6e: {  	s31 =	simm.s32 @!p3 $0x680  }
0x6f: {  	[spmem:s2] =	stream.indirect.scatter.add.f32 @!p3 [tilespmem:s0], [sflag:$0x1], $0x1, s31, s30, $0xb8;
	[tilespmem:$0x3CF0] =	vst v63  }
0x70: {  	s31 =	simm.s32 @!p3 $0x300  }
0x71: {  	[spmem:s1] =	stream.indirect.scatter.add.f32 @!p3 [tilespmem:s0], [sflag:$0x1], $0x1, s31, s30, $0xb8;
	[tilespmem:$0x3CF0] =	vst v63  }
0x72: {  	s31 =	simm.s32 @!p3 $0x700  }
0x73: {  	[spmem:s2] =	stream.indirect.scatter.add.f32 @!p3 [tilespmem:s0], [sflag:$0x1], $0x1, s31, s30, $0xb8;
	[tilespmem:$0x3CF0] =	vst v63  }
0x74: {  	s31 =	simm.s32 @!p3 $0x380  }
0x75: {  	[spmem:s1] =	stream.indirect.scatter.add.f32 @!p3 [tilespmem:s0], [sflag:$0x1], $0x1, s31, s30, $0xb8;
	[tilespmem:$0x3CF0] =	vst v63  }
0x76: {  	s31 =	simm.s32 @!p3 $0x780  }
0x77: {  	[spmem:s2] =	stream.indirect.scatter.add.f32 @!p3 [tilespmem:s0], [sflag:$0x1], $0x1, s31, s30, $0xb8;
	[tilespmem:$0x3CF0] =	vst v63  }
0x78: {  	_ =	swait.ge [sflag:s25], $0x80  }
0x79: {  	[sflag:s25] =	ssyncset.done $0x0  }
0x7a: {  	[sflag:s25] =	ssyncadd.s32 $0xFFFFFF80  }
0x7b: {  	_ =	swait.ge [sflag:s25], $0x80  }
0x7c: {  	[sflag:s25] =	ssyncset.done $0x0  }
0x7d: {  	[sflag:s25] =	ssyncadd.s32 $0xFFFFFF80  }
0x7e: {  	_ =	swait.ge [sflag:s25], $0x80  }
0x7f: {  	[sflag:s25] =	ssyncset.done $0x0  }
0x80: {  	[sflag:s25] =	ssyncadd.s32 $0xFFFFFF80  }
0x81: {  	_ =	swait.ge [sflag:s25], $0x80  }
0x82: {  	[sflag:s25] =	ssyncset.done $0x0  }
0x83: {  	[sflag:s25] =	ssyncadd.s32 $0xFFFFFF80  }
0x84: {  	_ =	swait.ge [sflag:s25], $0x80  }
0x85: {  	[sflag:s25] =	ssyncset.done $0x0  }
0x86: {  	[sflag:s25] =	ssyncadd.s32 $0xFFFFFF80  }
0x87: {  	_ =	swait.ge [sflag:s25], $0x80  }
0x88: {  	[sflag:s25] =	ssyncset.done $0x0  }
0x89: {  	[sflag:s25] =	ssyncadd.s32 $0xFFFFFF80  }
0x8a: {  	_ =	swait.ge [sflag:s25], $0x80  }
0x8b: {  	[sflag:s25] =	ssyncset.done $0x0  }
0x8c: {  	[sflag:s25] =	ssyncadd.s32 $0xFFFFFF80  }
0x8d: {  	_ =	swait.ge [sflag:s25], $0x80  }
0x8e: {  	[sflag:s25] =	ssyncset.done $0x0  }
0x8f: {  	s0 =	simm.s32 @!p3 $0x1;
	[sflag:s25] =	ssyncadd.s32 $0xFFFFFF80  }
0x90: {  	_ =	swait.ge @!p3 [sflag:s0], $0x80  }
0x91: {  	[sflag:s0] =	ssyncset.done @!p3 $0x0  }
0x92: {  	[sflag:s0] =	ssyncadd.s32 @!p3 $0xFFFFFF80  }
0x93: {  	_ =	swait.ge @!p3 [sflag:s0], $0x80  }
0x94: {  	[sflag:s0] =	ssyncset.done @!p3 $0x0  }
0x95: {  	[sflag:s0] =	ssyncadd.s32 @!p3 $0xFFFFFF80  }
0x96: {  	_ =	swait.ge @!p3 [sflag:s0], $0x80  }
0x97: {  	[sflag:s0] =	ssyncset.done @!p3 $0x0  }
0x98: {  	[sflag:s0] =	ssyncadd.s32 @!p3 $0xFFFFFF80  }
0x99: {  	_ =	swait.ge @!p3 [sflag:s0], $0x80  }
0x9a: {  	[sflag:s0] =	ssyncset.done @!p3 $0x0  }
0x9b: {  	[sflag:s0] =	ssyncadd.s32 @!p3 $0xFFFFFF80  }
0x9c: {  	_ =	swait.ge @!p3 [sflag:s0], $0x80  }
0x9d: {  	[sflag:s0] =	ssyncset.done @!p3 $0x0  }
0x9e: {  	[sflag:s0] =	ssyncadd.s32 @!p3 $0xFFFFFF80  }
0x9f: {  	_ =	swait.ge @!p3 [sflag:s0], $0x80  }
0xa0: {  	[sflag:s0] =	ssyncset.done @!p3 $0x0  }
0xa1: {  	[sflag:s0] =	ssyncadd.s32 @!p3 $0xFFFFFF80  }
0xa2: {  	_ =	swait.ge @!p3 [sflag:s0], $0x80  }
.Ltmp6:
0xa3: {  	[sflag:s0] =	ssyncset.done @!p3 $0x0;
	(pc) =	sbr.rel .LBB2_6-.Ltmp6, $4  }
0xa4: {  	[sflag:s0] =	ssyncadd.s32 @!p3 $0xFFFFFF80  }
0xa5: {  	_ =	swait.ge @!p3 [sflag:s0], $0x80  }
0xa6: {  	[sflag:s0] =	ssyncset.done @!p3 $0x0  }
0xa7: {  	[sflag:s0] =	ssyncadd.s32 @!p3 $0xFFFFFF80  }
.LBB2_8:
0xa8: {  	_ =	sfence.sel $0x180000  }
0xa9: {  	[bflag:$0x0] =	sbarrier.arrive $0xFFFF  }
0xaa: {  	_ =	strace $0x90000047  }
0xab: {  	[bflag:$0x2] =	sbarrier.arrive $0xFFFF  }
0xac: {  	s0 =	rddreg [dreg:$0x4]  }
0xad: {  	s0 =	sadd.s32 @!p0 $0x100000, s0  }
0xae: {  	[sflag:s0] =	ssyncadd.tile.s32 @!p0 $0x1;
	_ =	shalt  }
.Lfunc_end2:
_tile_overlayer_lowered:
.L_overlay_start_2:
0xaf: {  	(tag) =	ssettag $0x2  }
0xb0: {  	s0 =	rddreg [dreg:$0x0];
	s2 =	stileid.u32  }
0xb1: {  	s1 =	rddreg [dreg:$0x1];
	p0 =	sne.s32 s2, $0x0  }
0xb2: {  	s3 =	rddreg [dreg:$0x2];
	[bflag:$0x3] =	sbarrier.arrive $0xFFFF;
	s2 =	simm.s32 @!p0 $0x1C02  }
0xb3: {  	[timem:s3], [sflag:s2] =	dma.local @!p0 [hbm:s0], s1  }
0xb4: {  	s0 =	simm.s32 @!p0 $0x2  }
0xb5: {  	_ =	swait.ge @!p0 [sflag:s0], s1  }
0xb6: {  	s1 =	ssub.s32 @!p0 $0x0, s1;
	[sflag:s0] =	ssyncset.done @!p0 $0x0  }
0xb7: {  	[sflag:s0] =	ssyncadd.s32 @!p0 s1  }
0xb8: {  	[bflag:$0x3] =	sbarrier.arrive $0xFFFF  }
0xb9: {  	_ =	shalt  }

// kernel: kernel.14.cloned.1.call-start
scs
__scs_entry_jumppad:
0x0: {  	(pc) =	sbr.rel $0x88, $3  }
0x1: {  	(tag) =	ssettag $0x0;
	lr =	simm.s32 $0x1  }
0x2: {  	[smem:$0x3F9B] =	sst lr;
	_ =	strace $0xD0000000  }
0x3: {  	_ = 	snop  }
0x4: {  	_ = 	snop  }
0x5: {  	_ = 	snop  }
0x6: {  	_ = 	snop  }
0x7: {  	_ = 	snop  }
__scs_overlays_trampoline_lowered:
0x8: {  	[smem:$0x3FAA] =	sst s0  }
0x9: {  	[smem:$0x3FAB] =	sst s1  }
0xa: {  	[smem:$0x3FAC] =	sst s2  }
0xb: {  	[smem:$0x3FAD] =	sst s3  }
0xc: {  	[smem:$0x3FAE] =	sst s4  }
0xd: {  	[smem:$0x3FAF] =	sst s5  }
0xe: {  	[smem:$0x3FB0] =	sst s6  }
0xf: {  	[smem:$0x3FB1] =	sst s7  }
0x10: {  	[smem:$0x3FB2] =	sst s8  }
0x11: {  	[smem:$0x3FB3] =	sst s9;
	s0 =	simm.s32 @!p0 $0x0  }
0x12: {  	s1 =	sld [smem:$0x3F99];
	s0 =	simm.s32 @p0 $0x1  }
0x13: {  	[smem:$0x3FB4] =	sst s0;
	s0 =	simm.s32 @!p1 $0x0  }
0x14: {  	s2 =	sld [smem:$0x3F98];
	s0 =	simm.s32 @p1 $0x1  }
0x15: {  	[smem:$0x3FB5] =	sst s0;
	s0 =	simm.s32 @!p2 $0x0  }
0x16: {  	s3 =	sld [smem:$0x3FDB];
	s0 =	simm.s32 @p2 $0x1  }
0x17: {  	s4 =	simm.s32 $0x1BF5;
	[smem:$0x3FB7] =	sst s0  }
0x18: {  	s0 =	sld [smem:$0x3F9A];
	_ =	swait.ge [sflag:s4], $0x0  }
0x19: {  	s7 =	sld [smem:$0x3F9B]  }
0x1a: {  	s8 =	sadd.s32 $0xFFFFE003, lr  }
0x1b: {  	s9 =	sadd.s32 $0xFFFFFEF7, lr;
	s5 =	simm.s32 $0xFFFFFFFF;
	p2 =	slt.u32 s8, $0xFFFFF086  }
0x1c: {  	p1 =	slt.u32 s9, $0xF7A;
	s5 =	simm.s32 @!p2 $0x0  }
0x1d: {  	s5 =	simm.s32 @p1 $0x1;
	p0 =	seq.s32 s7, s2  }
0x1e: {  	s7 =	smul.u32 @!p0 $0xF7A, s2;
	p2 =	seq.s32 @!p0 s5, $0x0  }
0x1f: {  	s9 =	smul.u32 $0xF7A, s1;
	s8 =	simm.s32 @!p0 $0x1BF5;
	p2 =	por !p2, p0  }
0x20: {  	[sflag:s8] =	ssyncset.s32 @!p0 $0xFFFFF086;
	s6 =	sadd.s32 @!p0 s3, s7;
	s7 =	simm.s32 @!p0 $0x108  }
0x21: {  	s3 =	sadd.s32 s3, s9;
	s6 =	sadd.s32 @!p0 $0x88, s6;
	s7 =	simm.s32 @p2 $0x1082  }
0x22: {  	[simem:s7], [sflag:s8] =	dma.local @!p0 [hbm:s6], $0xF7A  }
0x23: {  	s9 =	sor.u32 $0xD0000000, s2;
	s6 =	simm.s32 $0x108;
	_ =	swait.ge @!p0 [sflag:s8], $0x0  }
0x24: {  	s3 =	sadd.s32 $0x88, s3;
	s6 =	simm.s32 @!p1 $0x1082;
	[sflag:s4] =	ssyncset.s32 $0xFFFFF086  }
0x25: {  	[simem:s6], [sflag:s4] =	dma.local [hbm:s3], $0xF7A  }
0x26: {  	[smem:$0x3F9B] =	sst s1;
	(tag) =	ssettag s2;
	_ =	strace s9  }
0x27: {  	s1 =	sld [smem:$0x3FAB]  }
0x28: {  	s2 =	sld [smem:$0x3FAC]  }
0x29: {  	s4 =	sld [smem:$0x3FAE]  }
0x2a: {  	p0 =	seq.s32 s5, $0x0;
	s5 =	sld [smem:$0x3FAF]  }
0x2b: {  	s6 =	sld [smem:$0x3FB0]  }
0x2c: {  	s7 =	sld [smem:$0x3FB1]  }
0x2d: {  	s3 =	simm.s32 $0x108;
	s8 =	sld [smem:$0x3FB2]  }
0x2e: {  	s3 =	simm.s32 @!p0 $0x1082;
	s9 =	sld [smem:$0x3FB3]  }
0x2f: {  	lr =	sadd.s32 s0, s3;
	s0 =	sld [smem:$0x3FAA]  }
0x30: {  	s3 =	sld [smem:$0x3FAD]  }
0x31: {  	[smem:$0x3FB6] =	sst s10  }
0x32: {  	s10 =	sld [smem:$0x3FB4];
	_ =	sdelay $0x3  }
0x33: {  	p0 =	seq.s32 s10, $0x1;
	s10 =	sld [smem:$0x3FB6];
	_ =	sdelay $0x3  }
0x34: {  	[smem:$0x3FB6] =	sst s10  }
0x35: {  	s10 =	sld [smem:$0x3FB5];
	_ =	sdelay $0x3  }
0x36: {  	p1 =	seq.s32 s10, $0x1;
	s10 =	sld [smem:$0x3FB6];
	_ =	sdelay $0x3  }
0x37: {  	[smem:$0x3FB6] =	sst s10  }
0x38: {  	s10 =	sld [smem:$0x3FB7]  }
0x39: {  	_ = 	snop;
	(pc) =	sbr.ind lr, $3  }
0x3a: {  	_ = 	snop  }
0x3b: {  	_ = 	snop  }
0x3c: {  	p2 =	seq.s32 s10, $0x1;
	s10 =	sld [smem:$0x3FB6]  }
0x3d: {  	_ =	shalt  }
0x3e: {  	_ =	shalt  }
0x3f: {  	_ =	shalt  }
0x40: {  	_ =	shalt  }
0x41: {  	_ =	shalt  }
0x42: {  	_ =	shalt  }
0x43: {  	_ =	shalt  }
0x44: {  	_ =	shalt  }
0x45: {  	_ =	shalt  }
0x46: {  	_ =	shalt  }
0x47: {  	_ =	shalt  }
0x48: {  	_ =	shalt  }
0x49: {  	_ =	shalt  }
0x4a: {  	_ =	shalt  }
0x4b: {  	_ =	shalt  }
0x4c: {  	_ =	shalt  }
0x4d: {  	_ =	shalt  }
0x4e: {  	_ =	shalt  }
0x4f: {  	_ =	shalt  }
0x50: {  	_ =	shalt  }
0x51: {  	_ =	shalt  }
0x52: {  	_ =	shalt  }
0x53: {  	_ =	shalt  }
0x54: {  	_ =	shalt  }
0x55: {  	_ =	shalt  }
0x56: {  	_ =	shalt  }
0x57: {  	_ =	shalt  }
0x58: {  	_ =	shalt  }
0x59: {  	_ =	shalt  }
0x5a: {  	_ =	shalt  }
0x5b: {  	_ =	shalt  }
0x5c: {  	_ =	shalt  }
0x5d: {  	_ =	shalt  }
0x5e: {  	_ =	shalt  }
0x5f: {  	_ =	shalt  }
0x60: {  	_ =	shalt  }
0x61: {  	_ =	shalt  }
0x62: {  	_ =	shalt  }
0x63: {  	_ =	shalt  }
0x64: {  	_ =	shalt  }
0x65: {  	_ =	shalt  }
0x66: {  	_ =	shalt  }
0x67: {  	_ =	shalt  }
0x68: {  	_ =	shalt  }
0x69: {  	_ =	shalt  }
0x6a: {  	_ =	shalt  }
0x6b: {  	_ =	shalt  }
0x6c: {  	_ =	shalt  }
0x6d: {  	_ =	shalt  }
0x6e: {  	_ =	shalt  }
0x6f: {  	_ =	shalt  }
0x70: {  	_ =	shalt  }
0x71: {  	_ =	shalt  }
0x72: {  	_ =	shalt  }
0x73: {  	_ =	shalt  }
0x74: {  	_ =	shalt  }
0x75: {  	_ =	shalt  }
0x76: {  	_ =	shalt  }
0x77: {  	_ =	shalt  }
0x78: {  	_ =	shalt  }
0x79: {  	_ =	shalt  }
0x7a: {  	_ =	shalt  }
0x7b: {  	_ =	shalt  }
0x7c: {  	_ =	shalt  }
0x7d: {  	_ =	shalt  }
0x7e: {  	_ =	shalt  }
0x7f: {  	_ =	shalt  }
0x80: {  	_ =	shalt  }
0x81: {  	_ =	shalt  }
0x82: {  	_ =	shalt  }
0x83: {  	_ =	shalt  }
0x84: {  	_ =	shalt  }
0x85: {  	_ =	shalt  }
0x86: {  	_ =	shalt  }
0x87: {  	_ =	shalt  }
.Lfunc_end0:
.L_simem_size_0:
called_computation.1_lowered:
.L_overlay_start_0:
0x88: {  	s2 =	sld [smem:$0x3FD9]  }
0x89: {  	s3 =	sld [smem:$0x3FFE];
	_ =	sdelay $0x1  }
0x8a: {  	s1 =	srdreg.scid  }
0x8b: {  	s0 =	sand.u32 $0x1, s1  }
0x8c: {  	s17 =	sshll.u32 s0, $0xA;
	s2 =	sadd.s32 s3, s2  }
0x8d: {  	s2 =	sadd.s32 s2, s17  }
0x8e: {  	[smem:$0x3FC2] =	sst s2  }
0x8f: {  	_ = 	snop  }
0x90: {  	s2 =	sld [smem:$0x3FD0];
	(tm) =	ssettm $0x1  }
0x91: {  	s18 =	sld [smem:$0x3FFB];
	_ =	sdelay $0x3  }
0x92: {  	_ =	strace s18  }
0x93: {  	s3 =	sld [smem:$0x3FFC];
	_ =	sdelay $0x3  }
0x94: {  	_ =	strace s3  }
0x95: {  	s3 =	sld [smem:$0x3FFD];
	_ =	sdelay $0x3  }
0x96: {  	_ =	strace s3  }
0x97: {  	_ =	strace $0x8FFFFFFF  }
0x98: {  	s19 =	sld [smem:$0x3FDB];
	_ =	sdelay $0x1  }
0x99: {  	s4 =	simm.s32 $_scs_section_size  }
0x9a: {  	s5 =	simm.s32 $_size__tile_overlayer_lowered;
	s6 =	simm.s32 $_tile_overlayer_lowered  }
0x9b: {  	s22 =	simm.s32 $0x1BFF;
	s21 =	sshll.u32 s6, $0x1;
	s3 =	sadd.s32 s4, s19  }
0x9c: {  	s7 =	simm.s32 $0x0;
	s20 =	sshll.u32 s5, $0x1;
	s5 =	sadd.s32 s21, s3  }
0x9d: {  	[timem:s7], [sflag:s22] =	dma.local [hbm:s5], s20  }
0x9e: {  	_ =	swait.ge [sflag:s22], s20  }
0x9f: {  	s4 =	ssub.s32 $0x0, s20;
	[sflag:s22] =	ssyncset.done $0x0  }
0xa0: {  	[sflag:s22] =	ssyncadd.s32 s4;
	_ =	sdelay $0x1  }
0xa1: {  	s23 =	simm.s32 $0x1B8B  }
0xa2: {  	_ =	swait.ge [sflag:s23], $0x1  }
0xa3: {  	[sflag:s23] =	ssyncset.done $0x0  }
0xa4: {  	s25 =	simm.s32 $0x1B8E;
	s24 =	sld [smem:$0x3FFE];
	[sflag:s23] =	ssyncadd.s32 $0xFFFFFFFF  }
0xa5: {  	s26 =	simm.s32 $execute0_lowered;
	[smem:$0x3FD2] =	sst s25  }
0xa6: {  	s5 =	sshll.u32 s26, $0x1;
	_ =	strace $0x80000049;
	[dreg:$0x1] =	wrdreg $0xFFFFFFFF  }
0xa7: {  	s28 =	simm.s32 $_size_execute0_lowered;
	s3 =	sadd.s32 s3, s5;
	[dreg:$0x0] =	wrdreg $0x0  }
0xa8: {  	s5 =	sshll.u32 s28, $0x1;
	[dreg:$0x2] =	wrdreg s3  }
0xa9: {  	[dreg:$0x3] =	wrdreg s5  }
0xaa: {  	[dreg:$0x4] =	wrdreg $0xC0  }
0xab: {  	_ =	task [dreg:s7], $0x5FFFF  }
0xac: {  	[dreg:$0x1] =	wrdreg $0xFFFFFFFF  }
0xad: {  	[dreg:$0x0] =	wrdreg $0x60  }
0xae: {  	[dreg:$0x2] =	wrdreg s24  }
0xaf: {  	[dreg:$0x3] =	wrdreg s2  }
0xb0: {  	[dreg:$0x4] =	wrdreg $0x88000  }
0xb1: {  	[dreg:$0x5] =	wrdreg $0x9  }
0xb2: {  	_ =	task.clear_ibuf [dreg:s7], $0x6FFFF;
	_ =	strace $0x90000049  }
0xb3: {  	s29 =	simm.s32 $0x9;
	_ =	strace $0x8000004B  }
0xb4: {  	_ =	swait.ge [sflag:s29], $0x1  }
0xb5: {  	[sflag:s29] =	ssyncadd.s32 $0xFFFFFFFF  }
0xb6: {  	_ =	strace $0x9000004B  }
0xb7: {  	_ =	sfence  }
0xb8: {  	s30 =	sld [smem:$0x0];
	_ =	sdelay $0x2  }
0xb9: {  	s31 =	sshll.u32 s1, $0xD;
	s1 =	sshrl.u32 s1, $0x2  }
0xba: {  	s3 =	sand.u32 $0x4000, s31;
	s1 =	sadd.s32 s1, s30  }
0xbb: {  	s0 =	sor.u32 s3, s0;
	s1 =	sshll.u32 s1, $0x11  }
0xbc: {  	s0 =	sor.u32 s1, s0  }
0xbd: {  	s0 =	sadd.s32 $0x8F2B, s0  }
0xbe: {  	[sflag:s0] =	ssyncadd.remote.s32 $0x1  }
0xbf: {  	_ =	sfence.sel $0xFFFF  }
0xc0: {  	[dreg:$0x0] =	wrdreg $0xFFFFFFFF;
	(pc) =	sbr.abs _section_cstart, $3  }
0xc1: {  	[dreg:$0x1] =	wrdreg $0xFFFFFFFF  }
0xc2: {  	_ =	task.clear_ibuf [dreg:s7], $0x2FFFF;
	_ =	strace $0x9FFFFFFF  }
0xc3: {  	(tm) =	ssettm $0x7FFFFFFF  }
tec
execute0_lowered:
.L_overlay_start_1:
0x0: {  	(tag) =	ssettag $0x1  }
0x1: {  	s0 =	rddreg [dreg:$0x0]  }
0x2: {  	s2 =	rddreg [dreg:$0x1]  }
0x3: {  	s1 =	srdreg.scid;
	s9 =	stileid.u32  }
0x4: {  	s3 =	rddreg [dreg:$0x2];
	s5 =	simm.s32 $0x0;
	s28 =	simm.s32 $0x4800  }
0x5: {  	s29 =	simm.s32 $0x1;
	s30 =	simm.s32 $0x100;
	s31 =	simm.s32 $0x2  }
0x6: {  	s4 =	sand.u32 $0x1, s1;
	s14 =	smul.u32 $0x270, s9;
	[smem:$0x7FF] =	sst s5  }
0x7: {  	s7 =	smul.u32 $0x4E000, s9;
	s17 =	sshll.u32 s9, $0x1;
	s12 =	sadd.s32 $0x138000, s3  }
0x8: {  	s13 =	sshll.u32 s9, $0x8;
	p0 =	sne.s32 s9, $0xF;
	s6 =	smul.u32 $0x2710, s4  }
0x9: {  	_ =	strace $0x8000004A;
	s8 =	ssub.s32 $0x2, s4;
	s15 =	sshrl.u32 s7, $0x2  }
0xa: {  	s16 =	sshrl.u32 s8, $0x1;
	s1 =	sadd.s32 s14, s6;
	s6 =	sadd.s32 s15, s3  }
0xb: {  	[dreg:$0x4] =	wrdreg s17;
	s7 =	ssub.s32 s8, s16;
	s18 =	sadd.s32 $0x4000, s6  }
0xc: {  	s14 =	sshll.u32 s4, $0x7;
	s19 =	sadd.s32 $0x8000, s6;
	[dreg:$0x5] =	wrdreg s18  }
0xd: {  	s1 =	sshll.u32 s1, $0x4;
	s20 =	sadd.s32 $0xC000, s6;
	[dreg:$0x6] =	wrdreg s19  }
0xe: {  	s26 =	smax.u32 s7, $0x1;
	s1 =	sadd.s32 s1, s0;
	[dreg:$0x7] =	wrdreg s20  }
0xf: {  	s11 =	sadd.s32 $0x10000, s6;
	[dreg:$0xe] =	wrdreg s26;
	s21 =	sadd.s32 $0x13C00, s1  }
0x10: {  	s7 =	simm.s32 $0x500;
	s22 =	sadd.s32 $0x14400, s1;
	[dreg:$0x8] =	wrdreg s21  }
0x11: {  	s0 =	sadd.s32 s13, s0;
	s23 =	sadd.s32 $0x14C00, s1;
	[dreg:$0x9] =	wrdreg s22  }
0x12: {  	s26 =	simm.s32 $0x80;
	s24 =	sadd.s32 $0x15400, s1;
	[dreg:$0xa] =	wrdreg s23  }
.Ltmp0:
0x13: {  	s25 =	sadd.s32 $0x15C00, s1;
	[dreg:$0xb] =	wrdreg s24;
	(pc) =	sbr.rel .LBB2_1-.Ltmp0, $4  }
0x14: {  	s13 =	simm.s32 $0x0;
	s1 =	sadd.s32 $0x16300, s1;
	[dreg:$0xc] =	wrdreg s25  }
0x15: {  	s20 =	sadd.s32 s14, s0;
	s0 =	simm.s32 $0x180;
	[dreg:$0xd] =	wrdreg s1  }
0x16: {  	s21 =	sadd.s32 $0x9E00, s20;
	s22 =	simm.s32 $0x800;
	s23 =	simm.s32 $0x3  }
0x17: {  	v0 =	vimm.f32 $0.0e+00;
	s24 =	simm.s32 $0x4;
	s25 =	simm.s32 $0x400;
	s1 =	simm.s32 $0x480  }
.LBB2_7:
0x18: {  	s8 =	stileid.u32  }
0x19: {  	[bflag:$0x0] =	sbarrier.arrive $0xFFFF;
	s8 =	sshll.u32 s8, $0x6  }
0x1a: {  	s9 =	sshrl.u32 s6, $0x3;
	s10 =	rddreg [dreg:$0x8];
	s8 =	sor.u32 $0x1C03, s8  }
0x1b: {  	[hbm:s10], [sflag:s8] =	dma.local [spmem:s9], $0x800  }
0x1c: {  	_ =	swait.ge [sflag:s23], $0x800  }
0x1d: {  	[sflag:s23] =	ssyncset.done $0x0;
	s18 =	rddreg [dreg:$0x5]  }
0x1e: {  	s19 =	rddreg [dreg:$0x9];
	[sflag:s23] =	ssyncadd.s32 $0xFFFFF800;
	s9 =	sshrl.u32 s18, $0x3  }
0x1f: {  	[hbm:s19], [sflag:s8] =	dma.local [spmem:s9], $0x800  }
0x20: {  	_ =	swait.ge [sflag:s23], $0x800  }
0x21: {  	[sflag:s23] =	ssyncset.done $0x0;
	s10 =	rddreg [dreg:$0x6]  }
0x22: {  	s14 =	rddreg [dreg:$0xa];
	[sflag:s23] =	ssyncadd.s32 $0xFFFFF800;
	s9 =	sshrl.u32 s10, $0x3  }
0x23: {  	[hbm:s14], [sflag:s8] =	dma.local [spmem:s9], $0x800  }
0x24: {  	_ =	swait.ge [sflag:s23], $0x800  }
0x25: {  	[sflag:s23] =	ssyncset.done $0x0;
	s15 =	rddreg [dreg:$0x7]  }
0x26: {  	s16 =	rddreg [dreg:$0xb];
	[sflag:s23] =	ssyncadd.s32 $0xFFFFF800;
	s9 =	sshrl.u32 s15, $0x3  }
0x27: {  	[hbm:s16], [sflag:s8] =	dma.local [spmem:s9], $0x800  }
0x28: {  	_ =	swait.ge [sflag:s23], $0x800  }
0x29: {  	[sflag:s23] =	ssyncset.done $0x0  }
0x2a: {  	s17 =	sshrl.u32 s11, $0x3;
	s18 =	rddreg [dreg:$0xc];
	[sflag:s23] =	ssyncadd.s32 $0xFFFFF800  }
0x2b: {  	[hbm:s18], [sflag:s8] =	dma.local [spmem:s17], $0x700  }
0x2c: {  	_ =	swait.ge [sflag:s23], $0x700  }
0x2d: {  	[sflag:s23] =	ssyncset.done $0x0  }
0x2e: {  	s9 =	sshrl.u32 @!p0 s12, $0x3;
	s10 =	rddreg [dreg:$0xd];
	[sflag:s23] =	ssyncadd.s32 $0xFFFFF900  }
0x2f: {  	[hbm:s10], [sflag:s8] =	dma.local @!p0 [spmem:s9], $0x100  }
0x30: {  	s8 =	simm.s32 @!p0 $0x3  }
0x31: {  	_ =	swait.ge @!p0 [sflag:s8], $0x100  }
0x32: {  	s13 =	sadd.s32 $0x1, s13;
	s19 =	rddreg [dreg:$0xe]  }
0x33: {  	p1 =	sne.s32 s13, s19  }
.Ltmp1:
0x34: {  	_ = 	snop;
	(pc) =	sbr.rel @!p1 .LBB2_8-.Ltmp1, $3  }
0x35: {  	_ =	sdelay $0x1  }
0x36: {  	[sflag:s8] =	ssyncset.done @!p0 $0x0  }
0x37: {  	[sflag:s8] =	ssyncadd.s32 @!p0 $0xFFFFFF00  }
.LBB2_1:
0x38: {  	s14 =	sand.u32 $0xFE00, s5  }
0x39: {  	s15 =	sand.u32 $0x70, s5;
	s16 =	sshrl.u32 s14, $0x2  }
0x3a: {  	s14 =	simm.s32 $0x40;
	s16 =	sor.u32 s15, s16;
	s15 =	simm.s32 $0x0  }
.LBB2_2:
0x3b: {  	p1 =	sne.s32 s14, $0xFFC0  }
0x3c: {  	[tilespmem:s16+$0x800] =	vst v0;
	s15 =	sadd.s32 $0x10, s15;
	s16 =	smov.u32 s14;
	s14 =	sadd.s32 $0x40, s14  }
.Ltmp2:
0x3d: {  	(pc) =	sbr.rel @p1 .LBB2_2-.Ltmp2, $4  }
0x3e: {  	_ = 	snop  }
0x3f: {  	s16 =	sand.u32 $0xFE00, s16  }
0x40: {  	s17 =	sand.u32 $0x70, s15;
	s16 =	sshrl.u32 s16, $0x2  }
0x41: {  	s16 =	sor.u32 s17, s16  }
0x42: {  	[tilespmem:s16+$0x800] =	vst v0  }
0x43: {  	[spmem:s6] =	stream.linear.scatter [tilespmem:s22], [sflag:$0x3], $0x4000, $0x38;
	[tilespmem:$0x1C080] =	vst v63  }
0x44: {  	_ =	swait.ge [sflag:s23], $0x4000  }
0x45: {  	[sflag:s23] =	ssyncset.done $0x0  }
0x46: {  	s8 =	rddreg [dreg:$0x5];
	[sflag:s23] =	ssyncadd.s32 $0xFFFFC000  }
0x47: {  	[spmem:s8] =	stream.linear.scatter [tilespmem:s22], [sflag:$0x3], $0x4000, $0x38;
	[tilespmem:$0x1C080] =	vst v63  }
0x48: {  	_ =	swait.ge [sflag:s23], $0x4000  }
0x49: {  	[sflag:s23] =	ssyncset.done $0x0  }
0x4a: {  	s18 =	rddreg [dreg:$0x6];
	[sflag:s23] =	ssyncadd.s32 $0xFFFFC000  }
0x4b: {  	[spmem:s18] =	stream.linear.scatter [tilespmem:s22], [sflag:$0x3], $0x4000, $0x38;
	[tilespmem:$0x1C080] =	vst v63  }
0x4c: {  	_ =	swait.ge [sflag:s23], $0x4000  }
0x4d: {  	[sflag:s23] =	ssyncset.done $0x0  }
0x4e: {  	s19 =	rddreg [dreg:$0x7];
	[sflag:s23] =	ssyncadd.s32 $0xFFFFC000  }
0x4f: {  	[spmem:s19] =	stream.linear.scatter [tilespmem:s22], [sflag:$0x3], $0x4000, $0x38;
	[tilespmem:$0x1C080] =	vst v63  }
0x50: {  	_ =	swait.ge [sflag:s23], $0x4000  }
0x51: {  	[sflag:s23] =	ssyncset.done $0x0  }
0x52: {  	[sflag:s23] =	ssyncadd.s32 $0xFFFFC000  }
0x53: {  	[spmem:s11] =	stream.linear.scatter [tilespmem:s22], [sflag:$0x3], $0x3800, $0x38;
	[tilespmem:$0x1C080] =	vst v63  }
0x54: {  	_ =	swait.ge [sflag:s23], $0x3800  }
0x55: {  	[sflag:s23] =	ssyncset.done $0x0  }
0x56: {  	s14 =	simm.s32 @!p0 $0x800;
	[sflag:s23] =	ssyncadd.s32 $0xFFFFC800  }
0x57: {  	[spmem:s12] =	stream.linear.scatter @!p0 [tilespmem:s14], [sflag:$0x3], $0x800, $0x38;
	[tilespmem:$0x1C080] =	vst v63  }
0x58: {  	s14 =	simm.s32 @!p0 $0x3  }
.Ltmp3:
0x59: {  	_ =	swait.ge @!p0 [sflag:s14], $0x800;
	(pc) =	sbr.rel .LBB2_4-.Ltmp3, $4  }
0x5a: {  	[sflag:s14] =	ssyncset.done @!p0 $0x0  }
0x5b: {  	[sflag:s14] =	ssyncadd.s32 @!p0 $0xFFFFF800  }
0x5c: {  	[bflag:$0x0] =	sbarrier.arrive $0xFFFF  }
0x5d: {  	s14 =	simm.s32 $0x0;
	s15 =	rddreg [dreg:$0x4]  }
.LBB2_6:
0x5e: {  	s14 =	sadd.s32 $0x1000, s14  }
0x5f: {  	p1 =	sne.s32 s14, $0xA000  }
.Ltmp4:
0x60: {  	_ = 	snop;
	(pc) =	sbr.rel @!p1 .LBB2_7-.Ltmp4, $2  }
0x61: {  	_ =	sdelay $0x2  }
0x62: {  	s15 =	sadd.s32 $0x20, s15  }
.LBB2_4:
0x63: {  	s16 =	sadd.s32 s15, s4  }
0x64: {  	p1 =	sgt.u32 s16, $0x138  }
.Ltmp5:
0x65: {  	_ = 	snop;
	(pc) =	sbr.rel @p1 .LBB2_6-.Ltmp5, $1  }
0x66: {  	_ =	sdelay $0x3  }
0x67: {  	s16 =	sadd.s32 s14, s20  }
0x68: {  	[tilespmem:s5], [sflag:$0x4] =	stream.linear.gather [hbm4b:s16+s5], $0x400, $0x38;
	[tilespmem:$0x1C080] =	vst v63  }
0x69: {  	_ =	swait.ge [sflag:s24], $0x400  }
0x6a: {  	[sflag:s24] =	ssyncset.done $0x0  }
0x6b: {  	s19 =	sadd.s32 s14, s21;
	[sflag:s24] =	ssyncadd.s32 $0xFFFFFC00  }
0x6c: {  	[tilespmem:s25], [sflag:$0x4] =	stream.linear.gather [hbm4b:s19+s5], $0x400, $0x38;
	[tilespmem:$0x1C080] =	vst v63  }
0x6d: {  	_ =	swait.ge [sflag:s24], $0x400  }
0x6e: {  	[sflag:s24] =	ssyncset.done $0x0  }
0x6f: {  	[sflag:s24] =	ssyncadd.s32 $0xFFFFFC00  }
0x70: {  	[tilespmem:s22], [sflag:$0x1] =	stream.indirect.gather [hbm4b:s2+s26], $0x80, s5, s26, $0xb8;
	[tilespmem:$0x1C080] =	vst v63  }
0x71: {  	_ = 	snop  }
0x72: {  	[tilespmem:s28], [sflag:$0x2] =	stream.indirect.gather [hbm4b:s2+s26], $0x80, s26, s26, $0xb8;
	[tilespmem:$0x1C080] =	vst v63  }
0x73: {  	_ =	swait.ge [sflag:s29], $0x4000  }
0x74: {  	[sflag:s29] =	ssyncset.done $0x0  }
0x75: {  	[sflag:s29] =	ssyncadd.s32 $0xFFFFC000  }
0x76: {  	[spmem:s3] =	stream.indirect.scatter.add.f32 [tilespmem:s22], [sflag:$0x4], $0x80, s25, s26, $0xb8;
	[tilespmem:$0x1C080] =	vst v63  }
0x77: {  	_ =	swait.ge [sflag:s24], $0x4000  }
0x78: {  	[sflag:s24] =	ssyncset.done $0x0  }
0x79: {  	[sflag:s24] =	ssyncadd.s32 $0xFFFFC000  }
0x7a: {  	[tilespmem:s22], [sflag:$0x1] =	stream.indirect.gather [hbm4b:s2+s26], $0x80, s30, s26, $0xb8;
	[tilespmem:$0x1C080] =	vst v63  }
0x7b: {  	_ =	swait.ge [sflag:s31], $0x4000  }
0x7c: {  	[sflag:s31] =	ssyncset.done $0x0  }
0x7d: {  	[sflag:s31] =	ssyncadd.s32 $0xFFFFC000  }
0x7e: {  	[spmem:s3] =	stream.indirect.scatter.add.f32 [tilespmem:s28], [sflag:$0x4], $0x80, s1, s26, $0xb8;
	[tilespmem:$0x1C080] =	vst v63  }
0x7f: {  	_ =	swait.ge [sflag:s24], $0x4000  }
0x80: {  	[sflag:s24] =	ssyncset.done $0x0  }
0x81: {  	[sflag:s24] =	ssyncadd.s32 $0xFFFFC000  }
0x82: {  	[tilespmem:s28], [sflag:$0x2] =	stream.indirect.gather [hbm4b:s2+s26], $0x80, s0, s26, $0xb8;
	[tilespmem:$0x1C080] =	vst v63  }
0x83: {  	_ =	swait.ge [sflag:s29], $0x4000  }
0x84: {  	[sflag:s29] =	ssyncset.done $0x0  }
0x85: {  	[sflag:s29] =	ssyncadd.s32 $0xFFFFC000  }
0x86: {  	[spmem:s3] =	stream.indirect.scatter.add.f32 [tilespmem:s22], [sflag:$0x4], $0x80, s7, s26, $0xb8;
	[tilespmem:$0x1C080] =	vst v63  }
0x87: {  	_ =	swait.ge [sflag:s24], $0x4000  }
0x88: {  	p1 =	sgt.u32 s15, $0x137;
	[sflag:s24] =	ssyncset.done $0x0  }
0x89: {  	s16 =	simm.s32 @p1 $0x2;
	[sflag:s24] =	ssyncadd.s32 $0xFFFFC000  }
0x8a: {  	_ =	swait.ge @p1 [sflag:s16], $0x4000  }
0x8b: {  	s17 =	simm.s32 @p1 $0x580;
	[sflag:s16] =	ssyncset.done @p1 $0x0  }
0x8c: {  	s18 =	simm.s32 @p1 $0x4800;
	[sflag:s16] =	ssyncadd.s32 @p1 $0xFFFFC000;
	s16 =	simm.s32 @p1 $0x80  }
0x8d: {  	[spmem:s3] =	stream.indirect.scatter.add.f32 @p1 [tilespmem:s18], [sflag:$0x4], $0x80, s17, s16, $0xb8;
	[tilespmem:$0x1C080] =	vst v63  }
0x8e: {  	s16 =	simm.s32 @!p1 $0x80;
	s17 =	simm.s32 @!p1 $0x200;
	s18 =	simm.s32 @!p1 $0x800  }
0x8f: {  	[tilespmem:s18], [sflag:$0x1] =	stream.indirect.gather @!p1 [hbm4b:s2+s16], $0x80, s17, s16, $0xb8;
	[tilespmem:$0x1C080] =	vst v63  }
0x90: {  	s17 =	simm.s32 @!p1 $0x2  }
0x91: {  	_ =	swait.ge @!p1 [sflag:s17], $0x4000  }
0x92: {  	[sflag:s17] =	ssyncset.done @!p1 $0x0  }
0x93: {  	s8 =	simm.s32 @!p1 $0x4800;
	s19 =	simm.s32 @!p1 $0x580;
	[sflag:s17] =	ssyncadd.s32 @!p1 $0xFFFFC000  }
0x94: {  	[spmem:s3] =	stream.indirect.scatter.add.f32 @!p1 [tilespmem:s8], [sflag:$0x4], $0x80, s19, s16, $0xb8;
	[tilespmem:$0x1C080] =	vst v63  }
0x95: {  	s19 =	simm.s32 @!p1 $0x4  }
0x96: {  	_ =	swait.ge @!p1 [sflag:s19], $0x4000  }
0x97: {  	[sflag:s19] =	ssyncset.done @!p1 $0x0  }
0x98: {  	s9 =	simm.s32 @!p1 $0x280;
	[sflag:s19] =	ssyncadd.s32 @!p1 $0xFFFFC000  }
0x99: {  	[tilespmem:s8], [sflag:$0x2] =	stream.indirect.gather @!p1 [hbm4b:s2+s16], $0x80, s9, s16, $0xb8;
	[tilespmem:$0x1C080] =	vst v63  }
0x9a: {  	s9 =	simm.s32 @!p1 $0x1  }
0x9b: {  	_ =	swait.ge @!p1 [sflag:s9], $0x4000  }
0x9c: {  	[sflag:s9] =	ssyncset.done @!p1 $0x0  }
0x9d: {  	s10 =	simm.s32 @!p1 $0x600;
	[sflag:s9] =	ssyncadd.s32 @!p1 $0xFFFFC000  }
0x9e: {  	[spmem:s3] =	stream.indirect.scatter.add.f32 @!p1 [tilespmem:s18], [sflag:$0x4], $0x80, s10, s16, $0xb8;
	[tilespmem:$0x1C080] =	vst v63  }
0x9f: {  	_ =	swait.ge @!p1 [sflag:s19], $0x4000  }
0xa0: {  	[sflag:s19] =	ssyncset.done @!p1 $0x0  }
0xa1: {  	s10 =	simm.s32 @!p1 $0x300;
	[sflag:s19] =	ssyncadd.s32 @!p1 $0xFFFFC000  }
0xa2: {  	[tilespmem:s18], [sflag:$0x1] =	stream.indirect.gather @!p1 [hbm4b:s2+s16], $0x80, s10, s16, $0xb8;
	[tilespmem:$0x1C080] =	vst v63  }
0xa3: {  	_ =	swait.ge @!p1 [sflag:s17], $0x4000  }
0xa4: {  	[sflag:s17] =	ssyncset.done @!p1 $0x0  }
0xa5: {  	s10 =	simm.s32 @!p1 $0x680;
	[sflag:s17] =	ssyncadd.s32 @!p1 $0xFFFFC000  }
0xa6: {  	[spmem:s3] =	stream.indirect.scatter.add.f32 @!p1 [tilespmem:s8], [sflag:$0x4], $0x80, s10, s16, $0xb8;
	[tilespmem:$0x1C080] =	vst v63  }
0xa7: {  	_ =	swait.ge @!p1 [sflag:s19], $0x4000  }
0xa8: {  	[sflag:s19] =	ssyncset.done @!p1 $0x0  }
0xa9: {  	s10 =	simm.s32 @!p1 $0x380;
	[sflag:s19] =	ssyncadd.s32 @!p1 $0xFFFFC000  }
0xaa: {  	[tilespmem:s8], [sflag:$0x2] =	stream.indirect.gather @!p1 [hbm4b:s2+s16], $0x80, s10, s16, $0xb8;
	[tilespmem:$0x1C080] =	vst v63  }
0xab: {  	_ =	swait.ge @!p1 [sflag:s9], $0x4000  }
0xac: {  	[sflag:s9] =	ssyncset.done @!p1 $0x0  }
0xad: {  	[sflag:s9] =	ssyncadd.s32 @!p1 $0xFFFFC000;
	s9 =	simm.s32 @!p1 $0x700  }
0xae: {  	[spmem:s3] =	stream.indirect.scatter.add.f32 @!p1 [tilespmem:s18], [sflag:$0x4], $0x80, s9, s16, $0xb8;
	[tilespmem:$0x1C080] =	vst v63  }
0xaf: {  	_ =	swait.ge @!p1 [sflag:s19], $0x4000  }
0xb0: {  	[sflag:s19] =	ssyncset.done @!p1 $0x0  }
0xb1: {  	[sflag:s19] =	ssyncadd.s32 @!p1 $0xFFFFC000  }
0xb2: {  	_ =	swait.ge @!p1 [sflag:s17], $0x4000  }
0xb3: {  	[sflag:s17] =	ssyncset.done @!p1 $0x0  }
0xb4: {  	s9 =	simm.s32 @!p1 $0x780;
	[sflag:s17] =	ssyncadd.s32 @!p1 $0xFFFFC000  }
0xb5: {  	[spmem:s3] =	stream.indirect.scatter.add.f32 @!p1 [tilespmem:s8], [sflag:$0x3], $0x80, s9, s16, $0xb8;
	[tilespmem:$0x1C080] =	vst v63  }
.Ltmp6:
0xb6: {  	s8 =	simm.s32 @!p1 $0x3;
	(pc) =	sbr.rel .LBB2_6-.Ltmp6, $4  }
0xb7: {  	s8 =	simm.s32 @p1 $0x4  }
0xb8: {  	_ =	swait.ge [sflag:s8], $0x4000  }
0xb9: {  	[sflag:s8] =	ssyncset.done $0x0  }
0xba: {  	[sflag:s8] =	ssyncadd.s32 $0xFFFFC000  }
.LBB2_8:
0xbb: {  	_ =	sfence.sel $0x180000  }
0xbc: {  	[bflag:$0x0] =	sbarrier.arrive $0xFFFF  }
0xbd: {  	_ =	strace $0x9000004A  }
0xbe: {  	s0 =	stileid.u32;
	[bflag:$0x2] =	sbarrier.arrive $0xFFFF  }
0xbf: {  	p0 =	sne.s32 s0, $0x0;
	s0 =	rddreg [dreg:$0x3]  }
0xc0: {  	s0 =	sadd.s32 @!p0 $0x100000, s0  }
0xc1: {  	[sflag:s0] =	ssyncadd.tile.s32 @!p0 $0x1;
	_ =	shalt  }
.Lfunc_end2:
_tile_overlayer_lowered:
.L_overlay_start_2:
0xc2: {  	(tag) =	ssettag $0x2  }
0xc3: {  	s0 =	rddreg [dreg:$0x0];
	s2 =	stileid.u32  }
0xc4: {  	s1 =	rddreg [dreg:$0x1];
	p0 =	sne.s32 s2, $0x0  }
0xc5: {  	s3 =	rddreg [dreg:$0x2];
	[bflag:$0x3] =	sbarrier.arrive $0xFFFF;
	s2 =	simm.s32 @!p0 $0x1C03  }
0xc6: {  	[timem:s3], [sflag:s2] =	dma.local @!p0 [hbm:s0], s1  }
0xc7: {  	s0 =	simm.s32 @!p0 $0x3  }
0xc8: {  	_ =	swait.ge @!p0 [sflag:s0], s1  }
0xc9: {  	s1 =	ssub.s32 @!p0 $0x0, s1;
	[sflag:s0] =	ssyncset.done @!p0 $0x0  }
0xca: {  	[sflag:s0] =	ssyncadd.s32 @!p0 s1  }
0xcb: {  	[bflag:$0x3] =	sbarrier.arrive $0xFFFF  }
0xcc: {  	_ =	shalt  }

// kernel: kernel.17.cloned.1.call-start
scs
__scs_entry_jumppad:
0x0: {  	(pc) =	sbr.rel $0x88, $3  }
0x1: {  	(tag) =	ssettag $0x0;
	lr =	simm.s32 $0x1  }
0x2: {  	[smem:$0x3F9B] =	sst lr;
	_ =	strace $0xD0000000  }
0x3: {  	_ = 	snop  }
0x4: {  	_ = 	snop  }
0x5: {  	_ = 	snop  }
0x6: {  	_ = 	snop  }
0x7: {  	_ = 	snop  }
__scs_overlays_trampoline_lowered:
0x8: {  	[smem:$0x3FAA] =	sst s0  }
0x9: {  	[smem:$0x3FAB] =	sst s1  }
0xa: {  	[smem:$0x3FAC] =	sst s2  }
0xb: {  	[smem:$0x3FAD] =	sst s3  }
0xc: {  	[smem:$0x3FAE] =	sst s4  }
0xd: {  	[smem:$0x3FAF] =	sst s5  }
0xe: {  	[smem:$0x3FB0] =	sst s6  }
0xf: {  	[smem:$0x3FB1] =	sst s7  }
0x10: {  	[smem:$0x3FB2] =	sst s8  }
0x11: {  	[smem:$0x3FB3] =	sst s9;
	s0 =	simm.s32 @!p0 $0x0  }
0x12: {  	s1 =	sld [smem:$0x3F99];
	s0 =	simm.s32 @p0 $0x1  }
0x13: {  	[smem:$0x3FB4] =	sst s0;
	s0 =	simm.s32 @!p1 $0x0  }
0x14: {  	s2 =	sld [smem:$0x3F98];
	s0 =	simm.s32 @p1 $0x1  }
0x15: {  	[smem:$0x3FB5] =	sst s0;
	s0 =	simm.s32 @!p2 $0x0  }
0x16: {  	s3 =	sld [smem:$0x3FDB];
	s0 =	simm.s32 @p2 $0x1  }
0x17: {  	s4 =	simm.s32 $0x1BF5;
	[smem:$0x3FB7] =	sst s0  }
0x18: {  	s0 =	sld [smem:$0x3F9A];
	_ =	swait.ge [sflag:s4], $0x0  }
0x19: {  	s7 =	sld [smem:$0x3F9B]  }
0x1a: {  	s8 =	sadd.s32 $0xFFFFE003, lr  }
0x1b: {  	s9 =	sadd.s32 $0xFFFFFEF7, lr;
	s5 =	simm.s32 $0xFFFFFFFF;
	p2 =	slt.u32 s8, $0xFFFFF086  }
0x1c: {  	p1 =	slt.u32 s9, $0xF7A;
	s5 =	simm.s32 @!p2 $0x0  }
0x1d: {  	s5 =	simm.s32 @p1 $0x1;
	p0 =	seq.s32 s7, s2  }
0x1e: {  	s7 =	smul.u32 @!p0 $0xF7A, s2;
	p2 =	seq.s32 @!p0 s5, $0x0  }
0x1f: {  	s9 =	smul.u32 $0xF7A, s1;
	s8 =	simm.s32 @!p0 $0x1BF5;
	p2 =	por !p2, p0  }
0x20: {  	[sflag:s8] =	ssyncset.s32 @!p0 $0xFFFFF086;
	s6 =	sadd.s32 @!p0 s3, s7;
	s7 =	simm.s32 @!p0 $0x108  }
0x21: {  	s3 =	sadd.s32 s3, s9;
	s6 =	sadd.s32 @!p0 $0x88, s6;
	s7 =	simm.s32 @p2 $0x1082  }
0x22: {  	[simem:s7], [sflag:s8] =	dma.local @!p0 [hbm:s6], $0xF7A  }
0x23: {  	s9 =	sor.u32 $0xD0000000, s2;
	s6 =	simm.s32 $0x108;
	_ =	swait.ge @!p0 [sflag:s8], $0x0  }
0x24: {  	s3 =	sadd.s32 $0x88, s3;
	s6 =	simm.s32 @!p1 $0x1082;
	[sflag:s4] =	ssyncset.s32 $0xFFFFF086  }
0x25: {  	[simem:s6], [sflag:s4] =	dma.local [hbm:s3], $0xF7A  }
0x26: {  	[smem:$0x3F9B] =	sst s1;
	(tag) =	ssettag s2;
	_ =	strace s9  }
0x27: {  	s1 =	sld [smem:$0x3FAB]  }
0x28: {  	s2 =	sld [smem:$0x3FAC]  }
0x29: {  	s4 =	sld [smem:$0x3FAE]  }
0x2a: {  	p0 =	seq.s32 s5, $0x0;
	s5 =	sld [smem:$0x3FAF]  }
0x2b: {  	s6 =	sld [smem:$0x3FB0]  }
0x2c: {  	s7 =	sld [smem:$0x3FB1]  }
0x2d: {  	s3 =	simm.s32 $0x108;
	s8 =	sld [smem:$0x3FB2]  }
0x2e: {  	s3 =	simm.s32 @!p0 $0x1082;
	s9 =	sld [smem:$0x3FB3]  }
0x2f: {  	lr =	sadd.s32 s0, s3;
	s0 =	sld [smem:$0x3FAA]  }
0x30: {  	s3 =	sld [smem:$0x3FAD]  }
0x31: {  	[smem:$0x3FB6] =	sst s10  }
0x32: {  	s10 =	sld [smem:$0x3FB4];
	_ =	sdelay $0x3  }
0x33: {  	p0 =	seq.s32 s10, $0x1;
	s10 =	sld [smem:$0x3FB6];
	_ =	sdelay $0x3  }
0x34: {  	[smem:$0x3FB6] =	sst s10  }
0x35: {  	s10 =	sld [smem:$0x3FB5];
	_ =	sdelay $0x3  }
0x36: {  	p1 =	seq.s32 s10, $0x1;
	s10 =	sld [smem:$0x3FB6];
	_ =	sdelay $0x3  }
0x37: {  	[smem:$0x3FB6] =	sst s10  }
0x38: {  	s10 =	sld [smem:$0x3FB7]  }
0x39: {  	_ = 	snop;
	(pc) =	sbr.ind lr, $3  }
0x3a: {  	_ = 	snop  }
0x3b: {  	_ = 	snop  }
0x3c: {  	p2 =	seq.s32 s10, $0x1;
	s10 =	sld [smem:$0x3FB6]  }
0x3d: {  	_ =	shalt  }
0x3e: {  	_ =	shalt  }
0x3f: {  	_ =	shalt  }
0x40: {  	_ =	shalt  }
0x41: {  	_ =	shalt  }
0x42: {  	_ =	shalt  }
0x43: {  	_ =	shalt  }
0x44: {  	_ =	shalt  }
0x45: {  	_ =	shalt  }
0x46: {  	_ =	shalt  }
0x47: {  	_ =	shalt  }
0x48: {  	_ =	shalt  }
0x49: {  	_ =	shalt  }
0x4a: {  	_ =	shalt  }
0x4b: {  	_ =	shalt  }
0x4c: {  	_ =	shalt  }
0x4d: {  	_ =	shalt  }
0x4e: {  	_ =	shalt  }
0x4f: {  	_ =	shalt  }
0x50: {  	_ =	shalt  }
0x51: {  	_ =	shalt  }
0x52: {  	_ =	shalt  }
0x53: {  	_ =	shalt  }
0x54: {  	_ =	shalt  }
0x55: {  	_ =	shalt  }
0x56: {  	_ =	shalt  }
0x57: {  	_ =	shalt  }
0x58: {  	_ =	shalt  }
0x59: {  	_ =	shalt  }
0x5a: {  	_ =	shalt  }
0x5b: {  	_ =	shalt  }
0x5c: {  	_ =	shalt  }
0x5d: {  	_ =	shalt  }
0x5e: {  	_ =	shalt  }
0x5f: {  	_ =	shalt  }
0x60: {  	_ =	shalt  }
0x61: {  	_ =	shalt  }
0x62: {  	_ =	shalt  }
0x63: {  	_ =	shalt  }
0x64: {  	_ =	shalt  }
0x65: {  	_ =	shalt  }
0x66: {  	_ =	shalt  }
0x67: {  	_ =	shalt  }
0x68: {  	_ =	shalt  }
0x69: {  	_ =	shalt  }
0x6a: {  	_ =	shalt  }
0x6b: {  	_ =	shalt  }
0x6c: {  	_ =	shalt  }
0x6d: {  	_ =	shalt  }
0x6e: {  	_ =	shalt  }
0x6f: {  	_ =	shalt  }
0x70: {  	_ =	shalt  }
0x71: {  	_ =	shalt  }
0x72: {  	_ =	shalt  }
0x73: {  	_ =	shalt  }
0x74: {  	_ =	shalt  }
0x75: {  	_ =	shalt  }
0x76: {  	_ =	shalt  }
0x77: {  	_ =	shalt  }
0x78: {  	_ =	shalt  }
0x79: {  	_ =	shalt  }
0x7a: {  	_ =	shalt  }
0x7b: {  	_ =	shalt  }
0x7c: {  	_ =	shalt  }
0x7d: {  	_ =	shalt  }
0x7e: {  	_ =	shalt  }
0x7f: {  	_ =	shalt  }
0x80: {  	_ =	shalt  }
0x81: {  	_ =	shalt  }
0x82: {  	_ =	shalt  }
0x83: {  	_ =	shalt  }
0x84: {  	_ =	shalt  }
0x85: {  	_ =	shalt  }
0x86: {  	_ =	shalt  }
0x87: {  	_ =	shalt  }
.Lfunc_end0:
.L_simem_size_0:
called_computation.2_lowered:
.L_overlay_start_0:
0x88: {  	s2 =	sld [smem:$0x3FD9]  }
0x89: {  	s3 =	sld [smem:$0x3FFE];
	_ =	sdelay $0x1  }
0x8a: {  	s1 =	srdreg.scid  }
0x8b: {  	s0 =	sand.u32 $0x1, s1  }
0x8c: {  	s17 =	sshll.u32 s0, $0xA;
	s2 =	sadd.s32 s3, s2  }
0x8d: {  	s2 =	sadd.s32 s2, s17  }
0x8e: {  	[smem:$0x3FC2] =	sst s2  }
0x8f: {  	_ = 	snop  }
0x90: {  	s2 =	sld [smem:$0x3FD0];
	(tm) =	ssettm $0x1  }
0x91: {  	s18 =	sld [smem:$0x3FFB];
	_ =	sdelay $0x3  }
0x92: {  	_ =	strace s18  }
0x93: {  	s3 =	sld [smem:$0x3FFC];
	_ =	sdelay $0x3  }
0x94: {  	_ =	strace s3  }
0x95: {  	s3 =	sld [smem:$0x3FFD];
	_ =	sdelay $0x3  }
0x96: {  	_ =	strace s3  }
0x97: {  	_ =	strace $0x8FFFFFFF  }
0x98: {  	s19 =	sld [smem:$0x3FDB];
	_ =	sdelay $0x1  }
0x99: {  	s4 =	simm.s32 $_scs_section_size  }
0x9a: {  	s5 =	simm.s32 $_size__tile_overlayer_lowered;
	s6 =	simm.s32 $_tile_overlayer_lowered  }
0x9b: {  	s22 =	simm.s32 $0x1BFF;
	s21 =	sshll.u32 s6, $0x1;
	s3 =	sadd.s32 s4, s19  }
0x9c: {  	s7 =	simm.s32 $0x0;
	s20 =	sshll.u32 s5, $0x1;
	s5 =	sadd.s32 s21, s3  }
0x9d: {  	[timem:s7], [sflag:s22] =	dma.local [hbm:s5], s20  }
0x9e: {  	_ =	swait.ge [sflag:s22], s20  }
0x9f: {  	s4 =	ssub.s32 $0x0, s20;
	[sflag:s22] =	ssyncset.done $0x0  }
0xa0: {  	[sflag:s22] =	ssyncadd.s32 s4;
	_ =	sdelay $0x1  }
0xa1: {  	s23 =	simm.s32 $0x1B8B  }
0xa2: {  	_ =	swait.ge [sflag:s23], $0x1  }
0xa3: {  	[sflag:s23] =	ssyncset.done $0x0  }
0xa4: {  	s25 =	simm.s32 $0x1B8E;
	s24 =	sld [smem:$0x3FFE];
	[sflag:s23] =	ssyncadd.s32 $0xFFFFFFFF  }
0xa5: {  	s26 =	simm.s32 $execute0_lowered;
	[smem:$0x3FD2] =	sst s25  }
0xa6: {  	s5 =	sshll.u32 s26, $0x1;
	_ =	strace $0x8000004C;
	[dreg:$0x1] =	wrdreg $0xFFFFFFFF  }
0xa7: {  	s28 =	simm.s32 $_size_execute0_lowered;
	s3 =	sadd.s32 s3, s5;
	[dreg:$0x0] =	wrdreg $0x0  }
0xa8: {  	s5 =	sshll.u32 s28, $0x1;
	[dreg:$0x2] =	wrdreg s3  }
0xa9: {  	[dreg:$0x3] =	wrdreg s5  }
0xaa: {  	[dreg:$0x4] =	wrdreg $0xC0  }
0xab: {  	_ =	task [dreg:s7], $0x5FFFF  }
0xac: {  	[dreg:$0x1] =	wrdreg $0xFFFFFFFF  }
0xad: {  	[dreg:$0x0] =	wrdreg $0x60  }
0xae: {  	[dreg:$0x2] =	wrdreg s24  }
0xaf: {  	[dreg:$0x3] =	wrdreg s2  }
0xb0: {  	[dreg:$0x4] =	wrdreg $0x88000  }
0xb1: {  	[dreg:$0x5] =	wrdreg $0x9  }
0xb2: {  	_ =	task.clear_ibuf [dreg:s7], $0x6FFFF;
	_ =	strace $0x9000004C  }
0xb3: {  	s29 =	simm.s32 $0x9;
	_ =	strace $0x8000004E  }
0xb4: {  	_ =	swait.ge [sflag:s29], $0x1  }
0xb5: {  	[sflag:s29] =	ssyncadd.s32 $0xFFFFFFFF  }
0xb6: {  	_ =	strace $0x9000004E  }
0xb7: {  	_ =	sfence  }
0xb8: {  	s30 =	sld [smem:$0x0];
	_ =	sdelay $0x2  }
0xb9: {  	s31 =	sshll.u32 s1, $0xD;
	s1 =	sshrl.u32 s1, $0x2  }
0xba: {  	s3 =	sand.u32 $0x4000, s31;
	s1 =	sadd.s32 s1, s30  }
0xbb: {  	s0 =	sor.u32 s3, s0;
	s1 =	sshll.u32 s1, $0x11  }
0xbc: {  	s0 =	sor.u32 s1, s0  }
0xbd: {  	s0 =	sadd.s32 $0x8F2B, s0  }
0xbe: {  	[sflag:s0] =	ssyncadd.remote.s32 $0x1  }
0xbf: {  	_ =	sfence.sel $0xFFFF  }
0xc0: {  	[dreg:$0x0] =	wrdreg $0xFFFFFFFF;
	(pc) =	sbr.abs _section_cstart, $3  }
0xc1: {  	[dreg:$0x1] =	wrdreg $0xFFFFFFFF  }
0xc2: {  	_ =	task.clear_ibuf [dreg:s7], $0x2FFFF;
	_ =	strace $0x9FFFFFFF  }
0xc3: {  	(tm) =	ssettm $0x7FFFFFFF  }
tec
execute0_lowered:
.L_overlay_start_1:
0x0: {  	(tag) =	ssettag $0x1  }
0x1: {  	s0 =	rddreg [dreg:$0x0]  }
0x2: {  	s2 =	rddreg [dreg:$0x1]  }
0x3: {  	s1 =	srdreg.scid;
	s9 =	stileid.u32  }
0x4: {  	s3 =	rddreg [dreg:$0x2];
	s5 =	simm.s32 $0x0;
	s28 =	simm.s32 $0x4800  }
0x5: {  	s29 =	simm.s32 $0x1;
	s30 =	simm.s32 $0x100;
	s31 =	simm.s32 $0x2  }
0x6: {  	s4 =	sand.u32 $0x1, s1;
	s14 =	smul.u32 $0x270, s9;
	[smem:$0x7FF] =	sst s5  }
0x7: {  	s7 =	smul.u32 $0x4E000, s9;
	s17 =	sshll.u32 s9, $0x1;
	s12 =	sadd.s32 $0x138000, s3  }
0x8: {  	s13 =	sshll.u32 s9, $0x8;
	p0 =	sne.s32 s9, $0xF;
	s6 =	smul.u32 $0x2710, s4  }
0x9: {  	_ =	strace $0x8000004D;
	s8 =	ssub.s32 $0x2, s4;
	s15 =	sshrl.u32 s7, $0x2  }
0xa: {  	s16 =	sshrl.u32 s8, $0x1;
	s1 =	sadd.s32 s14, s6;
	s6 =	sadd.s32 s15, s3  }
0xb: {  	[dreg:$0x4] =	wrdreg s17;
	s7 =	ssub.s32 s8, s16;
	s18 =	sadd.s32 $0x4000, s6  }
0xc: {  	s14 =	sshll.u32 s4, $0x7;
	s19 =	sadd.s32 $0x8000, s6;
	[dreg:$0x5] =	wrdreg s18  }
0xd: {  	s1 =	sshll.u32 s1, $0x4;
	s20 =	sadd.s32 $0xC000, s6;
	[dreg:$0x6] =	wrdreg s19  }
0xe: {  	s26 =	smax.u32 s7, $0x1;
	s1 =	sadd.s32 s1, s0;
	[dreg:$0x7] =	wrdreg s20  }
0xf: {  	s11 =	sadd.s32 $0x10000, s6;
	[dreg:$0xe] =	wrdreg s26;
	s21 =	sadd.s32 $0x13C00, s1  }
0x10: {  	s7 =	simm.s32 $0x500;
	s22 =	sadd.s32 $0x14400, s1;
	[dreg:$0x8] =	wrdreg s21  }
0x11: {  	s0 =	sadd.s32 s13, s0;
	s23 =	sadd.s32 $0x14C00, s1;
	[dreg:$0x9] =	wrdreg s22  }
0x12: {  	s26 =	simm.s32 $0x80;
	s24 =	sadd.s32 $0x15400, s1;
	[dreg:$0xa] =	wrdreg s23  }
.Ltmp0:
0x13: {  	s25 =	sadd.s32 $0x15C00, s1;
	[dreg:$0xb] =	wrdreg s24;
	(pc) =	sbr.rel .LBB2_1-.Ltmp0, $4  }
0x14: {  	s13 =	simm.s32 $0x0;
	s1 =	sadd.s32 $0x16300, s1;
	[dreg:$0xc] =	wrdreg s25  }
0x15: {  	s20 =	sadd.s32 s14, s0;
	s0 =	simm.s32 $0x180;
	[dreg:$0xd] =	wrdreg s1  }
0x16: {  	s21 =	sadd.s32 $0x9E00, s20;
	s22 =	simm.s32 $0x800;
	s23 =	simm.s32 $0x3  }
0x17: {  	v0 =	vimm.f32 $0.0e+00;
	s24 =	simm.s32 $0x4;
	s25 =	simm.s32 $0x400;
	s1 =	simm.s32 $0x480  }
.LBB2_7:
0x18: {  	s8 =	stileid.u32  }
0x19: {  	[bflag:$0x0] =	sbarrier.arrive $0xFFFF;
	s8 =	sshll.u32 s8, $0x6  }
0x1a: {  	s9 =	sshrl.u32 s6, $0x3;
	s10 =	rddreg [dreg:$0x8];
	s8 =	sor.u32 $0x1C03, s8  }
0x1b: {  	[hbm:s10], [sflag:s8] =	dma.local [spmem:s9], $0x800  }
0x1c: {  	_ =	swait.ge [sflag:s23], $0x800  }
0x1d: {  	[sflag:s23] =	ssyncset.done $0x0;
	s18 =	rddreg [dreg:$0x5]  }
0x1e: {  	s19 =	rddreg [dreg:$0x9];
	[sflag:s23] =	ssyncadd.s32 $0xFFFFF800;
	s9 =	sshrl.u32 s18, $0x3  }
0x1f: {  	[hbm:s19], [sflag:s8] =	dma.local [spmem:s9], $0x800  }
0x20: {  	_ =	swait.ge [sflag:s23], $0x800  }
0x21: {  	[sflag:s23] =	ssyncset.done $0x0;
	s10 =	rddreg [dreg:$0x6]  }
0x22: {  	s14 =	rddreg [dreg:$0xa];
	[sflag:s23] =	ssyncadd.s32 $0xFFFFF800;
	s9 =	sshrl.u32 s10, $0x3  }
0x23: {  	[hbm:s14], [sflag:s8] =	dma.local [spmem:s9], $0x800  }
0x24: {  	_ =	swait.ge [sflag:s23], $0x800  }
0x25: {  	[sflag:s23] =	ssyncset.done $0x0;
	s15 =	rddreg [dreg:$0x7]  }
0x26: {  	s16 =	rddreg [dreg:$0xb];
	[sflag:s23] =	ssyncadd.s32 $0xFFFFF800;
	s9 =	sshrl.u32 s15, $0x3  }
0x27: {  	[hbm:s16], [sflag:s8] =	dma.local [spmem:s9], $0x800  }
0x28: {  	_ =	swait.ge [sflag:s23], $0x800  }
0x29: {  	[sflag:s23] =	ssyncset.done $0x0  }
0x2a: {  	s17 =	sshrl.u32 s11, $0x3;
	s18 =	rddreg [dreg:$0xc];
	[sflag:s23] =	ssyncadd.s32 $0xFFFFF800  }
0x2b: {  	[hbm:s18], [sflag:s8] =	dma.local [spmem:s17], $0x700  }
0x2c: {  	_ =	swait.ge [sflag:s23], $0x700  }
0x2d: {  	[sflag:s23] =	ssyncset.done $0x0  }
0x2e: {  	s9 =	sshrl.u32 @!p0 s12, $0x3;
	s10 =	rddreg [dreg:$0xd];
	[sflag:s23] =	ssyncadd.s32 $0xFFFFF900  }
0x2f: {  	[hbm:s10], [sflag:s8] =	dma.local @!p0 [spmem:s9], $0x100  }
0x30: {  	s8 =	simm.s32 @!p0 $0x3  }
0x31: {  	_ =	swait.ge @!p0 [sflag:s8], $0x100  }
0x32: {  	s13 =	sadd.s32 $0x1, s13;
	s19 =	rddreg [dreg:$0xe]  }
0x33: {  	p1 =	sne.s32 s13, s19  }
.Ltmp1:
0x34: {  	_ = 	snop;
	(pc) =	sbr.rel @!p1 .LBB2_8-.Ltmp1, $3  }
0x35: {  	_ =	sdelay $0x1  }
0x36: {  	[sflag:s8] =	ssyncset.done @!p0 $0x0  }
0x37: {  	[sflag:s8] =	ssyncadd.s32 @!p0 $0xFFFFFF00  }
.LBB2_1:
0x38: {  	s14 =	sand.u32 $0xFE00, s5  }
0x39: {  	s15 =	sand.u32 $0x70, s5;
	s16 =	sshrl.u32 s14, $0x2  }
0x3a: {  	s14 =	simm.s32 $0x40;
	s16 =	sor.u32 s15, s16;
	s15 =	simm.s32 $0x0  }
.LBB2_2:
0x3b: {  	p1 =	sne.s32 s14, $0xFFC0  }
0x3c: {  	[tilespmem:s16+$0x800] =	vst v0;
	s15 =	sadd.s32 $0x10, s15;
	s16 =	smov.u32 s14;
	s14 =	sadd.s32 $0x40, s14  }
.Ltmp2:
0x3d: {  	(pc) =	sbr.rel @p1 .LBB2_2-.Ltmp2, $4  }
0x3e: {  	_ = 	snop  }
0x3f: {  	s16 =	sand.u32 $0xFE00, s16  }
0x40: {  	s17 =	sand.u32 $0x70, s15;
	s16 =	sshrl.u32 s16, $0x2  }
0x41: {  	s16 =	sor.u32 s17, s16  }
0x42: {  	[tilespmem:s16+$0x800] =	vst v0  }
0x43: {  	[spmem:s6] =	stream.linear.scatter [tilespmem:s22], [sflag:$0x3], $0x4000, $0x38;
	[tilespmem:$0x1C080] =	vst v63  }
0x44: {  	_ =	swait.ge [sflag:s23], $0x4000  }
0x45: {  	[sflag:s23] =	ssyncset.done $0x0  }
0x46: {  	s8 =	rddreg [dreg:$0x5];
	[sflag:s23] =	ssyncadd.s32 $0xFFFFC000  }
0x47: {  	[spmem:s8] =	stream.linear.scatter [tilespmem:s22], [sflag:$0x3], $0x4000, $0x38;
	[tilespmem:$0x1C080] =	vst v63  }
0x48: {  	_ =	swait.ge [sflag:s23], $0x4000  }
0x49: {  	[sflag:s23] =	ssyncset.done $0x0  }
0x4a: {  	s18 =	rddreg [dreg:$0x6];
	[sflag:s23] =	ssyncadd.s32 $0xFFFFC000  }
0x4b: {  	[spmem:s18] =	stream.linear.scatter [tilespmem:s22], [sflag:$0x3], $0x4000, $0x38;
	[tilespmem:$0x1C080] =	vst v63  }
0x4c: {  	_ =	swait.ge [sflag:s23], $0x4000  }
0x4d: {  	[sflag:s23] =	ssyncset.done $0x0  }
0x4e: {  	s19 =	rddreg [dreg:$0x7];
	[sflag:s23] =	ssyncadd.s32 $0xFFFFC000  }
0x4f: {  	[spmem:s19] =	stream.linear.scatter [tilespmem:s22], [sflag:$0x3], $0x4000, $0x38;
	[tilespmem:$0x1C080] =	vst v63  }
0x50: {  	_ =	swait.ge [sflag:s23], $0x4000  }
0x51: {  	[sflag:s23] =	ssyncset.done $0x0  }
0x52: {  	[sflag:s23] =	ssyncadd.s32 $0xFFFFC000  }
0x53: {  	[spmem:s11] =	stream.linear.scatter [tilespmem:s22], [sflag:$0x3], $0x3800, $0x38;
	[tilespmem:$0x1C080] =	vst v63  }
0x54: {  	_ =	swait.ge [sflag:s23], $0x3800  }
0x55: {  	[sflag:s23] =	ssyncset.done $0x0  }
0x56: {  	s14 =	simm.s32 @!p0 $0x800;
	[sflag:s23] =	ssyncadd.s32 $0xFFFFC800  }
0x57: {  	[spmem:s12] =	stream.linear.scatter @!p0 [tilespmem:s14], [sflag:$0x3], $0x800, $0x38;
	[tilespmem:$0x1C080] =	vst v63  }
0x58: {  	s14 =	simm.s32 @!p0 $0x3  }
.Ltmp3:
0x59: {  	_ =	swait.ge @!p0 [sflag:s14], $0x800;
	(pc) =	sbr.rel .LBB2_4-.Ltmp3, $4  }
0x5a: {  	[sflag:s14] =	ssyncset.done @!p0 $0x0  }
0x5b: {  	[sflag:s14] =	ssyncadd.s32 @!p0 $0xFFFFF800  }
0x5c: {  	[bflag:$0x0] =	sbarrier.arrive $0xFFFF  }
0x5d: {  	s14 =	simm.s32 $0x0;
	s15 =	rddreg [dreg:$0x4]  }
.LBB2_6:
0x5e: {  	s14 =	sadd.s32 $0x1000, s14  }
0x5f: {  	p1 =	sne.s32 s14, $0xA000  }
.Ltmp4:
0x60: {  	_ = 	snop;
	(pc) =	sbr.rel @!p1 .LBB2_7-.Ltmp4, $2  }
0x61: {  	_ =	sdelay $0x2  }
0x62: {  	s15 =	sadd.s32 $0x20, s15  }
.LBB2_4:
0x63: {  	s16 =	sadd.s32 s15, s4  }
0x64: {  	p1 =	sgt.u32 s16, $0x138  }
.Ltmp5:
0x65: {  	_ = 	snop;
	(pc) =	sbr.rel @p1 .LBB2_6-.Ltmp5, $1  }
0x66: {  	_ =	sdelay $0x3  }
0x67: {  	s16 =	sadd.s32 s14, s20  }
0x68: {  	[tilespmem:s5], [sflag:$0x4] =	stream.linear.gather [hbm4b:s16+s5], $0x400, $0x38;
	[tilespmem:$0x1C080] =	vst v63  }
0x69: {  	_ =	swait.ge [sflag:s24], $0x400  }
0x6a: {  	[sflag:s24] =	ssyncset.done $0x0  }
0x6b: {  	s19 =	sadd.s32 s14, s21;
	[sflag:s24] =	ssyncadd.s32 $0xFFFFFC00  }
0x6c: {  	[tilespmem:s25], [sflag:$0x4] =	stream.linear.gather [hbm4b:s19+s5], $0x400, $0x38;
	[tilespmem:$0x1C080] =	vst v63  }
0x6d: {  	_ =	swait.ge [sflag:s24], $0x400  }
0x6e: {  	[sflag:s24] =	ssyncset.done $0x0  }
0x6f: {  	[sflag:s24] =	ssyncadd.s32 $0xFFFFFC00  }
0x70: {  	[tilespmem:s22], [sflag:$0x1] =	stream.indirect.gather [hbm4b:s2+s26], $0x80, s5, s26, $0xb8;
	[tilespmem:$0x1C080] =	vst v63  }
0x71: {  	_ = 	snop  }
0x72: {  	[tilespmem:s28], [sflag:$0x2] =	stream.indirect.gather [hbm4b:s2+s26], $0x80, s26, s26, $0xb8;
	[tilespmem:$0x1C080] =	vst v63  }
0x73: {  	_ =	swait.ge [sflag:s29], $0x4000  }
0x74: {  	[sflag:s29] =	ssyncset.done $0x0  }
0x75: {  	[sflag:s29] =	ssyncadd.s32 $0xFFFFC000  }
0x76: {  	[spmem:s3] =	stream.indirect.scatter.add.f32 [tilespmem:s22], [sflag:$0x4], $0x80, s25, s26, $0xb8;
	[tilespmem:$0x1C080] =	vst v63  }
0x77: {  	_ =	swait.ge [sflag:s24], $0x4000  }
0x78: {  	[sflag:s24] =	ssyncset.done $0x0  }
0x79: {  	[sflag:s24] =	ssyncadd.s32 $0xFFFFC000  }
0x7a: {  	[tilespmem:s22], [sflag:$0x1] =	stream.indirect.gather [hbm4b:s2+s26], $0x80, s30, s26, $0xb8;
	[tilespmem:$0x1C080] =	vst v63  }
0x7b: {  	_ =	swait.ge [sflag:s31], $0x4000  }
0x7c: {  	[sflag:s31] =	ssyncset.done $0x0  }
0x7d: {  	[sflag:s31] =	ssyncadd.s32 $0xFFFFC000  }
0x7e: {  	[spmem:s3] =	stream.indirect.scatter.add.f32 [tilespmem:s28], [sflag:$0x4], $0x80, s1, s26, $0xb8;
	[tilespmem:$0x1C080] =	vst v63  }
0x7f: {  	_ =	swait.ge [sflag:s24], $0x4000  }
0x80: {  	[sflag:s24] =	ssyncset.done $0x0  }
0x81: {  	[sflag:s24] =	ssyncadd.s32 $0xFFFFC000  }
0x82: {  	[tilespmem:s28], [sflag:$0x2] =	stream.indirect.gather [hbm4b:s2+s26], $0x80, s0, s26, $0xb8;
	[tilespmem:$0x1C080] =	vst v63  }
0x83: {  	_ =	swait.ge [sflag:s29], $0x4000  }
0x84: {  	[sflag:s29] =	ssyncset.done $0x0  }
0x85: {  	[sflag:s29] =	ssyncadd.s32 $0xFFFFC000  }
0x86: {  	[spmem:s3] =	stream.indirect.scatter.add.f32 [tilespmem:s22], [sflag:$0x4], $0x80, s7, s26, $0xb8;
	[tilespmem:$0x1C080] =	vst v63  }
0x87: {  	_ =	swait.ge [sflag:s24], $0x4000  }
0x88: {  	p1 =	sgt.u32 s15, $0x137;
	[sflag:s24] =	ssyncset.done $0x0  }
0x89: {  	s16 =	simm.s32 @p1 $0x2;
	[sflag:s24] =	ssyncadd.s32 $0xFFFFC000  }
0x8a: {  	_ =	swait.ge @p1 [sflag:s16], $0x4000  }
0x8b: {  	s17 =	simm.s32 @p1 $0x580;
	[sflag:s16] =	ssyncset.done @p1 $0x0  }
0x8c: {  	s18 =	simm.s32 @p1 $0x4800;
	[sflag:s16] =	ssyncadd.s32 @p1 $0xFFFFC000;
	s16 =	simm.s32 @p1 $0x80  }
0x8d: {  	[spmem:s3] =	stream.indirect.scatter.add.f32 @p1 [tilespmem:s18], [sflag:$0x4], $0x80, s17, s16, $0xb8;
	[tilespmem:$0x1C080] =	vst v63  }
0x8e: {  	s16 =	simm.s32 @!p1 $0x80;
	s17 =	simm.s32 @!p1 $0x200;
	s18 =	simm.s32 @!p1 $0x800  }
0x8f: {  	[tilespmem:s18], [sflag:$0x1] =	stream.indirect.gather @!p1 [hbm4b:s2+s16], $0x80, s17, s16, $0xb8;
	[tilespmem:$0x1C080] =	vst v63  }
0x90: {  	s17 =	simm.s32 @!p1 $0x2  }
0x91: {  	_ =	swait.ge @!p1 [sflag:s17], $0x4000  }
0x92: {  	[sflag:s17] =	ssyncset.done @!p1 $0x0  }
0x93: {  	s8 =	simm.s32 @!p1 $0x4800;
	s19 =	simm.s32 @!p1 $0x580;
	[sflag:s17] =	ssyncadd.s32 @!p1 $0xFFFFC000  }
0x94: {  	[spmem:s3] =	stream.indirect.scatter.add.f32 @!p1 [tilespmem:s8], [sflag:$0x4], $0x80, s19, s16, $0xb8;
	[tilespmem:$0x1C080] =	vst v63  }
0x95: {  	s19 =	simm.s32 @!p1 $0x4  }
0x96: {  	_ =	swait.ge @!p1 [sflag:s19], $0x4000  }
0x97: {  	[sflag:s19] =	ssyncset.done @!p1 $0x0  }
0x98: {  	s9 =	simm.s32 @!p1 $0x280;
	[sflag:s19] =	ssyncadd.s32 @!p1 $0xFFFFC000  }
0x99: {  	[tilespmem:s8], [sflag:$0x2] =	stream.indirect.gather @!p1 [hbm4b:s2+s16], $0x80, s9, s16, $0xb8;
	[tilespmem:$0x1C080] =	vst v63  }
0x9a: {  	s9 =	simm.s32 @!p1 $0x1  }
0x9b: {  	_ =	swait.ge @!p1 [sflag:s9], $0x4000  }
0x9c: {  	[sflag:s9] =	ssyncset.done @!p1 $0x0  }
0x9d: {  	s10 =	simm.s32 @!p1 $0x600;
	[sflag:s9] =	ssyncadd.s32 @!p1 $0xFFFFC000  }
0x9e: {  	[spmem:s3] =	stream.indirect.scatter.add.f32 @!p1 [tilespmem:s18], [sflag:$0x4], $0x80, s10, s16, $0xb8;
	[tilespmem:$0x1C080] =	vst v63  }
0x9f: {  	_ =	swait.ge @!p1 [sflag:s19], $0x4000  }
0xa0: {  	[sflag:s19] =	ssyncset.done @!p1 $0x0  }
0xa1: {  	s10 =	simm.s32 @!p1 $0x300;
	[sflag:s19] =	ssyncadd.s32 @!p1 $0xFFFFC000  }
0xa2: {  	[tilespmem:s18], [sflag:$0x1] =	stream.indirect.gather @!p1 [hbm4b:s2+s16], $0x80, s10, s16, $0xb8;
	[tilespmem:$0x1C080] =	vst v63  }
0xa3: {  	_ =	swait.ge @!p1 [sflag:s17], $0x4000  }
0xa4: {  	[sflag:s17] =	ssyncset.done @!p1 $0x0  }
0xa5: {  	s10 =	simm.s32 @!p1 $0x680;
	[sflag:s17] =	ssyncadd.s32 @!p1 $0xFFFFC000  }
0xa6: {  	[spmem:s3] =	stream.indirect.scatter.add.f32 @!p1 [tilespmem:s8], [sflag:$0x4], $0x80, s10, s16, $0xb8;
	[tilespmem:$0x1C080] =	vst v63  }
0xa7: {  	_ =	swait.ge @!p1 [sflag:s19], $0x4000  }
0xa8: {  	[sflag:s19] =	ssyncset.done @!p1 $0x0  }
0xa9: {  	s10 =	simm.s32 @!p1 $0x380;
	[sflag:s19] =	ssyncadd.s32 @!p1 $0xFFFFC000  }
0xaa: {  	[tilespmem:s8], [sflag:$0x2] =	stream.indirect.gather @!p1 [hbm4b:s2+s16], $0x80, s10, s16, $0xb8;
	[tilespmem:$0x1C080] =	vst v63  }
0xab: {  	_ =	swait.ge @!p1 [sflag:s9], $0x4000  }
0xac: {  	[sflag:s9] =	ssyncset.done @!p1 $0x0  }
0xad: {  	[sflag:s9] =	ssyncadd.s32 @!p1 $0xFFFFC000;
	s9 =	simm.s32 @!p1 $0x700  }
0xae: {  	[spmem:s3] =	stream.indirect.scatter.add.f32 @!p1 [tilespmem:s18], [sflag:$0x4], $0x80, s9, s16, $0xb8;
	[tilespmem:$0x1C080] =	vst v63  }
0xaf: {  	_ =	swait.ge @!p1 [sflag:s19], $0x4000  }
0xb0: {  	[sflag:s19] =	ssyncset.done @!p1 $0x0  }
0xb1: {  	[sflag:s19] =	ssyncadd.s32 @!p1 $0xFFFFC000  }
0xb2: {  	_ =	swait.ge @!p1 [sflag:s17], $0x4000  }
0xb3: {  	[sflag:s17] =	ssyncset.done @!p1 $0x0  }
0xb4: {  	s9 =	simm.s32 @!p1 $0x780;
	[sflag:s17] =	ssyncadd.s32 @!p1 $0xFFFFC000  }
0xb5: {  	[spmem:s3] =	stream.indirect.scatter.add.f32 @!p1 [tilespmem:s8], [sflag:$0x3], $0x80, s9, s16, $0xb8;
	[tilespmem:$0x1C080] =	vst v63  }
.Ltmp6:
0xb6: {  	s8 =	simm.s32 @!p1 $0x3;
	(pc) =	sbr.rel .LBB2_6-.Ltmp6, $4  }
0xb7: {  	s8 =	simm.s32 @p1 $0x4  }
0xb8: {  	_ =	swait.ge [sflag:s8], $0x4000  }
0xb9: {  	[sflag:s8] =	ssyncset.done $0x0  }
0xba: {  	[sflag:s8] =	ssyncadd.s32 $0xFFFFC000  }
.LBB2_8:
0xbb: {  	_ =	sfence.sel $0x180000  }
0xbc: {  	[bflag:$0x0] =	sbarrier.arrive $0xFFFF  }
0xbd: {  	_ =	strace $0x9000004D  }
0xbe: {  	s0 =	stileid.u32;
	[bflag:$0x2] =	sbarrier.arrive $0xFFFF  }
0xbf: {  	p0 =	sne.s32 s0, $0x0;
	s0 =	rddreg [dreg:$0x3]  }
0xc0: {  	s0 =	sadd.s32 @!p0 $0x100000, s0  }
0xc1: {  	[sflag:s0] =	ssyncadd.tile.s32 @!p0 $0x1;
	_ =	shalt  }
.Lfunc_end2:
_tile_overlayer_lowered:
.L_overlay_start_2:
0xc2: {  	(tag) =	ssettag $0x2  }
0xc3: {  	s0 =	rddreg [dreg:$0x0];
	s2 =	stileid.u32  }
0xc4: {  	s1 =	rddreg [dreg:$0x1];
	p0 =	sne.s32 s2, $0x0  }
0xc5: {  	s3 =	rddreg [dreg:$0x2];
	[bflag:$0x3] =	sbarrier.arrive $0xFFFF;
	s2 =	simm.s32 @!p0 $0x1C03  }
0xc6: {  	[timem:s3], [sflag:s2] =	dma.local @!p0 [hbm:s0], s1  }
0xc7: {  	s0 =	simm.s32 @!p0 $0x3  }
0xc8: {  	_ =	swait.ge @!p0 [sflag:s0], s1  }
0xc9: {  	s1 =	ssub.s32 @!p0 $0x0, s1;
	[sflag:s0] =	ssyncset.done @!p0 $0x0  }
0xca: {  	[sflag:s0] =	ssyncadd.s32 @!p0 s1  }
0xcb: {  	[bflag:$0x3] =	sbarrier.arrive $0xFFFF  }
0xcc: {  	_ =	shalt  }

// kernel: kernel.20.cloned.1.call-start
scs
__scs_entry_jumppad:
0x0: {  	(pc) =	sbr.rel $0x88, $3  }
0x1: {  	(tag) =	ssettag $0x0;
	lr =	simm.s32 $0x1  }
0x2: {  	[smem:$0x3F9B] =	sst lr;
	_ =	strace $0xD0000000  }
0x3: {  	_ = 	snop  }
0x4: {  	_ = 	snop  }
0x5: {  	_ = 	snop  }
0x6: {  	_ = 	snop  }
0x7: {  	_ = 	snop  }
__scs_overlays_trampoline_lowered:
0x8: {  	[smem:$0x3FAA] =	sst s0  }
0x9: {  	[smem:$0x3FAB] =	sst s1  }
0xa: {  	[smem:$0x3FAC] =	sst s2  }
0xb: {  	[smem:$0x3FAD] =	sst s3  }
0xc: {  	[smem:$0x3FAE] =	sst s4  }
0xd: {  	[smem:$0x3FAF] =	sst s5  }
0xe: {  	[smem:$0x3FB0] =	sst s6  }
0xf: {  	[smem:$0x3FB1] =	sst s7  }
0x10: {  	[smem:$0x3FB2] =	sst s8  }
0x11: {  	[smem:$0x3FB3] =	sst s9;
	s0 =	simm.s32 @!p0 $0x0  }
0x12: {  	s1 =	sld [smem:$0x3F99];
	s0 =	simm.s32 @p0 $0x1  }
0x13: {  	[smem:$0x3FB4] =	sst s0;
	s0 =	simm.s32 @!p1 $0x0  }
0x14: {  	s2 =	sld [smem:$0x3F98];
	s0 =	simm.s32 @p1 $0x1  }
0x15: {  	[smem:$0x3FB5] =	sst s0;
	s0 =	simm.s32 @!p2 $0x0  }
0x16: {  	s3 =	sld [smem:$0x3FDB];
	s0 =	simm.s32 @p2 $0x1  }
0x17: {  	s4 =	simm.s32 $0x1BF5;
	[smem:$0x3FB7] =	sst s0  }
0x18: {  	s0 =	sld [smem:$0x3F9A];
	_ =	swait.ge [sflag:s4], $0x0  }
0x19: {  	s7 =	sld [smem:$0x3F9B]  }
0x1a: {  	s8 =	sadd.s32 $0xFFFFE003, lr  }
0x1b: {  	s9 =	sadd.s32 $0xFFFFFEF7, lr;
	s5 =	simm.s32 $0xFFFFFFFF;
	p2 =	slt.u32 s8, $0xFFFFF086  }
0x1c: {  	p1 =	slt.u32 s9, $0xF7A;
	s5 =	simm.s32 @!p2 $0x0  }
0x1d: {  	s5 =	simm.s32 @p1 $0x1;
	p0 =	seq.s32 s7, s2  }
0x1e: {  	s7 =	smul.u32 @!p0 $0xF7A, s2;
	p2 =	seq.s32 @!p0 s5, $0x0  }
0x1f: {  	s9 =	smul.u32 $0xF7A, s1;
	s8 =	simm.s32 @!p0 $0x1BF5;
	p2 =	por !p2, p0  }
0x20: {  	[sflag:s8] =	ssyncset.s32 @!p0 $0xFFFFF086;
	s6 =	sadd.s32 @!p0 s3, s7;
	s7 =	simm.s32 @!p0 $0x108  }
0x21: {  	s3 =	sadd.s32 s3, s9;
	s6 =	sadd.s32 @!p0 $0x88, s6;
	s7 =	simm.s32 @p2 $0x1082  }
0x22: {  	[simem:s7], [sflag:s8] =	dma.local @!p0 [hbm:s6], $0xF7A  }
0x23: {  	s9 =	sor.u32 $0xD0000000, s2;
	s6 =	simm.s32 $0x108;
	_ =	swait.ge @!p0 [sflag:s8], $0x0  }
0x24: {  	s3 =	sadd.s32 $0x88, s3;
	s6 =	simm.s32 @!p1 $0x1082;
	[sflag:s4] =	ssyncset.s32 $0xFFFFF086  }
0x25: {  	[simem:s6], [sflag:s4] =	dma.local [hbm:s3], $0xF7A  }
0x26: {  	[smem:$0x3F9B] =	sst s1;
	(tag) =	ssettag s2;
	_ =	strace s9  }
0x27: {  	s1 =	sld [smem:$0x3FAB]  }
0x28: {  	s2 =	sld [smem:$0x3FAC]  }
0x29: {  	s4 =	sld [smem:$0x3FAE]  }
0x2a: {  	p0 =	seq.s32 s5, $0x0;
	s5 =	sld [smem:$0x3FAF]  }
0x2b: {  	s6 =	sld [smem:$0x3FB0]  }
0x2c: {  	s7 =	sld [smem:$0x3FB1]  }
0x2d: {  	s3 =	simm.s32 $0x108;
	s8 =	sld [smem:$0x3FB2]  }
0x2e: {  	s3 =	simm.s32 @!p0 $0x1082;
	s9 =	sld [smem:$0x3FB3]  }
0x2f: {  	lr =	sadd.s32 s0, s3;
	s0 =	sld [smem:$0x3FAA]  }
0x30: {  	s3 =	sld [smem:$0x3FAD]  }
0x31: {  	[smem:$0x3FB6] =	sst s10  }
0x32: {  	s10 =	sld [smem:$0x3FB4];
	_ =	sdelay $0x3  }
0x33: {  	p0 =	seq.s32 s10, $0x1;
	s10 =	sld [smem:$0x3FB6];
	_ =	sdelay $0x3  }
0x34: {  	[smem:$0x3FB6] =	sst s10  }
0x35: {  	s10 =	sld [smem:$0x3FB5];
	_ =	sdelay $0x3  }
0x36: {  	p1 =	seq.s32 s10, $0x1;
	s10 =	sld [smem:$0x3FB6];
	_ =	sdelay $0x3  }
0x37: {  	[smem:$0x3FB6] =	sst s10  }
0x38: {  	s10 =	sld [smem:$0x3FB7]  }
0x39: {  	_ = 	snop;
	(pc) =	sbr.ind lr, $3  }
0x3a: {  	_ = 	snop  }
0x3b: {  	_ = 	snop  }
0x3c: {  	p2 =	seq.s32 s10, $0x1;
	s10 =	sld [smem:$0x3FB6]  }
0x3d: {  	_ =	shalt  }
0x3e: {  	_ =	shalt  }
0x3f: {  	_ =	shalt  }
0x40: {  	_ =	shalt  }
0x41: {  	_ =	shalt  }
0x42: {  	_ =	shalt  }
0x43: {  	_ =	shalt  }
0x44: {  	_ =	shalt  }
0x45: {  	_ =	shalt  }
0x46: {  	_ =	shalt  }
0x47: {  	_ =	shalt  }
0x48: {  	_ =	shalt  }
0x49: {  	_ =	shalt  }
0x4a: {  	_ =	shalt  }
0x4b: {  	_ =	shalt  }
0x4c: {  	_ =	shalt  }
0x4d: {  	_ =	shalt  }
0x4e: {  	_ =	shalt  }
0x4f: {  	_ =	shalt  }
0x50: {  	_ =	shalt  }
0x51: {  	_ =	shalt  }
0x52: {  	_ =	shalt  }
0x53: {  	_ =	shalt  }
0x54: {  	_ =	shalt  }
0x55: {  	_ =	shalt  }
0x56: {  	_ =	shalt  }
0x57: {  	_ =	shalt  }
0x58: {  	_ =	shalt  }
0x59: {  	_ =	shalt  }
0x5a: {  	_ =	shalt  }
0x5b: {  	_ =	shalt  }
0x5c: {  	_ =	shalt  }
0x5d: {  	_ =	shalt  }
0x5e: {  	_ =	shalt  }
0x5f: {  	_ =	shalt  }
0x60: {  	_ =	shalt  }
0x61: {  	_ =	shalt  }
0x62: {  	_ =	shalt  }
0x63: {  	_ =	shalt  }
0x64: {  	_ =	shalt  }
0x65: {  	_ =	shalt  }
0x66: {  	_ =	shalt  }
0x67: {  	_ =	shalt  }
0x68: {  	_ =	shalt  }
0x69: {  	_ =	shalt  }
0x6a: {  	_ =	shalt  }
0x6b: {  	_ =	shalt  }
0x6c: {  	_ =	shalt  }
0x6d: {  	_ =	shalt  }
0x6e: {  	_ =	shalt  }
0x6f: {  	_ =	shalt  }
0x70: {  	_ =	shalt  }
0x71: {  	_ =	shalt  }
0x72: {  	_ =	shalt  }
0x73: {  	_ =	shalt  }
0x74: {  	_ =	shalt  }
0x75: {  	_ =	shalt  }
0x76: {  	_ =	shalt  }
0x77: {  	_ =	shalt  }
0x78: {  	_ =	shalt  }
0x79: {  	_ =	shalt  }
0x7a: {  	_ =	shalt  }
0x7b: {  	_ =	shalt  }
0x7c: {  	_ =	shalt  }
0x7d: {  	_ =	shalt  }
0x7e: {  	_ =	shalt  }
0x7f: {  	_ =	shalt  }
0x80: {  	_ =	shalt  }
0x81: {  	_ =	shalt  }
0x82: {  	_ =	shalt  }
0x83: {  	_ =	shalt  }
0x84: {  	_ =	shalt  }
0x85: {  	_ =	shalt  }
0x86: {  	_ =	shalt  }
0x87: {  	_ =	shalt  }
.Lfunc_end0:
.L_simem_size_0:
called_computation.3_lowered:
.L_overlay_start_0:
0x88: {  	s2 =	sld [smem:$0x3FD9]  }
0x89: {  	s3 =	sld [smem:$0x3FFE];
	_ =	sdelay $0x1  }
0x8a: {  	s1 =	srdreg.scid  }
0x8b: {  	s0 =	sand.u32 $0x1, s1  }
0x8c: {  	s17 =	sshll.u32 s0, $0xA;
	s2 =	sadd.s32 s3, s2  }
0x8d: {  	s2 =	sadd.s32 s2, s17  }
0x8e: {  	[smem:$0x3FC2] =	sst s2  }
0x8f: {  	_ = 	snop  }
0x90: {  	s2 =	sld [smem:$0x3FD0];
	(tm) =	ssettm $0x1  }
0x91: {  	s18 =	sld [smem:$0x3FFB];
	_ =	sdelay $0x3  }
0x92: {  	_ =	strace s18  }
0x93: {  	s3 =	sld [smem:$0x3FFC];
	_ =	sdelay $0x3  }
0x94: {  	_ =	strace s3  }
0x95: {  	s3 =	sld [smem:$0x3FFD];
	_ =	sdelay $0x3  }
0x96: {  	_ =	strace s3  }
0x97: {  	_ =	strace $0x8FFFFFFF  }
0x98: {  	s19 =	sld [smem:$0x3FDB];
	_ =	sdelay $0x1  }
0x99: {  	s4 =	simm.s32 $_scs_section_size  }
0x9a: {  	s5 =	simm.s32 $_size__tile_overlayer_lowered;
	s6 =	simm.s32 $_tile_overlayer_lowered  }
0x9b: {  	s22 =	simm.s32 $0x1BFF;
	s21 =	sshll.u32 s6, $0x1;
	s3 =	sadd.s32 s4, s19  }
0x9c: {  	s7 =	simm.s32 $0x0;
	s20 =	sshll.u32 s5, $0x1;
	s5 =	sadd.s32 s21, s3  }
0x9d: {  	[timem:s7], [sflag:s22] =	dma.local [hbm:s5], s20  }
0x9e: {  	_ =	swait.ge [sflag:s22], s20  }
0x9f: {  	s4 =	ssub.s32 $0x0, s20;
	[sflag:s22] =	ssyncset.done $0x0  }
0xa0: {  	[sflag:s22] =	ssyncadd.s32 s4;
	_ =	sdelay $0x1  }
0xa1: {  	s23 =	simm.s32 $0x1B8B  }
0xa2: {  	_ =	swait.ge [sflag:s23], $0x1  }
0xa3: {  	[sflag:s23] =	ssyncset.done $0x0  }
0xa4: {  	s25 =	simm.s32 $0x1B8E;
	s24 =	sld [smem:$0x3FFE];
	[sflag:s23] =	ssyncadd.s32 $0xFFFFFFFF  }
0xa5: {  	s26 =	simm.s32 $execute0_lowered;
	[smem:$0x3FD2] =	sst s25  }
0xa6: {  	s5 =	sshll.u32 s26, $0x1;
	_ =	strace $0x8000004F;
	[dreg:$0x1] =	wrdreg $0xFFFFFFFF  }
0xa7: {  	s28 =	simm.s32 $_size_execute0_lowered;
	s3 =	sadd.s32 s3, s5;
	[dreg:$0x0] =	wrdreg $0x0  }
0xa8: {  	s5 =	sshll.u32 s28, $0x1;
	[dreg:$0x2] =	wrdreg s3  }
0xa9: {  	[dreg:$0x3] =	wrdreg s5  }
0xaa: {  	[dreg:$0x4] =	wrdreg $0xC0  }
0xab: {  	_ =	task [dreg:s7], $0x5FFFF  }
0xac: {  	[dreg:$0x1] =	wrdreg $0xFFFFFFFF  }
0xad: {  	[dreg:$0x0] =	wrdreg $0x60  }
0xae: {  	[dreg:$0x2] =	wrdreg s24  }
0xaf: {  	[dreg:$0x3] =	wrdreg s2  }
0xb0: {  	[dreg:$0x4] =	wrdreg $0x88000  }
0xb1: {  	[dreg:$0x5] =	wrdreg $0x9  }
0xb2: {  	_ =	task.clear_ibuf [dreg:s7], $0x6FFFF;
	_ =	strace $0x9000004F  }
0xb3: {  	s29 =	simm.s32 $0x9;
	_ =	strace $0x80000051  }
0xb4: {  	_ =	swait.ge [sflag:s29], $0x1  }
0xb5: {  	[sflag:s29] =	ssyncadd.s32 $0xFFFFFFFF  }
0xb6: {  	_ =	strace $0x90000051  }
0xb7: {  	_ =	sfence  }
0xb8: {  	s30 =	sld [smem:$0x0];
	_ =	sdelay $0x2  }
0xb9: {  	s31 =	sshll.u32 s1, $0xD;
	s1 =	sshrl.u32 s1, $0x2  }
0xba: {  	s3 =	sand.u32 $0x4000, s31;
	s1 =	sadd.s32 s1, s30  }
0xbb: {  	s0 =	sor.u32 s3, s0;
	s1 =	sshll.u32 s1, $0x11  }
0xbc: {  	s0 =	sor.u32 s1, s0  }
0xbd: {  	s0 =	sadd.s32 $0x8F2B, s0  }
0xbe: {  	[sflag:s0] =	ssyncadd.remote.s32 $0x1  }
0xbf: {  	_ =	sfence.sel $0xFFFF  }
0xc0: {  	[dreg:$0x0] =	wrdreg $0xFFFFFFFF;
	(pc) =	sbr.abs _section_cstart, $3  }
0xc1: {  	[dreg:$0x1] =	wrdreg $0xFFFFFFFF  }
0xc2: {  	_ =	task.clear_ibuf [dreg:s7], $0x2FFFF;
	_ =	strace $0x9FFFFFFF  }
0xc3: {  	(tm) =	ssettm $0x7FFFFFFF  }
tec
execute0_lowered:
.L_overlay_start_1:
0x0: {  	(tag) =	ssettag $0x1  }
0x1: {  	s0 =	rddreg [dreg:$0x0]  }
0x2: {  	s2 =	rddreg [dreg:$0x1]  }
0x3: {  	s1 =	srdreg.scid;
	s9 =	stileid.u32  }
0x4: {  	s3 =	rddreg [dreg:$0x2];
	s5 =	simm.s32 $0x0;
	s28 =	simm.s32 $0x4800  }
0x5: {  	s29 =	simm.s32 $0x1;
	s30 =	simm.s32 $0x100;
	s31 =	simm.s32 $0x2  }
0x6: {  	s4 =	sand.u32 $0x1, s1;
	s14 =	smul.u32 $0x270, s9;
	[smem:$0x7FF] =	sst s5  }
0x7: {  	s7 =	smul.u32 $0x4E000, s9;
	s17 =	sshll.u32 s9, $0x1;
	s12 =	sadd.s32 $0x138000, s3  }
0x8: {  	s13 =	sshll.u32 s9, $0x8;
	p0 =	sne.s32 s9, $0xF;
	s6 =	smul.u32 $0x2710, s4  }
0x9: {  	_ =	strace $0x80000050;
	s8 =	ssub.s32 $0x2, s4;
	s15 =	sshrl.u32 s7, $0x2  }
0xa: {  	s16 =	sshrl.u32 s8, $0x1;
	s1 =	sadd.s32 s14, s6;
	s6 =	sadd.s32 s15, s3  }
0xb: {  	[dreg:$0x4] =	wrdreg s17;
	s7 =	ssub.s32 s8, s16;
	s18 =	sadd.s32 $0x4000, s6  }
0xc: {  	s14 =	sshll.u32 s4, $0x7;
	s19 =	sadd.s32 $0x8000, s6;
	[dreg:$0x5] =	wrdreg s18  }
0xd: {  	s1 =	sshll.u32 s1, $0x4;
	s20 =	sadd.s32 $0xC000, s6;
	[dreg:$0x6] =	wrdreg s19  }
0xe: {  	s26 =	smax.u32 s7, $0x1;
	s1 =	sadd.s32 s1, s0;
	[dreg:$0x7] =	wrdreg s20  }
0xf: {  	s11 =	sadd.s32 $0x10000, s6;
	[dreg:$0xe] =	wrdreg s26;
	s21 =	sadd.s32 $0x13C00, s1  }
0x10: {  	s7 =	simm.s32 $0x500;
	s22 =	sadd.s32 $0x14400, s1;
	[dreg:$0x8] =	wrdreg s21  }
0x11: {  	s0 =	sadd.s32 s13, s0;
	s23 =	sadd.s32 $0x14C00, s1;
	[dreg:$0x9] =	wrdreg s22  }
0x12: {  	s26 =	simm.s32 $0x80;
	s24 =	sadd.s32 $0x15400, s1;
	[dreg:$0xa] =	wrdreg s23  }
.Ltmp0:
0x13: {  	s25 =	sadd.s32 $0x15C00, s1;
	[dreg:$0xb] =	wrdreg s24;
	(pc) =	sbr.rel .LBB2_1-.Ltmp0, $4  }
0x14: {  	s13 =	simm.s32 $0x0;
	s1 =	sadd.s32 $0x16300, s1;
	[dreg:$0xc] =	wrdreg s25  }
0x15: {  	s20 =	sadd.s32 s14, s0;
	s0 =	simm.s32 $0x180;
	[dreg:$0xd] =	wrdreg s1  }
0x16: {  	s21 =	sadd.s32 $0x9E00, s20;
	s22 =	simm.s32 $0x800;
	s23 =	simm.s32 $0x3  }
0x17: {  	v0 =	vimm.f32 $0.0e+00;
	s24 =	simm.s32 $0x4;
	s25 =	simm.s32 $0x400;
	s1 =	simm.s32 $0x480  }
.LBB2_7:
0x18: {  	s8 =	stileid.u32  }
0x19: {  	[bflag:$0x0] =	sbarrier.arrive $0xFFFF;
	s8 =	sshll.u32 s8, $0x6  }
0x1a: {  	s9 =	sshrl.u32 s6, $0x3;
	s10 =	rddreg [dreg:$0x8];
	s8 =	sor.u32 $0x1C03, s8  }
0x1b: {  	[hbm:s10], [sflag:s8] =	dma.local [spmem:s9], $0x800  }
0x1c: {  	_ =	swait.ge [sflag:s23], $0x800  }
0x1d: {  	[sflag:s23] =	ssyncset.done $0x0;
	s18 =	rddreg [dreg:$0x5]  }
0x1e: {  	s19 =	rddreg [dreg:$0x9];
	[sflag:s23] =	ssyncadd.s32 $0xFFFFF800;
	s9 =	sshrl.u32 s18, $0x3  }
0x1f: {  	[hbm:s19], [sflag:s8] =	dma.local [spmem:s9], $0x800  }
0x20: {  	_ =	swait.ge [sflag:s23], $0x800  }
0x21: {  	[sflag:s23] =	ssyncset.done $0x0;
	s10 =	rddreg [dreg:$0x6]  }
0x22: {  	s14 =	rddreg [dreg:$0xa];
	[sflag:s23] =	ssyncadd.s32 $0xFFFFF800;
	s9 =	sshrl.u32 s10, $0x3  }
0x23: {  	[hbm:s14], [sflag:s8] =	dma.local [spmem:s9], $0x800  }
0x24: {  	_ =	swait.ge [sflag:s23], $0x800  }
0x25: {  	[sflag:s23] =	ssyncset.done $0x0;
	s15 =	rddreg [dreg:$0x7]  }
0x26: {  	s16 =	rddreg [dreg:$0xb];
	[sflag:s23] =	ssyncadd.s32 $0xFFFFF800;
	s9 =	sshrl.u32 s15, $0x3  }
0x27: {  	[hbm:s16], [sflag:s8] =	dma.local [spmem:s9], $0x800  }
0x28: {  	_ =	swait.ge [sflag:s23], $0x800  }
0x29: {  	[sflag:s23] =	ssyncset.done $0x0  }
0x2a: {  	s17 =	sshrl.u32 s11, $0x3;
	s18 =	rddreg [dreg:$0xc];
	[sflag:s23] =	ssyncadd.s32 $0xFFFFF800  }
0x2b: {  	[hbm:s18], [sflag:s8] =	dma.local [spmem:s17], $0x700  }
0x2c: {  	_ =	swait.ge [sflag:s23], $0x700  }
0x2d: {  	[sflag:s23] =	ssyncset.done $0x0  }
0x2e: {  	s9 =	sshrl.u32 @!p0 s12, $0x3;
	s10 =	rddreg [dreg:$0xd];
	[sflag:s23] =	ssyncadd.s32 $0xFFFFF900  }
0x2f: {  	[hbm:s10], [sflag:s8] =	dma.local @!p0 [spmem:s9], $0x100  }
0x30: {  	s8 =	simm.s32 @!p0 $0x3  }
0x31: {  	_ =	swait.ge @!p0 [sflag:s8], $0x100  }
0x32: {  	s13 =	sadd.s32 $0x1, s13;
	s19 =	rddreg [dreg:$0xe]  }
0x33: {  	p1 =	sne.s32 s13, s19  }
.Ltmp1:
0x34: {  	_ = 	snop;
	(pc) =	sbr.rel @!p1 .LBB2_8-.Ltmp1, $3  }
0x35: {  	_ =	sdelay $0x1  }
0x36: {  	[sflag:s8] =	ssyncset.done @!p0 $0x0  }
0x37: {  	[sflag:s8] =	ssyncadd.s32 @!p0 $0xFFFFFF00  }
.LBB2_1:
0x38: {  	s14 =	sand.u32 $0xFE00, s5  }
0x39: {  	s15 =	sand.u32 $0x70, s5;
	s16 =	sshrl.u32 s14, $0x2  }
0x3a: {  	s14 =	simm.s32 $0x40;
	s16 =	sor.u32 s15, s16;
	s15 =	simm.s32 $0x0  }
.LBB2_2:
0x3b: {  	p1 =	sne.s32 s14, $0xFFC0  }
0x3c: {  	[tilespmem:s16+$0x800] =	vst v0;
	s15 =	sadd.s32 $0x10, s15;
	s16 =	smov.u32 s14;
	s14 =	sadd.s32 $0x40, s14  }
.Ltmp2:
0x3d: {  	(pc) =	sbr.rel @p1 .LBB2_2-.Ltmp2, $4  }
0x3e: {  	_ = 	snop  }
0x3f: {  	s16 =	sand.u32 $0xFE00, s16  }
0x40: {  	s17 =	sand.u32 $0x70, s15;
	s16 =	sshrl.u32 s16, $0x2  }
0x41: {  	s16 =	sor.u32 s17, s16  }
0x42: {  	[tilespmem:s16+$0x800] =	vst v0  }
0x43: {  	[spmem:s6] =	stream.linear.scatter [tilespmem:s22], [sflag:$0x3], $0x4000, $0x38;
	[tilespmem:$0x1C080] =	vst v63  }
0x44: {  	_ =	swait.ge [sflag:s23], $0x4000  }
0x45: {  	[sflag:s23] =	ssyncset.done $0x0  }
0x46: {  	s8 =	rddreg [dreg:$0x5];
	[sflag:s23] =	ssyncadd.s32 $0xFFFFC000  }
0x47: {  	[spmem:s8] =	stream.linear.scatter [tilespmem:s22], [sflag:$0x3], $0x4000, $0x38;
	[tilespmem:$0x1C080] =	vst v63  }
0x48: {  	_ =	swait.ge [sflag:s23], $0x4000  }
0x49: {  	[sflag:s23] =	ssyncset.done $0x0  }
0x4a: {  	s18 =	rddreg [dreg:$0x6];
	[sflag:s23] =	ssyncadd.s32 $0xFFFFC000  }
0x4b: {  	[spmem:s18] =	stream.linear.scatter [tilespmem:s22], [sflag:$0x3], $0x4000, $0x38;
	[tilespmem:$0x1C080] =	vst v63  }
0x4c: {  	_ =	swait.ge [sflag:s23], $0x4000  }
0x4d: {  	[sflag:s23] =	ssyncset.done $0x0  }
0x4e: {  	s19 =	rddreg [dreg:$0x7];
	[sflag:s23] =	ssyncadd.s32 $0xFFFFC000  }
0x4f: {  	[spmem:s19] =	stream.linear.scatter [tilespmem:s22], [sflag:$0x3], $0x4000, $0x38;
	[tilespmem:$0x1C080] =	vst v63  }
0x50: {  	_ =	swait.ge [sflag:s23], $0x4000  }
0x51: {  	[sflag:s23] =	ssyncset.done $0x0  }
0x52: {  	[sflag:s23] =	ssyncadd.s32 $0xFFFFC000  }
0x53: {  	[spmem:s11] =	stream.linear.scatter [tilespmem:s22], [sflag:$0x3], $0x3800, $0x38;
	[tilespmem:$0x1C080] =	vst v63  }
0x54: {  	_ =	swait.ge [sflag:s23], $0x3800  }
0x55: {  	[sflag:s23] =	ssyncset.done $0x0  }
0x56: {  	s14 =	simm.s32 @!p0 $0x800;
	[sflag:s23] =	ssyncadd.s32 $0xFFFFC800  }
0x57: {  	[spmem:s12] =	stream.linear.scatter @!p0 [tilespmem:s14], [sflag:$0x3], $0x800, $0x38;
	[tilespmem:$0x1C080] =	vst v63  }
0x58: {  	s14 =	simm.s32 @!p0 $0x3  }
.Ltmp3:
0x59: {  	_ =	swait.ge @!p0 [sflag:s14], $0x800;
	(pc) =	sbr.rel .LBB2_4-.Ltmp3, $4  }
0x5a: {  	[sflag:s14] =	ssyncset.done @!p0 $0x0  }
0x5b: {  	[sflag:s14] =	ssyncadd.s32 @!p0 $0xFFFFF800  }
0x5c: {  	[bflag:$0x0] =	sbarrier.arrive $0xFFFF  }
0x5d: {  	s14 =	simm.s32 $0x0;
	s15 =	rddreg [dreg:$0x4]  }
.LBB2_6:
0x5e: {  	s14 =	sadd.s32 $0x1000, s14  }
0x5f: {  	p1 =	sne.s32 s14, $0xA000  }
.Ltmp4:
0x60: {  	_ = 	snop;
	(pc) =	sbr.rel @!p1 .LBB2_7-.Ltmp4, $2  }
0x61: {  	_ =	sdelay $0x2  }
0x62: {  	s15 =	sadd.s32 $0x20, s15  }
.LBB2_4:
0x63: {  	s16 =	sadd.s32 s15, s4  }
0x64: {  	p1 =	sgt.u32 s16, $0x138  }
.Ltmp5:
0x65: {  	_ = 	snop;
	(pc) =	sbr.rel @p1 .LBB2_6-.Ltmp5, $1  }
0x66: {  	_ =	sdelay $0x3  }
0x67: {  	s16 =	sadd.s32 s14, s20  }
0x68: {  	[tilespmem:s5], [sflag:$0x4] =	stream.linear.gather [hbm4b:s16+s5], $0x400, $0x38;
	[tilespmem:$0x1C080] =	vst v63  }
0x69: {  	_ =	swait.ge [sflag:s24], $0x400  }
0x6a: {  	[sflag:s24] =	ssyncset.done $0x0  }
0x6b: {  	s19 =	sadd.s32 s14, s21;
	[sflag:s24] =	ssyncadd.s32 $0xFFFFFC00  }
0x6c: {  	[tilespmem:s25], [sflag:$0x4] =	stream.linear.gather [hbm4b:s19+s5], $0x400, $0x38;
	[tilespmem:$0x1C080] =	vst v63  }
0x6d: {  	_ =	swait.ge [sflag:s24], $0x400  }
0x6e: {  	[sflag:s24] =	ssyncset.done $0x0  }
0x6f: {  	[sflag:s24] =	ssyncadd.s32 $0xFFFFFC00  }
0x70: {  	[tilespmem:s22], [sflag:$0x1] =	stream.indirect.gather [hbm4b:s2+s26], $0x80, s5, s26, $0xb8;
	[tilespmem:$0x1C080] =	vst v63  }
0x71: {  	_ = 	snop  }
0x72: {  	[tilespmem:s28], [sflag:$0x2] =	stream.indirect.gather [hbm4b:s2+s26], $0x80, s26, s26, $0xb8;
	[tilespmem:$0x1C080] =	vst v63  }
0x73: {  	_ =	swait.ge [sflag:s29], $0x4000  }
0x74: {  	[sflag:s29] =	ssyncset.done $0x0  }
0x75: {  	[sflag:s29] =	ssyncadd.s32 $0xFFFFC000  }
0x76: {  	[spmem:s3] =	stream.indirect.scatter.add.f32 [tilespmem:s22], [sflag:$0x4], $0x80, s25, s26, $0xb8;
	[tilespmem:$0x1C080] =	vst v63  }
0x77: {  	_ =	swait.ge [sflag:s24], $0x4000  }
0x78: {  	[sflag:s24] =	ssyncset.done $0x0  }
0x79: {  	[sflag:s24] =	ssyncadd.s32 $0xFFFFC000  }
0x7a: {  	[tilespmem:s22], [sflag:$0x1] =	stream.indirect.gather [hbm4b:s2+s26], $0x80, s30, s26, $0xb8;
	[tilespmem:$0x1C080] =	vst v63  }
0x7b: {  	_ =	swait.ge [sflag:s31], $0x4000  }
0x7c: {  	[sflag:s31] =	ssyncset.done $0x0  }
0x7d: {  	[sflag:s31] =	ssyncadd.s32 $0xFFFFC000  }
0x7e: {  	[spmem:s3] =	stream.indirect.scatter.add.f32 [tilespmem:s28], [sflag:$0x4], $0x80, s1, s26, $0xb8;
	[tilespmem:$0x1C080] =	vst v63  }
0x7f: {  	_ =	swait.ge [sflag:s24], $0x4000  }
0x80: {  	[sflag:s24] =	ssyncset.done $0x0  }
0x81: {  	[sflag:s24] =	ssyncadd.s32 $0xFFFFC000  }
0x82: {  	[tilespmem:s28], [sflag:$0x2] =	stream.indirect.gather [hbm4b:s2+s26], $0x80, s0, s26, $0xb8;
	[tilespmem:$0x1C080] =	vst v63  }
0x83: {  	_ =	swait.ge [sflag:s29], $0x4000  }
0x84: {  	[sflag:s29] =	ssyncset.done $0x0  }
0x85: {  	[sflag:s29] =	ssyncadd.s32 $0xFFFFC000  }
0x86: {  	[spmem:s3] =	stream.indirect.scatter.add.f32 [tilespmem:s22], [sflag:$0x4], $0x80, s7, s26, $0xb8;
	[tilespmem:$0x1C080] =	vst v63  }
0x87: {  	_ =	swait.ge [sflag:s24], $0x4000  }
0x88: {  	p1 =	sgt.u32 s15, $0x137;
	[sflag:s24] =	ssyncset.done $0x0  }
0x89: {  	s16 =	simm.s32 @p1 $0x2;
	[sflag:s24] =	ssyncadd.s32 $0xFFFFC000  }
0x8a: {  	_ =	swait.ge @p1 [sflag:s16], $0x4000  }
0x8b: {  	s17 =	simm.s32 @p1 $0x580;
	[sflag:s16] =	ssyncset.done @p1 $0x0  }
0x8c: {  	s18 =	simm.s32 @p1 $0x4800;
	[sflag:s16] =	ssyncadd.s32 @p1 $0xFFFFC000;
	s16 =	simm.s32 @p1 $0x80  }
0x8d: {  	[spmem:s3] =	stream.indirect.scatter.add.f32 @p1 [tilespmem:s18], [sflag:$0x4], $0x80, s17, s16, $0xb8;
	[tilespmem:$0x1C080] =	vst v63  }
0x8e: {  	s16 =	simm.s32 @!p1 $0x80;
	s17 =	simm.s32 @!p1 $0x200;
	s18 =	simm.s32 @!p1 $0x800  }
0x8f: {  	[tilespmem:s18], [sflag:$0x1] =	stream.indirect.gather @!p1 [hbm4b:s2+s16], $0x80, s17, s16, $0xb8;
	[tilespmem:$0x1C080] =	vst v63  }
0x90: {  	s17 =	simm.s32 @!p1 $0x2  }
0x91: {  	_ =	swait.ge @!p1 [sflag:s17], $0x4000  }
0x92: {  	[sflag:s17] =	ssyncset.done @!p1 $0x0  }
0x93: {  	s8 =	simm.s32 @!p1 $0x4800;
	s19 =	simm.s32 @!p1 $0x580;
	[sflag:s17] =	ssyncadd.s32 @!p1 $0xFFFFC000  }
0x94: {  	[spmem:s3] =	stream.indirect.scatter.add.f32 @!p1 [tilespmem:s8], [sflag:$0x4], $0x80, s19, s16, $0xb8;
	[tilespmem:$0x1C080] =	vst v63  }
0x95: {  	s19 =	simm.s32 @!p1 $0x4  }
0x96: {  	_ =	swait.ge @!p1 [sflag:s19], $0x4000  }
0x97: {  	[sflag:s19] =	ssyncset.done @!p1 $0x0  }
0x98: {  	s9 =	simm.s32 @!p1 $0x280;
	[sflag:s19] =	ssyncadd.s32 @!p1 $0xFFFFC000  }
0x99: {  	[tilespmem:s8], [sflag:$0x2] =	stream.indirect.gather @!p1 [hbm4b:s2+s16], $0x80, s9, s16, $0xb8;
	[tilespmem:$0x1C080] =	vst v63  }
0x9a: {  	s9 =	simm.s32 @!p1 $0x1  }
0x9b: {  	_ =	swait.ge @!p1 [sflag:s9], $0x4000  }
0x9c: {  	[sflag:s9] =	ssyncset.done @!p1 $0x0  }
0x9d: {  	s10 =	simm.s32 @!p1 $0x600;
	[sflag:s9] =	ssyncadd.s32 @!p1 $0xFFFFC000  }
0x9e: {  	[spmem:s3] =	stream.indirect.scatter.add.f32 @!p1 [tilespmem:s18], [sflag:$0x4], $0x80, s10, s16, $0xb8;
	[tilespmem:$0x1C080] =	vst v63  }
0x9f: {  	_ =	swait.ge @!p1 [sflag:s19], $0x4000  }
0xa0: {  	[sflag:s19] =	ssyncset.done @!p1 $0x0  }
0xa1: {  	s10 =	simm.s32 @!p1 $0x300;
	[sflag:s19] =	ssyncadd.s32 @!p1 $0xFFFFC000  }
0xa2: {  	[tilespmem:s18], [sflag:$0x1] =	stream.indirect.gather @!p1 [hbm4b:s2+s16], $0x80, s10, s16, $0xb8;
	[tilespmem:$0x1C080] =	vst v63  }
0xa3: {  	_ =	swait.ge @!p1 [sflag:s17], $0x4000  }
0xa4: {  	[sflag:s17] =	ssyncset.done @!p1 $0x0  }
0xa5: {  	s10 =	simm.s32 @!p1 $0x680;
	[sflag:s17] =	ssyncadd.s32 @!p1 $0xFFFFC000  }
0xa6: {  	[spmem:s3] =	stream.indirect.scatter.add.f32 @!p1 [tilespmem:s8], [sflag:$0x4], $0x80, s10, s16, $0xb8;
	[tilespmem:$0x1C080] =	vst v63  }
0xa7: {  	_ =	swait.ge @!p1 [sflag:s19], $0x4000  }
0xa8: {  	[sflag:s19] =	ssyncset.done @!p1 $0x0  }
0xa9: {  	s10 =	simm.s32 @!p1 $0x380;
	[sflag:s19] =	ssyncadd.s32 @!p1 $0xFFFFC000  }
0xaa: {  	[tilespmem:s8], [sflag:$0x2] =	stream.indirect.gather @!p1 [hbm4b:s2+s16], $0x80, s10, s16, $0xb8;
	[tilespmem:$0x1C080] =	vst v63  }
0xab: {  	_ =	swait.ge @!p1 [sflag:s9], $0x4000  }
0xac: {  	[sflag:s9] =	ssyncset.done @!p1 $0x0  }
0xad: {  	[sflag:s9] =	ssyncadd.s32 @!p1 $0xFFFFC000;
	s9 =	simm.s32 @!p1 $0x700  }
0xae: {  	[spmem:s3] =	stream.indirect.scatter.add.f32 @!p1 [tilespmem:s18], [sflag:$0x4], $0x80, s9, s16, $0xb8;
	[tilespmem:$0x1C080] =	vst v63  }
0xaf: {  	_ =	swait.ge @!p1 [sflag:s19], $0x4000  }
0xb0: {  	[sflag:s19] =	ssyncset.done @!p1 $0x0  }
0xb1: {  	[sflag:s19] =	ssyncadd.s32 @!p1 $0xFFFFC000  }
0xb2: {  	_ =	swait.ge @!p1 [sflag:s17], $0x4000  }
0xb3: {  	[sflag:s17] =	ssyncset.done @!p1 $0x0  }
0xb4: {  	s9 =	simm.s32 @!p1 $0x780;
	[sflag:s17] =	ssyncadd.s32 @!p1 $0xFFFFC000  }
0xb5: {  	[spmem:s3] =	stream.indirect.scatter.add.f32 @!p1 [tilespmem:s8], [sflag:$0x3], $0x80, s9, s16, $0xb8;
	[tilespmem:$0x1C080] =	vst v63  }
.Ltmp6:
0xb6: {  	s8 =	simm.s32 @!p1 $0x3;
	(pc) =	sbr.rel .LBB2_6-.Ltmp6, $4  }
0xb7: {  	s8 =	simm.s32 @p1 $0x4  }
0xb8: {  	_ =	swait.ge [sflag:s8], $0x4000  }
0xb9: {  	[sflag:s8] =	ssyncset.done $0x0  }
0xba: {  	[sflag:s8] =	ssyncadd.s32 $0xFFFFC000  }
.LBB2_8:
0xbb: {  	_ =	sfence.sel $0x180000  }
0xbc: {  	[bflag:$0x0] =	sbarrier.arrive $0xFFFF  }
0xbd: {  	_ =	strace $0x90000050  }
0xbe: {  	s0 =	stileid.u32;
	[bflag:$0x2] =	sbarrier.arrive $0xFFFF  }
0xbf: {  	p0 =	sne.s32 s0, $0x0;
	s0 =	rddreg [dreg:$0x3]  }
0xc0: {  	s0 =	sadd.s32 @!p0 $0x100000, s0  }
0xc1: {  	[sflag:s0] =	ssyncadd.tile.s32 @!p0 $0x1;
	_ =	shalt  }
.Lfunc_end2:
_tile_overlayer_lowered:
.L_overlay_start_2:
0xc2: {  	(tag) =	ssettag $0x2  }
0xc3: {  	s0 =	rddreg [dreg:$0x0];
	s2 =	stileid.u32  }
0xc4: {  	s1 =	rddreg [dreg:$0x1];
	p0 =	sne.s32 s2, $0x0  }
0xc5: {  	s3 =	rddreg [dreg:$0x2];
	[bflag:$0x3] =	sbarrier.arrive $0xFFFF;
	s2 =	simm.s32 @!p0 $0x1C03  }
0xc6: {  	[timem:s3], [sflag:s2] =	dma.local @!p0 [hbm:s0], s1  }
0xc7: {  	s0 =	simm.s32 @!p0 $0x3  }
0xc8: {  	_ =	swait.ge @!p0 [sflag:s0], s1  }
0xc9: {  	s1 =	ssub.s32 @!p0 $0x0, s1;
	[sflag:s0] =	ssyncset.done @!p0 $0x0  }
0xca: {  	[sflag:s0] =	ssyncadd.s32 @!p0 s1  }
0xcb: {  	[bflag:$0x3] =	sbarrier.arrive $0xFFFF  }
0xcc: {  	_ =	shalt  }

</sc_bundles>
